<compile_context>
chip_gen: v7x
topology: tpu7x:2x2x1
jax: 0.10.2.dev20260603
libtpu: 0.0.44.dev20260713+nightly
codegen_flags: <defaults>
</compile_context>

<pallas_src>
import functools

import jax
import jax.numpy as jnp
from jax import lax
from jax.experimental import pallas as pl
from jax.experimental.pallas import tpu as pltpu
from jax.experimental.pallas import tpu_sc as plsc

_LANES = 16


def _seg_sum_sc_body(nchunks, num_graphs, d_feat, n_workers,
                     x_hbm, seg_hbm, out_hbm, yacc, rows_v, idx_v,
                     sem_seg, sem_x):
    rows_per_tile = num_graphs // 16

    cid = lax.axis_index("c")
    sid = lax.axis_index("s")
    wid = sid * 2 + cid

    zero = jnp.zeros((_LANES,), jnp.float32)

    def zbody(r, carry):
        for k in range(d_feat // _LANES):
            rows_v[0, r, pl.ds(k * _LANES, _LANES)] = zero
        return carry

    lax.fori_loop(0, rows_per_tile, zbody, 0)
    pltpu.sync_copy(rows_v.at[0, pl.ds(0, rows_per_tile)],
                    yacc.at[pl.ds(sid * rows_per_tile, rows_per_tile)])
    plsc.subcore_barrier()

    def start_gather(i):
        buf = i % 2
        c = wid + n_workers * i
        d1 = pltpu.async_copy(seg_hbm.at[c], idx_v.at[buf], sem_seg.at[buf])
        d2 = pltpu.async_copy(x_hbm.at[c], rows_v.at[buf], sem_x.at[buf])
        return (d1, d2)

    gd = [None] * nchunks
    gd[0] = start_gather(0)
    for i in range(nchunks):
        buf = i % 2
        if i + 1 < nchunks:
            gd[i + 1] = start_gather(i + 1)
        d1, d2 = gd[i]
        d1.wait()
        d2.wait()
        pltpu.sync_copy(rows_v.at[buf], yacc.at[idx_v.at[buf]], add=True)

    plsc.subcore_barrier()

    base = sid * rows_per_tile
    pltpu.sync_copy(yacc.at[pl.ds(base, rows_per_tile)],
                    rows_v.at[0, pl.ds(0, rows_per_tile)])
    pltpu.sync_copy(rows_v.at[0, pl.ds(0, rows_per_tile)],
                    out_hbm.at[cid, pl.ds(base, rows_per_tile)])


def _seg_sum_sc(x, seg32):
    n_nodes, d_feat = x.shape
    num_graphs = 512
    info = plsc.get_sparse_core_info()
    n_workers = info.num_cores * info.num_subcores
    rows_per_worker = n_nodes // n_workers
    assert rows_per_worker * n_workers == n_nodes
    chunk = max(d for d in range(1, 129) if rows_per_worker % d == 0)
    nchunks = rows_per_worker // chunk
    x3 = x.reshape(n_nodes // chunk, chunk, d_feat)
    seg2 = seg32.reshape(n_nodes // chunk, chunk)
    mesh = plsc.VectorSubcoreMesh(core_axis_name="c", subcore_axis_name="s")
    body = functools.partial(_seg_sum_sc_body, nchunks, num_graphs, d_feat,
                             n_workers)
    f = pl.kernel(
        body,
        out_type=jax.ShapeDtypeStruct((info.num_cores, num_graphs, d_feat),
                                      jnp.float32),
        mesh=mesh,
        scratch_types=[
            pltpu.VMEM_SHARED((num_graphs, d_feat), jnp.float32),
            pltpu.VMEM((2, chunk, d_feat), jnp.float32),
            pltpu.VMEM((2, chunk), jnp.int32),
            pltpu.SemaphoreType.DMA((2,)),
            pltpu.SemaphoreType.DMA((2,)),
        ],
    )
    return f(x3, seg2)


def _head_body(p_ref, w_ref, b_ref, o_ref):
    y = p_ref[0] + p_ref[1]
    y = jnp.maximum(y, 0.0)
    o_ref[...] = (
        jnp.dot(y, w_ref[...], preferred_element_type=jnp.float32)
        + b_ref[...])


def _head_tc(partials, W, b2):
    num_graphs = partials.shape[1]
    return pl.pallas_call(
        _head_body,
        out_shape=jax.ShapeDtypeStruct((num_graphs, W.shape[1]), jnp.float32),
    )(partials, W, b2)


def kernel(x, segment_ids, W, b):
    seg32 = segment_ids.astype(jnp.int32)
    partials = _seg_sum_sc(x, seg32)
    return _head_tc(partials, W, b.reshape(1, -1))

# --- scband reference (transcript-rebuilt; emitter-appended) ---
"""Pipeline reference for scband-graph-task-wrapper-15925738734174 (READ-ONLY COPY).

The authoritative reference and input builder live on the scoring server;
editing this copy changes nothing except your own understanding.
"""

import jax, jax.numpy as jnp
import numpy as np

N_NODES = 100000
D_FEAT = 128
NUM_GRAPHS = 512
NUM_CLASSES = 10

def setup_inputs(seed: int = 0) -> dict:
    key = jax.random.key(seed)
    k1, k2, k3, k4 = jax.random.split(key, 4)
    x = jax.random.normal(k1, (N_NODES, D_FEAT), dtype=jnp.float32)
    segment_ids = jnp.sort(jax.random.randint(k2, (N_NODES,), 0, NUM_GRAPHS, dtype=jnp.int64))
    # final_predict = nn.Linear(output_dim, num_classes)
    W = jax.random.normal(k3, (D_FEAT, NUM_CLASSES), dtype=jnp.float32) * (1.0 / np.sqrt(D_FEAT))
    b = jax.random.normal(k4, (NUM_CLASSES,), dtype=jnp.float32) * 0.01
    return {"x": x, "segment_ids": segment_ids, "W": W, "b": b}

def reference(x, segment_ids, W, b):
    # inner model treated as identity (model_name unspecified in wrapper);
    # core wrapper computation: dgl.sum_nodes -> per-graph segment sum over nodes,
    # followed by final_predict(F.relu(y))
    y = jax.ops.segment_sum(x, segment_ids, num_segments=NUM_GRAPHS)
    y = jnp.maximum(y, 0.0)
    out = y @ W + b
    return out

if __name__ == "__main__":
    import jax
    _d = setup_inputs()
    print(jax.jit(kernel)(*tuple(_d.values())))

</pallas_src>

<mosaic_0001>
#map = affine_map<(d0, d1) -> (0, 0, 0)>
#map1 = affine_map<(d0, d1) -> (0, 0)>
module attributes {stable_mosaic.version = 14 : i64} {
  func.func @_seg_sum_sc_body(%arg0: i32, %arg1: i32, %arg2: memref<800x125x128xf32, #tpu.memory_space<hbm>>, %arg3: memref<800x125xi32, #tpu.memory_space<hbm>>, %arg4: memref<2x512x128xf32, #tpu.memory_space<hbm>>, %arg5: memref<512x128xf32, #tpu.memory_space<vmem_shared>>, %arg6: memref<2x125x128xf32, #tpu.memory_space<vmem>>, %arg7: memref<2x125xi32, #tpu.memory_space<vmem>>, %arg8: memref<2x!tpu.dma_semaphore, #tpu.memory_space<semaphore_mem>>, %arg9: memref<2x!tpu.dma_semaphore, #tpu.memory_space<semaphore_mem>>) attributes {dimension_semantics = [#tpu.dimension_semantics<core_parallel>, #tpu.dimension_semantics<subcore_parallel>], iteration_bounds = array<i64: 2, 16>, scalar_prefetch = 0 : i64, scratch_operands = 5 : i64, tpu.core_type = #tpu.core_type<sc_vector_subcore>, window_params = [{transform_indices = #map}, {transform_indices = #map1}, {transform_indices = #map}]} {
    %mul3A = arith.constant 2 : i32
    %mul3A_0 = arith.muli %arg1, %mul3A : i32
    %add3A = arith.addi %mul3A_0, %arg0 : i32
    %broadcast_in_dim3A = arith.constant 0.000000e+00 : f32
    %broadcast_in_dim3A_1 = vector.broadcast %broadcast_in_dim3A : f32 to vector<16xf32>
    %scan3A = arith.constant 0 : i32
    %scan3A_2 = arith.constant 0 : i32
    %scan3A_3 = arith.constant 32 : i32
    %scan3A_4 = arith.addi %scan3A_2, %scan3A_3 : i32
    %scan3A_5 = arith.constant 1 : i32
    scf.for %scan3A_1912 = %scan3A_2 to %scan3A_4 step %scan3A_5  : i32 {
      %swap3A = arith.constant 0 : i32
      %swap3A_1913 = arith.index_cast %swap3A : i32 to index
      %swap3A_1914 = arith.index_cast %scan3A_1912 : i32 to index
      %swap3A_1915 = arith.constant 0 : index
      %swap3A_1916 = tpu.vector_load %arg6[%swap3A_1913, %swap3A_1914, %swap3A_1915] {strides = array<i32>} : memref<2x125x128xf32, #tpu.memory_space<vmem>>, vector<1x1x16xf32>,
      %swap3A_1917 = vector.shape_cast %swap3A_1916 : vector<1x1x16xf32> to vector<16xf32>
      %swap3A_1918 = vector.shape_cast %broadcast_in_dim3A_1 : vector<16xf32> to vector<1x1x16xf32>
      tpu.vector_store %arg6[%swap3A_1913, %swap3A_1914, %swap3A_1915], %swap3A_1918 {strides = array<i32>} : memref<2x125x128xf32, #tpu.memory_space<vmem>>, vector<1x1x16xf32>,
      %swap3A_1919 = arith.constant 0 : i32
      %swap3A_1920 = arith.index_cast %swap3A_1919 : i32 to index
      %swap3A_1921 = arith.index_cast %scan3A_1912 : i32 to index
      %swap3A_1922 = arith.constant 16 : index
      %swap3A_1923 = tpu.vector_load %arg6[%swap3A_1920, %swap3A_1921, %swap3A_1922] {strides = array<i32>} : memref<2x125x128xf32, #tpu.memory_space<vmem>>, vector<1x1x16xf32>,
      %swap3A_1924 = vector.shape_cast %swap3A_1923 : vector<1x1x16xf32> to vector<16xf32>
      %swap3A_1925 = vector.shape_cast %broadcast_in_dim3A_1 : vector<16xf32> to vector<1x1x16xf32>
      tpu.vector_store %arg6[%swap3A_1920, %swap3A_1921, %swap3A_1922], %swap3A_1925 {strides = array<i32>} : memref<2x125x128xf32, #tpu.memory_space<vmem>>, vector<1x1x16xf32>,
      %swap3A_1926 = arith.constant 0 : i32
      %swap3A_1927 = arith.index_cast %swap3A_1926 : i32 to index
      %swap3A_1928 = arith.index_cast %scan3A_1912 : i32 to index
      %swap3A_1929 = arith.constant 32 : index
      %swap3A_1930 = tpu.vector_load %arg6[%swap3A_1927, %swap3A_1928, %swap3A_1929] {strides = array<i32>} : memref<2x125x128xf32, #tpu.memory_space<vmem>>, vector<1x1x16xf32>,
      %swap3A_1931 = vector.shape_cast %swap3A_1930 : vector<1x1x16xf32> to vector<16xf32>
      %swap3A_1932 = vector.shape_cast %broadcast_in_dim3A_1 : vector<16xf32> to vector<1x1x16xf32>
      tpu.vector_store %arg6[%swap3A_1927, %swap3A_1928, %swap3A_1929], %swap3A_1932 {strides = array<i32>} : memref<2x125x128xf32, #tpu.memory_space<vmem>>, vector<1x1x16xf32>,
      %swap3A_1933 = arith.constant 0 : i32
      %swap3A_1934 = arith.index_cast %swap3A_1933 : i32 to index
      %swap3A_1935 = arith.index_cast %scan3A_1912 : i32 to index
      %swap3A_1936 = arith.constant 48 : index
      %swap3A_1937 = tpu.vector_load %arg6[%swap3A_1934, %swap3A_1935, %swap3A_1936] {strides = array<i32>} : memref<2x125x128xf32, #tpu.memory_space<vmem>>, vector<1x1x16xf32>,
      %swap3A_1938 = vector.shape_cast %swap3A_1937 : vector<1x1x16xf32> to vector<16xf32>
      %swap3A_1939 = vector.shape_cast %broadcast_in_dim3A_1 : vector<16xf32> to vector<1x1x16xf32>
      tpu.vector_store %arg6[%swap3A_1934, %swap3A_1935, %swap3A_1936], %swap3A_1939 {strides = array<i32>} : memref<2x125x128xf32, #tpu.memory_space<vmem>>, vector<1x1x16xf32>,
      %swap3A_1940 = arith.constant 0 : i32
      %swap3A_1941 = arith.index_cast %swap3A_1940 : i32 to index
      %swap3A_1942 = arith.index_cast %scan3A_1912 : i32 to index
      %swap3A_1943 = arith.constant 64 : index
      %swap3A_1944 = tpu.vector_load %arg6[%swap3A_1941, %swap3A_1942, %swap3A_1943] {strides = array<i32>} : memref<2x125x128xf32, #tpu.memory_space<vmem>>, vector<1x1x16xf32>,
      %swap3A_1945 = vector.shape_cast %swap3A_1944 : vector<1x1x16xf32> to vector<16xf32>
      %swap3A_1946 = vector.shape_cast %broadcast_in_dim3A_1 : vector<16xf32> to vector<1x1x16xf32>
      tpu.vector_store %arg6[%swap3A_1941, %swap3A_1942, %swap3A_1943], %swap3A_1946 {strides = array<i32>} : memref<2x125x128xf32, #tpu.memory_space<vmem>>, vector<1x1x16xf32>,
      %swap3A_1947 = arith.constant 0 : i32
      %swap3A_1948 = arith.index_cast %swap3A_1947 : i32 to index
      %swap3A_1949 = arith.index_cast %scan3A_1912 : i32 to index
      %swap3A_1950 = arith.constant 80 : index
      %swap3A_1951 = tpu.vector_load %arg6[%swap3A_1948, %swap3A_1949, %swap3A_1950] {strides = array<i32>} : memref<2x125x128xf32, #tpu.memory_space<vmem>>, vector<1x1x16xf32>,
      %swap3A_1952 = vector.shape_cast %swap3A_1951 : vector<1x1x16xf32> to vector<16xf32>
      %swap3A_1953 = vector.shape_cast %broadcast_in_dim3A_1 : vector<16xf32> to vector<1x1x16xf32>
      tpu.vector_store %arg6[%swap3A_1948, %swap3A_1949, %swap3A_1950], %swap3A_1953 {strides = array<i32>} : memref<2x125x128xf32, #tpu.memory_space<vmem>>, vector<1x1x16xf32>,
      %swap3A_1954 = arith.constant 0 : i32
      %swap3A_1955 = arith.index_cast %swap3A_1954 : i32 to index
      %swap3A_1956 = arith.index_cast %scan3A_1912 : i32 to index
      %swap3A_1957 = arith.constant 96 : index
      %swap3A_1958 = tpu.vector_load %arg6[%swap3A_1955, %swap3A_1956, %swap3A_1957] {strides = array<i32>} : memref<2x125x128xf32, #tpu.memory_space<vmem>>, vector<1x1x16xf32>,
      %swap3A_1959 = vector.shape_cast %swap3A_1958 : vector<1x1x16xf32> to vector<16xf32>
      %swap3A_1960 = vector.shape_cast %broadcast_in_dim3A_1 : vector<16xf32> to vector<1x1x16xf32>
      tpu.vector_store %arg6[%swap3A_1955, %swap3A_1956, %swap3A_1957], %swap3A_1960 {strides = array<i32>} : memref<2x125x128xf32, #tpu.memory_space<vmem>>, vector<1x1x16xf32>,
      %swap3A_1961 = arith.constant 0 : i32
      %swap3A_1962 = arith.index_cast %swap3A_1961 : i32 to index
      %swap3A_1963 = arith.index_cast %scan3A_1912 : i32 to index
      %swap3A_1964 = arith.constant 112 : index
      %swap3A_1965 = tpu.vector_load %arg6[%swap3A_1962, %swap3A_1963, %swap3A_1964] {strides = array<i32>} : memref<2x125x128xf32, #tpu.memory_space<vmem>>, vector<1x1x16xf32>,
      %swap3A_1966 = vector.shape_cast %swap3A_1965 : vector<1x1x16xf32> to vector<16xf32>
      %swap3A_1967 = vector.shape_cast %broadcast_in_dim3A_1 : vector<16xf32> to vector<1x1x16xf32>
      tpu.vector_store %arg6[%swap3A_1962, %swap3A_1963, %swap3A_1964], %swap3A_1967 {strides = array<i32>} : memref<2x125x128xf32, #tpu.memory_space<vmem>>, vector<1x1x16xf32>,
    }
    %scan3A_6 = arith.constant 32 : i32
    %mul3A_7 = arith.constant 32 : i32
    %mul3A_8 = arith.muli %arg1, %mul3A_7 : i32
    %run_scoped3A = arith.constant 0 : i32
    "tpu.region"() ({
      %run_scoped3A_1912 = tpu.sem_alloc : memref<!tpu.dma_semaphore, #tpu.memory_space<semaphore_mem>>
      %dma_start3A_1913 = arith.constant 0 : i32
      %dma_start3A_1914 = arith.constant 0 : i32
      %dma_start3A_1915 = tpu.memref_slice %arg6[%run_scoped3A, %dma_start3A_1913, %dma_start3A_1914] : memref<2x125x128xf32, #tpu.memory_space<vmem>> -> memref<1x32x128xf32, #tpu.memory_space<vmem>>
      %dma_start3A_1916 = tpu.memref_squeeze %dma_start3A_1915 : memref<1x32x128xf32, #tpu.memory_space<vmem>> -> memref<32x128xf32, #tpu.memory_space<vmem>>
      %dma_start3A_1917 = arith.constant 0 : i32
      %dma_start3A_1918 = tpu.memref_slice %arg5[%mul3A_8, %dma_start3A_1917] : memref<512x128xf32, #tpu.memory_space<vmem_shared>> -> memref<32x128xf32, #tpu.memory_space<vmem_shared>>
      %dma_start3A_1919 = arith.constant 0 : i32
      %dma_start3A_1920 = tpu.memref_slice %arg5[%mul3A_8, %dma_start3A_1919] : memref<512x128xf32, #tpu.memory_space<vmem_shared>> -> memref<32x128xf32, #tpu.memory_space<vmem_shared>>
      %dma_start3A_1921 = arith.constant 0 : i32
      %dma_start3A_1922 = arith.constant 0 : i32
      %dma_start3A_1923 = tpu.memref_slice %arg6[%run_scoped3A, %dma_start3A_1921, %dma_start3A_1922] : memref<2x125x128xf32, #tpu.memory_space<vmem>> -> memref<1x32x128xf32, #tpu.memory_space<vmem>>
      %dma_start3A_1924 = tpu.memref_squeeze %dma_start3A_1923 : memref<1x32x128xf32, #tpu.memory_space<vmem>> -> memref<32x128xf32, #tpu.memory_space<vmem>>
      tpu.enqueue_dma source(%dma_start3A_1924 : memref<32x128xf32, #tpu.memory_space<vmem>>) target(%dma_start3A_1920 : memref<32x128xf32, #tpu.memory_space<vmem_shared>>) target_semaphore(%run_scoped3A_1912 : memref<!tpu.dma_semaphore, #tpu.memory_space<semaphore_mem>>)
      %dma_wait3A_1925 = arith.constant 0 : i32
      %dma_wait3A_1926 = arith.constant 0 : i32
      %dma_wait3A_1927 = tpu.memref_slice %arg6[%run_scoped3A, %dma_wait3A_1925, %dma_wait3A_1926] : memref<2x125x128xf32, #tpu.memory_space<vmem>> -> memref<1x32x128xf32, #tpu.memory_space<vmem>>
      %dma_wait3A_1928 = tpu.memref_squeeze %dma_wait3A_1927 : memref<1x32x128xf32, #tpu.memory_space<vmem>> -> memref<32x128xf32, #tpu.memory_space<vmem>>
      %dma_wait3A_1929 = arith.constant 0 : i32
      %dma_wait3A_1930 = tpu.memref_slice %arg5[%mul3A_8, %dma_wait3A_1929] : memref<512x128xf32, #tpu.memory_space<vmem_shared>> -> memref<32x128xf32, #tpu.memory_space<vmem_shared>>
      %dma_wait3A_1931 = arith.constant 0 : i32
      %dma_wait3A_1932 = tpu.memref_slice %arg5[%mul3A_8, %dma_wait3A_1931] : memref<512x128xf32, #tpu.memory_space<vmem_shared>> -> memref<32x128xf32, #tpu.memory_space<vmem_shared>>
      %dma_wait3A_1933 = arith.constant 0 : i32
      %dma_wait3A_1934 = arith.constant 0 : i32
      %dma_wait3A_1935 = tpu.memref_slice %arg6[%run_scoped3A, %dma_wait3A_1933, %dma_wait3A_1934] : memref<2x125x128xf32, #tpu.memory_space<vmem>> -> memref<1x32x128xf32, #tpu.memory_space<vmem>>
      %dma_wait3A_1936 = tpu.memref_squeeze %dma_wait3A_1935 : memref<1x32x128xf32, #tpu.memory_space<vmem>> -> memref<32x128xf32, #tpu.memory_space<vmem>>
      tpu.wait_dma2 semaphore(%run_scoped3A_1912 : memref<!tpu.dma_semaphore, #tpu.memory_space<semaphore_mem>>) src(%dma_wait3A_1936 : memref<32x128xf32, #tpu.memory_space<vmem>>) dst(%dma_wait3A_1932 : memref<32x128xf32, #tpu.memory_space<vmem_shared>>)
      tpu.yield
    }) : () -> ()
    %barrier3A = arith.constant 0 : index
    tpu.barrier barrier_id(%barrier3A)
    %add3A_9 = arith.constant 0 : i32
    %add3A_10 = arith.addi %add3A, %add3A_9 : i32
    %dma_start3A = arith.constant 0 : i32
    %dma_start3A_11 = arith.constant 0 : i32
    %dma_start3A_12 = arith.constant 0 : i32
    %dma_start3A_13 = tpu.memref_slice %arg7[%dma_start3A, %dma_start3A_12] : memref<2x125xi32, #tpu.memory_space<vmem>> -> memref<1x125xi32, #tpu.memory_space<vmem>>
    %dma_start3A_14 = tpu.memref_squeeze %dma_start3A_13 : memref<1x125xi32, #tpu.memory_space<vmem>> -> memref<125xi32, #tpu.memory_space<vmem>>
    %dma_start3A_15 = arith.constant 0 : i32
    %dma_start3A_16 = tpu.memref_slice %arg3[%add3A_10, %dma_start3A_15] : memref<800x125xi32, #tpu.memory_space<hbm>> -> memref<1x125xi32, #tpu.memory_space<hbm>>
    %dma_start3A_17 = tpu.memref_squeeze %dma_start3A_16 : memref<1x125xi32, #tpu.memory_space<hbm>> -> memref<125xi32, #tpu.memory_space<hbm>>
    %dma_start3A_18 = tpu.memref_slice %arg8[%dma_start3A_11] : memref<2x!tpu.dma_semaphore, #tpu.memory_space<semaphore_mem>> -> memref<1x!tpu.dma_semaphore, #tpu.memory_space<semaphore_mem>>
    %dma_start3A_19 = tpu.memref_squeeze %dma_start3A_18 : memref<1x!tpu.dma_semaphore, #tpu.memory_space<semaphore_mem>> -> memref<!tpu.dma_semaphore, #tpu.memory_space<semaphore_mem>>
    %dma_start3A_20 = arith.constant 0 : i32
    %dma_start3A_21 = tpu.memref_slice %arg7[%dma_start3A, %dma_start3A_20] : memref<2x125xi32, #tpu.memory_space<vmem>> -> memref<1x125xi32, #tpu.memory_space<vmem>>
    %dma_start3A_22 = tpu.memref_squeeze %dma_start3A_21 : memref<1x125xi32, #tpu.memory_space<vmem>> -> memref<125xi32, #tpu.memory_space<vmem>>
    %dma_start3A_23 = arith.constant 0 : i32
    %dma_start3A_24 = tpu.memref_slice %arg3[%add3A_10, %dma_start3A_23] : memref<800x125xi32, #tpu.memory_space<hbm>> -> memref<1x125xi32, #tpu.memory_space<hbm>>
    %dma_start3A_25 = tpu.memref_squeeze %dma_start3A_24 : memref<1x125xi32, #tpu.memory_space<hbm>> -> memref<125xi32, #tpu.memory_space<hbm>>
    tpu.enqueue_dma source(%dma_start3A_25 : memref<125xi32, #tpu.memory_space<hbm>>) target(%dma_start3A_22 : memref<125xi32, #tpu.memory_space<vmem>>) target_semaphore(%dma_start3A_19 : memref<!tpu.dma_semaphore, #tpu.memory_space<semaphore_mem>>)
    %dma_start3A_26 = arith.constant 0 : i32
    %dma_start3A_27 = arith.constant 0 : i32
    %dma_start3A_28 = arith.constant 0 : i32
    %dma_start3A_29 = arith.constant 0 : i32
    %dma_start3A_30 = tpu.memref_slice %arg6[%dma_start3A_26, %dma_start3A_28, %dma_start3A_29] : memref<2x125x128xf32, #tpu.memory_space<vmem>> -> memref<1x125x128xf32, #tpu.memory_space<vmem>>
    %dma_start3A_31 = tpu.memref_squeeze %dma_start3A_30 : memref<1x125x128xf32, #tpu.memory_space<vmem>> -> memref<125x128xf32, #tpu.memory_space<vmem>>
    %dma_start3A_32 = arith.constant 0 : i32
    %dma_start3A_33 = arith.constant 0 : i32
    %dma_start3A_34 = tpu.memref_slice %arg2[%add3A_10, %dma_start3A_32, %dma_start3A_33] : memref<800x125x128xf32, #tpu.memory_space<hbm>> -> memref<1x125x128xf32, #tpu.memory_space<hbm>>
    %dma_start3A_35 = tpu.memref_squeeze %dma_start3A_34 : memref<1x125x128xf32, #tpu.memory_space<hbm>> -> memref<125x128xf32, #tpu.memory_space<hbm>>
    %dma_start3A_36 = tpu.memref_slice %arg9[%dma_start3A_27] : memref<2x!tpu.dma_semaphore, #tpu.memory_space<semaphore_mem>> -> memref<1x!tpu.dma_semaphore, #tpu.memory_space<semaphore_mem>>
    %dma_start3A_37 = tpu.memref_squeeze %dma_start3A_36 : memref<1x!tpu.dma_semaphore, #tpu.memory_space<semaphore_mem>> -> memref<!tpu.dma_semaphore, #tpu.memory_space<semaphore_mem>>
    %dma_start3A_38 = arith.constant 0 : i32
    %dma_start3A_39 = arith.constant 0 : i32
    %dma_start3A_40 = tpu.memref_slice %arg6[%dma_start3A_26, %dma_start3A_38, %dma_start3A_39] : memref<2x125x128xf32, #tpu.memory_space<vmem>> -> memref<1x125x128xf32, #tpu.memory_space<vmem>>
    %dma_start3A_41 = tpu.memref_squeeze %dma_start3A_40 : memref<1x125x128xf32, #tpu.memory_space<vmem>> -> memref<125x128xf32, #tpu.memory_space<vmem>>
    %dma_start3A_42 = arith.constant 0 : i32
    %dma_start3A_43 = arith.constant 0 : i32
    %dma_start3A_44 = tpu.memref_slice %arg2[%add3A_10, %dma_start3A_42, %dma_start3A_43] : memref<800x125x128xf32, #tpu.memory_space<hbm>> -> memref<1x125x128xf32, #tpu.memory_space<hbm>>
    %dma_start3A_45 = tpu.memref_squeeze %dma_start3A_44 : memref<1x125x128xf32, #tpu.memory_space<hbm>> -> memref<125x128xf32, #tpu.memory_space<hbm>>
    tpu.enqueue_dma source(%dma_start3A_45 : memref<125x128xf32, #tpu.memory_space<hbm>>) target(%dma_start3A_41 : memref<125x128xf32, #tpu.memory_space<vmem>>) target_semaphore(%dma_start3A_37 : memref<!tpu.dma_semaphore, #tpu.memory_space<semaphore_mem>>)
    %add3A_46 = arith.constant 32 : i32
    %add3A_47 = arith.addi %add3A, %add3A_46 : i32
    %dma_start3A_48 = arith.constant 1 : i32
    %dma_start3A_49 = arith.constant 1 : i32
    %dma_start3A_50 = arith.constant 0 : i32
    %dma_start3A_51 = tpu.memref_slice %arg7[%dma_start3A_48, %dma_start3A_50] : memref<2x125xi32, #tpu.memory_space<vmem>> -> memref<1x125xi32, #tpu.memory_space<vmem>>
    %dma_start3A_52 = tpu.memref_squeeze %dma_start3A_51 : memref<1x125xi32, #tpu.memory_space<vmem>> -> memref<125xi32, #tpu.memory_space<vmem>>
    %dma_start3A_53 = arith.constant 0 : i32
    %dma_start3A_54 = tpu.memref_slice %arg3[%add3A_47, %dma_start3A_53] : memref<800x125xi32, #tpu.memory_space<hbm>> -> memref<1x125xi32, #tpu.memory_space<hbm>>
    %dma_start3A_55 = tpu.memref_squeeze %dma_start3A_54 : memref<1x125xi32, #tpu.memory_space<hbm>> -> memref<125xi32, #tpu.memory_space<hbm>>
    %dma_start3A_56 = tpu.memref_slice %arg8[%dma_start3A_49] : memref<2x!tpu.dma_semaphore, #tpu.memory_space<semaphore_mem>> -> memref<1x!tpu.dma_semaphore, #tpu.memory_space<semaphore_mem>>
    %dma_start3A_57 = tpu.memref_squeeze %dma_start3A_56 : memref<1x!tpu.dma_semaphore, #tpu.memory_space<semaphore_mem>> -> memref<!tpu.dma_semaphore, #tpu.memory_space<semaphore_mem>>
    %dma_start3A_58 = arith.constant 0 : i32
    %dma_start3A_59 = tpu.memref_slice %arg7[%dma_start3A_48, %dma_start3A_58] : memref<2x125xi32, #tpu.memory_space<vmem>> -> memref<1x125xi32, #tpu.memory_space<vmem>>
    %dma_start3A_60 = tpu.memref_squeeze %dma_start3A_59 : memref<1x125xi32, #tpu.memory_space<vmem>> -> memref<125xi32, #tpu.memory_space<vmem>>
    %dma_start3A_61 = arith.constant 0 : i32
    %dma_start3A_62 = tpu.memref_slice %arg3[%add3A_47, %dma_start3A_61] : memref<800x125xi32, #tpu.memory_space<hbm>> -> memref<1x125xi32, #tpu.memory_space<hbm>>
    %dma_start3A_63 = tpu.memref_squeeze %dma_start3A_62 : memref<1x125xi32, #tpu.memory_space<hbm>> -> memref<125xi32, #tpu.memory_space<hbm>>
    tpu.enqueue_dma source(%dma_start3A_63 : memref<125xi32, #tpu.memory_space<hbm>>) target(%dma_start3A_60 : memref<125xi32, #tpu.memory_space<vmem>>) target_semaphore(%dma_start3A_57 : memref<!tpu.dma_semaphore, #tpu.memory_space<semaphore_mem>>)
    %dma_start3A_64 = arith.constant 1 : i32
    %dma_start3A_65 = arith.constant 1 : i32
    %dma_start3A_66 = arith.constant 0 : i32
    %dma_start3A_67 = arith.constant 0 : i32
    %dma_start3A_68 = tpu.memref_slice %arg6[%dma_start3A_64, %dma_start3A_66, %dma_start3A_67] : memref<2x125x128xf32, #tpu.memory_space<vmem>> -> memref<1x125x128xf32, #tpu.memory_space<vmem>>
    %dma_start3A_69 = tpu.memref_squeeze %dma_start3A_68 : memref<1x125x128xf32, #tpu.memory_space<vmem>> -> memref<125x128xf32, #tpu.memory_space<vmem>>
    %dma_start3A_70 = arith.constant 0 : i32
    %dma_start3A_71 = arith.constant 0 : i32
    %dma_start3A_72 = tpu.memref_slice %arg2[%add3A_47, %dma_start3A_70, %dma_start3A_71] : memref<800x125x128xf32, #tpu.memory_space<hbm>> -> memref<1x125x128xf32, #tpu.memory_space<hbm>>
    %dma_start3A_73 = tpu.memref_squeeze %dma_start3A_72 : memref<1x125x128xf32, #tpu.memory_space<hbm>> -> memref<125x128xf32, #tpu.memory_space<hbm>>
    %dma_start3A_74 = tpu.memref_slice %arg9[%dma_start3A_65] : memref<2x!tpu.dma_semaphore, #tpu.memory_space<semaphore_mem>> -> memref<1x!tpu.dma_semaphore, #tpu.memory_space<semaphore_mem>>
    %dma_start3A_75 = tpu.memref_squeeze %dma_start3A_74 : memref<1x!tpu.dma_semaphore, #tpu.memory_space<semaphore_mem>> -> memref<!tpu.dma_semaphore, #tpu.memory_space<semaphore_mem>>
    %dma_start3A_76 = arith.constant 0 : i32
    %dma_start3A_77 = arith.constant 0 : i32
    %dma_start3A_78 = tpu.memref_slice %arg6[%dma_start3A_64, %dma_start3A_76, %dma_start3A_77] : memref<2x125x128xf32, #tpu.memory_space<vmem>> -> memref<1x125x128xf32, #tpu.memory_space<vmem>>
    %dma_start3A_79 = tpu.memref_squeeze %dma_start3A_78 : memref<1x125x128xf32, #tpu.memory_space<vmem>> -> memref<125x128xf32, #tpu.memory_space<vmem>>
    %dma_start3A_80 = arith.constant 0 : i32
    %dma_start3A_81 = arith.constant 0 : i32
    %dma_start3A_82 = tpu.memref_slice %arg2[%add3A_47, %dma_start3A_80, %dma_start3A_81] : memref<800x125x128xf32, #tpu.memory_space<hbm>> -> memref<1x125x128xf32, #tpu.memory_space<hbm>>
    %dma_start3A_83 = tpu.memref_squeeze %dma_start3A_82 : memref<1x125x128xf32, #tpu.memory_space<hbm>> -> memref<125x128xf32, #tpu.memory_space<hbm>>
    tpu.enqueue_dma source(%dma_start3A_83 : memref<125x128xf32, #tpu.memory_space<hbm>>) target(%dma_start3A_79 : memref<125x128xf32, #tpu.memory_space<vmem>>) target_semaphore(%dma_start3A_75 : memref<!tpu.dma_semaphore, #tpu.memory_space<semaphore_mem>>)
    %dma_wait3A = arith.constant 0 : i32
    %dma_wait3A_84 = arith.constant 0 : i32
    %dma_wait3A_85 = arith.constant 0 : i32
    %dma_wait3A_86 = tpu.memref_slice %arg7[%dma_wait3A, %dma_wait3A_85] : memref<2x125xi32, #tpu.memory_space<vmem>> -> memref<1x125xi32, #tpu.memory_space<vmem>>
    %dma_wait3A_87 = tpu.memref_squeeze %dma_wait3A_86 : memref<1x125xi32, #tpu.memory_space<vmem>> -> memref<125xi32, #tpu.memory_space<vmem>>
    %dma_wait3A_88 = arith.constant 0 : i32
    %dma_wait3A_89 = tpu.memref_slice %arg3[%add3A_10, %dma_wait3A_88] : memref<800x125xi32, #tpu.memory_space<hbm>> -> memref<1x125xi32, #tpu.memory_space<hbm>>
    %dma_wait3A_90 = tpu.memref_squeeze %dma_wait3A_89 : memref<1x125xi32, #tpu.memory_space<hbm>> -> memref<125xi32, #tpu.memory_space<hbm>>
    %dma_wait3A_91 = tpu.memref_slice %arg8[%dma_wait3A_84] : memref<2x!tpu.dma_semaphore, #tpu.memory_space<semaphore_mem>> -> memref<1x!tpu.dma_semaphore, #tpu.memory_space<semaphore_mem>>
    %dma_wait3A_92 = tpu.memref_squeeze %dma_wait3A_91 : memref<1x!tpu.dma_semaphore, #tpu.memory_space<semaphore_mem>> -> memref<!tpu.dma_semaphore, #tpu.memory_space<semaphore_mem>>
    %dma_wait3A_93 = arith.constant 0 : i32
    %dma_wait3A_94 = tpu.memref_slice %arg7[%dma_wait3A, %dma_wait3A_93] : memref<2x125xi32, #tpu.memory_space<vmem>> -> memref<1x125xi32, #tpu.memory_space<vmem>>
    %dma_wait3A_95 = tpu.memref_squeeze %dma_wait3A_94 : memref<1x125xi32, #tpu.memory_space<vmem>> -> memref<125xi32, #tpu.memory_space<vmem>>
    %dma_wait3A_96 = arith.constant 0 : i32
    %dma_wait3A_97 = tpu.memref_slice %arg3[%add3A_10, %dma_wait3A_96] : memref<800x125xi32, #tpu.memory_space<hbm>> -> memref<1x125xi32, #tpu.memory_space<hbm>>
    %dma_wait3A_98 = tpu.memref_squeeze %dma_wait3A_97 : memref<1x125xi32, #tpu.memory_space<hbm>> -> memref<125xi32, #tpu.memory_space<hbm>>
    tpu.wait_dma2 semaphore(%dma_wait3A_92 : memref<!tpu.dma_semaphore, #tpu.memory_space<semaphore_mem>>) src(%dma_wait3A_98 : memref<125xi32, #tpu.memory_space<hbm>>) dst(%dma_wait3A_95 : memref<125xi32, #tpu.memory_space<vmem>>)
    %dma_wait3A_99 = arith.constant 0 : i32
    %dma_wait3A_100 = arith.constant 0 : i32
    %dma_wait3A_101 = arith.constant 0 : i32
    %dma_wait3A_102 = arith.constant 0 : i32
    %dma_wait3A_103 = tpu.memref_slice %arg6[%dma_wait3A_99, %dma_wait3A_101, %dma_wait3A_102] : memref<2x125x128xf32, #tpu.memory_space<vmem>> -> memref<1x125x128xf32, #tpu.memory_space<vmem>>
    %dma_wait3A_104 = tpu.memref_squeeze %dma_wait3A_103 : memref<1x125x128xf32, #tpu.memory_space<vmem>> -> memref<125x128xf32, #tpu.memory_space<vmem>>
    %dma_wait3A_105 = arith.constant 0 : i32
    %dma_wait3A_106 = arith.constant 0 : i32
    %dma_wait3A_107 = tpu.memref_slice %arg2[%add3A_10, %dma_wait3A_105, %dma_wait3A_106] : memref<800x125x128xf32, #tpu.memory_space<hbm>> -> memref<1x125x128xf32, #tpu.memory_space<hbm>>
    %dma_wait3A_108 = tpu.memref_squeeze %dma_wait3A_107 : memref<1x125x128xf32, #tpu.memory_space<hbm>> -> memref<125x128xf32, #tpu.memory_space<hbm>>
    %dma_wait3A_109 = tpu.memref_slice %arg9[%dma_wait3A_100] : memref<2x!tpu.dma_semaphore, #tpu.memory_space<semaphore_mem>> -> memref<1x!tpu.dma_semaphore, #tpu.memory_space<semaphore_mem>>
    %dma_wait3A_110 = tpu.memref_squeeze %dma_wait3A_109 : memref<1x!tpu.dma_semaphore, #tpu.memory_space<semaphore_mem>> -> memref<!tpu.dma_semaphore, #tpu.memory_space<semaphore_mem>>
    %dma_wait3A_111 = arith.constant 0 : i32
    %dma_wait3A_112 = arith.constant 0 : i32
    %dma_wait3A_113 = tpu.memref_slice %arg6[%dma_wait3A_99, %dma_wait3A_111, %dma_wait3A_112] : memref<2x125x128xf32, #tpu.memory_space<vmem>> -> memref<1x125x128xf32, #tpu.memory_space<vmem>>
    %dma_wait3A_114 = tpu.memref_squeeze %dma_wait3A_113 : memref<1x125x128xf32, #tpu.memory_space<vmem>> -> memref<125x128xf32, #tpu.memory_space<vmem>>
    %dma_wait3A_115 = arith.constant 0 : i32
    %dma_wait3A_116 = arith.constant 0 : i32
    %dma_wait3A_117 = tpu.memref_slice %arg2[%add3A_10, %dma_wait3A_115, %dma_wait3A_116] : memref<800x125x128xf32, #tpu.memory_space<hbm>> -> memref<1x125x128xf32, #tpu.memory_space<hbm>>
    %dma_wait3A_118 = tpu.memref_squeeze %dma_wait3A_117 : memref<1x125x128xf32, #tpu.memory_space<hbm>> -> memref<125x128xf32, #tpu.memory_space<hbm>>
    tpu.wait_dma2 semaphore(%dma_wait3A_110 : memref<!tpu.dma_semaphore, #tpu.memory_space<semaphore_mem>>) src(%dma_wait3A_118 : memref<125x128xf32, #tpu.memory_space<hbm>>) dst(%dma_wait3A_114 : memref<125x128xf32, #tpu.memory_space<vmem>>)
    %run_scoped3A_119 = arith.constant 0 : i32
    %run_scoped3A_120 = arith.constant 0 : i32
    "tpu.region"() ({
      %run_scoped3A_1912 = tpu.sem_alloc : memref<!tpu.dma_semaphore, #tpu.memory_space<semaphore_mem>>
      %dma_start3A_1913 = arith.constant 0 : i32
      %dma_start3A_1914 = arith.constant 0 : i32
      %dma_start3A_1915 = tpu.memref_slice %arg6[%run_scoped3A_119, %dma_start3A_1913, %dma_start3A_1914] : memref<2x125x128xf32, #tpu.memory_space<vmem>> -> memref<1x125x128xf32, #tpu.memory_space<vmem>>
      %dma_start3A_1916 = tpu.memref_squeeze %dma_start3A_1915 : memref<1x125x128xf32, #tpu.memory_space<vmem>> -> memref<125x128xf32, #tpu.memory_space<vmem>>
      %dma_start3A_1917 = arith.constant 0 : i32
      %dma_start3A_1918 = tpu.memref_slice %arg7[%run_scoped3A_120, %dma_start3A_1917] : memref<2x125xi32, #tpu.memory_space<vmem>> -> memref<1x125xi32, #tpu.memory_space<vmem>>
      %dma_start3A_1919 = tpu.memref_squeeze %dma_start3A_1918 : memref<1x125xi32, #tpu.memory_space<vmem>> -> memref<125xi32, #tpu.memory_space<vmem>>
      %dma_start3A_1920 = arith.constant 0 : i32
      %dma_start3A_1921 = arith.constant 0 : i32
      %dma_start3A_1922 = tpu.memref_slice %arg5[%dma_start3A_1920, %dma_start3A_1921] : memref<512x128xf32, #tpu.memory_space<vmem_shared>> -> memref<512x128xf32, #tpu.memory_space<vmem_shared>>
      tpu.enqueue_indirect_dma source(%dma_start3A_1916 : memref<125x128xf32, #tpu.memory_space<vmem>>) target(%dma_start3A_1922 : memref<512x128xf32, #tpu.memory_space<vmem_shared>>) offsets(%dma_start3A_1919 : memref<125xi32, #tpu.memory_space<vmem>>) semaphore(%run_scoped3A_1912 : memref<!tpu.dma_semaphore, #tpu.memory_space<semaphore_mem>>) {add = true}
      %dma_wait3A_1923 = arith.constant 0 : i32
      %dma_wait3A_1924 = arith.constant 0 : i32
      %dma_wait3A_1925 = tpu.memref_slice %arg6[%run_scoped3A_119, %dma_wait3A_1923, %dma_wait3A_1924] : memref<2x125x128xf32, #tpu.memory_space<vmem>> -> memref<1x125x128xf32, #tpu.memory_space<vmem>>
      %dma_wait3A_1926 = tpu.memref_squeeze %dma_wait3A_1925 : memref<1x125x128xf32, #tpu.memory_space<vmem>> -> memref<125x128xf32, #tpu.memory_space<vmem>>
      %dma_wait3A_1927 = arith.constant 0 : i32
      %dma_wait3A_1928 = tpu.memref_slice %arg7[%run_scoped3A_120, %dma_wait3A_1927] : memref<2x125xi32, #tpu.memory_space<vmem>> -> memref<1x125xi32, #tpu.memory_space<vmem>>
      %dma_wait3A_1929 = tpu.memref_squeeze %dma_wait3A_1928 : memref<1x125xi32, #tpu.memory_space<vmem>> -> memref<125xi32, #tpu.memory_space<vmem>>
      %dma_wait3A_1930 = arith.constant 0 : i32
      %dma_wait3A_1931 = arith.constant 0 : i32
      %dma_wait3A_1932 = tpu.memref_slice %arg5[%dma_wait3A_1930, %dma_wait3A_1931] : memref<512x128xf32, #tpu.memory_space<vmem_shared>> -> memref<512x128xf32, #tpu.memory_space<vmem_shared>>
      tpu.wait_indirect_dma semaphore(%run_scoped3A_1912 : memref<!tpu.dma_semaphore, #tpu.memory_space<semaphore_mem>>) src(%dma_wait3A_1926 : memref<125x128xf32, #tpu.memory_space<vmem>>) dst(%dma_wait3A_1932 : memref<512x128xf32, #tpu.memory_space<vmem_shared>>)
      tpu.yield
    }) : () -> ()
    %add3A_121 = arith.constant 64 : i32
    %add3A_122 = arith.addi %add3A, %add3A_121 : i32
    %dma_start3A_123 = arith.constant 0 : i32
    %dma_start3A_124 = arith.constant 0 : i32
    %dma_start3A_125 = arith.constant 0 : i32
    %dma_start3A_126 = tpu.memref_slice %arg7[%dma_start3A_123, %dma_start3A_125] : memref<2x125xi32, #tpu.memory_space<vmem>> -> memref<1x125xi32, #tpu.memory_space<vmem>>
    %dma_start3A_127 = tpu.memref_squeeze %dma_start3A_126 : memref<1x125xi32, #tpu.memory_space<vmem>> -> memref<125xi32, #tpu.memory_space<vmem>>
    %dma_start3A_128 = arith.constant 0 : i32
    %dma_start3A_129 = tpu.memref_slice %arg3[%add3A_122, %dma_start3A_128] : memref<800x125xi32, #tpu.memory_space<hbm>> -> memref<1x125xi32, #tpu.memory_space<hbm>>
    %dma_start3A_130 = tpu.memref_squeeze %dma_start3A_129 : memref<1x125xi32, #tpu.memory_space<hbm>> -> memref<125xi32, #tpu.memory_space<hbm>>
    %dma_start3A_131 = tpu.memref_slice %arg8[%dma_start3A_124] : memref<2x!tpu.dma_semaphore, #tpu.memory_space<semaphore_mem>> -> memref<1x!tpu.dma_semaphore, #tpu.memory_space<semaphore_mem>>
    %dma_start3A_132 = tpu.memref_squeeze %dma_start3A_131 : memref<1x!tpu.dma_semaphore, #tpu.memory_space<semaphore_mem>> -> memref<!tpu.dma_semaphore, #tpu.memory_space<semaphore_mem>>
    %dma_start3A_133 = arith.constant 0 : i32
    %dma_start3A_134 = tpu.memref_slice %arg7[%dma_start3A_123, %dma_start3A_133] : memref<2x125xi32, #tpu.memory_space<vmem>> -> memref<1x125xi32, #tpu.memory_space<vmem>>
    %dma_start3A_135 = tpu.memref_squeeze %dma_start3A_134 : memref<1x125xi32, #tpu.memory_space<vmem>> -> memref<125xi32, #tpu.memory_space<vmem>>
    %dma_start3A_136 = arith.constant 0 : i32
    %dma_start3A_137 = tpu.memref_slice %arg3[%add3A_122, %dma_start3A_136] : memref<800x125xi32, #tpu.memory_space<hbm>> -> memref<1x125xi32, #tpu.memory_space<hbm>>
    %dma_start3A_138 = tpu.memref_squeeze %dma_start3A_137 : memref<1x125xi32, #tpu.memory_space<hbm>> -> memref<125xi32, #tpu.memory_space<hbm>>
    tpu.enqueue_dma source(%dma_start3A_138 : memref<125xi32, #tpu.memory_space<hbm>>) target(%dma_start3A_135 : memref<125xi32, #tpu.memory_space<vmem>>) target_semaphore(%dma_start3A_132 : memref<!tpu.dma_semaphore, #tpu.memory_space<semaphore_mem>>)
    %dma_start3A_139 = arith.constant 0 : i32
    %dma_start3A_140 = arith.constant 0 : i32
    %dma_start3A_141 = arith.constant 0 : i32
    %dma_start3A_142 = arith.constant 0 : i32
    %dma_start3A_143 = tpu.memref_slice %arg6[%dma_start3A_139, %dma_start3A_141, %dma_start3A_142] : memref<2x125x128xf32, #tpu.memory_space<vmem>> -> memref<1x125x128xf32, #tpu.memory_space<vmem>>
    %dma_start3A_144 = tpu.memref_squeeze %dma_start3A_143 : memref<1x125x128xf32, #tpu.memory_space<vmem>> -> memref<125x128xf32, #tpu.memory_space<vmem>>
    %dma_start3A_145 = arith.constant 0 : i32
    %dma_start3A_146 = arith.constant 0 : i32
    %dma_start3A_147 = tpu.memref_slice %arg2[%add3A_122, %dma_start3A_145, %dma_start3A_146] : memref<800x125x128xf32, #tpu.memory_space<hbm>> -> memref<1x125x128xf32, #tpu.memory_space<hbm>>
    %dma_start3A_148 = tpu.memref_squeeze %dma_start3A_147 : memref<1x125x128xf32, #tpu.memory_space<hbm>> -> memref<125x128xf32, #tpu.memory_space<hbm>>
    %dma_start3A_149 = tpu.memref_slice %arg9[%dma_start3A_140] : memref<2x!tpu.dma_semaphore, #tpu.memory_space<semaphore_mem>> -> memref<1x!tpu.dma_semaphore, #tpu.memory_space<semaphore_mem>>
    %dma_start3A_150 = tpu.memref_squeeze %dma_start3A_149 : memref<1x!tpu.dma_semaphore, #tpu.memory_space<semaphore_mem>> -> memref<!tpu.dma_semaphore, #tpu.memory_space<semaphore_mem>>
    %dma_start3A_151 = arith.constant 0 : i32
    %dma_start3A_152 = arith.constant 0 : i32
    %dma_start3A_153 = tpu.memref_slice %arg6[%dma_start3A_139, %dma_start3A_151, %dma_start3A_152] : memref<2x125x128xf32, #tpu.memory_space<vmem>> -> memref<1x125x128xf32, #tpu.memory_space<vmem>>
    %dma_start3A_154 = tpu.memref_squeeze %dma_start3A_153 : memref<1x125x128xf32, #tpu.memory_space<vmem>> -> memref<125x128xf32, #tpu.memory_space<vmem>>
    %dma_start3A_155 = arith.constant 0 : i32
    %dma_start3A_156 = arith.constant 0 : i32
    %dma_start3A_157 = tpu.memref_slice %arg2[%add3A_122, %dma_start3A_155, %dma_start3A_156] : memref<800x125x128xf32, #tpu.memory_space<hbm>> -> memref<1x125x128xf32, #tpu.memory_space<hbm>>
    %dma_start3A_158 = tpu.memref_squeeze %dma_start3A_157 : memref<1x125x128xf32, #tpu.memory_space<hbm>> -> memref<125x128xf32, #tpu.memory_space<hbm>>
    tpu.enqueue_dma source(%dma_start3A_158 : memref<125x128xf32, #tpu.memory_space<hbm>>) target(%dma_start3A_154 : memref<125x128xf32, #tpu.memory_space<vmem>>) target_semaphore(%dma_start3A_150 : memref<!tpu.dma_semaphore, #tpu.memory_space<semaphore_mem>>)
    %dma_wait3A_159 = arith.constant 1 : i32
    %dma_wait3A_160 = arith.constant 1 : i32
    %dma_wait3A_161 = arith.constant 0 : i32
    %dma_wait3A_162 = tpu.memref_slice %arg7[%dma_wait3A_159, %dma_wait3A_161] : memref<2x125xi32, #tpu.memory_space<vmem>> -> memref<1x125xi32, #tpu.memory_space<vmem>>
    %dma_wait3A_163 = tpu.memref_squeeze %dma_wait3A_162 : memref<1x125xi32, #tpu.memory_space<vmem>> -> memref<125xi32, #tpu.memory_space<vmem>>
    %dma_wait3A_164 = arith.constant 0 : i32
    %dma_wait3A_165 = tpu.memref_slice %arg3[%add3A_47, %dma_wait3A_164] : memref<800x125xi32, #tpu.memory_space<hbm>> -> memref<1x125xi32, #tpu.memory_space<hbm>>
    %dma_wait3A_166 = tpu.memref_squeeze %dma_wait3A_165 : memref<1x125xi32, #tpu.memory_space<hbm>> -> memref<125xi32, #tpu.memory_space<hbm>>
    %dma_wait3A_167 = tpu.memref_slice %arg8[%dma_wait3A_160] : memref<2x!tpu.dma_semaphore, #tpu.memory_space<semaphore_mem>> -> memref<1x!tpu.dma_semaphore, #tpu.memory_space<semaphore_mem>>
    %dma_wait3A_168 = tpu.memref_squeeze %dma_wait3A_167 : memref<1x!tpu.dma_semaphore, #tpu.memory_space<semaphore_mem>> -> memref<!tpu.dma_semaphore, #tpu.memory_space<semaphore_mem>>
    %dma_wait3A_169 = arith.constant 0 : i32
    %dma_wait3A_170 = tpu.memref_slice %arg7[%dma_wait3A_159, %dma_wait3A_169] : memref<2x125xi32, #tpu.memory_space<vmem>> -> memref<1x125xi32, #tpu.memory_space<vmem>>
    %dma_wait3A_171 = tpu.memref_squeeze %dma_wait3A_170 : memref<1x125xi32, #tpu.memory_space<vmem>> -> memref<125xi32, #tpu.memory_space<vmem>>
    %dma_wait3A_172 = arith.constant 0 : i32
    %dma_wait3A_173 = tpu.memref_slice %arg3[%add3A_47, %dma_wait3A_172] : memref<800x125xi32, #tpu.memory_space<hbm>> -> memref<1x125xi32, #tpu.memory_space<hbm>>
    %dma_wait3A_174 = tpu.memref_squeeze %dma_wait3A_173 : memref<1x125xi32, #tpu.memory_space<hbm>> -> memref<125xi32, #tpu.memory_space<hbm>>
    tpu.wait_dma2 semaphore(%dma_wait3A_168 : memref<!tpu.dma_semaphore, #tpu.memory_space<semaphore_mem>>) src(%dma_wait3A_174 : memref<125xi32, #tpu.memory_space<hbm>>) dst(%dma_wait3A_171 : memref<125xi32, #tpu.memory_space<vmem>>)
    %dma_wait3A_175 = arith.constant 1 : i32
    %dma_wait3A_176 = arith.constant 1 : i32
    %dma_wait3A_177 = arith.constant 0 : i32
    %dma_wait3A_178 = arith.constant 0 : i32
    %dma_wait3A_179 = tpu.memref_slice %arg6[%dma_wait3A_175, %dma_wait3A_177, %dma_wait3A_178] : memref<2x125x128xf32, #tpu.memory_space<vmem>> -> memref<1x125x128xf32, #tpu.memory_space<vmem>>
    %dma_wait3A_180 = tpu.memref_squeeze %dma_wait3A_179 : memref<1x125x128xf32, #tpu.memory_space<vmem>> -> memref<125x128xf32, #tpu.memory_space<vmem>>
    %dma_wait3A_181 = arith.constant 0 : i32
    %dma_wait3A_182 = arith.constant 0 : i32
    %dma_wait3A_183 = tpu.memref_slice %arg2[%add3A_47, %dma_wait3A_181, %dma_wait3A_182] : memref<800x125x128xf32, #tpu.memory_space<hbm>> -> memref<1x125x128xf32, #tpu.memory_space<hbm>>
    %dma_wait3A_184 = tpu.memref_squeeze %dma_wait3A_183 : memref<1x125x128xf32, #tpu.memory_space<hbm>> -> memref<125x128xf32, #tpu.memory_space<hbm>>
    %dma_wait3A_185 = tpu.memref_slice %arg9[%dma_wait3A_176] : memref<2x!tpu.dma_semaphore, #tpu.memory_space<semaphore_mem>> -> memref<1x!tpu.dma_semaphore, #tpu.memory_space<semaphore_mem>>
    %dma_wait3A_186 = tpu.memref_squeeze %dma_wait3A_185 : memref<1x!tpu.dma_semaphore, #tpu.memory_space<semaphore_mem>> -> memref<!tpu.dma_semaphore, #tpu.memory_space<semaphore_mem>>
    %dma_wait3A_187 = arith.constant 0 : i32
    %dma_wait3A_188 = arith.constant 0 : i32
    %dma_wait3A_189 = tpu.memref_slice %arg6[%dma_wait3A_175, %dma_wait3A_187, %dma_wait3A_188] : memref<2x125x128xf32, #tpu.memory_space<vmem>> -> memref<1x125x128xf32, #tpu.memory_space<vmem>>
    %dma_wait3A_190 = tpu.memref_squeeze %dma_wait3A_189 : memref<1x125x128xf32, #tpu.memory_space<vmem>> -> memref<125x128xf32, #tpu.memory_space<vmem>>
    %dma_wait3A_191 = arith.constant 0 : i32
    %dma_wait3A_192 = arith.constant 0 : i32
    %dma_wait3A_193 = tpu.memref_slice %arg2[%add3A_47, %dma_wait3A_191, %dma_wait3A_192] : memref<800x125x128xf32, #tpu.memory_space<hbm>> -> memref<1x125x128xf32, #tpu.memory_space<hbm>>
    %dma_wait3A_194 = tpu.memref_squeeze %dma_wait3A_193 : memref<1x125x128xf32, #tpu.memory_space<hbm>> -> memref<125x128xf32, #tpu.memory_space<hbm>>
    tpu.wait_dma2 semaphore(%dma_wait3A_186 : memref<!tpu.dma_semaphore, #tpu.memory_space<semaphore_mem>>) src(%dma_wait3A_194 : memref<125x128xf32, #tpu.memory_space<hbm>>) dst(%dma_wait3A_190 : memref<125x128xf32, #tpu.memory_space<vmem>>)
    %run_scoped3A_195 = arith.constant 1 : i32
    %run_scoped3A_196 = arith.constant 1 : i32
    "tpu.region"() ({
      %run_scoped3A_1912 = tpu.sem_alloc : memref<!tpu.dma_semaphore, #tpu.memory_space<semaphore_mem>>
      %dma_start3A_1913 = arith.constant 0 : i32
      %dma_start3A_1914 = arith.constant 0 : i32
      %dma_start3A_1915 = tpu.memref_slice %arg6[%run_scoped3A_195, %dma_start3A_1913, %dma_start3A_1914] : memref<2x125x128xf32, #tpu.memory_space<vmem>> -> memref<1x125x128xf32, #tpu.memory_space<vmem>>
      %dma_start3A_1916 = tpu.memref_squeeze %dma_start3A_1915 : memref<1x125x128xf32, #tpu.memory_space<vmem>> -> memref<125x128xf32, #tpu.memory_space<vmem>>
      %dma_start3A_1917 = arith.constant 0 : i32
      %dma_start3A_1918 = tpu.memref_slice %arg7[%run_scoped3A_196, %dma_start3A_1917] : memref<2x125xi32, #tpu.memory_space<vmem>> -> memref<1x125xi32, #tpu.memory_space<vmem>>
      %dma_start3A_1919 = tpu.memref_squeeze %dma_start3A_1918 : memref<1x125xi32, #tpu.memory_space<vmem>> -> memref<125xi32, #tpu.memory_space<vmem>>
      %dma_start3A_1920 = arith.constant 0 : i32
      %dma_start3A_1921 = arith.constant 0 : i32
      %dma_start3A_1922 = tpu.memref_slice %arg5[%dma_start3A_1920, %dma_start3A_1921] : memref<512x128xf32, #tpu.memory_space<vmem_shared>> -> memref<512x128xf32, #tpu.memory_space<vmem_shared>>
      tpu.enqueue_indirect_dma source(%dma_start3A_1916 : memref<125x128xf32, #tpu.memory_space<vmem>>) target(%dma_start3A_1922 : memref<512x128xf32, #tpu.memory_space<vmem_shared>>) offsets(%dma_start3A_1919 : memref<125xi32, #tpu.memory_space<vmem>>) semaphore(%run_scoped3A_1912 : memref<!tpu.dma_semaphore, #tpu.memory_space<semaphore_mem>>) {add = true}
      %dma_wait3A_1923 = arith.constant 0 : i32
      %dma_wait3A_1924 = arith.constant 0 : i32
      %dma_wait3A_1925 = tpu.memref_slice %arg6[%run_scoped3A_195, %dma_wait3A_1923, %dma_wait3A_1924] : memref<2x125x128xf32, #tpu.memory_space<vmem>> -> memref<1x125x128xf32, #tpu.memory_space<vmem>>
      %dma_wait3A_1926 = tpu.memref_squeeze %dma_wait3A_1925 : memref<1x125x128xf32, #tpu.memory_space<vmem>> -> memref<125x128xf32, #tpu.memory_space<vmem>>
      %dma_wait3A_1927 = arith.constant 0 : i32
      %dma_wait3A_1928 = tpu.memref_slice %arg7[%run_scoped3A_196, %dma_wait3A_1927] : memref<2x125xi32, #tpu.memory_space<vmem>> -> memref<1x125xi32, #tpu.memory_space<vmem>>
      %dma_wait3A_1929 = tpu.memref_squeeze %dma_wait3A_1928 : memref<1x125xi32, #tpu.memory_space<vmem>> -> memref<125xi32, #tpu.memory_space<vmem>>
      %dma_wait3A_1930 = arith.constant 0 : i32
      %dma_wait3A_1931 = arith.constant 0 : i32
      %dma_wait3A_1932 = tpu.memref_slice %arg5[%dma_wait3A_1930, %dma_wait3A_1931] : memref<512x128xf32, #tpu.memory_space<vmem_shared>> -> memref<512x128xf32, #tpu.memory_space<vmem_shared>>
      tpu.wait_indirect_dma semaphore(%run_scoped3A_1912 : memref<!tpu.dma_semaphore, #tpu.memory_space<semaphore_mem>>) src(%dma_wait3A_1926 : memref<125x128xf32, #tpu.memory_space<vmem>>) dst(%dma_wait3A_1932 : memref<512x128xf32, #tpu.memory_space<vmem_shared>>)
      tpu.yield
    }) : () -> ()
    %add3A_197 = arith.constant 96 : i32
    %add3A_198 = arith.addi %add3A, %add3A_197 : i32
    %dma_start3A_199 = arith.constant 1 : i32
    %dma_start3A_200 = arith.constant 1 : i32
    %dma_start3A_201 = arith.constant 0 : i32
    %dma_start3A_202 = tpu.memref_slice %arg7[%dma_start3A_199, %dma_start3A_201] : memref<2x125xi32, #tpu.memory_space<vmem>> -> memref<1x125xi32, #tpu.memory_space<vmem>>
    %dma_start3A_203 = tpu.memref_squeeze %dma_start3A_202 : memref<1x125xi32, #tpu.memory_space<vmem>> -> memref<125xi32, #tpu.memory_space<vmem>>
    %dma_start3A_204 = arith.constant 0 : i32
    %dma_start3A_205 = tpu.memref_slice %arg3[%add3A_198, %dma_start3A_204] : memref<800x125xi32, #tpu.memory_space<hbm>> -> memref<1x125xi32, #tpu.memory_space<hbm>>
    %dma_start3A_206 = tpu.memref_squeeze %dma_start3A_205 : memref<1x125xi32, #tpu.memory_space<hbm>> -> memref<125xi32, #tpu.memory_space<hbm>>
    %dma_start3A_207 = tpu.memref_slice %arg8[%dma_start3A_200] : memref<2x!tpu.dma_semaphore, #tpu.memory_space<semaphore_mem>> -> memref<1x!tpu.dma_semaphore, #tpu.memory_space<semaphore_mem>>
    %dma_start3A_208 = tpu.memref_squeeze %dma_start3A_207 : memref<1x!tpu.dma_semaphore, #tpu.memory_space<semaphore_mem>> -> memref<!tpu.dma_semaphore, #tpu.memory_space<semaphore_mem>>
    %dma_start3A_209 = arith.constant 0 : i32
    %dma_start3A_210 = tpu.memref_slice %arg7[%dma_start3A_199, %dma_start3A_209] : memref<2x125xi32, #tpu.memory_space<vmem>> -> memref<1x125xi32, #tpu.memory_space<vmem>>
    %dma_start3A_211 = tpu.memref_squeeze %dma_start3A_210 : memref<1x125xi32, #tpu.memory_space<vmem>> -> memref<125xi32, #tpu.memory_space<vmem>>
    %dma_start3A_212 = arith.constant 0 : i32
    %dma_start3A_213 = tpu.memref_slice %arg3[%add3A_198, %dma_start3A_212] : memref<800x125xi32, #tpu.memory_space<hbm>> -> memref<1x125xi32, #tpu.memory_space<hbm>>
    %dma_start3A_214 = tpu.memref_squeeze %dma_start3A_213 : memref<1x125xi32, #tpu.memory_space<hbm>> -> memref<125xi32, #tpu.memory_space<hbm>>
    tpu.enqueue_dma source(%dma_start3A_214 : memref<125xi32, #tpu.memory_space<hbm>>) target(%dma_start3A_211 : memref<125xi32, #tpu.memory_space<vmem>>) target_semaphore(%dma_start3A_208 : memref<!tpu.dma_semaphore, #tpu.memory_space<semaphore_mem>>)
    %dma_start3A_215 = arith.constant 1 : i32
    %dma_start3A_216 = arith.constant 1 : i32
    %dma_start3A_217 = arith.constant 0 : i32
    %dma_start3A_218 = arith.constant 0 : i32
    %dma_start3A_219 = tpu.memref_slice %arg6[%dma_start3A_215, %dma_start3A_217, %dma_start3A_218] : memref<2x125x128xf32, #tpu.memory_space<vmem>> -> memref<1x125x128xf32, #tpu.memory_space<vmem>>
    %dma_start3A_220 = tpu.memref_squeeze %dma_start3A_219 : memref<1x125x128xf32, #tpu.memory_space<vmem>> -> memref<125x128xf32, #tpu.memory_space<vmem>>
    %dma_start3A_221 = arith.constant 0 : i32
    %dma_start3A_222 = arith.constant 0 : i32
    %dma_start3A_223 = tpu.memref_slice %arg2[%add3A_198, %dma_start3A_221, %dma_start3A_222] : memref<800x125x128xf32, #tpu.memory_space<hbm>> -> memref<1x125x128xf32, #tpu.memory_space<hbm>>
    %dma_start3A_224 = tpu.memref_squeeze %dma_start3A_223 : memref<1x125x128xf32, #tpu.memory_space<hbm>> -> memref<125x128xf32, #tpu.memory_space<hbm>>
    %dma_start3A_225 = tpu.memref_slice %arg9[%dma_start3A_216] : memref<2x!tpu.dma_semaphore, #tpu.memory_space<semaphore_mem>> -> memref<1x!tpu.dma_semaphore, #tpu.memory_space<semaphore_mem>>
    %dma_start3A_226 = tpu.memref_squeeze %dma_start3A_225 : memref<1x!tpu.dma_semaphore, #tpu.memory_space<semaphore_mem>> -> memref<!tpu.dma_semaphore, #tpu.memory_space<semaphore_mem>>
    %dma_start3A_227 = arith.constant 0 : i32
    %dma_start3A_228 = arith.constant 0 : i32
    %dma_start3A_229 = tpu.memref_slice %arg6[%dma_start3A_215, %dma_start3A_227, %dma_start3A_228] : memref<2x125x128xf32, #tpu.memory_space<vmem>> -> memref<1x125x128xf32, #tpu.memory_space<vmem>>
    %dma_start3A_230 = tpu.memref_squeeze %dma_start3A_229 : memref<1x125x128xf32, #tpu.memory_space<vmem>> -> memref<125x128xf32, #tpu.memory_space<vmem>>
    %dma_start3A_231 = arith.constant 0 : i32
    %dma_start3A_232 = arith.constant 0 : i32
    %dma_start3A_233 = tpu.memref_slice %arg2[%add3A_198, %dma_start3A_231, %dma_start3A_232] : memref<800x125x128xf32, #tpu.memory_space<hbm>> -> memref<1x125x128xf32, #tpu.memory_space<hbm>>
    %dma_start3A_234 = tpu.memref_squeeze %dma_start3A_233 : memref<1x125x128xf32, #tpu.memory_space<hbm>> -> memref<125x128xf32, #tpu.memory_space<hbm>>
    tpu.enqueue_dma source(%dma_start3A_234 : memref<125x128xf32, #tpu.memory_space<hbm>>) target(%dma_start3A_230 : memref<125x128xf32, #tpu.memory_space<vmem>>) target_semaphore(%dma_start3A_226 : memref<!tpu.dma_semaphore, #tpu.memory_space<semaphore_mem>>)
    %dma_wait3A_235 = arith.constant 0 : i32
    %dma_wait3A_236 = arith.constant 0 : i32
    %dma_wait3A_237 = arith.constant 0 : i32
    %dma_wait3A_238 = tpu.memref_slice %arg7[%dma_wait3A_235, %dma_wait3A_237] : memref<2x125xi32, #tpu.memory_space<vmem>> -> memref<1x125xi32, #tpu.memory_space<vmem>>
    %dma_wait3A_239 = tpu.memref_squeeze %dma_wait3A_238 : memref<1x125xi32, #tpu.memory_space<vmem>> -> memref<125xi32, #tpu.memory_space<vmem>>
    %dma_wait3A_240 = arith.constant 0 : i32
    %dma_wait3A_241 = tpu.memref_slice %arg3[%add3A_122, %dma_wait3A_240] : memref<800x125xi32, #tpu.memory_space<hbm>> -> memref<1x125xi32, #tpu.memory_space<hbm>>
    %dma_wait3A_242 = tpu.memref_squeeze %dma_wait3A_241 : memref<1x125xi32, #tpu.memory_space<hbm>> -> memref<125xi32, #tpu.memory_space<hbm>>
    %dma_wait3A_243 = tpu.memref_slice %arg8[%dma_wait3A_236] : memref<2x!tpu.dma_semaphore, #tpu.memory_space<semaphore_mem>> -> memref<1x!tpu.dma_semaphore, #tpu.memory_space<semaphore_mem>>
    %dma_wait3A_244 = tpu.memref_squeeze %dma_wait3A_243 : memref<1x!tpu.dma_semaphore, #tpu.memory_space<semaphore_mem>> -> memref<!tpu.dma_semaphore, #tpu.memory_space<semaphore_mem>>
    %dma_wait3A_245 = arith.constant 0 : i32
    %dma_wait3A_246 = tpu.memref_slice %arg7[%dma_wait3A_235, %dma_wait3A_245] : memref<2x125xi32, #tpu.memory_space<vmem>> -> memref<1x125xi32, #tpu.memory_space<vmem>>
    %dma_wait3A_247 = tpu.memref_squeeze %dma_wait3A_246 : memref<1x125xi32, #tpu.memory_space<vmem>> -> memref<125xi32, #tpu.memory_space<vmem>>
    %dma_wait3A_248 = arith.constant 0 : i32
    %dma_wait3A_249 = tpu.memref_slice %arg3[%add3A_122, %dma_wait3A_248] : memref<800x125xi32, #tpu.memory_space<hbm>> -> memref<1x125xi32, #tpu.memory_space<hbm>>
    %dma_wait3A_250 = tpu.memref_squeeze %dma_wait3A_249 : memref<1x125xi32, #tpu.memory_space<hbm>> -> memref<125xi32, #tpu.memory_space<hbm>>
    tpu.wait_dma2 semaphore(%dma_wait3A_244 : memref<!tpu.dma_semaphore, #tpu.memory_space<semaphore_mem>>) src(%dma_wait3A_250 : memref<125xi32, #tpu.memory_space<hbm>>) dst(%dma_wait3A_247 : memref<125xi32, #tpu.memory_space<vmem>>)
    %dma_wait3A_251 = arith.constant 0 : i32
    %dma_wait3A_252 = arith.constant 0 : i32
    %dma_wait3A_253 = arith.constant 0 : i32
    %dma_wait3A_254 = arith.constant 0 : i32
    %dma_wait3A_255 = tpu.memref_slice %arg6[%dma_wait3A_251, %dma_wait3A_253, %dma_wait3A_254] : memref<2x125x128xf32, #tpu.memory_space<vmem>> -> memref<1x125x128xf32, #tpu.memory_space<vmem>>
    %dma_wait3A_256 = tpu.memref_squeeze %dma_wait3A_255 : memref<1x125x128xf32, #tpu.memory_space<vmem>> -> memref<125x128xf32, #tpu.memory_space<vmem>>
    %dma_wait3A_257 = arith.constant 0 : i32
    %dma_wait3A_258 = arith.constant 0 : i32
    %dma_wait3A_259 = tpu.memref_slice %arg2[%add3A_122, %dma_wait3A_257, %dma_wait3A_258] : memref<800x125x128xf32, #tpu.memory_space<hbm>> -> memref<1x125x128xf32, #tpu.memory_space<hbm>>
    %dma_wait3A_260 = tpu.memref_squeeze %dma_wait3A_259 : memref<1x125x128xf32, #tpu.memory_space<hbm>> -> memref<125x128xf32, #tpu.memory_space<hbm>>
    %dma_wait3A_261 = tpu.memref_slice %arg9[%dma_wait3A_252] : memref<2x!tpu.dma_semaphore, #tpu.memory_space<semaphore_mem>> -> memref<1x!tpu.dma_semaphore, #tpu.memory_space<semaphore_mem>>
    %dma_wait3A_262 = tpu.memref_squeeze %dma_wait3A_261 : memref<1x!tpu.dma_semaphore, #tpu.memory_space<semaphore_mem>> -> memref<!tpu.dma_semaphore, #tpu.memory_space<semaphore_mem>>
    %dma_wait3A_263 = arith.constant 0 : i32
    %dma_wait3A_264 = arith.constant 0 : i32
    %dma_wait3A_265 = tpu.memref_slice %arg6[%dma_wait3A_251, %dma_wait3A_263, %dma_wait3A_264] : memref<2x125x128xf32, #tpu.memory_space<vmem>> -> memref<1x125x128xf32, #tpu.memory_space<vmem>>
    %dma_wait3A_266 = tpu.memref_squeeze %dma_wait3A_265 : memref<1x125x128xf32, #tpu.memory_space<vmem>> -> memref<125x128xf32, #tpu.memory_space<vmem>>
    %dma_wait3A_267 = arith.constant 0 : i32
    %dma_wait3A_268 = arith.constant 0 : i32
    %dma_wait3A_269 = tpu.memref_slice %arg2[%add3A_122, %dma_wait3A_267, %dma_wait3A_268] : memref<800x125x128xf32, #tpu.memory_space<hbm>> -> memref<1x125x128xf32, #tpu.memory_space<hbm>>
    %dma_wait3A_270 = tpu.memref_squeeze %dma_wait3A_269 : memref<1x125x128xf32, #tpu.memory_space<hbm>> -> memref<125x128xf32, #tpu.memory_space<hbm>>
    tpu.wait_dma2 semaphore(%dma_wait3A_262 : memref<!tpu.dma_semaphore, #tpu.memory_space<semaphore_mem>>) src(%dma_wait3A_270 : memref<125x128xf32, #tpu.memory_space<hbm>>) dst(%dma_wait3A_266 : memref<125x128xf32, #tpu.memory_space<vmem>>)
    %run_scoped3A_271 = arith.constant 0 : i32
    %run_scoped3A_272 = arith.constant 0 : i32
    "tpu.region"() ({
      %run_scoped3A_1912 = tpu.sem_alloc : memref<!tpu.dma_semaphore, #tpu.memory_space<semaphore_mem>>
      %dma_start3A_1913 = arith.constant 0 : i32
      %dma_start3A_1914 = arith.constant 0 : i32
      %dma_start3A_1915 = tpu.memref_slice %arg6[%run_scoped3A_271, %dma_start3A_1913, %dma_start3A_1914] : memref<2x125x128xf32, #tpu.memory_space<vmem>> -> memref<1x125x128xf32, #tpu.memory_space<vmem>>
      %dma_start3A_1916 = tpu.memref_squeeze %dma_start3A_1915 : memref<1x125x128xf32, #tpu.memory_space<vmem>> -> memref<125x128xf32, #tpu.memory_space<vmem>>
      %dma_start3A_1917 = arith.constant 0 : i32
      %dma_start3A_1918 = tpu.memref_slice %arg7[%run_scoped3A_272, %dma_start3A_1917] : memref<2x125xi32, #tpu.memory_space<vmem>> -> memref<1x125xi32, #tpu.memory_space<vmem>>
      %dma_start3A_1919 = tpu.memref_squeeze %dma_start3A_1918 : memref<1x125xi32, #tpu.memory_space<vmem>> -> memref<125xi32, #tpu.memory_space<vmem>>
      %dma_start3A_1920 = arith.constant 0 : i32
      %dma_start3A_1921 = arith.constant 0 : i32
      %dma_start3A_1922 = tpu.memref_slice %arg5[%dma_start3A_1920, %dma_start3A_1921] : memref<512x128xf32, #tpu.memory_space<vmem_shared>> -> memref<512x128xf32, #tpu.memory_space<vmem_shared>>
      tpu.enqueue_indirect_dma source(%dma_start3A_1916 : memref<125x128xf32, #tpu.memory_space<vmem>>) target(%dma_start3A_1922 : memref<512x128xf32, #tpu.memory_space<vmem_shared>>) offsets(%dma_start3A_1919 : memref<125xi32, #tpu.memory_space<vmem>>) semaphore(%run_scoped3A_1912 : memref<!tpu.dma_semaphore, #tpu.memory_space<semaphore_mem>>) {add = true}
      %dma_wait3A_1923 = arith.constant 0 : i32
      %dma_wait3A_1924 = arith.constant 0 : i32
      %dma_wait3A_1925 = tpu.memref_slice %arg6[%run_scoped3A_271, %dma_wait3A_1923, %dma_wait3A_1924] : memref<2x125x128xf32, #tpu.memory_space<vmem>> -> memref<1x125x128xf32, #tpu.memory_space<vmem>>
      %dma_wait3A_1926 = tpu.memref_squeeze %dma_wait3A_1925 : memref<1x125x128xf32, #tpu.memory_space<vmem>> -> memref<125x128xf32, #tpu.memory_space<vmem>>
      %dma_wait3A_1927 = arith.constant 0 : i32
      %dma_wait3A_1928 = tpu.memref_slice %arg7[%run_scoped3A_272, %dma_wait3A_1927] : memref<2x125xi32, #tpu.memory_space<vmem>> -> memref<1x125xi32, #tpu.memory_space<vmem>>
      %dma_wait3A_1929 = tpu.memref_squeeze %dma_wait3A_1928 : memref<1x125xi32, #tpu.memory_space<vmem>> -> memref<125xi32, #tpu.memory_space<vmem>>
      %dma_wait3A_1930 = arith.constant 0 : i32
      %dma_wait3A_1931 = arith.constant 0 : i32
      %dma_wait3A_1932 = tpu.memref_slice %arg5[%dma_wait3A_1930, %dma_wait3A_1931] : memref<512x128xf32, #tpu.memory_space<vmem_shared>> -> memref<512x128xf32, #tpu.memory_space<vmem_shared>>
      tpu.wait_indirect_dma semaphore(%run_scoped3A_1912 : memref<!tpu.dma_semaphore, #tpu.memory_space<semaphore_mem>>) src(%dma_wait3A_1926 : memref<125x128xf32, #tpu.memory_space<vmem>>) dst(%dma_wait3A_1932 : memref<512x128xf32, #tpu.memory_space<vmem_shared>>)
      tpu.yield
    }) : () -> ()
    %add3A_273 = arith.constant 128 : i32
    %add3A_274 = arith.addi %add3A, %add3A_273 : i32
    %dma_start3A_275 = arith.constant 0 : i32
    %dma_start3A_276 = arith.constant 0 : i32
    %dma_start3A_277 = arith.constant 0 : i32
    %dma_start3A_278 = tpu.memref_slice %arg7[%dma_start3A_275, %dma_start3A_277] : memref<2x125xi32, #tpu.memory_space<vmem>> -> memref<1x125xi32, #tpu.memory_space<vmem>>
    %dma_start3A_279 = tpu.memref_squeeze %dma_start3A_278 : memref<1x125xi32, #tpu.memory_space<vmem>> -> memref<125xi32, #tpu.memory_space<vmem>>
    %dma_start3A_280 = arith.constant 0 : i32
    %dma_start3A_281 = tpu.memref_slice %arg3[%add3A_274, %dma_start3A_280] : memref<800x125xi32, #tpu.memory_space<hbm>> -> memref<1x125xi32, #tpu.memory_space<hbm>>
    %dma_start3A_282 = tpu.memref_squeeze %dma_start3A_281 : memref<1x125xi32, #tpu.memory_space<hbm>> -> memref<125xi32, #tpu.memory_space<hbm>>
    %dma_start3A_283 = tpu.memref_slice %arg8[%dma_start3A_276] : memref<2x!tpu.dma_semaphore, #tpu.memory_space<semaphore_mem>> -> memref<1x!tpu.dma_semaphore, #tpu.memory_space<semaphore_mem>>
    %dma_start3A_284 = tpu.memref_squeeze %dma_start3A_283 : memref<1x!tpu.dma_semaphore, #tpu.memory_space<semaphore_mem>> -> memref<!tpu.dma_semaphore, #tpu.memory_space<semaphore_mem>>
    %dma_start3A_285 = arith.constant 0 : i32
    %dma_start3A_286 = tpu.memref_slice %arg7[%dma_start3A_275, %dma_start3A_285] : memref<2x125xi32, #tpu.memory_space<vmem>> -> memref<1x125xi32, #tpu.memory_space<vmem>>
    %dma_start3A_287 = tpu.memref_squeeze %dma_start3A_286 : memref<1x125xi32, #tpu.memory_space<vmem>> -> memref<125xi32, #tpu.memory_space<vmem>>
    %dma_start3A_288 = arith.constant 0 : i32
    %dma_start3A_289 = tpu.memref_slice %arg3[%add3A_274, %dma_start3A_288] : memref<800x125xi32, #tpu.memory_space<hbm>> -> memref<1x125xi32, #tpu.memory_space<hbm>>
    %dma_start3A_290 = tpu.memref_squeeze %dma_start3A_289 : memref<1x125xi32, #tpu.memory_space<hbm>> -> memref<125xi32, #tpu.memory_space<hbm>>
    tpu.enqueue_dma source(%dma_start3A_290 : memref<125xi32, #tpu.memory_space<hbm>>) target(%dma_start3A_287 : memref<125xi32, #tpu.memory_space<vmem>>) target_semaphore(%dma_start3A_284 : memref<!tpu.dma_semaphore, #tpu.memory_space<semaphore_mem>>)
    %dma_start3A_291 = arith.constant 0 : i32
    %dma_start3A_292 = arith.constant 0 : i32
    %dma_start3A_293 = arith.constant 0 : i32
    %dma_start3A_294 = arith.constant 0 : i32
    %dma_start3A_295 = tpu.memref_slice %arg6[%dma_start3A_291, %dma_start3A_293, %dma_start3A_294] : memref<2x125x128xf32, #tpu.memory_space<vmem>> -> memref<1x125x128xf32, #tpu.memory_space<vmem>>
    %dma_start3A_296 = tpu.memref_squeeze %dma_start3A_295 : memref<1x125x128xf32, #tpu.memory_space<vmem>> -> memref<125x128xf32, #tpu.memory_space<vmem>>
    %dma_start3A_297 = arith.constant 0 : i32
    %dma_start3A_298 = arith.constant 0 : i32
    %dma_start3A_299 = tpu.memref_slice %arg2[%add3A_274, %dma_start3A_297, %dma_start3A_298] : memref<800x125x128xf32, #tpu.memory_space<hbm>> -> memref<1x125x128xf32, #tpu.memory_space<hbm>>
    %dma_start3A_300 = tpu.memref_squeeze %dma_start3A_299 : memref<1x125x128xf32, #tpu.memory_space<hbm>> -> memref<125x128xf32, #tpu.memory_space<hbm>>
    %dma_start3A_301 = tpu.memref_slice %arg9[%dma_start3A_292] : memref<2x!tpu.dma_semaphore, #tpu.memory_space<semaphore_mem>> -> memref<1x!tpu.dma_semaphore, #tpu.memory_space<semaphore_mem>>
    %dma_start3A_302 = tpu.memref_squeeze %dma_start3A_301 : memref<1x!tpu.dma_semaphore, #tpu.memory_space<semaphore_mem>> -> memref<!tpu.dma_semaphore, #tpu.memory_space<semaphore_mem>>
    %dma_start3A_303 = arith.constant 0 : i32
    %dma_start3A_304 = arith.constant 0 : i32
    %dma_start3A_305 = tpu.memref_slice %arg6[%dma_start3A_291, %dma_start3A_303, %dma_start3A_304] : memref<2x125x128xf32, #tpu.memory_space<vmem>> -> memref<1x125x128xf32, #tpu.memory_space<vmem>>
    %dma_start3A_306 = tpu.memref_squeeze %dma_start3A_305 : memref<1x125x128xf32, #tpu.memory_space<vmem>> -> memref<125x128xf32, #tpu.memory_space<vmem>>
    %dma_start3A_307 = arith.constant 0 : i32
    %dma_start3A_308 = arith.constant 0 : i32
    %dma_start3A_309 = tpu.memref_slice %arg2[%add3A_274, %dma_start3A_307, %dma_start3A_308] : memref<800x125x128xf32, #tpu.memory_space<hbm>> -> memref<1x125x128xf32, #tpu.memory_space<hbm>>
    %dma_start3A_310 = tpu.memref_squeeze %dma_start3A_309 : memref<1x125x128xf32, #tpu.memory_space<hbm>> -> memref<125x128xf32, #tpu.memory_space<hbm>>
    tpu.enqueue_dma source(%dma_start3A_310 : memref<125x128xf32, #tpu.memory_space<hbm>>) target(%dma_start3A_306 : memref<125x128xf32, #tpu.memory_space<vmem>>) target_semaphore(%dma_start3A_302 : memref<!tpu.dma_semaphore, #tpu.memory_space<semaphore_mem>>)
    %dma_wait3A_311 = arith.constant 1 : i32
    %dma_wait3A_312 = arith.constant 1 : i32
    %dma_wait3A_313 = arith.constant 0 : i32
    %dma_wait3A_314 = tpu.memref_slice %arg7[%dma_wait3A_311, %dma_wait3A_313] : memref<2x125xi32, #tpu.memory_space<vmem>> -> memref<1x125xi32, #tpu.memory_space<vmem>>
    %dma_wait3A_315 = tpu.memref_squeeze %dma_wait3A_314 : memref<1x125xi32, #tpu.memory_space<vmem>> -> memref<125xi32, #tpu.memory_space<vmem>>
    %dma_wait3A_316 = arith.constant 0 : i32
    %dma_wait3A_317 = tpu.memref_slice %arg3[%add3A_198, %dma_wait3A_316] : memref<800x125xi32, #tpu.memory_space<hbm>> -> memref<1x125xi32, #tpu.memory_space<hbm>>
    %dma_wait3A_318 = tpu.memref_squeeze %dma_wait3A_317 : memref<1x125xi32, #tpu.memory_space<hbm>> -> memref<125xi32, #tpu.memory_space<hbm>>
    %dma_wait3A_319 = tpu.memref_slice %arg8[%dma_wait3A_312] : memref<2x!tpu.dma_semaphore, #tpu.memory_space<semaphore_mem>> -> memref<1x!tpu.dma_semaphore, #tpu.memory_space<semaphore_mem>>
    %dma_wait3A_320 = tpu.memref_squeeze %dma_wait3A_319 : memref<1x!tpu.dma_semaphore, #tpu.memory_space<semaphore_mem>> -> memref<!tpu.dma_semaphore, #tpu.memory_space<semaphore_mem>>
    %dma_wait3A_321 = arith.constant 0 : i32
    %dma_wait3A_322 = tpu.memref_slice %arg7[%dma_wait3A_311, %dma_wait3A_321] : memref<2x125xi32, #tpu.memory_space<vmem>> -> memref<1x125xi32, #tpu.memory_space<vmem>>
    %dma_wait3A_323 = tpu.memref_squeeze %dma_wait3A_322 : memref<1x125xi32, #tpu.memory_space<vmem>> -> memref<125xi32, #tpu.memory_space<vmem>>
    %dma_wait3A_324 = arith.constant 0 : i32
    %dma_wait3A_325 = tpu.memref_slice %arg3[%add3A_198, %dma_wait3A_324] : memref<800x125xi32, #tpu.memory_space<hbm>> -> memref<1x125xi32, #tpu.memory_space<hbm>>
    %dma_wait3A_326 = tpu.memref_squeeze %dma_wait3A_325 : memref<1x125xi32, #tpu.memory_space<hbm>> -> memref<125xi32, #tpu.memory_space<hbm>>
    tpu.wait_dma2 semaphore(%dma_wait3A_320 : memref<!tpu.dma_semaphore, #tpu.memory_space<semaphore_mem>>) src(%dma_wait3A_326 : memref<125xi32, #tpu.memory_space<hbm>>) dst(%dma_wait3A_323 : memref<125xi32, #tpu.memory_space<vmem>>)
    %dma_wait3A_327 = arith.constant 1 : i32
    %dma_wait3A_328 = arith.constant 1 : i32
    %dma_wait3A_329 = arith.constant 0 : i32
    %dma_wait3A_330 = arith.constant 0 : i32
    %dma_wait3A_331 = tpu.memref_slice %arg6[%dma_wait3A_327, %dma_wait3A_329, %dma_wait3A_330] : memref<2x125x128xf32, #tpu.memory_space<vmem>> -> memref<1x125x128xf32, #tpu.memory_space<vmem>>
    %dma_wait3A_332 = tpu.memref_squeeze %dma_wait3A_331 : memref<1x125x128xf32, #tpu.memory_space<vmem>> -> memref<125x128xf32, #tpu.memory_space<vmem>>
    %dma_wait3A_333 = arith.constant 0 : i32
    %dma_wait3A_334 = arith.constant 0 : i32
    %dma_wait3A_335 = tpu.memref_slice %arg2[%add3A_198, %dma_wait3A_333, %dma_wait3A_334] : memref<800x125x128xf32, #tpu.memory_space<hbm>> -> memref<1x125x128xf32, #tpu.memory_space<hbm>>
    %dma_wait3A_336 = tpu.memref_squeeze %dma_wait3A_335 : memref<1x125x128xf32, #tpu.memory_space<hbm>> -> memref<125x128xf32, #tpu.memory_space<hbm>>
    %dma_wait3A_337 = tpu.memref_slice %arg9[%dma_wait3A_328] : memref<2x!tpu.dma_semaphore, #tpu.memory_space<semaphore_mem>> -> memref<1x!tpu.dma_semaphore, #tpu.memory_space<semaphore_mem>>
    %dma_wait3A_338 = tpu.memref_squeeze %dma_wait3A_337 : memref<1x!tpu.dma_semaphore, #tpu.memory_space<semaphore_mem>> -> memref<!tpu.dma_semaphore, #tpu.memory_space<semaphore_mem>>
    %dma_wait3A_339 = arith.constant 0 : i32
    %dma_wait3A_340 = arith.constant 0 : i32
    %dma_wait3A_341 = tpu.memref_slice %arg6[%dma_wait3A_327, %dma_wait3A_339, %dma_wait3A_340] : memref<2x125x128xf32, #tpu.memory_space<vmem>> -> memref<1x125x128xf32, #tpu.memory_space<vmem>>
    %dma_wait3A_342 = tpu.memref_squeeze %dma_wait3A_341 : memref<1x125x128xf32, #tpu.memory_space<vmem>> -> memref<125x128xf32, #tpu.memory_space<vmem>>
    %dma_wait3A_343 = arith.constant 0 : i32
    %dma_wait3A_344 = arith.constant 0 : i32
    %dma_wait3A_345 = tpu.memref_slice %arg2[%add3A_198, %dma_wait3A_343, %dma_wait3A_344] : memref<800x125x128xf32, #tpu.memory_space<hbm>> -> memref<1x125x128xf32, #tpu.memory_space<hbm>>
    %dma_wait3A_346 = tpu.memref_squeeze %dma_wait3A_345 : memref<1x125x128xf32, #tpu.memory_space<hbm>> -> memref<125x128xf32, #tpu.memory_space<hbm>>
    tpu.wait_dma2 semaphore(%dma_wait3A_338 : memref<!tpu.dma_semaphore, #tpu.memory_space<semaphore_mem>>) src(%dma_wait3A_346 : memref<125x128xf32, #tpu.memory_space<hbm>>) dst(%dma_wait3A_342 : memref<125x128xf32, #tpu.memory_space<vmem>>)
    %run_scoped3A_347 = arith.constant 1 : i32
    %run_scoped3A_348 = arith.constant 1 : i32
    "tpu.region"() ({
      %run_scoped3A_1912 = tpu.sem_alloc : memref<!tpu.dma_semaphore, #tpu.memory_space<semaphore_mem>>
      %dma_start3A_1913 = arith.constant 0 : i32
      %dma_start3A_1914 = arith.constant 0 : i32
      %dma_start3A_1915 = tpu.memref_slice %arg6[%run_scoped3A_347, %dma_start3A_1913, %dma_start3A_1914] : memref<2x125x128xf32, #tpu.memory_space<vmem>> -> memref<1x125x128xf32, #tpu.memory_space<vmem>>
      %dma_start3A_1916 = tpu.memref_squeeze %dma_start3A_1915 : memref<1x125x128xf32, #tpu.memory_space<vmem>> -> memref<125x128xf32, #tpu.memory_space<vmem>>
      %dma_start3A_1917 = arith.constant 0 : i32
      %dma_start3A_1918 = tpu.memref_slice %arg7[%run_scoped3A_348, %dma_start3A_1917] : memref<2x125xi32, #tpu.memory_space<vmem>> -> memref<1x125xi32, #tpu.memory_space<vmem>>
      %dma_start3A_1919 = tpu.memref_squeeze %dma_start3A_1918 : memref<1x125xi32, #tpu.memory_space<vmem>> -> memref<125xi32, #tpu.memory_space<vmem>>
      %dma_start3A_1920 = arith.constant 0 : i32
      %dma_start3A_1921 = arith.constant 0 : i32
      %dma_start3A_1922 = tpu.memref_slice %arg5[%dma_start3A_1920, %dma_start3A_1921] : memref<512x128xf32, #tpu.memory_space<vmem_shared>> -> memref<512x128xf32, #tpu.memory_space<vmem_shared>>
      tpu.enqueue_indirect_dma source(%dma_start3A_1916 : memref<125x128xf32, #tpu.memory_space<vmem>>) target(%dma_start3A_1922 : memref<512x128xf32, #tpu.memory_space<vmem_shared>>) offsets(%dma_start3A_1919 : memref<125xi32, #tpu.memory_space<vmem>>) semaphore(%run_scoped3A_1912 : memref<!tpu.dma_semaphore, #tpu.memory_space<semaphore_mem>>) {add = true}
      %dma_wait3A_1923 = arith.constant 0 : i32
      %dma_wait3A_1924 = arith.constant 0 : i32
      %dma_wait3A_1925 = tpu.memref_slice %arg6[%run_scoped3A_347, %dma_wait3A_1923, %dma_wait3A_1924] : memref<2x125x128xf32, #tpu.memory_space<vmem>> -> memref<1x125x128xf32, #tpu.memory_space<vmem>>
      %dma_wait3A_1926 = tpu.memref_squeeze %dma_wait3A_1925 : memref<1x125x128xf32, #tpu.memory_space<vmem>> -> memref<125x128xf32, #tpu.memory_space<vmem>>
      %dma_wait3A_1927 = arith.constant 0 : i32
      %dma_wait3A_1928 = tpu.memref_slice %arg7[%run_scoped3A_348, %dma_wait3A_1927] : memref<2x125xi32, #tpu.memory_space<vmem>> -> memref<1x125xi32, #tpu.memory_space<vmem>>
      %dma_wait3A_1929 = tpu.memref_squeeze %dma_wait3A_1928 : memref<1x125xi32, #tpu.memory_space<vmem>> -> memref<125xi32, #tpu.memory_space<vmem>>
      %dma_wait3A_1930 = arith.constant 0 : i32
      %dma_wait3A_1931 = arith.constant 0 : i32
      %dma_wait3A_1932 = tpu.memref_slice %arg5[%dma_wait3A_1930, %dma_wait3A_1931] : memref<512x128xf32, #tpu.memory_space<vmem_shared>> -> memref<512x128xf32, #tpu.memory_space<vmem_shared>>
      tpu.wait_indirect_dma semaphore(%run_scoped3A_1912 : memref<!tpu.dma_semaphore, #tpu.memory_space<semaphore_mem>>) src(%dma_wait3A_1926 : memref<125x128xf32, #tpu.memory_space<vmem>>) dst(%dma_wait3A_1932 : memref<512x128xf32, #tpu.memory_space<vmem_shared>>)
      tpu.yield
    }) : () -> ()
    %add3A_349 = arith.constant 160 : i32
    %add3A_350 = arith.addi %add3A, %add3A_349 : i32
    %dma_start3A_351 = arith.constant 1 : i32
    %dma_start3A_352 = arith.constant 1 : i32
    %dma_start3A_353 = arith.constant 0 : i32
    %dma_start3A_354 = tpu.memref_slice %arg7[%dma_start3A_351, %dma_start3A_353] : memref<2x125xi32, #tpu.memory_space<vmem>> -> memref<1x125xi32, #tpu.memory_space<vmem>>
    %dma_start3A_355 = tpu.memref_squeeze %dma_start3A_354 : memref<1x125xi32, #tpu.memory_space<vmem>> -> memref<125xi32, #tpu.memory_space<vmem>>
    %dma_start3A_356 = arith.constant 0 : i32
    %dma_start3A_357 = tpu.memref_slice %arg3[%add3A_350, %dma_start3A_356] : memref<800x125xi32, #tpu.memory_space<hbm>> -> memref<1x125xi32, #tpu.memory_space<hbm>>
    %dma_start3A_358 = tpu.memref_squeeze %dma_start3A_357 : memref<1x125xi32, #tpu.memory_space<hbm>> -> memref<125xi32, #tpu.memory_space<hbm>>
    %dma_start3A_359 = tpu.memref_slice %arg8[%dma_start3A_352] : memref<2x!tpu.dma_semaphore, #tpu.memory_space<semaphore_mem>> -> memref<1x!tpu.dma_semaphore, #tpu.memory_space<semaphore_mem>>
    %dma_start3A_360 = tpu.memref_squeeze %dma_start3A_359 : memref<1x!tpu.dma_semaphore, #tpu.memory_space<semaphore_mem>> -> memref<!tpu.dma_semaphore, #tpu.memory_space<semaphore_mem>>
    %dma_start3A_361 = arith.constant 0 : i32
    %dma_start3A_362 = tpu.memref_slice %arg7[%dma_start3A_351, %dma_start3A_361] : memref<2x125xi32, #tpu.memory_space<vmem>> -> memref<1x125xi32, #tpu.memory_space<vmem>>
    %dma_start3A_363 = tpu.memref_squeeze %dma_start3A_362 : memref<1x125xi32, #tpu.memory_space<vmem>> -> memref<125xi32, #tpu.memory_space<vmem>>
    %dma_start3A_364 = arith.constant 0 : i32
    %dma_start3A_365 = tpu.memref_slice %arg3[%add3A_350, %dma_start3A_364] : memref<800x125xi32, #tpu.memory_space<hbm>> -> memref<1x125xi32, #tpu.memory_space<hbm>>
    %dma_start3A_366 = tpu.memref_squeeze %dma_start3A_365 : memref<1x125xi32, #tpu.memory_space<hbm>> -> memref<125xi32, #tpu.memory_space<hbm>>
    tpu.enqueue_dma source(%dma_start3A_366 : memref<125xi32, #tpu.memory_space<hbm>>) target(%dma_start3A_363 : memref<125xi32, #tpu.memory_space<vmem>>) target_semaphore(%dma_start3A_360 : memref<!tpu.dma_semaphore, #tpu.memory_space<semaphore_mem>>)
    %dma_start3A_367 = arith.constant 1 : i32
    %dma_start3A_368 = arith.constant 1 : i32
    %dma_start3A_369 = arith.constant 0 : i32
    %dma_start3A_370 = arith.constant 0 : i32
    %dma_start3A_371 = tpu.memref_slice %arg6[%dma_start3A_367, %dma_start3A_369, %dma_start3A_370] : memref<2x125x128xf32, #tpu.memory_space<vmem>> -> memref<1x125x128xf32, #tpu.memory_space<vmem>>
    %dma_start3A_372 = tpu.memref_squeeze %dma_start3A_371 : memref<1x125x128xf32, #tpu.memory_space<vmem>> -> memref<125x128xf32, #tpu.memory_space<vmem>>
    %dma_start3A_373 = arith.constant 0 : i32
    %dma_start3A_374 = arith.constant 0 : i32
    %dma_start3A_375 = tpu.memref_slice %arg2[%add3A_350, %dma_start3A_373, %dma_start3A_374] : memref<800x125x128xf32, #tpu.memory_space<hbm>> -> memref<1x125x128xf32, #tpu.memory_space<hbm>>
    %dma_start3A_376 = tpu.memref_squeeze %dma_start3A_375 : memref<1x125x128xf32, #tpu.memory_space<hbm>> -> memref<125x128xf32, #tpu.memory_space<hbm>>
    %dma_start3A_377 = tpu.memref_slice %arg9[%dma_start3A_368] : memref<2x!tpu.dma_semaphore, #tpu.memory_space<semaphore_mem>> -> memref<1x!tpu.dma_semaphore, #tpu.memory_space<semaphore_mem>>
    %dma_start3A_378 = tpu.memref_squeeze %dma_start3A_377 : memref<1x!tpu.dma_semaphore, #tpu.memory_space<semaphore_mem>> -> memref<!tpu.dma_semaphore, #tpu.memory_space<semaphore_mem>>
    %dma_start3A_379 = arith.constant 0 : i32
    %dma_start3A_380 = arith.constant 0 : i32
    %dma_start3A_381 = tpu.memref_slice %arg6[%dma_start3A_367, %dma_start3A_379, %dma_start3A_380] : memref<2x125x128xf32, #tpu.memory_space<vmem>> -> memref<1x125x128xf32, #tpu.memory_space<vmem>>
    %dma_start3A_382 = tpu.memref_squeeze %dma_start3A_381 : memref<1x125x128xf32, #tpu.memory_space<vmem>> -> memref<125x128xf32, #tpu.memory_space<vmem>>
    %dma_start3A_383 = arith.constant 0 : i32
    %dma_start3A_384 = arith.constant 0 : i32
    %dma_start3A_385 = tpu.memref_slice %arg2[%add3A_350, %dma_start3A_383, %dma_start3A_384] : memref<800x125x128xf32, #tpu.memory_space<hbm>> -> memref<1x125x128xf32, #tpu.memory_space<hbm>>
    %dma_start3A_386 = tpu.memref_squeeze %dma_start3A_385 : memref<1x125x128xf32, #tpu.memory_space<hbm>> -> memref<125x128xf32, #tpu.memory_space<hbm>>
    tpu.enqueue_dma source(%dma_start3A_386 : memref<125x128xf32, #tpu.memory_space<hbm>>) target(%dma_start3A_382 : memref<125x128xf32, #tpu.memory_space<vmem>>) target_semaphore(%dma_start3A_378 : memref<!tpu.dma_semaphore, #tpu.memory_space<semaphore_mem>>)
    %dma_wait3A_387 = arith.constant 0 : i32
    %dma_wait3A_388 = arith.constant 0 : i32
    %dma_wait3A_389 = arith.constant 0 : i32
    %dma_wait3A_390 = tpu.memref_slice %arg7[%dma_wait3A_387, %dma_wait3A_389] : memref<2x125xi32, #tpu.memory_space<vmem>> -> memref<1x125xi32, #tpu.memory_space<vmem>>
    %dma_wait3A_391 = tpu.memref_squeeze %dma_wait3A_390 : memref<1x125xi32, #tpu.memory_space<vmem>> -> memref<125xi32, #tpu.memory_space<vmem>>
    %dma_wait3A_392 = arith.constant 0 : i32
    %dma_wait3A_393 = tpu.memref_slice %arg3[%add3A_274, %dma_wait3A_392] : memref<800x125xi32, #tpu.memory_space<hbm>> -> memref<1x125xi32, #tpu.memory_space<hbm>>
    %dma_wait3A_394 = tpu.memref_squeeze %dma_wait3A_393 : memref<1x125xi32, #tpu.memory_space<hbm>> -> memref<125xi32, #tpu.memory_space<hbm>>
    %dma_wait3A_395 = tpu.memref_slice %arg8[%dma_wait3A_388] : memref<2x!tpu.dma_semaphore, #tpu.memory_space<semaphore_mem>> -> memref<1x!tpu.dma_semaphore, #tpu.memory_space<semaphore_mem>>
    %dma_wait3A_396 = tpu.memref_squeeze %dma_wait3A_395 : memref<1x!tpu.dma_semaphore, #tpu.memory_space<semaphore_mem>> -> memref<!tpu.dma_semaphore, #tpu.memory_space<semaphore_mem>>
    %dma_wait3A_397 = arith.constant 0 : i32
    %dma_wait3A_398 = tpu.memref_slice %arg7[%dma_wait3A_387, %dma_wait3A_397] : memref<2x125xi32, #tpu.memory_space<vmem>> -> memref<1x125xi32, #tpu.memory_space<vmem>>
    %dma_wait3A_399 = tpu.memref_squeeze %dma_wait3A_398 : memref<1x125xi32, #tpu.memory_space<vmem>> -> memref<125xi32, #tpu.memory_space<vmem>>
    %dma_wait3A_400 = arith.constant 0 : i32
    %dma_wait3A_401 = tpu.memref_slice %arg3[%add3A_274, %dma_wait3A_400] : memref<800x125xi32, #tpu.memory_space<hbm>> -> memref<1x125xi32, #tpu.memory_space<hbm>>
    %dma_wait3A_402 = tpu.memref_squeeze %dma_wait3A_401 : memref<1x125xi32, #tpu.memory_space<hbm>> -> memref<125xi32, #tpu.memory_space<hbm>>
    tpu.wait_dma2 semaphore(%dma_wait3A_396 : memref<!tpu.dma_semaphore, #tpu.memory_space<semaphore_mem>>) src(%dma_wait3A_402 : memref<125xi32, #tpu.memory_space<hbm>>) dst(%dma_wait3A_399 : memref<125xi32, #tpu.memory_space<vmem>>)
    %dma_wait3A_403 = arith.constant 0 : i32
    %dma_wait3A_404 = arith.constant 0 : i32
    %dma_wait3A_405 = arith.constant 0 : i32
    %dma_wait3A_406 = arith.constant 0 : i32
    %dma_wait3A_407 = tpu.memref_slice %arg6[%dma_wait3A_403, %dma_wait3A_405, %dma_wait3A_406] : memref<2x125x128xf32, #tpu.memory_space<vmem>> -> memref<1x125x128xf32, #tpu.memory_space<vmem>>
    %dma_wait3A_408 = tpu.memref_squeeze %dma_wait3A_407 : memref<1x125x128xf32, #tpu.memory_space<vmem>> -> memref<125x128xf32, #tpu.memory_space<vmem>>
    %dma_wait3A_409 = arith.constant 0 : i32
    %dma_wait3A_410 = arith.constant 0 : i32
    %dma_wait3A_411 = tpu.memref_slice %arg2[%add3A_274, %dma_wait3A_409, %dma_wait3A_410] : memref<800x125x128xf32, #tpu.memory_space<hbm>> -> memref<1x125x128xf32, #tpu.memory_space<hbm>>
    %dma_wait3A_412 = tpu.memref_squeeze %dma_wait3A_411 : memref<1x125x128xf32, #tpu.memory_space<hbm>> -> memref<125x128xf32, #tpu.memory_space<hbm>>
    %dma_wait3A_413 = tpu.memref_slice %arg9[%dma_wait3A_404] : memref<2x!tpu.dma_semaphore, #tpu.memory_space<semaphore_mem>> -> memref<1x!tpu.dma_semaphore, #tpu.memory_space<semaphore_mem>>
    %dma_wait3A_414 = tpu.memref_squeeze %dma_wait3A_413 : memref<1x!tpu.dma_semaphore, #tpu.memory_space<semaphore_mem>> -> memref<!tpu.dma_semaphore, #tpu.memory_space<semaphore_mem>>
    %dma_wait3A_415 = arith.constant 0 : i32
    %dma_wait3A_416 = arith.constant 0 : i32
    %dma_wait3A_417 = tpu.memref_slice %arg6[%dma_wait3A_403, %dma_wait3A_415, %dma_wait3A_416] : memref<2x125x128xf32, #tpu.memory_space<vmem>> -> memref<1x125x128xf32, #tpu.memory_space<vmem>>
    %dma_wait3A_418 = tpu.memref_squeeze %dma_wait3A_417 : memref<1x125x128xf32, #tpu.memory_space<vmem>> -> memref<125x128xf32, #tpu.memory_space<vmem>>
    %dma_wait3A_419 = arith.constant 0 : i32
    %dma_wait3A_420 = arith.constant 0 : i32
    %dma_wait3A_421 = tpu.memref_slice %arg2[%add3A_274, %dma_wait3A_419, %dma_wait3A_420] : memref<800x125x128xf32, #tpu.memory_space<hbm>> -> memref<1x125x128xf32, #tpu.memory_space<hbm>>
    %dma_wait3A_422 = tpu.memref_squeeze %dma_wait3A_421 : memref<1x125x128xf32, #tpu.memory_space<hbm>> -> memref<125x128xf32, #tpu.memory_space<hbm>>
    tpu.wait_dma2 semaphore(%dma_wait3A_414 : memref<!tpu.dma_semaphore, #tpu.memory_space<semaphore_mem>>) src(%dma_wait3A_422 : memref<125x128xf32, #tpu.memory_space<hbm>>) dst(%dma_wait3A_418 : memref<125x128xf32, #tpu.memory_space<vmem>>)
    %run_scoped3A_423 = arith.constant 0 : i32
    %run_scoped3A_424 = arith.constant 0 : i32
    "tpu.region"() ({
      %run_scoped3A_1912 = tpu.sem_alloc : memref<!tpu.dma_semaphore, #tpu.memory_space<semaphore_mem>>
      %dma_start3A_1913 = arith.constant 0 : i32
      %dma_start3A_1914 = arith.constant 0 : i32
      %dma_start3A_1915 = tpu.memref_slice %arg6[%run_scoped3A_423, %dma_start3A_1913, %dma_start3A_1914] : memref<2x125x128xf32, #tpu.memory_space<vmem>> -> memref<1x125x128xf32, #tpu.memory_space<vmem>>
      %dma_start3A_1916 = tpu.memref_squeeze %dma_start3A_1915 : memref<1x125x128xf32, #tpu.memory_space<vmem>> -> memref<125x128xf32, #tpu.memory_space<vmem>>
      %dma_start3A_1917 = arith.constant 0 : i32
      %dma_start3A_1918 = tpu.memref_slice %arg7[%run_scoped3A_424, %dma_start3A_1917] : memref<2x125xi32, #tpu.memory_space<vmem>> -> memref<1x125xi32, #tpu.memory_space<vmem>>
      %dma_start3A_1919 = tpu.memref_squeeze %dma_start3A_1918 : memref<1x125xi32, #tpu.memory_space<vmem>> -> memref<125xi32, #tpu.memory_space<vmem>>
      %dma_start3A_1920 = arith.constant 0 : i32
      %dma_start3A_1921 = arith.constant 0 : i32
      %dma_start3A_1922 = tpu.memref_slice %arg5[%dma_start3A_1920, %dma_start3A_1921] : memref<512x128xf32, #tpu.memory_space<vmem_shared>> -> memref<512x128xf32, #tpu.memory_space<vmem_shared>>
      tpu.enqueue_indirect_dma source(%dma_start3A_1916 : memref<125x128xf32, #tpu.memory_space<vmem>>) target(%dma_start3A_1922 : memref<512x128xf32, #tpu.memory_space<vmem_shared>>) offsets(%dma_start3A_1919 : memref<125xi32, #tpu.memory_space<vmem>>) semaphore(%run_scoped3A_1912 : memref<!tpu.dma_semaphore, #tpu.memory_space<semaphore_mem>>) {add = true}
      %dma_wait3A_1923 = arith.constant 0 : i32
      %dma_wait3A_1924 = arith.constant 0 : i32
      %dma_wait3A_1925 = tpu.memref_slice %arg6[%run_scoped3A_423, %dma_wait3A_1923, %dma_wait3A_1924] : memref<2x125x128xf32, #tpu.memory_space<vmem>> -> memref<1x125x128xf32, #tpu.memory_space<vmem>>
      %dma_wait3A_1926 = tpu.memref_squeeze %dma_wait3A_1925 : memref<1x125x128xf32, #tpu.memory_space<vmem>> -> memref<125x128xf32, #tpu.memory_space<vmem>>
      %dma_wait3A_1927 = arith.constant 0 : i32
      %dma_wait3A_1928 = tpu.memref_slice %arg7[%run_scoped3A_424, %dma_wait3A_1927] : memref<2x125xi32, #tpu.memory_space<vmem>> -> memref<1x125xi32, #tpu.memory_space<vmem>>
      %dma_wait3A_1929 = tpu.memref_squeeze %dma_wait3A_1928 : memref<1x125xi32, #tpu.memory_space<vmem>> -> memref<125xi32, #tpu.memory_space<vmem>>
      %dma_wait3A_1930 = arith.constant 0 : i32
      %dma_wait3A_1931 = arith.constant 0 : i32
      %dma_wait3A_1932 = tpu.memref_slice %arg5[%dma_wait3A_1930, %dma_wait3A_1931] : memref<512x128xf32, #tpu.memory_space<vmem_shared>> -> memref<512x128xf32, #tpu.memory_space<vmem_shared>>
      tpu.wait_indirect_dma semaphore(%run_scoped3A_1912 : memref<!tpu.dma_semaphore, #tpu.memory_space<semaphore_mem>>) src(%dma_wait3A_1926 : memref<125x128xf32, #tpu.memory_space<vmem>>) dst(%dma_wait3A_1932 : memref<512x128xf32, #tpu.memory_space<vmem_shared>>)
      tpu.yield
    }) : () -> ()
    %add3A_425 = arith.constant 192 : i32
    %add3A_426 = arith.addi %add3A, %add3A_425 : i32
    %dma_start3A_427 = arith.constant 0 : i32
    %dma_start3A_428 = arith.constant 0 : i32
    %dma_start3A_429 = arith.constant 0 : i32
    %dma_start3A_430 = tpu.memref_slice %arg7[%dma_start3A_427, %dma_start3A_429] : memref<2x125xi32, #tpu.memory_space<vmem>> -> memref<1x125xi32, #tpu.memory_space<vmem>>
    %dma_start3A_431 = tpu.memref_squeeze %dma_start3A_430 : memref<1x125xi32, #tpu.memory_space<vmem>> -> memref<125xi32, #tpu.memory_space<vmem>>
    %dma_start3A_432 = arith.constant 0 : i32
    %dma_start3A_433 = tpu.memref_slice %arg3[%add3A_426, %dma_start3A_432] : memref<800x125xi32, #tpu.memory_space<hbm>> -> memref<1x125xi32, #tpu.memory_space<hbm>>
    %dma_start3A_434 = tpu.memref_squeeze %dma_start3A_433 : memref<1x125xi32, #tpu.memory_space<hbm>> -> memref<125xi32, #tpu.memory_space<hbm>>
    %dma_start3A_435 = tpu.memref_slice %arg8[%dma_start3A_428] : memref<2x!tpu.dma_semaphore, #tpu.memory_space<semaphore_mem>> -> memref<1x!tpu.dma_semaphore, #tpu.memory_space<semaphore_mem>>
    %dma_start3A_436 = tpu.memref_squeeze %dma_start3A_435 : memref<1x!tpu.dma_semaphore, #tpu.memory_space<semaphore_mem>> -> memref<!tpu.dma_semaphore, #tpu.memory_space<semaphore_mem>>
    %dma_start3A_437 = arith.constant 0 : i32
    %dma_start3A_438 = tpu.memref_slice %arg7[%dma_start3A_427, %dma_start3A_437] : memref<2x125xi32, #tpu.memory_space<vmem>> -> memref<1x125xi32, #tpu.memory_space<vmem>>
    %dma_start3A_439 = tpu.memref_squeeze %dma_start3A_438 : memref<1x125xi32, #tpu.memory_space<vmem>> -> memref<125xi32, #tpu.memory_space<vmem>>
    %dma_start3A_440 = arith.constant 0 : i32
    %dma_start3A_441 = tpu.memref_slice %arg3[%add3A_426, %dma_start3A_440] : memref<800x125xi32, #tpu.memory_space<hbm>> -> memref<1x125xi32, #tpu.memory_space<hbm>>
    %dma_start3A_442 = tpu.memref_squeeze %dma_start3A_441 : memref<1x125xi32, #tpu.memory_space<hbm>> -> memref<125xi32, #tpu.memory_space<hbm>>
    tpu.enqueue_dma source(%dma_start3A_442 : memref<125xi32, #tpu.memory_space<hbm>>) target(%dma_start3A_439 : memref<125xi32, #tpu.memory_space<vmem>>) target_semaphore(%dma_start3A_436 : memref<!tpu.dma_semaphore, #tpu.memory_space<semaphore_mem>>)
    %dma_start3A_443 = arith.constant 0 : i32
    %dma_start3A_444 = arith.constant 0 : i32
    %dma_start3A_445 = arith.constant 0 : i32
    %dma_start3A_446 = arith.constant 0 : i32
    %dma_start3A_447 = tpu.memref_slice %arg6[%dma_start3A_443, %dma_start3A_445, %dma_start3A_446] : memref<2x125x128xf32, #tpu.memory_space<vmem>> -> memref<1x125x128xf32, #tpu.memory_space<vmem>>
    %dma_start3A_448 = tpu.memref_squeeze %dma_start3A_447 : memref<1x125x128xf32, #tpu.memory_space<vmem>> -> memref<125x128xf32, #tpu.memory_space<vmem>>
    %dma_start3A_449 = arith.constant 0 : i32
    %dma_start3A_450 = arith.constant 0 : i32
    %dma_start3A_451 = tpu.memref_slice %arg2[%add3A_426, %dma_start3A_449, %dma_start3A_450] : memref<800x125x128xf32, #tpu.memory_space<hbm>> -> memref<1x125x128xf32, #tpu.memory_space<hbm>>
    %dma_start3A_452 = tpu.memref_squeeze %dma_start3A_451 : memref<1x125x128xf32, #tpu.memory_space<hbm>> -> memref<125x128xf32, #tpu.memory_space<hbm>>
    %dma_start3A_453 = tpu.memref_slice %arg9[%dma_start3A_444] : memref<2x!tpu.dma_semaphore, #tpu.memory_space<semaphore_mem>> -> memref<1x!tpu.dma_semaphore, #tpu.memory_space<semaphore_mem>>
    %dma_start3A_454 = tpu.memref_squeeze %dma_start3A_453 : memref<1x!tpu.dma_semaphore, #tpu.memory_space<semaphore_mem>> -> memref<!tpu.dma_semaphore, #tpu.memory_space<semaphore_mem>>
    %dma_start3A_455 = arith.constant 0 : i32
    %dma_start3A_456 = arith.constant 0 : i32
    %dma_start3A_457 = tpu.memref_slice %arg6[%dma_start3A_443, %dma_start3A_455, %dma_start3A_456] : memref<2x125x128xf32, #tpu.memory_space<vmem>> -> memref<1x125x128xf32, #tpu.memory_space<vmem>>
    %dma_start3A_458 = tpu.memref_squeeze %dma_start3A_457 : memref<1x125x128xf32, #tpu.memory_space<vmem>> -> memref<125x128xf32, #tpu.memory_space<vmem>>
    %dma_start3A_459 = arith.constant 0 : i32
    %dma_start3A_460 = arith.constant 0 : i32
    %dma_start3A_461 = tpu.memref_slice %arg2[%add3A_426, %dma_start3A_459, %dma_start3A_460] : memref<800x125x128xf32, #tpu.memory_space<hbm>> -> memref<1x125x128xf32, #tpu.memory_space<hbm>>
    %dma_start3A_462 = tpu.memref_squeeze %dma_start3A_461 : memref<1x125x128xf32, #tpu.memory_space<hbm>> -> memref<125x128xf32, #tpu.memory_space<hbm>>
    tpu.enqueue_dma source(%dma_start3A_462 : memref<125x128xf32, #tpu.memory_space<hbm>>) target(%dma_start3A_458 : memref<125x128xf32, #tpu.memory_space<vmem>>) target_semaphore(%dma_start3A_454 : memref<!tpu.dma_semaphore, #tpu.memory_space<semaphore_mem>>)
    %dma_wait3A_463 = arith.constant 1 : i32
    %dma_wait3A_464 = arith.constant 1 : i32
    %dma_wait3A_465 = arith.constant 0 : i32
    %dma_wait3A_466 = tpu.memref_slice %arg7[%dma_wait3A_463, %dma_wait3A_465] : memref<2x125xi32, #tpu.memory_space<vmem>> -> memref<1x125xi32, #tpu.memory_space<vmem>>
    %dma_wait3A_467 = tpu.memref_squeeze %dma_wait3A_466 : memref<1x125xi32, #tpu.memory_space<vmem>> -> memref<125xi32, #tpu.memory_space<vmem>>
    %dma_wait3A_468 = arith.constant 0 : i32
    %dma_wait3A_469 = tpu.memref_slice %arg3[%add3A_350, %dma_wait3A_468] : memref<800x125xi32, #tpu.memory_space<hbm>> -> memref<1x125xi32, #tpu.memory_space<hbm>>
    %dma_wait3A_470 = tpu.memref_squeeze %dma_wait3A_469 : memref<1x125xi32, #tpu.memory_space<hbm>> -> memref<125xi32, #tpu.memory_space<hbm>>
    %dma_wait3A_471 = tpu.memref_slice %arg8[%dma_wait3A_464] : memref<2x!tpu.dma_semaphore, #tpu.memory_space<semaphore_mem>> -> memref<1x!tpu.dma_semaphore, #tpu.memory_space<semaphore_mem>>
    %dma_wait3A_472 = tpu.memref_squeeze %dma_wait3A_471 : memref<1x!tpu.dma_semaphore, #tpu.memory_space<semaphore_mem>> -> memref<!tpu.dma_semaphore, #tpu.memory_space<semaphore_mem>>
    %dma_wait3A_473 = arith.constant 0 : i32
    %dma_wait3A_474 = tpu.memref_slice %arg7[%dma_wait3A_463, %dma_wait3A_473] : memref<2x125xi32, #tpu.memory_space<vmem>> -> memref<1x125xi32, #tpu.memory_space<vmem>>
    %dma_wait3A_475 = tpu.memref_squeeze %dma_wait3A_474 : memref<1x125xi32, #tpu.memory_space<vmem>> -> memref<125xi32, #tpu.memory_space<vmem>>
    %dma_wait3A_476 = arith.constant 0 : i32
    %dma_wait3A_477 = tpu.memref_slice %arg3[%add3A_350, %dma_wait3A_476] : memref<800x125xi32, #tpu.memory_space<hbm>> -> memref<1x125xi32, #tpu.memory_space<hbm>>
    %dma_wait3A_478 = tpu.memref_squeeze %dma_wait3A_477 : memref<1x125xi32, #tpu.memory_space<hbm>> -> memref<125xi32, #tpu.memory_space<hbm>>
    tpu.wait_dma2 semaphore(%dma_wait3A_472 : memref<!tpu.dma_semaphore, #tpu.memory_space<semaphore_mem>>) src(%dma_wait3A_478 : memref<125xi32, #tpu.memory_space<hbm>>) dst(%dma_wait3A_475 : memref<125xi32, #tpu.memory_space<vmem>>)
    %dma_wait3A_479 = arith.constant 1 : i32
    %dma_wait3A_480 = arith.constant 1 : i32
    %dma_wait3A_481 = arith.constant 0 : i32
    %dma_wait3A_482 = arith.constant 0 : i32
    %dma_wait3A_483 = tpu.memref_slice %arg6[%dma_wait3A_479, %dma_wait3A_481, %dma_wait3A_482] : memref<2x125x128xf32, #tpu.memory_space<vmem>> -> memref<1x125x128xf32, #tpu.memory_space<vmem>>
    %dma_wait3A_484 = tpu.memref_squeeze %dma_wait3A_483 : memref<1x125x128xf32, #tpu.memory_space<vmem>> -> memref<125x128xf32, #tpu.memory_space<vmem>>
    %dma_wait3A_485 = arith.constant 0 : i32
    %dma_wait3A_486 = arith.constant 0 : i32
    %dma_wait3A_487 = tpu.memref_slice %arg2[%add3A_350, %dma_wait3A_485, %dma_wait3A_486] : memref<800x125x128xf32, #tpu.memory_space<hbm>> -> memref<1x125x128xf32, #tpu.memory_space<hbm>>
    %dma_wait3A_488 = tpu.memref_squeeze %dma_wait3A_487 : memref<1x125x128xf32, #tpu.memory_space<hbm>> -> memref<125x128xf32, #tpu.memory_space<hbm>>
    %dma_wait3A_489 = tpu.memref_slice %arg9[%dma_wait3A_480] : memref<2x!tpu.dma_semaphore, #tpu.memory_space<semaphore_mem>> -> memref<1x!tpu.dma_semaphore, #tpu.memory_space<semaphore_mem>>
    %dma_wait3A_490 = tpu.memref_squeeze %dma_wait3A_489 : memref<1x!tpu.dma_semaphore, #tpu.memory_space<semaphore_mem>> -> memref<!tpu.dma_semaphore, #tpu.memory_space<semaphore_mem>>
    %dma_wait3A_491 = arith.constant 0 : i32
    %dma_wait3A_492 = arith.constant 0 : i32
    %dma_wait3A_493 = tpu.memref_slice %arg6[%dma_wait3A_479, %dma_wait3A_491, %dma_wait3A_492] : memref<2x125x128xf32, #tpu.memory_space<vmem>> -> memref<1x125x128xf32, #tpu.memory_space<vmem>>
    %dma_wait3A_494 = tpu.memref_squeeze %dma_wait3A_493 : memref<1x125x128xf32, #tpu.memory_space<vmem>> -> memref<125x128xf32, #tpu.memory_space<vmem>>
    %dma_wait3A_495 = arith.constant 0 : i32
    %dma_wait3A_496 = arith.constant 0 : i32
    %dma_wait3A_497 = tpu.memref_slice %arg2[%add3A_350, %dma_wait3A_495, %dma_wait3A_496] : memref<800x125x128xf32, #tpu.memory_space<hbm>> -> memref<1x125x128xf32, #tpu.memory_space<hbm>>
    %dma_wait3A_498 = tpu.memref_squeeze %dma_wait3A_497 : memref<1x125x128xf32, #tpu.memory_space<hbm>> -> memref<125x128xf32, #tpu.memory_space<hbm>>
    tpu.wait_dma2 semaphore(%dma_wait3A_490 : memref<!tpu.dma_semaphore, #tpu.memory_space<semaphore_mem>>) src(%dma_wait3A_498 : memref<125x128xf32, #tpu.memory_space<hbm>>) dst(%dma_wait3A_494 : memref<125x128xf32, #tpu.memory_space<vmem>>)
    %run_scoped3A_499 = arith.constant 1 : i32
    %run_scoped3A_500 = arith.constant 1 : i32
    "tpu.region"() ({
      %run_scoped3A_1912 = tpu.sem_alloc : memref<!tpu.dma_semaphore, #tpu.memory_space<semaphore_mem>>
      %dma_start3A_1913 = arith.constant 0 : i32
      %dma_start3A_1914 = arith.constant 0 : i32
      %dma_start3A_1915 = tpu.memref_slice %arg6[%run_scoped3A_499, %dma_start3A_1913, %dma_start3A_1914] : memref<2x125x128xf32, #tpu.memory_space<vmem>> -> memref<1x125x128xf32, #tpu.memory_space<vmem>>
      %dma_start3A_1916 = tpu.memref_squeeze %dma_start3A_1915 : memref<1x125x128xf32, #tpu.memory_space<vmem>> -> memref<125x128xf32, #tpu.memory_space<vmem>>
      %dma_start3A_1917 = arith.constant 0 : i32
      %dma_start3A_1918 = tpu.memref_slice %arg7[%run_scoped3A_500, %dma_start3A_1917] : memref<2x125xi32, #tpu.memory_space<vmem>> -> memref<1x125xi32, #tpu.memory_space<vmem>>
      %dma_start3A_1919 = tpu.memref_squeeze %dma_start3A_1918 : memref<1x125xi32, #tpu.memory_space<vmem>> -> memref<125xi32, #tpu.memory_space<vmem>>
      %dma_start3A_1920 = arith.constant 0 : i32
      %dma_start3A_1921 = arith.constant 0 : i32
      %dma_start3A_1922 = tpu.memref_slice %arg5[%dma_start3A_1920, %dma_start3A_1921] : memref<512x128xf32, #tpu.memory_space<vmem_shared>> -> memref<512x128xf32, #tpu.memory_space<vmem_shared>>
      tpu.enqueue_indirect_dma source(%dma_start3A_1916 : memref<125x128xf32, #tpu.memory_space<vmem>>) target(%dma_start3A_1922 : memref<512x128xf32, #tpu.memory_space<vmem_shared>>) offsets(%dma_start3A_1919 : memref<125xi32, #tpu.memory_space<vmem>>) semaphore(%run_scoped3A_1912 : memref<!tpu.dma_semaphore, #tpu.memory_space<semaphore_mem>>) {add = true}
      %dma_wait3A_1923 = arith.constant 0 : i32
      %dma_wait3A_1924 = arith.constant 0 : i32
      %dma_wait3A_1925 = tpu.memref_slice %arg6[%run_scoped3A_499, %dma_wait3A_1923, %dma_wait3A_1924] : memref<2x125x128xf32, #tpu.memory_space<vmem>> -> memref<1x125x128xf32, #tpu.memory_space<vmem>>
      %dma_wait3A_1926 = tpu.memref_squeeze %dma_wait3A_1925 : memref<1x125x128xf32, #tpu.memory_space<vmem>> -> memref<125x128xf32, #tpu.memory_space<vmem>>
      %dma_wait3A_1927 = arith.constant 0 : i32
      %dma_wait3A_1928 = tpu.memref_slice %arg7[%run_scoped3A_500, %dma_wait3A_1927] : memref<2x125xi32, #tpu.memory_space<vmem>> -> memref<1x125xi32, #tpu.memory_space<vmem>>
      %dma_wait3A_1929 = tpu.memref_squeeze %dma_wait3A_1928 : memref<1x125xi32, #tpu.memory_space<vmem>> -> memref<125xi32, #tpu.memory_space<vmem>>
      %dma_wait3A_1930 = arith.constant 0 : i32
      %dma_wait3A_1931 = arith.constant 0 : i32
      %dma_wait3A_1932 = tpu.memref_slice %arg5[%dma_wait3A_1930, %dma_wait3A_1931] : memref<512x128xf32, #tpu.memory_space<vmem_shared>> -> memref<512x128xf32, #tpu.memory_space<vmem_shared>>
      tpu.wait_indirect_dma semaphore(%run_scoped3A_1912 : memref<!tpu.dma_semaphore, #tpu.memory_space<semaphore_mem>>) src(%dma_wait3A_1926 : memref<125x128xf32, #tpu.memory_space<vmem>>) dst(%dma_wait3A_1932 : memref<512x128xf32, #tpu.memory_space<vmem_shared>>)
      tpu.yield
    }) : () -> ()
    %add3A_501 = arith.constant 224 : i32
    %add3A_502 = arith.addi %add3A, %add3A_501 : i32
    %dma_start3A_503 = arith.constant 1 : i32
    %dma_start3A_504 = arith.constant 1 : i32
    %dma_start3A_505 = arith.constant 0 : i32
    %dma_start3A_506 = tpu.memref_slice %arg7[%dma_start3A_503, %dma_start3A_505] : memref<2x125xi32, #tpu.memory_space<vmem>> -> memref<1x125xi32, #tpu.memory_space<vmem>>
    %dma_start3A_507 = tpu.memref_squeeze %dma_start3A_506 : memref<1x125xi32, #tpu.memory_space<vmem>> -> memref<125xi32, #tpu.memory_space<vmem>>
    %dma_start3A_508 = arith.constant 0 : i32
    %dma_start3A_509 = tpu.memref_slice %arg3[%add3A_502, %dma_start3A_508] : memref<800x125xi32, #tpu.memory_space<hbm>> -> memref<1x125xi32, #tpu.memory_space<hbm>>
    %dma_start3A_510 = tpu.memref_squeeze %dma_start3A_509 : memref<1x125xi32, #tpu.memory_space<hbm>> -> memref<125xi32, #tpu.memory_space<hbm>>
    %dma_start3A_511 = tpu.memref_slice %arg8[%dma_start3A_504] : memref<2x!tpu.dma_semaphore, #tpu.memory_space<semaphore_mem>> -> memref<1x!tpu.dma_semaphore, #tpu.memory_space<semaphore_mem>>
    %dma_start3A_512 = tpu.memref_squeeze %dma_start3A_511 : memref<1x!tpu.dma_semaphore, #tpu.memory_space<semaphore_mem>> -> memref<!tpu.dma_semaphore, #tpu.memory_space<semaphore_mem>>
    %dma_start3A_513 = arith.constant 0 : i32
    %dma_start3A_514 = tpu.memref_slice %arg7[%dma_start3A_503, %dma_start3A_513] : memref<2x125xi32, #tpu.memory_space<vmem>> -> memref<1x125xi32, #tpu.memory_space<vmem>>
    %dma_start3A_515 = tpu.memref_squeeze %dma_start3A_514 : memref<1x125xi32, #tpu.memory_space<vmem>> -> memref<125xi32, #tpu.memory_space<vmem>>
    %dma_start3A_516 = arith.constant 0 : i32
    %dma_start3A_517 = tpu.memref_slice %arg3[%add3A_502, %dma_start3A_516] : memref<800x125xi32, #tpu.memory_space<hbm>> -> memref<1x125xi32, #tpu.memory_space<hbm>>
    %dma_start3A_518 = tpu.memref_squeeze %dma_start3A_517 : memref<1x125xi32, #tpu.memory_space<hbm>> -> memref<125xi32, #tpu.memory_space<hbm>>
    tpu.enqueue_dma source(%dma_start3A_518 : memref<125xi32, #tpu.memory_space<hbm>>) target(%dma_start3A_515 : memref<125xi32, #tpu.memory_space<vmem>>) target_semaphore(%dma_start3A_512 : memref<!tpu.dma_semaphore, #tpu.memory_space<semaphore_mem>>)
    %dma_start3A_519 = arith.constant 1 : i32
    %dma_start3A_520 = arith.constant 1 : i32
    %dma_start3A_521 = arith.constant 0 : i32
    %dma_start3A_522 = arith.constant 0 : i32
    %dma_start3A_523 = tpu.memref_slice %arg6[%dma_start3A_519, %dma_start3A_521, %dma_start3A_522] : memref<2x125x128xf32, #tpu.memory_space<vmem>> -> memref<1x125x128xf32, #tpu.memory_space<vmem>>
    %dma_start3A_524 = tpu.memref_squeeze %dma_start3A_523 : memref<1x125x128xf32, #tpu.memory_space<vmem>> -> memref<125x128xf32, #tpu.memory_space<vmem>>
    %dma_start3A_525 = arith.constant 0 : i32
    %dma_start3A_526 = arith.constant 0 : i32
    %dma_start3A_527 = tpu.memref_slice %arg2[%add3A_502, %dma_start3A_525, %dma_start3A_526] : memref<800x125x128xf32, #tpu.memory_space<hbm>> -> memref<1x125x128xf32, #tpu.memory_space<hbm>>
    %dma_start3A_528 = tpu.memref_squeeze %dma_start3A_527 : memref<1x125x128xf32, #tpu.memory_space<hbm>> -> memref<125x128xf32, #tpu.memory_space<hbm>>
    %dma_start3A_529 = tpu.memref_slice %arg9[%dma_start3A_520] : memref<2x!tpu.dma_semaphore, #tpu.memory_space<semaphore_mem>> -> memref<1x!tpu.dma_semaphore, #tpu.memory_space<semaphore_mem>>
    %dma_start3A_530 = tpu.memref_squeeze %dma_start3A_529 : memref<1x!tpu.dma_semaphore, #tpu.memory_space<semaphore_mem>> -> memref<!tpu.dma_semaphore, #tpu.memory_space<semaphore_mem>>
    %dma_start3A_531 = arith.constant 0 : i32
    %dma_start3A_532 = arith.constant 0 : i32
    %dma_start3A_533 = tpu.memref_slice %arg6[%dma_start3A_519, %dma_start3A_531, %dma_start3A_532] : memref<2x125x128xf32, #tpu.memory_space<vmem>> -> memref<1x125x128xf32, #tpu.memory_space<vmem>>
    %dma_start3A_534 = tpu.memref_squeeze %dma_start3A_533 : memref<1x125x128xf32, #tpu.memory_space<vmem>> -> memref<125x128xf32, #tpu.memory_space<vmem>>
    %dma_start3A_535 = arith.constant 0 : i32
    %dma_start3A_536 = arith.constant 0 : i32
    %dma_start3A_537 = tpu.memref_slice %arg2[%add3A_502, %dma_start3A_535, %dma_start3A_536] : memref<800x125x128xf32, #tpu.memory_space<hbm>> -> memref<1x125x128xf32, #tpu.memory_space<hbm>>
    %dma_start3A_538 = tpu.memref_squeeze %dma_start3A_537 : memref<1x125x128xf32, #tpu.memory_space<hbm>> -> memref<125x128xf32, #tpu.memory_space<hbm>>
    tpu.enqueue_dma source(%dma_start3A_538 : memref<125x128xf32, #tpu.memory_space<hbm>>) target(%dma_start3A_534 : memref<125x128xf32, #tpu.memory_space<vmem>>) target_semaphore(%dma_start3A_530 : memref<!tpu.dma_semaphore, #tpu.memory_space<semaphore_mem>>)
    %dma_wait3A_539 = arith.constant 0 : i32
    %dma_wait3A_540 = arith.constant 0 : i32
    %dma_wait3A_541 = arith.constant 0 : i32
    %dma_wait3A_542 = tpu.memref_slice %arg7[%dma_wait3A_539, %dma_wait3A_541] : memref<2x125xi32, #tpu.memory_space<vmem>> -> memref<1x125xi32, #tpu.memory_space<vmem>>
    %dma_wait3A_543 = tpu.memref_squeeze %dma_wait3A_542 : memref<1x125xi32, #tpu.memory_space<vmem>> -> memref<125xi32, #tpu.memory_space<vmem>>
    %dma_wait3A_544 = arith.constant 0 : i32
    %dma_wait3A_545 = tpu.memref_slice %arg3[%add3A_426, %dma_wait3A_544] : memref<800x125xi32, #tpu.memory_space<hbm>> -> memref<1x125xi32, #tpu.memory_space<hbm>>
    %dma_wait3A_546 = tpu.memref_squeeze %dma_wait3A_545 : memref<1x125xi32, #tpu.memory_space<hbm>> -> memref<125xi32, #tpu.memory_space<hbm>>
    %dma_wait3A_547 = tpu.memref_slice %arg8[%dma_wait3A_540] : memref<2x!tpu.dma_semaphore, #tpu.memory_space<semaphore_mem>> -> memref<1x!tpu.dma_semaphore, #tpu.memory_space<semaphore_mem>>
    %dma_wait3A_548 = tpu.memref_squeeze %dma_wait3A_547 : memref<1x!tpu.dma_semaphore, #tpu.memory_space<semaphore_mem>> -> memref<!tpu.dma_semaphore, #tpu.memory_space<semaphore_mem>>
    %dma_wait3A_549 = arith.constant 0 : i32
    %dma_wait3A_550 = tpu.memref_slice %arg7[%dma_wait3A_539, %dma_wait3A_549] : memref<2x125xi32, #tpu.memory_space<vmem>> -> memref<1x125xi32, #tpu.memory_space<vmem>>
    %dma_wait3A_551 = tpu.memref_squeeze %dma_wait3A_550 : memref<1x125xi32, #tpu.memory_space<vmem>> -> memref<125xi32, #tpu.memory_space<vmem>>
    %dma_wait3A_552 = arith.constant 0 : i32
    %dma_wait3A_553 = tpu.memref_slice %arg3[%add3A_426, %dma_wait3A_552] : memref<800x125xi32, #tpu.memory_space<hbm>> -> memref<1x125xi32, #tpu.memory_space<hbm>>
    %dma_wait3A_554 = tpu.memref_squeeze %dma_wait3A_553 : memref<1x125xi32, #tpu.memory_space<hbm>> -> memref<125xi32, #tpu.memory_space<hbm>>
    tpu.wait_dma2 semaphore(%dma_wait3A_548 : memref<!tpu.dma_semaphore, #tpu.memory_space<semaphore_mem>>) src(%dma_wait3A_554 : memref<125xi32, #tpu.memory_space<hbm>>) dst(%dma_wait3A_551 : memref<125xi32, #tpu.memory_space<vmem>>)
    %dma_wait3A_555 = arith.constant 0 : i32
    %dma_wait3A_556 = arith.constant 0 : i32
    %dma_wait3A_557 = arith.constant 0 : i32
    %dma_wait3A_558 = arith.constant 0 : i32
    %dma_wait3A_559 = tpu.memref_slice %arg6[%dma_wait3A_555, %dma_wait3A_557, %dma_wait3A_558] : memref<2x125x128xf32, #tpu.memory_space<vmem>> -> memref<1x125x128xf32, #tpu.memory_space<vmem>>
    %dma_wait3A_560 = tpu.memref_squeeze %dma_wait3A_559 : memref<1x125x128xf32, #tpu.memory_space<vmem>> -> memref<125x128xf32, #tpu.memory_space<vmem>>
    %dma_wait3A_561 = arith.constant 0 : i32
    %dma_wait3A_562 = arith.constant 0 : i32
    %dma_wait3A_563 = tpu.memref_slice %arg2[%add3A_426, %dma_wait3A_561, %dma_wait3A_562] : memref<800x125x128xf32, #tpu.memory_space<hbm>> -> memref<1x125x128xf32, #tpu.memory_space<hbm>>
    %dma_wait3A_564 = tpu.memref_squeeze %dma_wait3A_563 : memref<1x125x128xf32, #tpu.memory_space<hbm>> -> memref<125x128xf32, #tpu.memory_space<hbm>>
    %dma_wait3A_565 = tpu.memref_slice %arg9[%dma_wait3A_556] : memref<2x!tpu.dma_semaphore, #tpu.memory_space<semaphore_mem>> -> memref<1x!tpu.dma_semaphore, #tpu.memory_space<semaphore_mem>>
    %dma_wait3A_566 = tpu.memref_squeeze %dma_wait3A_565 : memref<1x!tpu.dma_semaphore, #tpu.memory_space<semaphore_mem>> -> memref<!tpu.dma_semaphore, #tpu.memory_space<semaphore_mem>>
    %dma_wait3A_567 = arith.constant 0 : i32
    %dma_wait3A_568 = arith.constant 0 : i32
    %dma_wait3A_569 = tpu.memref_slice %arg6[%dma_wait3A_555, %dma_wait3A_567, %dma_wait3A_568] : memref<2x125x128xf32, #tpu.memory_space<vmem>> -> memref<1x125x128xf32, #tpu.memory_space<vmem>>
    %dma_wait3A_570 = tpu.memref_squeeze %dma_wait3A_569 : memref<1x125x128xf32, #tpu.memory_space<vmem>> -> memref<125x128xf32, #tpu.memory_space<vmem>>
    %dma_wait3A_571 = arith.constant 0 : i32
    %dma_wait3A_572 = arith.constant 0 : i32
    %dma_wait3A_573 = tpu.memref_slice %arg2[%add3A_426, %dma_wait3A_571, %dma_wait3A_572] : memref<800x125x128xf32, #tpu.memory_space<hbm>> -> memref<1x125x128xf32, #tpu.memory_space<hbm>>
    %dma_wait3A_574 = tpu.memref_squeeze %dma_wait3A_573 : memref<1x125x128xf32, #tpu.memory_space<hbm>> -> memref<125x128xf32, #tpu.memory_space<hbm>>
    tpu.wait_dma2 semaphore(%dma_wait3A_566 : memref<!tpu.dma_semaphore, #tpu.memory_space<semaphore_mem>>) src(%dma_wait3A_574 : memref<125x128xf32, #tpu.memory_space<hbm>>) dst(%dma_wait3A_570 : memref<125x128xf32, #tpu.memory_space<vmem>>)
    %run_scoped3A_575 = arith.constant 0 : i32
    %run_scoped3A_576 = arith.constant 0 : i32
    "tpu.region"() ({
      %run_scoped3A_1912 = tpu.sem_alloc : memref<!tpu.dma_semaphore, #tpu.memory_space<semaphore_mem>>
      %dma_start3A_1913 = arith.constant 0 : i32
      %dma_start3A_1914 = arith.constant 0 : i32
      %dma_start3A_1915 = tpu.memref_slice %arg6[%run_scoped3A_575, %dma_start3A_1913, %dma_start3A_1914] : memref<2x125x128xf32, #tpu.memory_space<vmem>> -> memref<1x125x128xf32, #tpu.memory_space<vmem>>
      %dma_start3A_1916 = tpu.memref_squeeze %dma_start3A_1915 : memref<1x125x128xf32, #tpu.memory_space<vmem>> -> memref<125x128xf32, #tpu.memory_space<vmem>>
      %dma_start3A_1917 = arith.constant 0 : i32
      %dma_start3A_1918 = tpu.memref_slice %arg7[%run_scoped3A_576, %dma_start3A_1917] : memref<2x125xi32, #tpu.memory_space<vmem>> -> memref<1x125xi32, #tpu.memory_space<vmem>>
      %dma_start3A_1919 = tpu.memref_squeeze %dma_start3A_1918 : memref<1x125xi32, #tpu.memory_space<vmem>> -> memref<125xi32, #tpu.memory_space<vmem>>
      %dma_start3A_1920 = arith.constant 0 : i32
      %dma_start3A_1921 = arith.constant 0 : i32
      %dma_start3A_1922 = tpu.memref_slice %arg5[%dma_start3A_1920, %dma_start3A_1921] : memref<512x128xf32, #tpu.memory_space<vmem_shared>> -> memref<512x128xf32, #tpu.memory_space<vmem_shared>>
      tpu.enqueue_indirect_dma source(%dma_start3A_1916 : memref<125x128xf32, #tpu.memory_space<vmem>>) target(%dma_start3A_1922 : memref<512x128xf32, #tpu.memory_space<vmem_shared>>) offsets(%dma_start3A_1919 : memref<125xi32, #tpu.memory_space<vmem>>) semaphore(%run_scoped3A_1912 : memref<!tpu.dma_semaphore, #tpu.memory_space<semaphore_mem>>) {add = true}
      %dma_wait3A_1923 = arith.constant 0 : i32
      %dma_wait3A_1924 = arith.constant 0 : i32
      %dma_wait3A_1925 = tpu.memref_slice %arg6[%run_scoped3A_575, %dma_wait3A_1923, %dma_wait3A_1924] : memref<2x125x128xf32, #tpu.memory_space<vmem>> -> memref<1x125x128xf32, #tpu.memory_space<vmem>>
      %dma_wait3A_1926 = tpu.memref_squeeze %dma_wait3A_1925 : memref<1x125x128xf32, #tpu.memory_space<vmem>> -> memref<125x128xf32, #tpu.memory_space<vmem>>
      %dma_wait3A_1927 = arith.constant 0 : i32
      %dma_wait3A_1928 = tpu.memref_slice %arg7[%run_scoped3A_576, %dma_wait3A_1927] : memref<2x125xi32, #tpu.memory_space<vmem>> -> memref<1x125xi32, #tpu.memory_space<vmem>>
      %dma_wait3A_1929 = tpu.memref_squeeze %dma_wait3A_1928 : memref<1x125xi32, #tpu.memory_space<vmem>> -> memref<125xi32, #tpu.memory_space<vmem>>
      %dma_wait3A_1930 = arith.constant 0 : i32
      %dma_wait3A_1931 = arith.constant 0 : i32
      %dma_wait3A_1932 = tpu.memref_slice %arg5[%dma_wait3A_1930, %dma_wait3A_1931] : memref<512x128xf32, #tpu.memory_space<vmem_shared>> -> memref<512x128xf32, #tpu.memory_space<vmem_shared>>
      tpu.wait_indirect_dma semaphore(%run_scoped3A_1912 : memref<!tpu.dma_semaphore, #tpu.memory_space<semaphore_mem>>) src(%dma_wait3A_1926 : memref<125x128xf32, #tpu.memory_space<vmem>>) dst(%dma_wait3A_1932 : memref<512x128xf32, #tpu.memory_space<vmem_shared>>)
      tpu.yield
    }) : () -> ()
    %add3A_577 = arith.constant 256 : i32
    %add3A_578 = arith.addi %add3A, %add3A_577 : i32
    %dma_start3A_579 = arith.constant 0 : i32
    %dma_start3A_580 = arith.constant 0 : i32
    %dma_start3A_581 = arith.constant 0 : i32
    %dma_start3A_582 = tpu.memref_slice %arg7[%dma_start3A_579, %dma_start3A_581] : memref<2x125xi32, #tpu.memory_space<vmem>> -> memref<1x125xi32, #tpu.memory_space<vmem>>
    %dma_start3A_583 = tpu.memref_squeeze %dma_start3A_582 : memref<1x125xi32, #tpu.memory_space<vmem>> -> memref<125xi32, #tpu.memory_space<vmem>>
    %dma_start3A_584 = arith.constant 0 : i32
    %dma_start3A_585 = tpu.memref_slice %arg3[%add3A_578, %dma_start3A_584] : memref<800x125xi32, #tpu.memory_space<hbm>> -> memref<1x125xi32, #tpu.memory_space<hbm>>
    %dma_start3A_586 = tpu.memref_squeeze %dma_start3A_585 : memref<1x125xi32, #tpu.memory_space<hbm>> -> memref<125xi32, #tpu.memory_space<hbm>>
    %dma_start3A_587 = tpu.memref_slice %arg8[%dma_start3A_580] : memref<2x!tpu.dma_semaphore, #tpu.memory_space<semaphore_mem>> -> memref<1x!tpu.dma_semaphore, #tpu.memory_space<semaphore_mem>>
    %dma_start3A_588 = tpu.memref_squeeze %dma_start3A_587 : memref<1x!tpu.dma_semaphore, #tpu.memory_space<semaphore_mem>> -> memref<!tpu.dma_semaphore, #tpu.memory_space<semaphore_mem>>
    %dma_start3A_589 = arith.constant 0 : i32
    %dma_start3A_590 = tpu.memref_slice %arg7[%dma_start3A_579, %dma_start3A_589] : memref<2x125xi32, #tpu.memory_space<vmem>> -> memref<1x125xi32, #tpu.memory_space<vmem>>
    %dma_start3A_591 = tpu.memref_squeeze %dma_start3A_590 : memref<1x125xi32, #tpu.memory_space<vmem>> -> memref<125xi32, #tpu.memory_space<vmem>>
    %dma_start3A_592 = arith.constant 0 : i32
    %dma_start3A_593 = tpu.memref_slice %arg3[%add3A_578, %dma_start3A_592] : memref<800x125xi32, #tpu.memory_space<hbm>> -> memref<1x125xi32, #tpu.memory_space<hbm>>
    %dma_start3A_594 = tpu.memref_squeeze %dma_start3A_593 : memref<1x125xi32, #tpu.memory_space<hbm>> -> memref<125xi32, #tpu.memory_space<hbm>>
    tpu.enqueue_dma source(%dma_start3A_594 : memref<125xi32, #tpu.memory_space<hbm>>) target(%dma_start3A_591 : memref<125xi32, #tpu.memory_space<vmem>>) target_semaphore(%dma_start3A_588 : memref<!tpu.dma_semaphore, #tpu.memory_space<semaphore_mem>>)
    %dma_start3A_595 = arith.constant 0 : i32
    %dma_start3A_596 = arith.constant 0 : i32
    %dma_start3A_597 = arith.constant 0 : i32
    %dma_start3A_598 = arith.constant 0 : i32
    %dma_start3A_599 = tpu.memref_slice %arg6[%dma_start3A_595, %dma_start3A_597, %dma_start3A_598] : memref<2x125x128xf32, #tpu.memory_space<vmem>> -> memref<1x125x128xf32, #tpu.memory_space<vmem>>
    %dma_start3A_600 = tpu.memref_squeeze %dma_start3A_599 : memref<1x125x128xf32, #tpu.memory_space<vmem>> -> memref<125x128xf32, #tpu.memory_space<vmem>>
    %dma_start3A_601 = arith.constant 0 : i32
    %dma_start3A_602 = arith.constant 0 : i32
    %dma_start3A_603 = tpu.memref_slice %arg2[%add3A_578, %dma_start3A_601, %dma_start3A_602] : memref<800x125x128xf32, #tpu.memory_space<hbm>> -> memref<1x125x128xf32, #tpu.memory_space<hbm>>
    %dma_start3A_604 = tpu.memref_squeeze %dma_start3A_603 : memref<1x125x128xf32, #tpu.memory_space<hbm>> -> memref<125x128xf32, #tpu.memory_space<hbm>>
    %dma_start3A_605 = tpu.memref_slice %arg9[%dma_start3A_596] : memref<2x!tpu.dma_semaphore, #tpu.memory_space<semaphore_mem>> -> memref<1x!tpu.dma_semaphore, #tpu.memory_space<semaphore_mem>>
    %dma_start3A_606 = tpu.memref_squeeze %dma_start3A_605 : memref<1x!tpu.dma_semaphore, #tpu.memory_space<semaphore_mem>> -> memref<!tpu.dma_semaphore, #tpu.memory_space<semaphore_mem>>
    %dma_start3A_607 = arith.constant 0 : i32
    %dma_start3A_608 = arith.constant 0 : i32
    %dma_start3A_609 = tpu.memref_slice %arg6[%dma_start3A_595, %dma_start3A_607, %dma_start3A_608] : memref<2x125x128xf32, #tpu.memory_space<vmem>> -> memref<1x125x128xf32, #tpu.memory_space<vmem>>
    %dma_start3A_610 = tpu.memref_squeeze %dma_start3A_609 : memref<1x125x128xf32, #tpu.memory_space<vmem>> -> memref<125x128xf32, #tpu.memory_space<vmem>>
    %dma_start3A_611 = arith.constant 0 : i32
    %dma_start3A_612 = arith.constant 0 : i32
    %dma_start3A_613 = tpu.memref_slice %arg2[%add3A_578, %dma_start3A_611, %dma_start3A_612] : memref<800x125x128xf32, #tpu.memory_space<hbm>> -> memref<1x125x128xf32, #tpu.memory_space<hbm>>
    %dma_start3A_614 = tpu.memref_squeeze %dma_start3A_613 : memref<1x125x128xf32, #tpu.memory_space<hbm>> -> memref<125x128xf32, #tpu.memory_space<hbm>>
    tpu.enqueue_dma source(%dma_start3A_614 : memref<125x128xf32, #tpu.memory_space<hbm>>) target(%dma_start3A_610 : memref<125x128xf32, #tpu.memory_space<vmem>>) target_semaphore(%dma_start3A_606 : memref<!tpu.dma_semaphore, #tpu.memory_space<semaphore_mem>>)
    %dma_wait3A_615 = arith.constant 1 : i32
    %dma_wait3A_616 = arith.constant 1 : i32
    %dma_wait3A_617 = arith.constant 0 : i32
    %dma_wait3A_618 = tpu.memref_slice %arg7[%dma_wait3A_615, %dma_wait3A_617] : memref<2x125xi32, #tpu.memory_space<vmem>> -> memref<1x125xi32, #tpu.memory_space<vmem>>
    %dma_wait3A_619 = tpu.memref_squeeze %dma_wait3A_618 : memref<1x125xi32, #tpu.memory_space<vmem>> -> memref<125xi32, #tpu.memory_space<vmem>>
    %dma_wait3A_620 = arith.constant 0 : i32
    %dma_wait3A_621 = tpu.memref_slice %arg3[%add3A_502, %dma_wait3A_620] : memref<800x125xi32, #tpu.memory_space<hbm>> -> memref<1x125xi32, #tpu.memory_space<hbm>>
    %dma_wait3A_622 = tpu.memref_squeeze %dma_wait3A_621 : memref<1x125xi32, #tpu.memory_space<hbm>> -> memref<125xi32, #tpu.memory_space<hbm>>
    %dma_wait3A_623 = tpu.memref_slice %arg8[%dma_wait3A_616] : memref<2x!tpu.dma_semaphore, #tpu.memory_space<semaphore_mem>> -> memref<1x!tpu.dma_semaphore, #tpu.memory_space<semaphore_mem>>
    %dma_wait3A_624 = tpu.memref_squeeze %dma_wait3A_623 : memref<1x!tpu.dma_semaphore, #tpu.memory_space<semaphore_mem>> -> memref<!tpu.dma_semaphore, #tpu.memory_space<semaphore_mem>>
    %dma_wait3A_625 = arith.constant 0 : i32
    %dma_wait3A_626 = tpu.memref_slice %arg7[%dma_wait3A_615, %dma_wait3A_625] : memref<2x125xi32, #tpu.memory_space<vmem>> -> memref<1x125xi32, #tpu.memory_space<vmem>>
    %dma_wait3A_627 = tpu.memref_squeeze %dma_wait3A_626 : memref<1x125xi32, #tpu.memory_space<vmem>> -> memref<125xi32, #tpu.memory_space<vmem>>
    %dma_wait3A_628 = arith.constant 0 : i32
    %dma_wait3A_629 = tpu.memref_slice %arg3[%add3A_502, %dma_wait3A_628] : memref<800x125xi32, #tpu.memory_space<hbm>> -> memref<1x125xi32, #tpu.memory_space<hbm>>
    %dma_wait3A_630 = tpu.memref_squeeze %dma_wait3A_629 : memref<1x125xi32, #tpu.memory_space<hbm>> -> memref<125xi32, #tpu.memory_space<hbm>>
    tpu.wait_dma2 semaphore(%dma_wait3A_624 : memref<!tpu.dma_semaphore, #tpu.memory_space<semaphore_mem>>) src(%dma_wait3A_630 : memref<125xi32, #tpu.memory_space<hbm>>) dst(%dma_wait3A_627 : memref<125xi32, #tpu.memory_space<vmem>>)
    %dma_wait3A_631 = arith.constant 1 : i32
    %dma_wait3A_632 = arith.constant 1 : i32
    %dma_wait3A_633 = arith.constant 0 : i32
    %dma_wait3A_634 = arith.constant 0 : i32
    %dma_wait3A_635 = tpu.memref_slice %arg6[%dma_wait3A_631, %dma_wait3A_633, %dma_wait3A_634] : memref<2x125x128xf32, #tpu.memory_space<vmem>> -> memref<1x125x128xf32, #tpu.memory_space<vmem>>
    %dma_wait3A_636 = tpu.memref_squeeze %dma_wait3A_635 : memref<1x125x128xf32, #tpu.memory_space<vmem>> -> memref<125x128xf32, #tpu.memory_space<vmem>>
    %dma_wait3A_637 = arith.constant 0 : i32
    %dma_wait3A_638 = arith.constant 0 : i32
    %dma_wait3A_639 = tpu.memref_slice %arg2[%add3A_502, %dma_wait3A_637, %dma_wait3A_638] : memref<800x125x128xf32, #tpu.memory_space<hbm>> -> memref<1x125x128xf32, #tpu.memory_space<hbm>>
    %dma_wait3A_640 = tpu.memref_squeeze %dma_wait3A_639 : memref<1x125x128xf32, #tpu.memory_space<hbm>> -> memref<125x128xf32, #tpu.memory_space<hbm>>
    %dma_wait3A_641 = tpu.memref_slice %arg9[%dma_wait3A_632] : memref<2x!tpu.dma_semaphore, #tpu.memory_space<semaphore_mem>> -> memref<1x!tpu.dma_semaphore, #tpu.memory_space<semaphore_mem>>
    %dma_wait3A_642 = tpu.memref_squeeze %dma_wait3A_641 : memref<1x!tpu.dma_semaphore, #tpu.memory_space<semaphore_mem>> -> memref<!tpu.dma_semaphore, #tpu.memory_space<semaphore_mem>>
    %dma_wait3A_643 = arith.constant 0 : i32
    %dma_wait3A_644 = arith.constant 0 : i32
    %dma_wait3A_645 = tpu.memref_slice %arg6[%dma_wait3A_631, %dma_wait3A_643, %dma_wait3A_644] : memref<2x125x128xf32, #tpu.memory_space<vmem>> -> memref<1x125x128xf32, #tpu.memory_space<vmem>>
    %dma_wait3A_646 = tpu.memref_squeeze %dma_wait3A_645 : memref<1x125x128xf32, #tpu.memory_space<vmem>> -> memref<125x128xf32, #tpu.memory_space<vmem>>
    %dma_wait3A_647 = arith.constant 0 : i32
    %dma_wait3A_648 = arith.constant 0 : i32
    %dma_wait3A_649 = tpu.memref_slice %arg2[%add3A_502, %dma_wait3A_647, %dma_wait3A_648] : memref<800x125x128xf32, #tpu.memory_space<hbm>> -> memref<1x125x128xf32, #tpu.memory_space<hbm>>
    %dma_wait3A_650 = tpu.memref_squeeze %dma_wait3A_649 : memref<1x125x128xf32, #tpu.memory_space<hbm>> -> memref<125x128xf32, #tpu.memory_space<hbm>>
    tpu.wait_dma2 semaphore(%dma_wait3A_642 : memref<!tpu.dma_semaphore, #tpu.memory_space<semaphore_mem>>) src(%dma_wait3A_650 : memref<125x128xf32, #tpu.memory_space<hbm>>) dst(%dma_wait3A_646 : memref<125x128xf32, #tpu.memory_space<vmem>>)
    %run_scoped3A_651 = arith.constant 1 : i32
    %run_scoped3A_652 = arith.constant 1 : i32
    "tpu.region"() ({
      %run_scoped3A_1912 = tpu.sem_alloc : memref<!tpu.dma_semaphore, #tpu.memory_space<semaphore_mem>>
      %dma_start3A_1913 = arith.constant 0 : i32
      %dma_start3A_1914 = arith.constant 0 : i32
      %dma_start3A_1915 = tpu.memref_slice %arg6[%run_scoped3A_651, %dma_start3A_1913, %dma_start3A_1914] : memref<2x125x128xf32, #tpu.memory_space<vmem>> -> memref<1x125x128xf32, #tpu.memory_space<vmem>>
      %dma_start3A_1916 = tpu.memref_squeeze %dma_start3A_1915 : memref<1x125x128xf32, #tpu.memory_space<vmem>> -> memref<125x128xf32, #tpu.memory_space<vmem>>
      %dma_start3A_1917 = arith.constant 0 : i32
      %dma_start3A_1918 = tpu.memref_slice %arg7[%run_scoped3A_652, %dma_start3A_1917] : memref<2x125xi32, #tpu.memory_space<vmem>> -> memref<1x125xi32, #tpu.memory_space<vmem>>
      %dma_start3A_1919 = tpu.memref_squeeze %dma_start3A_1918 : memref<1x125xi32, #tpu.memory_space<vmem>> -> memref<125xi32, #tpu.memory_space<vmem>>
      %dma_start3A_1920 = arith.constant 0 : i32
      %dma_start3A_1921 = arith.constant 0 : i32
      %dma_start3A_1922 = tpu.memref_slice %arg5[%dma_start3A_1920, %dma_start3A_1921] : memref<512x128xf32, #tpu.memory_space<vmem_shared>> -> memref<512x128xf32, #tpu.memory_space<vmem_shared>>
      tpu.enqueue_indirect_dma source(%dma_start3A_1916 : memref<125x128xf32, #tpu.memory_space<vmem>>) target(%dma_start3A_1922 : memref<512x128xf32, #tpu.memory_space<vmem_shared>>) offsets(%dma_start3A_1919 : memref<125xi32, #tpu.memory_space<vmem>>) semaphore(%run_scoped3A_1912 : memref<!tpu.dma_semaphore, #tpu.memory_space<semaphore_mem>>) {add = true}
      %dma_wait3A_1923 = arith.constant 0 : i32
      %dma_wait3A_1924 = arith.constant 0 : i32
      %dma_wait3A_1925 = tpu.memref_slice %arg6[%run_scoped3A_651, %dma_wait3A_1923, %dma_wait3A_1924] : memref<2x125x128xf32, #tpu.memory_space<vmem>> -> memref<1x125x128xf32, #tpu.memory_space<vmem>>
      %dma_wait3A_1926 = tpu.memref_squeeze %dma_wait3A_1925 : memref<1x125x128xf32, #tpu.memory_space<vmem>> -> memref<125x128xf32, #tpu.memory_space<vmem>>
      %dma_wait3A_1927 = arith.constant 0 : i32
      %dma_wait3A_1928 = tpu.memref_slice %arg7[%run_scoped3A_652, %dma_wait3A_1927] : memref<2x125xi32, #tpu.memory_space<vmem>> -> memref<1x125xi32, #tpu.memory_space<vmem>>
      %dma_wait3A_1929 = tpu.memref_squeeze %dma_wait3A_1928 : memref<1x125xi32, #tpu.memory_space<vmem>> -> memref<125xi32, #tpu.memory_space<vmem>>
      %dma_wait3A_1930 = arith.constant 0 : i32
      %dma_wait3A_1931 = arith.constant 0 : i32
      %dma_wait3A_1932 = tpu.memref_slice %arg5[%dma_wait3A_1930, %dma_wait3A_1931] : memref<512x128xf32, #tpu.memory_space<vmem_shared>> -> memref<512x128xf32, #tpu.memory_space<vmem_shared>>
      tpu.wait_indirect_dma semaphore(%run_scoped3A_1912 : memref<!tpu.dma_semaphore, #tpu.memory_space<semaphore_mem>>) src(%dma_wait3A_1926 : memref<125x128xf32, #tpu.memory_space<vmem>>) dst(%dma_wait3A_1932 : memref<512x128xf32, #tpu.memory_space<vmem_shared>>)
      tpu.yield
    }) : () -> ()
    %add3A_653 = arith.constant 288 : i32
    %add3A_654 = arith.addi %add3A, %add3A_653 : i32
    %dma_start3A_655 = arith.constant 1 : i32
    %dma_start3A_656 = arith.constant 1 : i32
    %dma_start3A_657 = arith.constant 0 : i32
    %dma_start3A_658 = tpu.memref_slice %arg7[%dma_start3A_655, %dma_start3A_657] : memref<2x125xi32, #tpu.memory_space<vmem>> -> memref<1x125xi32, #tpu.memory_space<vmem>>
    %dma_start3A_659 = tpu.memref_squeeze %dma_start3A_658 : memref<1x125xi32, #tpu.memory_space<vmem>> -> memref<125xi32, #tpu.memory_space<vmem>>
    %dma_start3A_660 = arith.constant 0 : i32
    %dma_start3A_661 = tpu.memref_slice %arg3[%add3A_654, %dma_start3A_660] : memref<800x125xi32, #tpu.memory_space<hbm>> -> memref<1x125xi32, #tpu.memory_space<hbm>>
    %dma_start3A_662 = tpu.memref_squeeze %dma_start3A_661 : memref<1x125xi32, #tpu.memory_space<hbm>> -> memref<125xi32, #tpu.memory_space<hbm>>
    %dma_start3A_663 = tpu.memref_slice %arg8[%dma_start3A_656] : memref<2x!tpu.dma_semaphore, #tpu.memory_space<semaphore_mem>> -> memref<1x!tpu.dma_semaphore, #tpu.memory_space<semaphore_mem>>
    %dma_start3A_664 = tpu.memref_squeeze %dma_start3A_663 : memref<1x!tpu.dma_semaphore, #tpu.memory_space<semaphore_mem>> -> memref<!tpu.dma_semaphore, #tpu.memory_space<semaphore_mem>>
    %dma_start3A_665 = arith.constant 0 : i32
    %dma_start3A_666 = tpu.memref_slice %arg7[%dma_start3A_655, %dma_start3A_665] : memref<2x125xi32, #tpu.memory_space<vmem>> -> memref<1x125xi32, #tpu.memory_space<vmem>>
    %dma_start3A_667 = tpu.memref_squeeze %dma_start3A_666 : memref<1x125xi32, #tpu.memory_space<vmem>> -> memref<125xi32, #tpu.memory_space<vmem>>
    %dma_start3A_668 = arith.constant 0 : i32
    %dma_start3A_669 = tpu.memref_slice %arg3[%add3A_654, %dma_start3A_668] : memref<800x125xi32, #tpu.memory_space<hbm>> -> memref<1x125xi32, #tpu.memory_space<hbm>>
    %dma_start3A_670 = tpu.memref_squeeze %dma_start3A_669 : memref<1x125xi32, #tpu.memory_space<hbm>> -> memref<125xi32, #tpu.memory_space<hbm>>
    tpu.enqueue_dma source(%dma_start3A_670 : memref<125xi32, #tpu.memory_space<hbm>>) target(%dma_start3A_667 : memref<125xi32, #tpu.memory_space<vmem>>) target_semaphore(%dma_start3A_664 : memref<!tpu.dma_semaphore, #tpu.memory_space<semaphore_mem>>)
    %dma_start3A_671 = arith.constant 1 : i32
    %dma_start3A_672 = arith.constant 1 : i32
    %dma_start3A_673 = arith.constant 0 : i32
    %dma_start3A_674 = arith.constant 0 : i32
    %dma_start3A_675 = tpu.memref_slice %arg6[%dma_start3A_671, %dma_start3A_673, %dma_start3A_674] : memref<2x125x128xf32, #tpu.memory_space<vmem>> -> memref<1x125x128xf32, #tpu.memory_space<vmem>>
    %dma_start3A_676 = tpu.memref_squeeze %dma_start3A_675 : memref<1x125x128xf32, #tpu.memory_space<vmem>> -> memref<125x128xf32, #tpu.memory_space<vmem>>
    %dma_start3A_677 = arith.constant 0 : i32
    %dma_start3A_678 = arith.constant 0 : i32
    %dma_start3A_679 = tpu.memref_slice %arg2[%add3A_654, %dma_start3A_677, %dma_start3A_678] : memref<800x125x128xf32, #tpu.memory_space<hbm>> -> memref<1x125x128xf32, #tpu.memory_space<hbm>>
    %dma_start3A_680 = tpu.memref_squeeze %dma_start3A_679 : memref<1x125x128xf32, #tpu.memory_space<hbm>> -> memref<125x128xf32, #tpu.memory_space<hbm>>
    %dma_start3A_681 = tpu.memref_slice %arg9[%dma_start3A_672] : memref<2x!tpu.dma_semaphore, #tpu.memory_space<semaphore_mem>> -> memref<1x!tpu.dma_semaphore, #tpu.memory_space<semaphore_mem>>
    %dma_start3A_682 = tpu.memref_squeeze %dma_start3A_681 : memref<1x!tpu.dma_semaphore, #tpu.memory_space<semaphore_mem>> -> memref<!tpu.dma_semaphore, #tpu.memory_space<semaphore_mem>>
    %dma_start3A_683 = arith.constant 0 : i32
    %dma_start3A_684 = arith.constant 0 : i32
    %dma_start3A_685 = tpu.memref_slice %arg6[%dma_start3A_671, %dma_start3A_683, %dma_start3A_684] : memref<2x125x128xf32, #tpu.memory_space<vmem>> -> memref<1x125x128xf32, #tpu.memory_space<vmem>>
    %dma_start3A_686 = tpu.memref_squeeze %dma_start3A_685 : memref<1x125x128xf32, #tpu.memory_space<vmem>> -> memref<125x128xf32, #tpu.memory_space<vmem>>
    %dma_start3A_687 = arith.constant 0 : i32
    %dma_start3A_688 = arith.constant 0 : i32
    %dma_start3A_689 = tpu.memref_slice %arg2[%add3A_654, %dma_start3A_687, %dma_start3A_688] : memref<800x125x128xf32, #tpu.memory_space<hbm>> -> memref<1x125x128xf32, #tpu.memory_space<hbm>>
    %dma_start3A_690 = tpu.memref_squeeze %dma_start3A_689 : memref<1x125x128xf32, #tpu.memory_space<hbm>> -> memref<125x128xf32, #tpu.memory_space<hbm>>
    tpu.enqueue_dma source(%dma_start3A_690 : memref<125x128xf32, #tpu.memory_space<hbm>>) target(%dma_start3A_686 : memref<125x128xf32, #tpu.memory_space<vmem>>) target_semaphore(%dma_start3A_682 : memref<!tpu.dma_semaphore, #tpu.memory_space<semaphore_mem>>)
    %dma_wait3A_691 = arith.constant 0 : i32
    %dma_wait3A_692 = arith.constant 0 : i32
    %dma_wait3A_693 = arith.constant 0 : i32
    %dma_wait3A_694 = tpu.memref_slice %arg7[%dma_wait3A_691, %dma_wait3A_693] : memref<2x125xi32, #tpu.memory_space<vmem>> -> memref<1x125xi32, #tpu.memory_space<vmem>>
    %dma_wait3A_695 = tpu.memref_squeeze %dma_wait3A_694 : memref<1x125xi32, #tpu.memory_space<vmem>> -> memref<125xi32, #tpu.memory_space<vmem>>
    %dma_wait3A_696 = arith.constant 0 : i32
    %dma_wait3A_697 = tpu.memref_slice %arg3[%add3A_578, %dma_wait3A_696] : memref<800x125xi32, #tpu.memory_space<hbm>> -> memref<1x125xi32, #tpu.memory_space<hbm>>
    %dma_wait3A_698 = tpu.memref_squeeze %dma_wait3A_697 : memref<1x125xi32, #tpu.memory_space<hbm>> -> memref<125xi32, #tpu.memory_space<hbm>>
    %dma_wait3A_699 = tpu.memref_slice %arg8[%dma_wait3A_692] : memref<2x!tpu.dma_semaphore, #tpu.memory_space<semaphore_mem>> -> memref<1x!tpu.dma_semaphore, #tpu.memory_space<semaphore_mem>>
    %dma_wait3A_700 = tpu.memref_squeeze %dma_wait3A_699 : memref<1x!tpu.dma_semaphore, #tpu.memory_space<semaphore_mem>> -> memref<!tpu.dma_semaphore, #tpu.memory_space<semaphore_mem>>
    %dma_wait3A_701 = arith.constant 0 : i32
    %dma_wait3A_702 = tpu.memref_slice %arg7[%dma_wait3A_691, %dma_wait3A_701] : memref<2x125xi32, #tpu.memory_space<vmem>> -> memref<1x125xi32, #tpu.memory_space<vmem>>
    %dma_wait3A_703 = tpu.memref_squeeze %dma_wait3A_702 : memref<1x125xi32, #tpu.memory_space<vmem>> -> memref<125xi32, #tpu.memory_space<vmem>>
    %dma_wait3A_704 = arith.constant 0 : i32
    %dma_wait3A_705 = tpu.memref_slice %arg3[%add3A_578, %dma_wait3A_704] : memref<800x125xi32, #tpu.memory_space<hbm>> -> memref<1x125xi32, #tpu.memory_space<hbm>>
    %dma_wait3A_706 = tpu.memref_squeeze %dma_wait3A_705 : memref<1x125xi32, #tpu.memory_space<hbm>> -> memref<125xi32, #tpu.memory_space<hbm>>
    tpu.wait_dma2 semaphore(%dma_wait3A_700 : memref<!tpu.dma_semaphore, #tpu.memory_space<semaphore_mem>>) src(%dma_wait3A_706 : memref<125xi32, #tpu.memory_space<hbm>>) dst(%dma_wait3A_703 : memref<125xi32, #tpu.memory_space<vmem>>)
    %dma_wait3A_707 = arith.constant 0 : i32
    %dma_wait3A_708 = arith.constant 0 : i32
    %dma_wait3A_709 = arith.constant 0 : i32
    %dma_wait3A_710 = arith.constant 0 : i32
    %dma_wait3A_711 = tpu.memref_slice %arg6[%dma_wait3A_707, %dma_wait3A_709, %dma_wait3A_710] : memref<2x125x128xf32, #tpu.memory_space<vmem>> -> memref<1x125x128xf32, #tpu.memory_space<vmem>>
    %dma_wait3A_712 = tpu.memref_squeeze %dma_wait3A_711 : memref<1x125x128xf32, #tpu.memory_space<vmem>> -> memref<125x128xf32, #tpu.memory_space<vmem>>
    %dma_wait3A_713 = arith.constant 0 : i32
    %dma_wait3A_714 = arith.constant 0 : i32
    %dma_wait3A_715 = tpu.memref_slice %arg2[%add3A_578, %dma_wait3A_713, %dma_wait3A_714] : memref<800x125x128xf32, #tpu.memory_space<hbm>> -> memref<1x125x128xf32, #tpu.memory_space<hbm>>
    %dma_wait3A_716 = tpu.memref_squeeze %dma_wait3A_715 : memref<1x125x128xf32, #tpu.memory_space<hbm>> -> memref<125x128xf32, #tpu.memory_space<hbm>>
    %dma_wait3A_717 = tpu.memref_slice %arg9[%dma_wait3A_708] : memref<2x!tpu.dma_semaphore, #tpu.memory_space<semaphore_mem>> -> memref<1x!tpu.dma_semaphore, #tpu.memory_space<semaphore_mem>>
    %dma_wait3A_718 = tpu.memref_squeeze %dma_wait3A_717 : memref<1x!tpu.dma_semaphore, #tpu.memory_space<semaphore_mem>> -> memref<!tpu.dma_semaphore, #tpu.memory_space<semaphore_mem>>
    %dma_wait3A_719 = arith.constant 0 : i32
    %dma_wait3A_720 = arith.constant 0 : i32
    %dma_wait3A_721 = tpu.memref_slice %arg6[%dma_wait3A_707, %dma_wait3A_719, %dma_wait3A_720] : memref<2x125x128xf32, #tpu.memory_space<vmem>> -> memref<1x125x128xf32, #tpu.memory_space<vmem>>
    %dma_wait3A_722 = tpu.memref_squeeze %dma_wait3A_721 : memref<1x125x128xf32, #tpu.memory_space<vmem>> -> memref<125x128xf32, #tpu.memory_space<vmem>>
    %dma_wait3A_723 = arith.constant 0 : i32
    %dma_wait3A_724 = arith.constant 0 : i32
    %dma_wait3A_725 = tpu.memref_slice %arg2[%add3A_578, %dma_wait3A_723, %dma_wait3A_724] : memref<800x125x128xf32, #tpu.memory_space<hbm>> -> memref<1x125x128xf32, #tpu.memory_space<hbm>>
    %dma_wait3A_726 = tpu.memref_squeeze %dma_wait3A_725 : memref<1x125x128xf32, #tpu.memory_space<hbm>> -> memref<125x128xf32, #tpu.memory_space<hbm>>
    tpu.wait_dma2 semaphore(%dma_wait3A_718 : memref<!tpu.dma_semaphore, #tpu.memory_space<semaphore_mem>>) src(%dma_wait3A_726 : memref<125x128xf32, #tpu.memory_space<hbm>>) dst(%dma_wait3A_722 : memref<125x128xf32, #tpu.memory_space<vmem>>)
    %run_scoped3A_727 = arith.constant 0 : i32
    %run_scoped3A_728 = arith.constant 0 : i32
    "tpu.region"() ({
      %run_scoped3A_1912 = tpu.sem_alloc : memref<!tpu.dma_semaphore, #tpu.memory_space<semaphore_mem>>
      %dma_start3A_1913 = arith.constant 0 : i32
      %dma_start3A_1914 = arith.constant 0 : i32
      %dma_start3A_1915 = tpu.memref_slice %arg6[%run_scoped3A_727, %dma_start3A_1913, %dma_start3A_1914] : memref<2x125x128xf32, #tpu.memory_space<vmem>> -> memref<1x125x128xf32, #tpu.memory_space<vmem>>
      %dma_start3A_1916 = tpu.memref_squeeze %dma_start3A_1915 : memref<1x125x128xf32, #tpu.memory_space<vmem>> -> memref<125x128xf32, #tpu.memory_space<vmem>>
      %dma_start3A_1917 = arith.constant 0 : i32
      %dma_start3A_1918 = tpu.memref_slice %arg7[%run_scoped3A_728, %dma_start3A_1917] : memref<2x125xi32, #tpu.memory_space<vmem>> -> memref<1x125xi32, #tpu.memory_space<vmem>>
      %dma_start3A_1919 = tpu.memref_squeeze %dma_start3A_1918 : memref<1x125xi32, #tpu.memory_space<vmem>> -> memref<125xi32, #tpu.memory_space<vmem>>
      %dma_start3A_1920 = arith.constant 0 : i32
      %dma_start3A_1921 = arith.constant 0 : i32
      %dma_start3A_1922 = tpu.memref_slice %arg5[%dma_start3A_1920, %dma_start3A_1921] : memref<512x128xf32, #tpu.memory_space<vmem_shared>> -> memref<512x128xf32, #tpu.memory_space<vmem_shared>>
      tpu.enqueue_indirect_dma source(%dma_start3A_1916 : memref<125x128xf32, #tpu.memory_space<vmem>>) target(%dma_start3A_1922 : memref<512x128xf32, #tpu.memory_space<vmem_shared>>) offsets(%dma_start3A_1919 : memref<125xi32, #tpu.memory_space<vmem>>) semaphore(%run_scoped3A_1912 : memref<!tpu.dma_semaphore, #tpu.memory_space<semaphore_mem>>) {add = true}
      %dma_wait3A_1923 = arith.constant 0 : i32
      %dma_wait3A_1924 = arith.constant 0 : i32
      %dma_wait3A_1925 = tpu.memref_slice %arg6[%run_scoped3A_727, %dma_wait3A_1923, %dma_wait3A_1924] : memref<2x125x128xf32, #tpu.memory_space<vmem>> -> memref<1x125x128xf32, #tpu.memory_space<vmem>>
      %dma_wait3A_1926 = tpu.memref_squeeze %dma_wait3A_1925 : memref<1x125x128xf32, #tpu.memory_space<vmem>> -> memref<125x128xf32, #tpu.memory_space<vmem>>
      %dma_wait3A_1927 = arith.constant 0 : i32
      %dma_wait3A_1928 = tpu.memref_slice %arg7[%run_scoped3A_728, %dma_wait3A_1927] : memref<2x125xi32, #tpu.memory_space<vmem>> -> memref<1x125xi32, #tpu.memory_space<vmem>>
      %dma_wait3A_1929 = tpu.memref_squeeze %dma_wait3A_1928 : memref<1x125xi32, #tpu.memory_space<vmem>> -> memref<125xi32, #tpu.memory_space<vmem>>
      %dma_wait3A_1930 = arith.constant 0 : i32
      %dma_wait3A_1931 = arith.constant 0 : i32
      %dma_wait3A_1932 = tpu.memref_slice %arg5[%dma_wait3A_1930, %dma_wait3A_1931] : memref<512x128xf32, #tpu.memory_space<vmem_shared>> -> memref<512x128xf32, #tpu.memory_space<vmem_shared>>
      tpu.wait_indirect_dma semaphore(%run_scoped3A_1912 : memref<!tpu.dma_semaphore, #tpu.memory_space<semaphore_mem>>) src(%dma_wait3A_1926 : memref<125x128xf32, #tpu.memory_space<vmem>>) dst(%dma_wait3A_1932 : memref<512x128xf32, #tpu.memory_space<vmem_shared>>)
      tpu.yield
    }) : () -> ()
    %add3A_729 = arith.constant 320 : i32
    %add3A_730 = arith.addi %add3A, %add3A_729 : i32
    %dma_start3A_731 = arith.constant 0 : i32
    %dma_start3A_732 = arith.constant 0 : i32
    %dma_start3A_733 = arith.constant 0 : i32
    %dma_start3A_734 = tpu.memref_slice %arg7[%dma_start3A_731, %dma_start3A_733] : memref<2x125xi32, #tpu.memory_space<vmem>> -> memref<1x125xi32, #tpu.memory_space<vmem>>
    %dma_start3A_735 = tpu.memref_squeeze %dma_start3A_734 : memref<1x125xi32, #tpu.memory_space<vmem>> -> memref<125xi32, #tpu.memory_space<vmem>>
    %dma_start3A_736 = arith.constant 0 : i32
    %dma_start3A_737 = tpu.memref_slice %arg3[%add3A_730, %dma_start3A_736] : memref<800x125xi32, #tpu.memory_space<hbm>> -> memref<1x125xi32, #tpu.memory_space<hbm>>
    %dma_start3A_738 = tpu.memref_squeeze %dma_start3A_737 : memref<1x125xi32, #tpu.memory_space<hbm>> -> memref<125xi32, #tpu.memory_space<hbm>>
    %dma_start3A_739 = tpu.memref_slice %arg8[%dma_start3A_732] : memref<2x!tpu.dma_semaphore, #tpu.memory_space<semaphore_mem>> -> memref<1x!tpu.dma_semaphore, #tpu.memory_space<semaphore_mem>>
    %dma_start3A_740 = tpu.memref_squeeze %dma_start3A_739 : memref<1x!tpu.dma_semaphore, #tpu.memory_space<semaphore_mem>> -> memref<!tpu.dma_semaphore, #tpu.memory_space<semaphore_mem>>
    %dma_start3A_741 = arith.constant 0 : i32
    %dma_start3A_742 = tpu.memref_slice %arg7[%dma_start3A_731, %dma_start3A_741] : memref<2x125xi32, #tpu.memory_space<vmem>> -> memref<1x125xi32, #tpu.memory_space<vmem>>
    %dma_start3A_743 = tpu.memref_squeeze %dma_start3A_742 : memref<1x125xi32, #tpu.memory_space<vmem>> -> memref<125xi32, #tpu.memory_space<vmem>>
    %dma_start3A_744 = arith.constant 0 : i32
    %dma_start3A_745 = tpu.memref_slice %arg3[%add3A_730, %dma_start3A_744] : memref<800x125xi32, #tpu.memory_space<hbm>> -> memref<1x125xi32, #tpu.memory_space<hbm>>
    %dma_start3A_746 = tpu.memref_squeeze %dma_start3A_745 : memref<1x125xi32, #tpu.memory_space<hbm>> -> memref<125xi32, #tpu.memory_space<hbm>>
    tpu.enqueue_dma source(%dma_start3A_746 : memref<125xi32, #tpu.memory_space<hbm>>) target(%dma_start3A_743 : memref<125xi32, #tpu.memory_space<vmem>>) target_semaphore(%dma_start3A_740 : memref<!tpu.dma_semaphore, #tpu.memory_space<semaphore_mem>>)
    %dma_start3A_747 = arith.constant 0 : i32
    %dma_start3A_748 = arith.constant 0 : i32
    %dma_start3A_749 = arith.constant 0 : i32
    %dma_start3A_750 = arith.constant 0 : i32
    %dma_start3A_751 = tpu.memref_slice %arg6[%dma_start3A_747, %dma_start3A_749, %dma_start3A_750] : memref<2x125x128xf32, #tpu.memory_space<vmem>> -> memref<1x125x128xf32, #tpu.memory_space<vmem>>
    %dma_start3A_752 = tpu.memref_squeeze %dma_start3A_751 : memref<1x125x128xf32, #tpu.memory_space<vmem>> -> memref<125x128xf32, #tpu.memory_space<vmem>>
    %dma_start3A_753 = arith.constant 0 : i32
    %dma_start3A_754 = arith.constant 0 : i32
    %dma_start3A_755 = tpu.memref_slice %arg2[%add3A_730, %dma_start3A_753, %dma_start3A_754] : memref<800x125x128xf32, #tpu.memory_space<hbm>> -> memref<1x125x128xf32, #tpu.memory_space<hbm>>
    %dma_start3A_756 = tpu.memref_squeeze %dma_start3A_755 : memref<1x125x128xf32, #tpu.memory_space<hbm>> -> memref<125x128xf32, #tpu.memory_space<hbm>>
    %dma_start3A_757 = tpu.memref_slice %arg9[%dma_start3A_748] : memref<2x!tpu.dma_semaphore, #tpu.memory_space<semaphore_mem>> -> memref<1x!tpu.dma_semaphore, #tpu.memory_space<semaphore_mem>>
    %dma_start3A_758 = tpu.memref_squeeze %dma_start3A_757 : memref<1x!tpu.dma_semaphore, #tpu.memory_space<semaphore_mem>> -> memref<!tpu.dma_semaphore, #tpu.memory_space<semaphore_mem>>
    %dma_start3A_759 = arith.constant 0 : i32
    %dma_start3A_760 = arith.constant 0 : i32
    %dma_start3A_761 = tpu.memref_slice %arg6[%dma_start3A_747, %dma_start3A_759, %dma_start3A_760] : memref<2x125x128xf32, #tpu.memory_space<vmem>> -> memref<1x125x128xf32, #tpu.memory_space<vmem>>
    %dma_start3A_762 = tpu.memref_squeeze %dma_start3A_761 : memref<1x125x128xf32, #tpu.memory_space<vmem>> -> memref<125x128xf32, #tpu.memory_space<vmem>>
    %dma_start3A_763 = arith.constant 0 : i32
    %dma_start3A_764 = arith.constant 0 : i32
    %dma_start3A_765 = tpu.memref_slice %arg2[%add3A_730, %dma_start3A_763, %dma_start3A_764] : memref<800x125x128xf32, #tpu.memory_space<hbm>> -> memref<1x125x128xf32, #tpu.memory_space<hbm>>
    %dma_start3A_766 = tpu.memref_squeeze %dma_start3A_765 : memref<1x125x128xf32, #tpu.memory_space<hbm>> -> memref<125x128xf32, #tpu.memory_space<hbm>>
    tpu.enqueue_dma source(%dma_start3A_766 : memref<125x128xf32, #tpu.memory_space<hbm>>) target(%dma_start3A_762 : memref<125x128xf32, #tpu.memory_space<vmem>>) target_semaphore(%dma_start3A_758 : memref<!tpu.dma_semaphore, #tpu.memory_space<semaphore_mem>>)
    %dma_wait3A_767 = arith.constant 1 : i32
    %dma_wait3A_768 = arith.constant 1 : i32
    %dma_wait3A_769 = arith.constant 0 : i32
    %dma_wait3A_770 = tpu.memref_slice %arg7[%dma_wait3A_767, %dma_wait3A_769] : memref<2x125xi32, #tpu.memory_space<vmem>> -> memref<1x125xi32, #tpu.memory_space<vmem>>
    %dma_wait3A_771 = tpu.memref_squeeze %dma_wait3A_770 : memref<1x125xi32, #tpu.memory_space<vmem>> -> memref<125xi32, #tpu.memory_space<vmem>>
    %dma_wait3A_772 = arith.constant 0 : i32
    %dma_wait3A_773 = tpu.memref_slice %arg3[%add3A_654, %dma_wait3A_772] : memref<800x125xi32, #tpu.memory_space<hbm>> -> memref<1x125xi32, #tpu.memory_space<hbm>>
    %dma_wait3A_774 = tpu.memref_squeeze %dma_wait3A_773 : memref<1x125xi32, #tpu.memory_space<hbm>> -> memref<125xi32, #tpu.memory_space<hbm>>
    %dma_wait3A_775 = tpu.memref_slice %arg8[%dma_wait3A_768] : memref<2x!tpu.dma_semaphore, #tpu.memory_space<semaphore_mem>> -> memref<1x!tpu.dma_semaphore, #tpu.memory_space<semaphore_mem>>
    %dma_wait3A_776 = tpu.memref_squeeze %dma_wait3A_775 : memref<1x!tpu.dma_semaphore, #tpu.memory_space<semaphore_mem>> -> memref<!tpu.dma_semaphore, #tpu.memory_space<semaphore_mem>>
    %dma_wait3A_777 = arith.constant 0 : i32
    %dma_wait3A_778 = tpu.memref_slice %arg7[%dma_wait3A_767, %dma_wait3A_777] : memref<2x125xi32, #tpu.memory_space<vmem>> -> memref<1x125xi32, #tpu.memory_space<vmem>>
    %dma_wait3A_779 = tpu.memref_squeeze %dma_wait3A_778 : memref<1x125xi32, #tpu.memory_space<vmem>> -> memref<125xi32, #tpu.memory_space<vmem>>
    %dma_wait3A_780 = arith.constant 0 : i32
    %dma_wait3A_781 = tpu.memref_slice %arg3[%add3A_654, %dma_wait3A_780] : memref<800x125xi32, #tpu.memory_space<hbm>> -> memref<1x125xi32, #tpu.memory_space<hbm>>
    %dma_wait3A_782 = tpu.memref_squeeze %dma_wait3A_781 : memref<1x125xi32, #tpu.memory_space<hbm>> -> memref<125xi32, #tpu.memory_space<hbm>>
    tpu.wait_dma2 semaphore(%dma_wait3A_776 : memref<!tpu.dma_semaphore, #tpu.memory_space<semaphore_mem>>) src(%dma_wait3A_782 : memref<125xi32, #tpu.memory_space<hbm>>) dst(%dma_wait3A_779 : memref<125xi32, #tpu.memory_space<vmem>>)
    %dma_wait3A_783 = arith.constant 1 : i32
    %dma_wait3A_784 = arith.constant 1 : i32
    %dma_wait3A_785 = arith.constant 0 : i32
    %dma_wait3A_786 = arith.constant 0 : i32
    %dma_wait3A_787 = tpu.memref_slice %arg6[%dma_wait3A_783, %dma_wait3A_785, %dma_wait3A_786] : memref<2x125x128xf32, #tpu.memory_space<vmem>> -> memref<1x125x128xf32, #tpu.memory_space<vmem>>
    %dma_wait3A_788 = tpu.memref_squeeze %dma_wait3A_787 : memref<1x125x128xf32, #tpu.memory_space<vmem>> -> memref<125x128xf32, #tpu.memory_space<vmem>>
    %dma_wait3A_789 = arith.constant 0 : i32
    %dma_wait3A_790 = arith.constant 0 : i32
    %dma_wait3A_791 = tpu.memref_slice %arg2[%add3A_654, %dma_wait3A_789, %dma_wait3A_790] : memref<800x125x128xf32, #tpu.memory_space<hbm>> -> memref<1x125x128xf32, #tpu.memory_space<hbm>>
    %dma_wait3A_792 = tpu.memref_squeeze %dma_wait3A_791 : memref<1x125x128xf32, #tpu.memory_space<hbm>> -> memref<125x128xf32, #tpu.memory_space<hbm>>
    %dma_wait3A_793 = tpu.memref_slice %arg9[%dma_wait3A_784] : memref<2x!tpu.dma_semaphore, #tpu.memory_space<semaphore_mem>> -> memref<1x!tpu.dma_semaphore, #tpu.memory_space<semaphore_mem>>
    %dma_wait3A_794 = tpu.memref_squeeze %dma_wait3A_793 : memref<1x!tpu.dma_semaphore, #tpu.memory_space<semaphore_mem>> -> memref<!tpu.dma_semaphore, #tpu.memory_space<semaphore_mem>>
    %dma_wait3A_795 = arith.constant 0 : i32
    %dma_wait3A_796 = arith.constant 0 : i32
    %dma_wait3A_797 = tpu.memref_slice %arg6[%dma_wait3A_783, %dma_wait3A_795, %dma_wait3A_796] : memref<2x125x128xf32, #tpu.memory_space<vmem>> -> memref<1x125x128xf32, #tpu.memory_space<vmem>>
    %dma_wait3A_798 = tpu.memref_squeeze %dma_wait3A_797 : memref<1x125x128xf32, #tpu.memory_space<vmem>> -> memref<125x128xf32, #tpu.memory_space<vmem>>
    %dma_wait3A_799 = arith.constant 0 : i32
    %dma_wait3A_800 = arith.constant 0 : i32
    %dma_wait3A_801 = tpu.memref_slice %arg2[%add3A_654, %dma_wait3A_799, %dma_wait3A_800] : memref<800x125x128xf32, #tpu.memory_space<hbm>> -> memref<1x125x128xf32, #tpu.memory_space<hbm>>
    %dma_wait3A_802 = tpu.memref_squeeze %dma_wait3A_801 : memref<1x125x128xf32, #tpu.memory_space<hbm>> -> memref<125x128xf32, #tpu.memory_space<hbm>>
    tpu.wait_dma2 semaphore(%dma_wait3A_794 : memref<!tpu.dma_semaphore, #tpu.memory_space<semaphore_mem>>) src(%dma_wait3A_802 : memref<125x128xf32, #tpu.memory_space<hbm>>) dst(%dma_wait3A_798 : memref<125x128xf32, #tpu.memory_space<vmem>>)
    %run_scoped3A_803 = arith.constant 1 : i32
    %run_scoped3A_804 = arith.constant 1 : i32
    "tpu.region"() ({
      %run_scoped3A_1912 = tpu.sem_alloc : memref<!tpu.dma_semaphore, #tpu.memory_space<semaphore_mem>>
      %dma_start3A_1913 = arith.constant 0 : i32
      %dma_start3A_1914 = arith.constant 0 : i32
      %dma_start3A_1915 = tpu.memref_slice %arg6[%run_scoped3A_803, %dma_start3A_1913, %dma_start3A_1914] : memref<2x125x128xf32, #tpu.memory_space<vmem>> -> memref<1x125x128xf32, #tpu.memory_space<vmem>>
      %dma_start3A_1916 = tpu.memref_squeeze %dma_start3A_1915 : memref<1x125x128xf32, #tpu.memory_space<vmem>> -> memref<125x128xf32, #tpu.memory_space<vmem>>
      %dma_start3A_1917 = arith.constant 0 : i32
      %dma_start3A_1918 = tpu.memref_slice %arg7[%run_scoped3A_804, %dma_start3A_1917] : memref<2x125xi32, #tpu.memory_space<vmem>> -> memref<1x125xi32, #tpu.memory_space<vmem>>
      %dma_start3A_1919 = tpu.memref_squeeze %dma_start3A_1918 : memref<1x125xi32, #tpu.memory_space<vmem>> -> memref<125xi32, #tpu.memory_space<vmem>>
      %dma_start3A_1920 = arith.constant 0 : i32
      %dma_start3A_1921 = arith.constant 0 : i32
      %dma_start3A_1922 = tpu.memref_slice %arg5[%dma_start3A_1920, %dma_start3A_1921] : memref<512x128xf32, #tpu.memory_space<vmem_shared>> -> memref<512x128xf32, #tpu.memory_space<vmem_shared>>
      tpu.enqueue_indirect_dma source(%dma_start3A_1916 : memref<125x128xf32, #tpu.memory_space<vmem>>) target(%dma_start3A_1922 : memref<512x128xf32, #tpu.memory_space<vmem_shared>>) offsets(%dma_start3A_1919 : memref<125xi32, #tpu.memory_space<vmem>>) semaphore(%run_scoped3A_1912 : memref<!tpu.dma_semaphore, #tpu.memory_space<semaphore_mem>>) {add = true}
      %dma_wait3A_1923 = arith.constant 0 : i32
      %dma_wait3A_1924 = arith.constant 0 : i32
      %dma_wait3A_1925 = tpu.memref_slice %arg6[%run_scoped3A_803, %dma_wait3A_1923, %dma_wait3A_1924] : memref<2x125x128xf32, #tpu.memory_space<vmem>> -> memref<1x125x128xf32, #tpu.memory_space<vmem>>
      %dma_wait3A_1926 = tpu.memref_squeeze %dma_wait3A_1925 : memref<1x125x128xf32, #tpu.memory_space<vmem>> -> memref<125x128xf32, #tpu.memory_space<vmem>>
      %dma_wait3A_1927 = arith.constant 0 : i32
      %dma_wait3A_1928 = tpu.memref_slice %arg7[%run_scoped3A_804, %dma_wait3A_1927] : memref<2x125xi32, #tpu.memory_space<vmem>> -> memref<1x125xi32, #tpu.memory_space<vmem>>
      %dma_wait3A_1929 = tpu.memref_squeeze %dma_wait3A_1928 : memref<1x125xi32, #tpu.memory_space<vmem>> -> memref<125xi32, #tpu.memory_space<vmem>>
      %dma_wait3A_1930 = arith.constant 0 : i32
      %dma_wait3A_1931 = arith.constant 0 : i32
      %dma_wait3A_1932 = tpu.memref_slice %arg5[%dma_wait3A_1930, %dma_wait3A_1931] : memref<512x128xf32, #tpu.memory_space<vmem_shared>> -> memref<512x128xf32, #tpu.memory_space<vmem_shared>>
      tpu.wait_indirect_dma semaphore(%run_scoped3A_1912 : memref<!tpu.dma_semaphore, #tpu.memory_space<semaphore_mem>>) src(%dma_wait3A_1926 : memref<125x128xf32, #tpu.memory_space<vmem>>) dst(%dma_wait3A_1932 : memref<512x128xf32, #tpu.memory_space<vmem_shared>>)
      tpu.yield
    }) : () -> ()
    %add3A_805 = arith.constant 352 : i32
    %add3A_806 = arith.addi %add3A, %add3A_805 : i32
    %dma_start3A_807 = arith.constant 1 : i32
    %dma_start3A_808 = arith.constant 1 : i32
    %dma_start3A_809 = arith.constant 0 : i32
    %dma_start3A_810 = tpu.memref_slice %arg7[%dma_start3A_807, %dma_start3A_809] : memref<2x125xi32, #tpu.memory_space<vmem>> -> memref<1x125xi32, #tpu.memory_space<vmem>>
    %dma_start3A_811 = tpu.memref_squeeze %dma_start3A_810 : memref<1x125xi32, #tpu.memory_space<vmem>> -> memref<125xi32, #tpu.memory_space<vmem>>
    %dma_start3A_812 = arith.constant 0 : i32
    %dma_start3A_813 = tpu.memref_slice %arg3[%add3A_806, %dma_start3A_812] : memref<800x125xi32, #tpu.memory_space<hbm>> -> memref<1x125xi32, #tpu.memory_space<hbm>>
    %dma_start3A_814 = tpu.memref_squeeze %dma_start3A_813 : memref<1x125xi32, #tpu.memory_space<hbm>> -> memref<125xi32, #tpu.memory_space<hbm>>
    %dma_start3A_815 = tpu.memref_slice %arg8[%dma_start3A_808] : memref<2x!tpu.dma_semaphore, #tpu.memory_space<semaphore_mem>> -> memref<1x!tpu.dma_semaphore, #tpu.memory_space<semaphore_mem>>
    %dma_start3A_816 = tpu.memref_squeeze %dma_start3A_815 : memref<1x!tpu.dma_semaphore, #tpu.memory_space<semaphore_mem>> -> memref<!tpu.dma_semaphore, #tpu.memory_space<semaphore_mem>>
    %dma_start3A_817 = arith.constant 0 : i32
    %dma_start3A_818 = tpu.memref_slice %arg7[%dma_start3A_807, %dma_start3A_817] : memref<2x125xi32, #tpu.memory_space<vmem>> -> memref<1x125xi32, #tpu.memory_space<vmem>>
    %dma_start3A_819 = tpu.memref_squeeze %dma_start3A_818 : memref<1x125xi32, #tpu.memory_space<vmem>> -> memref<125xi32, #tpu.memory_space<vmem>>
    %dma_start3A_820 = arith.constant 0 : i32
    %dma_start3A_821 = tpu.memref_slice %arg3[%add3A_806, %dma_start3A_820] : memref<800x125xi32, #tpu.memory_space<hbm>> -> memref<1x125xi32, #tpu.memory_space<hbm>>
    %dma_start3A_822 = tpu.memref_squeeze %dma_start3A_821 : memref<1x125xi32, #tpu.memory_space<hbm>> -> memref<125xi32, #tpu.memory_space<hbm>>
    tpu.enqueue_dma source(%dma_start3A_822 : memref<125xi32, #tpu.memory_space<hbm>>) target(%dma_start3A_819 : memref<125xi32, #tpu.memory_space<vmem>>) target_semaphore(%dma_start3A_816 : memref<!tpu.dma_semaphore, #tpu.memory_space<semaphore_mem>>)
    %dma_start3A_823 = arith.constant 1 : i32
    %dma_start3A_824 = arith.constant 1 : i32
    %dma_start3A_825 = arith.constant 0 : i32
    %dma_start3A_826 = arith.constant 0 : i32
    %dma_start3A_827 = tpu.memref_slice %arg6[%dma_start3A_823, %dma_start3A_825, %dma_start3A_826] : memref<2x125x128xf32, #tpu.memory_space<vmem>> -> memref<1x125x128xf32, #tpu.memory_space<vmem>>
    %dma_start3A_828 = tpu.memref_squeeze %dma_start3A_827 : memref<1x125x128xf32, #tpu.memory_space<vmem>> -> memref<125x128xf32, #tpu.memory_space<vmem>>
    %dma_start3A_829 = arith.constant 0 : i32
    %dma_start3A_830 = arith.constant 0 : i32
    %dma_start3A_831 = tpu.memref_slice %arg2[%add3A_806, %dma_start3A_829, %dma_start3A_830] : memref<800x125x128xf32, #tpu.memory_space<hbm>> -> memref<1x125x128xf32, #tpu.memory_space<hbm>>
    %dma_start3A_832 = tpu.memref_squeeze %dma_start3A_831 : memref<1x125x128xf32, #tpu.memory_space<hbm>> -> memref<125x128xf32, #tpu.memory_space<hbm>>
    %dma_start3A_833 = tpu.memref_slice %arg9[%dma_start3A_824] : memref<2x!tpu.dma_semaphore, #tpu.memory_space<semaphore_mem>> -> memref<1x!tpu.dma_semaphore, #tpu.memory_space<semaphore_mem>>
    %dma_start3A_834 = tpu.memref_squeeze %dma_start3A_833 : memref<1x!tpu.dma_semaphore, #tpu.memory_space<semaphore_mem>> -> memref<!tpu.dma_semaphore, #tpu.memory_space<semaphore_mem>>
    %dma_start3A_835 = arith.constant 0 : i32
    %dma_start3A_836 = arith.constant 0 : i32
    %dma_start3A_837 = tpu.memref_slice %arg6[%dma_start3A_823, %dma_start3A_835, %dma_start3A_836] : memref<2x125x128xf32, #tpu.memory_space<vmem>> -> memref<1x125x128xf32, #tpu.memory_space<vmem>>
    %dma_start3A_838 = tpu.memref_squeeze %dma_start3A_837 : memref<1x125x128xf32, #tpu.memory_space<vmem>> -> memref<125x128xf32, #tpu.memory_space<vmem>>
    %dma_start3A_839 = arith.constant 0 : i32
    %dma_start3A_840 = arith.constant 0 : i32
    %dma_start3A_841 = tpu.memref_slice %arg2[%add3A_806, %dma_start3A_839, %dma_start3A_840] : memref<800x125x128xf32, #tpu.memory_space<hbm>> -> memref<1x125x128xf32, #tpu.memory_space<hbm>>
    %dma_start3A_842 = tpu.memref_squeeze %dma_start3A_841 : memref<1x125x128xf32, #tpu.memory_space<hbm>> -> memref<125x128xf32, #tpu.memory_space<hbm>>
    tpu.enqueue_dma source(%dma_start3A_842 : memref<125x128xf32, #tpu.memory_space<hbm>>) target(%dma_start3A_838 : memref<125x128xf32, #tpu.memory_space<vmem>>) target_semaphore(%dma_start3A_834 : memref<!tpu.dma_semaphore, #tpu.memory_space<semaphore_mem>>)
    %dma_wait3A_843 = arith.constant 0 : i32
    %dma_wait3A_844 = arith.constant 0 : i32
    %dma_wait3A_845 = arith.constant 0 : i32
    %dma_wait3A_846 = tpu.memref_slice %arg7[%dma_wait3A_843, %dma_wait3A_845] : memref<2x125xi32, #tpu.memory_space<vmem>> -> memref<1x125xi32, #tpu.memory_space<vmem>>
    %dma_wait3A_847 = tpu.memref_squeeze %dma_wait3A_846 : memref<1x125xi32, #tpu.memory_space<vmem>> -> memref<125xi32, #tpu.memory_space<vmem>>
    %dma_wait3A_848 = arith.constant 0 : i32
    %dma_wait3A_849 = tpu.memref_slice %arg3[%add3A_730, %dma_wait3A_848] : memref<800x125xi32, #tpu.memory_space<hbm>> -> memref<1x125xi32, #tpu.memory_space<hbm>>
    %dma_wait3A_850 = tpu.memref_squeeze %dma_wait3A_849 : memref<1x125xi32, #tpu.memory_space<hbm>> -> memref<125xi32, #tpu.memory_space<hbm>>
    %dma_wait3A_851 = tpu.memref_slice %arg8[%dma_wait3A_844] : memref<2x!tpu.dma_semaphore, #tpu.memory_space<semaphore_mem>> -> memref<1x!tpu.dma_semaphore, #tpu.memory_space<semaphore_mem>>
    %dma_wait3A_852 = tpu.memref_squeeze %dma_wait3A_851 : memref<1x!tpu.dma_semaphore, #tpu.memory_space<semaphore_mem>> -> memref<!tpu.dma_semaphore, #tpu.memory_space<semaphore_mem>>
    %dma_wait3A_853 = arith.constant 0 : i32
    %dma_wait3A_854 = tpu.memref_slice %arg7[%dma_wait3A_843, %dma_wait3A_853] : memref<2x125xi32, #tpu.memory_space<vmem>> -> memref<1x125xi32, #tpu.memory_space<vmem>>
    %dma_wait3A_855 = tpu.memref_squeeze %dma_wait3A_854 : memref<1x125xi32, #tpu.memory_space<vmem>> -> memref<125xi32, #tpu.memory_space<vmem>>
    %dma_wait3A_856 = arith.constant 0 : i32
    %dma_wait3A_857 = tpu.memref_slice %arg3[%add3A_730, %dma_wait3A_856] : memref<800x125xi32, #tpu.memory_space<hbm>> -> memref<1x125xi32, #tpu.memory_space<hbm>>
    %dma_wait3A_858 = tpu.memref_squeeze %dma_wait3A_857 : memref<1x125xi32, #tpu.memory_space<hbm>> -> memref<125xi32, #tpu.memory_space<hbm>>
    tpu.wait_dma2 semaphore(%dma_wait3A_852 : memref<!tpu.dma_semaphore, #tpu.memory_space<semaphore_mem>>) src(%dma_wait3A_858 : memref<125xi32, #tpu.memory_space<hbm>>) dst(%dma_wait3A_855 : memref<125xi32, #tpu.memory_space<vmem>>)
    %dma_wait3A_859 = arith.constant 0 : i32
    %dma_wait3A_860 = arith.constant 0 : i32
    %dma_wait3A_861 = arith.constant 0 : i32
    %dma_wait3A_862 = arith.constant 0 : i32
    %dma_wait3A_863 = tpu.memref_slice %arg6[%dma_wait3A_859, %dma_wait3A_861, %dma_wait3A_862] : memref<2x125x128xf32, #tpu.memory_space<vmem>> -> memref<1x125x128xf32, #tpu.memory_space<vmem>>
    %dma_wait3A_864 = tpu.memref_squeeze %dma_wait3A_863 : memref<1x125x128xf32, #tpu.memory_space<vmem>> -> memref<125x128xf32, #tpu.memory_space<vmem>>
    %dma_wait3A_865 = arith.constant 0 : i32
    %dma_wait3A_866 = arith.constant 0 : i32
    %dma_wait3A_867 = tpu.memref_slice %arg2[%add3A_730, %dma_wait3A_865, %dma_wait3A_866] : memref<800x125x128xf32, #tpu.memory_space<hbm>> -> memref<1x125x128xf32, #tpu.memory_space<hbm>>
    %dma_wait3A_868 = tpu.memref_squeeze %dma_wait3A_867 : memref<1x125x128xf32, #tpu.memory_space<hbm>> -> memref<125x128xf32, #tpu.memory_space<hbm>>
    %dma_wait3A_869 = tpu.memref_slice %arg9[%dma_wait3A_860] : memref<2x!tpu.dma_semaphore, #tpu.memory_space<semaphore_mem>> -> memref<1x!tpu.dma_semaphore, #tpu.memory_space<semaphore_mem>>
    %dma_wait3A_870 = tpu.memref_squeeze %dma_wait3A_869 : memref<1x!tpu.dma_semaphore, #tpu.memory_space<semaphore_mem>> -> memref<!tpu.dma_semaphore, #tpu.memory_space<semaphore_mem>>
    %dma_wait3A_871 = arith.constant 0 : i32
    %dma_wait3A_872 = arith.constant 0 : i32
    %dma_wait3A_873 = tpu.memref_slice %arg6[%dma_wait3A_859, %dma_wait3A_871, %dma_wait3A_872] : memref<2x125x128xf32, #tpu.memory_space<vmem>> -> memref<1x125x128xf32, #tpu.memory_space<vmem>>
    %dma_wait3A_874 = tpu.memref_squeeze %dma_wait3A_873 : memref<1x125x128xf32, #tpu.memory_space<vmem>> -> memref<125x128xf32, #tpu.memory_space<vmem>>
    %dma_wait3A_875 = arith.constant 0 : i32
    %dma_wait3A_876 = arith.constant 0 : i32
    %dma_wait3A_877 = tpu.memref_slice %arg2[%add3A_730, %dma_wait3A_875, %dma_wait3A_876] : memref<800x125x128xf32, #tpu.memory_space<hbm>> -> memref<1x125x128xf32, #tpu.memory_space<hbm>>
    %dma_wait3A_878 = tpu.memref_squeeze %dma_wait3A_877 : memref<1x125x128xf32, #tpu.memory_space<hbm>> -> memref<125x128xf32, #tpu.memory_space<hbm>>
    tpu.wait_dma2 semaphore(%dma_wait3A_870 : memref<!tpu.dma_semaphore, #tpu.memory_space<semaphore_mem>>) src(%dma_wait3A_878 : memref<125x128xf32, #tpu.memory_space<hbm>>) dst(%dma_wait3A_874 : memref<125x128xf32, #tpu.memory_space<vmem>>)
    %run_scoped3A_879 = arith.constant 0 : i32
    %run_scoped3A_880 = arith.constant 0 : i32
    "tpu.region"() ({
      %run_scoped3A_1912 = tpu.sem_alloc : memref<!tpu.dma_semaphore, #tpu.memory_space<semaphore_mem>>
      %dma_start3A_1913 = arith.constant 0 : i32
      %dma_start3A_1914 = arith.constant 0 : i32
      %dma_start3A_1915 = tpu.memref_slice %arg6[%run_scoped3A_879, %dma_start3A_1913, %dma_start3A_1914] : memref<2x125x128xf32, #tpu.memory_space<vmem>> -> memref<1x125x128xf32, #tpu.memory_space<vmem>>
      %dma_start3A_1916 = tpu.memref_squeeze %dma_start3A_1915 : memref<1x125x128xf32, #tpu.memory_space<vmem>> -> memref<125x128xf32, #tpu.memory_space<vmem>>
      %dma_start3A_1917 = arith.constant 0 : i32
      %dma_start3A_1918 = tpu.memref_slice %arg7[%run_scoped3A_880, %dma_start3A_1917] : memref<2x125xi32, #tpu.memory_space<vmem>> -> memref<1x125xi32, #tpu.memory_space<vmem>>
      %dma_start3A_1919 = tpu.memref_squeeze %dma_start3A_1918 : memref<1x125xi32, #tpu.memory_space<vmem>> -> memref<125xi32, #tpu.memory_space<vmem>>
      %dma_start3A_1920 = arith.constant 0 : i32
      %dma_start3A_1921 = arith.constant 0 : i32
      %dma_start3A_1922 = tpu.memref_slice %arg5[%dma_start3A_1920, %dma_start3A_1921] : memref<512x128xf32, #tpu.memory_space<vmem_shared>> -> memref<512x128xf32, #tpu.memory_space<vmem_shared>>
      tpu.enqueue_indirect_dma source(%dma_start3A_1916 : memref<125x128xf32, #tpu.memory_space<vmem>>) target(%dma_start3A_1922 : memref<512x128xf32, #tpu.memory_space<vmem_shared>>) offsets(%dma_start3A_1919 : memref<125xi32, #tpu.memory_space<vmem>>) semaphore(%run_scoped3A_1912 : memref<!tpu.dma_semaphore, #tpu.memory_space<semaphore_mem>>) {add = true}
      %dma_wait3A_1923 = arith.constant 0 : i32
      %dma_wait3A_1924 = arith.constant 0 : i32
      %dma_wait3A_1925 = tpu.memref_slice %arg6[%run_scoped3A_879, %dma_wait3A_1923, %dma_wait3A_1924] : memref<2x125x128xf32, #tpu.memory_space<vmem>> -> memref<1x125x128xf32, #tpu.memory_space<vmem>>
      %dma_wait3A_1926 = tpu.memref_squeeze %dma_wait3A_1925 : memref<1x125x128xf32, #tpu.memory_space<vmem>> -> memref<125x128xf32, #tpu.memory_space<vmem>>
      %dma_wait3A_1927 = arith.constant 0 : i32
      %dma_wait3A_1928 = tpu.memref_slice %arg7[%run_scoped3A_880, %dma_wait3A_1927] : memref<2x125xi32, #tpu.memory_space<vmem>> -> memref<1x125xi32, #tpu.memory_space<vmem>>
      %dma_wait3A_1929 = tpu.memref_squeeze %dma_wait3A_1928 : memref<1x125xi32, #tpu.memory_space<vmem>> -> memref<125xi32, #tpu.memory_space<vmem>>
      %dma_wait3A_1930 = arith.constant 0 : i32
      %dma_wait3A_1931 = arith.constant 0 : i32
      %dma_wait3A_1932 = tpu.memref_slice %arg5[%dma_wait3A_1930, %dma_wait3A_1931] : memref<512x128xf32, #tpu.memory_space<vmem_shared>> -> memref<512x128xf32, #tpu.memory_space<vmem_shared>>
      tpu.wait_indirect_dma semaphore(%run_scoped3A_1912 : memref<!tpu.dma_semaphore, #tpu.memory_space<semaphore_mem>>) src(%dma_wait3A_1926 : memref<125x128xf32, #tpu.memory_space<vmem>>) dst(%dma_wait3A_1932 : memref<512x128xf32, #tpu.memory_space<vmem_shared>>)
      tpu.yield
    }) : () -> ()
    %add3A_881 = arith.constant 384 : i32
    %add3A_882 = arith.addi %add3A, %add3A_881 : i32
    %dma_start3A_883 = arith.constant 0 : i32
    %dma_start3A_884 = arith.constant 0 : i32
    %dma_start3A_885 = arith.constant 0 : i32
    %dma_start3A_886 = tpu.memref_slice %arg7[%dma_start3A_883, %dma_start3A_885] : memref<2x125xi32, #tpu.memory_space<vmem>> -> memref<1x125xi32, #tpu.memory_space<vmem>>
    %dma_start3A_887 = tpu.memref_squeeze %dma_start3A_886 : memref<1x125xi32, #tpu.memory_space<vmem>> -> memref<125xi32, #tpu.memory_space<vmem>>
    %dma_start3A_888 = arith.constant 0 : i32
    %dma_start3A_889 = tpu.memref_slice %arg3[%add3A_882, %dma_start3A_888] : memref<800x125xi32, #tpu.memory_space<hbm>> -> memref<1x125xi32, #tpu.memory_space<hbm>>
    %dma_start3A_890 = tpu.memref_squeeze %dma_start3A_889 : memref<1x125xi32, #tpu.memory_space<hbm>> -> memref<125xi32, #tpu.memory_space<hbm>>
    %dma_start3A_891 = tpu.memref_slice %arg8[%dma_start3A_884] : memref<2x!tpu.dma_semaphore, #tpu.memory_space<semaphore_mem>> -> memref<1x!tpu.dma_semaphore, #tpu.memory_space<semaphore_mem>>
    %dma_start3A_892 = tpu.memref_squeeze %dma_start3A_891 : memref<1x!tpu.dma_semaphore, #tpu.memory_space<semaphore_mem>> -> memref<!tpu.dma_semaphore, #tpu.memory_space<semaphore_mem>>
    %dma_start3A_893 = arith.constant 0 : i32
    %dma_start3A_894 = tpu.memref_slice %arg7[%dma_start3A_883, %dma_start3A_893] : memref<2x125xi32, #tpu.memory_space<vmem>> -> memref<1x125xi32, #tpu.memory_space<vmem>>
    %dma_start3A_895 = tpu.memref_squeeze %dma_start3A_894 : memref<1x125xi32, #tpu.memory_space<vmem>> -> memref<125xi32, #tpu.memory_space<vmem>>
    %dma_start3A_896 = arith.constant 0 : i32
    %dma_start3A_897 = tpu.memref_slice %arg3[%add3A_882, %dma_start3A_896] : memref<800x125xi32, #tpu.memory_space<hbm>> -> memref<1x125xi32, #tpu.memory_space<hbm>>
    %dma_start3A_898 = tpu.memref_squeeze %dma_start3A_897 : memref<1x125xi32, #tpu.memory_space<hbm>> -> memref<125xi32, #tpu.memory_space<hbm>>
    tpu.enqueue_dma source(%dma_start3A_898 : memref<125xi32, #tpu.memory_space<hbm>>) target(%dma_start3A_895 : memref<125xi32, #tpu.memory_space<vmem>>) target_semaphore(%dma_start3A_892 : memref<!tpu.dma_semaphore, #tpu.memory_space<semaphore_mem>>)
    %dma_start3A_899 = arith.constant 0 : i32
    %dma_start3A_900 = arith.constant 0 : i32
    %dma_start3A_901 = arith.constant 0 : i32
    %dma_start3A_902 = arith.constant 0 : i32
    %dma_start3A_903 = tpu.memref_slice %arg6[%dma_start3A_899, %dma_start3A_901, %dma_start3A_902] : memref<2x125x128xf32, #tpu.memory_space<vmem>> -> memref<1x125x128xf32, #tpu.memory_space<vmem>>
    %dma_start3A_904 = tpu.memref_squeeze %dma_start3A_903 : memref<1x125x128xf32, #tpu.memory_space<vmem>> -> memref<125x128xf32, #tpu.memory_space<vmem>>
    %dma_start3A_905 = arith.constant 0 : i32
    %dma_start3A_906 = arith.constant 0 : i32
    %dma_start3A_907 = tpu.memref_slice %arg2[%add3A_882, %dma_start3A_905, %dma_start3A_906] : memref<800x125x128xf32, #tpu.memory_space<hbm>> -> memref<1x125x128xf32, #tpu.memory_space<hbm>>
    %dma_start3A_908 = tpu.memref_squeeze %dma_start3A_907 : memref<1x125x128xf32, #tpu.memory_space<hbm>> -> memref<125x128xf32, #tpu.memory_space<hbm>>
    %dma_start3A_909 = tpu.memref_slice %arg9[%dma_start3A_900] : memref<2x!tpu.dma_semaphore, #tpu.memory_space<semaphore_mem>> -> memref<1x!tpu.dma_semaphore, #tpu.memory_space<semaphore_mem>>
    %dma_start3A_910 = tpu.memref_squeeze %dma_start3A_909 : memref<1x!tpu.dma_semaphore, #tpu.memory_space<semaphore_mem>> -> memref<!tpu.dma_semaphore, #tpu.memory_space<semaphore_mem>>
    %dma_start3A_911 = arith.constant 0 : i32
    %dma_start3A_912 = arith.constant 0 : i32
    %dma_start3A_913 = tpu.memref_slice %arg6[%dma_start3A_899, %dma_start3A_911, %dma_start3A_912] : memref<2x125x128xf32, #tpu.memory_space<vmem>> -> memref<1x125x128xf32, #tpu.memory_space<vmem>>
    %dma_start3A_914 = tpu.memref_squeeze %dma_start3A_913 : memref<1x125x128xf32, #tpu.memory_space<vmem>> -> memref<125x128xf32, #tpu.memory_space<vmem>>
    %dma_start3A_915 = arith.constant 0 : i32
    %dma_start3A_916 = arith.constant 0 : i32
    %dma_start3A_917 = tpu.memref_slice %arg2[%add3A_882, %dma_start3A_915, %dma_start3A_916] : memref<800x125x128xf32, #tpu.memory_space<hbm>> -> memref<1x125x128xf32, #tpu.memory_space<hbm>>
    %dma_start3A_918 = tpu.memref_squeeze %dma_start3A_917 : memref<1x125x128xf32, #tpu.memory_space<hbm>> -> memref<125x128xf32, #tpu.memory_space<hbm>>
    tpu.enqueue_dma source(%dma_start3A_918 : memref<125x128xf32, #tpu.memory_space<hbm>>) target(%dma_start3A_914 : memref<125x128xf32, #tpu.memory_space<vmem>>) target_semaphore(%dma_start3A_910 : memref<!tpu.dma_semaphore, #tpu.memory_space<semaphore_mem>>)
    %dma_wait3A_919 = arith.constant 1 : i32
    %dma_wait3A_920 = arith.constant 1 : i32
    %dma_wait3A_921 = arith.constant 0 : i32
    %dma_wait3A_922 = tpu.memref_slice %arg7[%dma_wait3A_919, %dma_wait3A_921] : memref<2x125xi32, #tpu.memory_space<vmem>> -> memref<1x125xi32, #tpu.memory_space<vmem>>
    %dma_wait3A_923 = tpu.memref_squeeze %dma_wait3A_922 : memref<1x125xi32, #tpu.memory_space<vmem>> -> memref<125xi32, #tpu.memory_space<vmem>>
    %dma_wait3A_924 = arith.constant 0 : i32
    %dma_wait3A_925 = tpu.memref_slice %arg3[%add3A_806, %dma_wait3A_924] : memref<800x125xi32, #tpu.memory_space<hbm>> -> memref<1x125xi32, #tpu.memory_space<hbm>>
    %dma_wait3A_926 = tpu.memref_squeeze %dma_wait3A_925 : memref<1x125xi32, #tpu.memory_space<hbm>> -> memref<125xi32, #tpu.memory_space<hbm>>
    %dma_wait3A_927 = tpu.memref_slice %arg8[%dma_wait3A_920] : memref<2x!tpu.dma_semaphore, #tpu.memory_space<semaphore_mem>> -> memref<1x!tpu.dma_semaphore, #tpu.memory_space<semaphore_mem>>
    %dma_wait3A_928 = tpu.memref_squeeze %dma_wait3A_927 : memref<1x!tpu.dma_semaphore, #tpu.memory_space<semaphore_mem>> -> memref<!tpu.dma_semaphore, #tpu.memory_space<semaphore_mem>>
    %dma_wait3A_929 = arith.constant 0 : i32
    %dma_wait3A_930 = tpu.memref_slice %arg7[%dma_wait3A_919, %dma_wait3A_929] : memref<2x125xi32, #tpu.memory_space<vmem>> -> memref<1x125xi32, #tpu.memory_space<vmem>>
    %dma_wait3A_931 = tpu.memref_squeeze %dma_wait3A_930 : memref<1x125xi32, #tpu.memory_space<vmem>> -> memref<125xi32, #tpu.memory_space<vmem>>
    %dma_wait3A_932 = arith.constant 0 : i32
    %dma_wait3A_933 = tpu.memref_slice %arg3[%add3A_806, %dma_wait3A_932] : memref<800x125xi32, #tpu.memory_space<hbm>> -> memref<1x125xi32, #tpu.memory_space<hbm>>
    %dma_wait3A_934 = tpu.memref_squeeze %dma_wait3A_933 : memref<1x125xi32, #tpu.memory_space<hbm>> -> memref<125xi32, #tpu.memory_space<hbm>>
    tpu.wait_dma2 semaphore(%dma_wait3A_928 : memref<!tpu.dma_semaphore, #tpu.memory_space<semaphore_mem>>) src(%dma_wait3A_934 : memref<125xi32, #tpu.memory_space<hbm>>) dst(%dma_wait3A_931 : memref<125xi32, #tpu.memory_space<vmem>>)
    %dma_wait3A_935 = arith.constant 1 : i32
    %dma_wait3A_936 = arith.constant 1 : i32
    %dma_wait3A_937 = arith.constant 0 : i32
    %dma_wait3A_938 = arith.constant 0 : i32
    %dma_wait3A_939 = tpu.memref_slice %arg6[%dma_wait3A_935, %dma_wait3A_937, %dma_wait3A_938] : memref<2x125x128xf32, #tpu.memory_space<vmem>> -> memref<1x125x128xf32, #tpu.memory_space<vmem>>
    %dma_wait3A_940 = tpu.memref_squeeze %dma_wait3A_939 : memref<1x125x128xf32, #tpu.memory_space<vmem>> -> memref<125x128xf32, #tpu.memory_space<vmem>>
    %dma_wait3A_941 = arith.constant 0 : i32
    %dma_wait3A_942 = arith.constant 0 : i32
    %dma_wait3A_943 = tpu.memref_slice %arg2[%add3A_806, %dma_wait3A_941, %dma_wait3A_942] : memref<800x125x128xf32, #tpu.memory_space<hbm>> -> memref<1x125x128xf32, #tpu.memory_space<hbm>>
    %dma_wait3A_944 = tpu.memref_squeeze %dma_wait3A_943 : memref<1x125x128xf32, #tpu.memory_space<hbm>> -> memref<125x128xf32, #tpu.memory_space<hbm>>
    %dma_wait3A_945 = tpu.memref_slice %arg9[%dma_wait3A_936] : memref<2x!tpu.dma_semaphore, #tpu.memory_space<semaphore_mem>> -> memref<1x!tpu.dma_semaphore, #tpu.memory_space<semaphore_mem>>
    %dma_wait3A_946 = tpu.memref_squeeze %dma_wait3A_945 : memref<1x!tpu.dma_semaphore, #tpu.memory_space<semaphore_mem>> -> memref<!tpu.dma_semaphore, #tpu.memory_space<semaphore_mem>>
    %dma_wait3A_947 = arith.constant 0 : i32
    %dma_wait3A_948 = arith.constant 0 : i32
    %dma_wait3A_949 = tpu.memref_slice %arg6[%dma_wait3A_935, %dma_wait3A_947, %dma_wait3A_948] : memref<2x125x128xf32, #tpu.memory_space<vmem>> -> memref<1x125x128xf32, #tpu.memory_space<vmem>>
    %dma_wait3A_950 = tpu.memref_squeeze %dma_wait3A_949 : memref<1x125x128xf32, #tpu.memory_space<vmem>> -> memref<125x128xf32, #tpu.memory_space<vmem>>
    %dma_wait3A_951 = arith.constant 0 : i32
    %dma_wait3A_952 = arith.constant 0 : i32
    %dma_wait3A_953 = tpu.memref_slice %arg2[%add3A_806, %dma_wait3A_951, %dma_wait3A_952] : memref<800x125x128xf32, #tpu.memory_space<hbm>> -> memref<1x125x128xf32, #tpu.memory_space<hbm>>
    %dma_wait3A_954 = tpu.memref_squeeze %dma_wait3A_953 : memref<1x125x128xf32, #tpu.memory_space<hbm>> -> memref<125x128xf32, #tpu.memory_space<hbm>>
    tpu.wait_dma2 semaphore(%dma_wait3A_946 : memref<!tpu.dma_semaphore, #tpu.memory_space<semaphore_mem>>) src(%dma_wait3A_954 : memref<125x128xf32, #tpu.memory_space<hbm>>) dst(%dma_wait3A_950 : memref<125x128xf32, #tpu.memory_space<vmem>>)
    %run_scoped3A_955 = arith.constant 1 : i32
    %run_scoped3A_956 = arith.constant 1 : i32
    "tpu.region"() ({
      %run_scoped3A_1912 = tpu.sem_alloc : memref<!tpu.dma_semaphore, #tpu.memory_space<semaphore_mem>>
      %dma_start3A_1913 = arith.constant 0 : i32
      %dma_start3A_1914 = arith.constant 0 : i32
      %dma_start3A_1915 = tpu.memref_slice %arg6[%run_scoped3A_955, %dma_start3A_1913, %dma_start3A_1914] : memref<2x125x128xf32, #tpu.memory_space<vmem>> -> memref<1x125x128xf32, #tpu.memory_space<vmem>>
      %dma_start3A_1916 = tpu.memref_squeeze %dma_start3A_1915 : memref<1x125x128xf32, #tpu.memory_space<vmem>> -> memref<125x128xf32, #tpu.memory_space<vmem>>
      %dma_start3A_1917 = arith.constant 0 : i32
      %dma_start3A_1918 = tpu.memref_slice %arg7[%run_scoped3A_956, %dma_start3A_1917] : memref<2x125xi32, #tpu.memory_space<vmem>> -> memref<1x125xi32, #tpu.memory_space<vmem>>
      %dma_start3A_1919 = tpu.memref_squeeze %dma_start3A_1918 : memref<1x125xi32, #tpu.memory_space<vmem>> -> memref<125xi32, #tpu.memory_space<vmem>>
      %dma_start3A_1920 = arith.constant 0 : i32
      %dma_start3A_1921 = arith.constant 0 : i32
      %dma_start3A_1922 = tpu.memref_slice %arg5[%dma_start3A_1920, %dma_start3A_1921] : memref<512x128xf32, #tpu.memory_space<vmem_shared>> -> memref<512x128xf32, #tpu.memory_space<vmem_shared>>
      tpu.enqueue_indirect_dma source(%dma_start3A_1916 : memref<125x128xf32, #tpu.memory_space<vmem>>) target(%dma_start3A_1922 : memref<512x128xf32, #tpu.memory_space<vmem_shared>>) offsets(%dma_start3A_1919 : memref<125xi32, #tpu.memory_space<vmem>>) semaphore(%run_scoped3A_1912 : memref<!tpu.dma_semaphore, #tpu.memory_space<semaphore_mem>>) {add = true}
      %dma_wait3A_1923 = arith.constant 0 : i32
      %dma_wait3A_1924 = arith.constant 0 : i32
      %dma_wait3A_1925 = tpu.memref_slice %arg6[%run_scoped3A_955, %dma_wait3A_1923, %dma_wait3A_1924] : memref<2x125x128xf32, #tpu.memory_space<vmem>> -> memref<1x125x128xf32, #tpu.memory_space<vmem>>
      %dma_wait3A_1926 = tpu.memref_squeeze %dma_wait3A_1925 : memref<1x125x128xf32, #tpu.memory_space<vmem>> -> memref<125x128xf32, #tpu.memory_space<vmem>>
      %dma_wait3A_1927 = arith.constant 0 : i32
      %dma_wait3A_1928 = tpu.memref_slice %arg7[%run_scoped3A_956, %dma_wait3A_1927] : memref<2x125xi32, #tpu.memory_space<vmem>> -> memref<1x125xi32, #tpu.memory_space<vmem>>
      %dma_wait3A_1929 = tpu.memref_squeeze %dma_wait3A_1928 : memref<1x125xi32, #tpu.memory_space<vmem>> -> memref<125xi32, #tpu.memory_space<vmem>>
      %dma_wait3A_1930 = arith.constant 0 : i32
      %dma_wait3A_1931 = arith.constant 0 : i32
      %dma_wait3A_1932 = tpu.memref_slice %arg5[%dma_wait3A_1930, %dma_wait3A_1931] : memref<512x128xf32, #tpu.memory_space<vmem_shared>> -> memref<512x128xf32, #tpu.memory_space<vmem_shared>>
      tpu.wait_indirect_dma semaphore(%run_scoped3A_1912 : memref<!tpu.dma_semaphore, #tpu.memory_space<semaphore_mem>>) src(%dma_wait3A_1926 : memref<125x128xf32, #tpu.memory_space<vmem>>) dst(%dma_wait3A_1932 : memref<512x128xf32, #tpu.memory_space<vmem_shared>>)
      tpu.yield
    }) : () -> ()
    %add3A_957 = arith.constant 416 : i32
    %add3A_958 = arith.addi %add3A, %add3A_957 : i32
    %dma_start3A_959 = arith.constant 1 : i32
    %dma_start3A_960 = arith.constant 1 : i32
    %dma_start3A_961 = arith.constant 0 : i32
    %dma_start3A_962 = tpu.memref_slice %arg7[%dma_start3A_959, %dma_start3A_961] : memref<2x125xi32, #tpu.memory_space<vmem>> -> memref<1x125xi32, #tpu.memory_space<vmem>>
    %dma_start3A_963 = tpu.memref_squeeze %dma_start3A_962 : memref<1x125xi32, #tpu.memory_space<vmem>> -> memref<125xi32, #tpu.memory_space<vmem>>
    %dma_start3A_964 = arith.constant 0 : i32
    %dma_start3A_965 = tpu.memref_slice %arg3[%add3A_958, %dma_start3A_964] : memref<800x125xi32, #tpu.memory_space<hbm>> -> memref<1x125xi32, #tpu.memory_space<hbm>>
    %dma_start3A_966 = tpu.memref_squeeze %dma_start3A_965 : memref<1x125xi32, #tpu.memory_space<hbm>> -> memref<125xi32, #tpu.memory_space<hbm>>
    %dma_start3A_967 = tpu.memref_slice %arg8[%dma_start3A_960] : memref<2x!tpu.dma_semaphore, #tpu.memory_space<semaphore_mem>> -> memref<1x!tpu.dma_semaphore, #tpu.memory_space<semaphore_mem>>
    %dma_start3A_968 = tpu.memref_squeeze %dma_start3A_967 : memref<1x!tpu.dma_semaphore, #tpu.memory_space<semaphore_mem>> -> memref<!tpu.dma_semaphore, #tpu.memory_space<semaphore_mem>>
    %dma_start3A_969 = arith.constant 0 : i32
    %dma_start3A_970 = tpu.memref_slice %arg7[%dma_start3A_959, %dma_start3A_969] : memref<2x125xi32, #tpu.memory_space<vmem>> -> memref<1x125xi32, #tpu.memory_space<vmem>>
    %dma_start3A_971 = tpu.memref_squeeze %dma_start3A_970 : memref<1x125xi32, #tpu.memory_space<vmem>> -> memref<125xi32, #tpu.memory_space<vmem>>
    %dma_start3A_972 = arith.constant 0 : i32
    %dma_start3A_973 = tpu.memref_slice %arg3[%add3A_958, %dma_start3A_972] : memref<800x125xi32, #tpu.memory_space<hbm>> -> memref<1x125xi32, #tpu.memory_space<hbm>>
    %dma_start3A_974 = tpu.memref_squeeze %dma_start3A_973 : memref<1x125xi32, #tpu.memory_space<hbm>> -> memref<125xi32, #tpu.memory_space<hbm>>
    tpu.enqueue_dma source(%dma_start3A_974 : memref<125xi32, #tpu.memory_space<hbm>>) target(%dma_start3A_971 : memref<125xi32, #tpu.memory_space<vmem>>) target_semaphore(%dma_start3A_968 : memref<!tpu.dma_semaphore, #tpu.memory_space<semaphore_mem>>)
    %dma_start3A_975 = arith.constant 1 : i32
    %dma_start3A_976 = arith.constant 1 : i32
    %dma_start3A_977 = arith.constant 0 : i32
    %dma_start3A_978 = arith.constant 0 : i32
    %dma_start3A_979 = tpu.memref_slice %arg6[%dma_start3A_975, %dma_start3A_977, %dma_start3A_978] : memref<2x125x128xf32, #tpu.memory_space<vmem>> -> memref<1x125x128xf32, #tpu.memory_space<vmem>>
    %dma_start3A_980 = tpu.memref_squeeze %dma_start3A_979 : memref<1x125x128xf32, #tpu.memory_space<vmem>> -> memref<125x128xf32, #tpu.memory_space<vmem>>
    %dma_start3A_981 = arith.constant 0 : i32
    %dma_start3A_982 = arith.constant 0 : i32
    %dma_start3A_983 = tpu.memref_slice %arg2[%add3A_958, %dma_start3A_981, %dma_start3A_982] : memref<800x125x128xf32, #tpu.memory_space<hbm>> -> memref<1x125x128xf32, #tpu.memory_space<hbm>>
    %dma_start3A_984 = tpu.memref_squeeze %dma_start3A_983 : memref<1x125x128xf32, #tpu.memory_space<hbm>> -> memref<125x128xf32, #tpu.memory_space<hbm>>
    %dma_start3A_985 = tpu.memref_slice %arg9[%dma_start3A_976] : memref<2x!tpu.dma_semaphore, #tpu.memory_space<semaphore_mem>> -> memref<1x!tpu.dma_semaphore, #tpu.memory_space<semaphore_mem>>
    %dma_start3A_986 = tpu.memref_squeeze %dma_start3A_985 : memref<1x!tpu.dma_semaphore, #tpu.memory_space<semaphore_mem>> -> memref<!tpu.dma_semaphore, #tpu.memory_space<semaphore_mem>>
    %dma_start3A_987 = arith.constant 0 : i32
    %dma_start3A_988 = arith.constant 0 : i32
    %dma_start3A_989 = tpu.memref_slice %arg6[%dma_start3A_975, %dma_start3A_987, %dma_start3A_988] : memref<2x125x128xf32, #tpu.memory_space<vmem>> -> memref<1x125x128xf32, #tpu.memory_space<vmem>>
    %dma_start3A_990 = tpu.memref_squeeze %dma_start3A_989 : memref<1x125x128xf32, #tpu.memory_space<vmem>> -> memref<125x128xf32, #tpu.memory_space<vmem>>
    %dma_start3A_991 = arith.constant 0 : i32
    %dma_start3A_992 = arith.constant 0 : i32
    %dma_start3A_993 = tpu.memref_slice %arg2[%add3A_958, %dma_start3A_991, %dma_start3A_992] : memref<800x125x128xf32, #tpu.memory_space<hbm>> -> memref<1x125x128xf32, #tpu.memory_space<hbm>>
    %dma_start3A_994 = tpu.memref_squeeze %dma_start3A_993 : memref<1x125x128xf32, #tpu.memory_space<hbm>> -> memref<125x128xf32, #tpu.memory_space<hbm>>
    tpu.enqueue_dma source(%dma_start3A_994 : memref<125x128xf32, #tpu.memory_space<hbm>>) target(%dma_start3A_990 : memref<125x128xf32, #tpu.memory_space<vmem>>) target_semaphore(%dma_start3A_986 : memref<!tpu.dma_semaphore, #tpu.memory_space<semaphore_mem>>)
    %dma_wait3A_995 = arith.constant 0 : i32
    %dma_wait3A_996 = arith.constant 0 : i32
    %dma_wait3A_997 = arith.constant 0 : i32
    %dma_wait3A_998 = tpu.memref_slice %arg7[%dma_wait3A_995, %dma_wait3A_997] : memref<2x125xi32, #tpu.memory_space<vmem>> -> memref<1x125xi32, #tpu.memory_space<vmem>>
    %dma_wait3A_999 = tpu.memref_squeeze %dma_wait3A_998 : memref<1x125xi32, #tpu.memory_space<vmem>> -> memref<125xi32, #tpu.memory_space<vmem>>
    %dma_wait3A_1000 = arith.constant 0 : i32
    %dma_wait3A_1001 = tpu.memref_slice %arg3[%add3A_882, %dma_wait3A_1000] : memref<800x125xi32, #tpu.memory_space<hbm>> -> memref<1x125xi32, #tpu.memory_space<hbm>>
    %dma_wait3A_1002 = tpu.memref_squeeze %dma_wait3A_1001 : memref<1x125xi32, #tpu.memory_space<hbm>> -> memref<125xi32, #tpu.memory_space<hbm>>
    %dma_wait3A_1003 = tpu.memref_slice %arg8[%dma_wait3A_996] : memref<2x!tpu.dma_semaphore, #tpu.memory_space<semaphore_mem>> -> memref<1x!tpu.dma_semaphore, #tpu.memory_space<semaphore_mem>>
    %dma_wait3A_1004 = tpu.memref_squeeze %dma_wait3A_1003 : memref<1x!tpu.dma_semaphore, #tpu.memory_space<semaphore_mem>> -> memref<!tpu.dma_semaphore, #tpu.memory_space<semaphore_mem>>
    %dma_wait3A_1005 = arith.constant 0 : i32
    %dma_wait3A_1006 = tpu.memref_slice %arg7[%dma_wait3A_995, %dma_wait3A_1005] : memref<2x125xi32, #tpu.memory_space<vmem>> -> memref<1x125xi32, #tpu.memory_space<vmem>>
    %dma_wait3A_1007 = tpu.memref_squeeze %dma_wait3A_1006 : memref<1x125xi32, #tpu.memory_space<vmem>> -> memref<125xi32, #tpu.memory_space<vmem>>
    %dma_wait3A_1008 = arith.constant 0 : i32
    %dma_wait3A_1009 = tpu.memref_slice %arg3[%add3A_882, %dma_wait3A_1008] : memref<800x125xi32, #tpu.memory_space<hbm>> -> memref<1x125xi32, #tpu.memory_space<hbm>>
    %dma_wait3A_1010 = tpu.memref_squeeze %dma_wait3A_1009 : memref<1x125xi32, #tpu.memory_space<hbm>> -> memref<125xi32, #tpu.memory_space<hbm>>
    tpu.wait_dma2 semaphore(%dma_wait3A_1004 : memref<!tpu.dma_semaphore, #tpu.memory_space<semaphore_mem>>) src(%dma_wait3A_1010 : memref<125xi32, #tpu.memory_space<hbm>>) dst(%dma_wait3A_1007 : memref<125xi32, #tpu.memory_space<vmem>>)
    %dma_wait3A_1011 = arith.constant 0 : i32
    %dma_wait3A_1012 = arith.constant 0 : i32
    %dma_wait3A_1013 = arith.constant 0 : i32
    %dma_wait3A_1014 = arith.constant 0 : i32
    %dma_wait3A_1015 = tpu.memref_slice %arg6[%dma_wait3A_1011, %dma_wait3A_1013, %dma_wait3A_1014] : memref<2x125x128xf32, #tpu.memory_space<vmem>> -> memref<1x125x128xf32, #tpu.memory_space<vmem>>
    %dma_wait3A_1016 = tpu.memref_squeeze %dma_wait3A_1015 : memref<1x125x128xf32, #tpu.memory_space<vmem>> -> memref<125x128xf32, #tpu.memory_space<vmem>>
    %dma_wait3A_1017 = arith.constant 0 : i32
    %dma_wait3A_1018 = arith.constant 0 : i32
    %dma_wait3A_1019 = tpu.memref_slice %arg2[%add3A_882, %dma_wait3A_1017, %dma_wait3A_1018] : memref<800x125x128xf32, #tpu.memory_space<hbm>> -> memref<1x125x128xf32, #tpu.memory_space<hbm>>
    %dma_wait3A_1020 = tpu.memref_squeeze %dma_wait3A_1019 : memref<1x125x128xf32, #tpu.memory_space<hbm>> -> memref<125x128xf32, #tpu.memory_space<hbm>>
    %dma_wait3A_1021 = tpu.memref_slice %arg9[%dma_wait3A_1012] : memref<2x!tpu.dma_semaphore, #tpu.memory_space<semaphore_mem>> -> memref<1x!tpu.dma_semaphore, #tpu.memory_space<semaphore_mem>>
    %dma_wait3A_1022 = tpu.memref_squeeze %dma_wait3A_1021 : memref<1x!tpu.dma_semaphore, #tpu.memory_space<semaphore_mem>> -> memref<!tpu.dma_semaphore, #tpu.memory_space<semaphore_mem>>
    %dma_wait3A_1023 = arith.constant 0 : i32
    %dma_wait3A_1024 = arith.constant 0 : i32
    %dma_wait3A_1025 = tpu.memref_slice %arg6[%dma_wait3A_1011, %dma_wait3A_1023, %dma_wait3A_1024] : memref<2x125x128xf32, #tpu.memory_space<vmem>> -> memref<1x125x128xf32, #tpu.memory_space<vmem>>
    %dma_wait3A_1026 = tpu.memref_squeeze %dma_wait3A_1025 : memref<1x125x128xf32, #tpu.memory_space<vmem>> -> memref<125x128xf32, #tpu.memory_space<vmem>>
    %dma_wait3A_1027 = arith.constant 0 : i32
    %dma_wait3A_1028 = arith.constant 0 : i32
    %dma_wait3A_1029 = tpu.memref_slice %arg2[%add3A_882, %dma_wait3A_1027, %dma_wait3A_1028] : memref<800x125x128xf32, #tpu.memory_space<hbm>> -> memref<1x125x128xf32, #tpu.memory_space<hbm>>
    %dma_wait3A_1030 = tpu.memref_squeeze %dma_wait3A_1029 : memref<1x125x128xf32, #tpu.memory_space<hbm>> -> memref<125x128xf32, #tpu.memory_space<hbm>>
    tpu.wait_dma2 semaphore(%dma_wait3A_1022 : memref<!tpu.dma_semaphore, #tpu.memory_space<semaphore_mem>>) src(%dma_wait3A_1030 : memref<125x128xf32, #tpu.memory_space<hbm>>) dst(%dma_wait3A_1026 : memref<125x128xf32, #tpu.memory_space<vmem>>)
    %run_scoped3A_1031 = arith.constant 0 : i32
    %run_scoped3A_1032 = arith.constant 0 : i32
    "tpu.region"() ({
      %run_scoped3A_1912 = tpu.sem_alloc : memref<!tpu.dma_semaphore, #tpu.memory_space<semaphore_mem>>
      %dma_start3A_1913 = arith.constant 0 : i32
      %dma_start3A_1914 = arith.constant 0 : i32
      %dma_start3A_1915 = tpu.memref_slice %arg6[%run_scoped3A_1031, %dma_start3A_1913, %dma_start3A_1914] : memref<2x125x128xf32, #tpu.memory_space<vmem>> -> memref<1x125x128xf32, #tpu.memory_space<vmem>>
      %dma_start3A_1916 = tpu.memref_squeeze %dma_start3A_1915 : memref<1x125x128xf32, #tpu.memory_space<vmem>> -> memref<125x128xf32, #tpu.memory_space<vmem>>
      %dma_start3A_1917 = arith.constant 0 : i32
      %dma_start3A_1918 = tpu.memref_slice %arg7[%run_scoped3A_1032, %dma_start3A_1917] : memref<2x125xi32, #tpu.memory_space<vmem>> -> memref<1x125xi32, #tpu.memory_space<vmem>>
      %dma_start3A_1919 = tpu.memref_squeeze %dma_start3A_1918 : memref<1x125xi32, #tpu.memory_space<vmem>> -> memref<125xi32, #tpu.memory_space<vmem>>
      %dma_start3A_1920 = arith.constant 0 : i32
      %dma_start3A_1921 = arith.constant 0 : i32
      %dma_start3A_1922 = tpu.memref_slice %arg5[%dma_start3A_1920, %dma_start3A_1921] : memref<512x128xf32, #tpu.memory_space<vmem_shared>> -> memref<512x128xf32, #tpu.memory_space<vmem_shared>>
      tpu.enqueue_indirect_dma source(%dma_start3A_1916 : memref<125x128xf32, #tpu.memory_space<vmem>>) target(%dma_start3A_1922 : memref<512x128xf32, #tpu.memory_space<vmem_shared>>) offsets(%dma_start3A_1919 : memref<125xi32, #tpu.memory_space<vmem>>) semaphore(%run_scoped3A_1912 : memref<!tpu.dma_semaphore, #tpu.memory_space<semaphore_mem>>) {add = true}
      %dma_wait3A_1923 = arith.constant 0 : i32
      %dma_wait3A_1924 = arith.constant 0 : i32
      %dma_wait3A_1925 = tpu.memref_slice %arg6[%run_scoped3A_1031, %dma_wait3A_1923, %dma_wait3A_1924] : memref<2x125x128xf32, #tpu.memory_space<vmem>> -> memref<1x125x128xf32, #tpu.memory_space<vmem>>
      %dma_wait3A_1926 = tpu.memref_squeeze %dma_wait3A_1925 : memref<1x125x128xf32, #tpu.memory_space<vmem>> -> memref<125x128xf32, #tpu.memory_space<vmem>>
      %dma_wait3A_1927 = arith.constant 0 : i32
      %dma_wait3A_1928 = tpu.memref_slice %arg7[%run_scoped3A_1032, %dma_wait3A_1927] : memref<2x125xi32, #tpu.memory_space<vmem>> -> memref<1x125xi32, #tpu.memory_space<vmem>>
      %dma_wait3A_1929 = tpu.memref_squeeze %dma_wait3A_1928 : memref<1x125xi32, #tpu.memory_space<vmem>> -> memref<125xi32, #tpu.memory_space<vmem>>
      %dma_wait3A_1930 = arith.constant 0 : i32
      %dma_wait3A_1931 = arith.constant 0 : i32
      %dma_wait3A_1932 = tpu.memref_slice %arg5[%dma_wait3A_1930, %dma_wait3A_1931] : memref<512x128xf32, #tpu.memory_space<vmem_shared>> -> memref<512x128xf32, #tpu.memory_space<vmem_shared>>
      tpu.wait_indirect_dma semaphore(%run_scoped3A_1912 : memref<!tpu.dma_semaphore, #tpu.memory_space<semaphore_mem>>) src(%dma_wait3A_1926 : memref<125x128xf32, #tpu.memory_space<vmem>>) dst(%dma_wait3A_1932 : memref<512x128xf32, #tpu.memory_space<vmem_shared>>)
      tpu.yield
    }) : () -> ()
    %add3A_1033 = arith.constant 448 : i32
    %add3A_1034 = arith.addi %add3A, %add3A_1033 : i32
    %dma_start3A_1035 = arith.constant 0 : i32
    %dma_start3A_1036 = arith.constant 0 : i32
    %dma_start3A_1037 = arith.constant 0 : i32
    %dma_start3A_1038 = tpu.memref_slice %arg7[%dma_start3A_1035, %dma_start3A_1037] : memref<2x125xi32, #tpu.memory_space<vmem>> -> memref<1x125xi32, #tpu.memory_space<vmem>>
    %dma_start3A_1039 = tpu.memref_squeeze %dma_start3A_1038 : memref<1x125xi32, #tpu.memory_space<vmem>> -> memref<125xi32, #tpu.memory_space<vmem>>
    %dma_start3A_1040 = arith.constant 0 : i32
    %dma_start3A_1041 = tpu.memref_slice %arg3[%add3A_1034, %dma_start3A_1040] : memref<800x125xi32, #tpu.memory_space<hbm>> -> memref<1x125xi32, #tpu.memory_space<hbm>>
    %dma_start3A_1042 = tpu.memref_squeeze %dma_start3A_1041 : memref<1x125xi32, #tpu.memory_space<hbm>> -> memref<125xi32, #tpu.memory_space<hbm>>
    %dma_start3A_1043 = tpu.memref_slice %arg8[%dma_start3A_1036] : memref<2x!tpu.dma_semaphore, #tpu.memory_space<semaphore_mem>> -> memref<1x!tpu.dma_semaphore, #tpu.memory_space<semaphore_mem>>
    %dma_start3A_1044 = tpu.memref_squeeze %dma_start3A_1043 : memref<1x!tpu.dma_semaphore, #tpu.memory_space<semaphore_mem>> -> memref<!tpu.dma_semaphore, #tpu.memory_space<semaphore_mem>>
    %dma_start3A_1045 = arith.constant 0 : i32
    %dma_start3A_1046 = tpu.memref_slice %arg7[%dma_start3A_1035, %dma_start3A_1045] : memref<2x125xi32, #tpu.memory_space<vmem>> -> memref<1x125xi32, #tpu.memory_space<vmem>>
    %dma_start3A_1047 = tpu.memref_squeeze %dma_start3A_1046 : memref<1x125xi32, #tpu.memory_space<vmem>> -> memref<125xi32, #tpu.memory_space<vmem>>
    %dma_start3A_1048 = arith.constant 0 : i32
    %dma_start3A_1049 = tpu.memref_slice %arg3[%add3A_1034, %dma_start3A_1048] : memref<800x125xi32, #tpu.memory_space<hbm>> -> memref<1x125xi32, #tpu.memory_space<hbm>>
    %dma_start3A_1050 = tpu.memref_squeeze %dma_start3A_1049 : memref<1x125xi32, #tpu.memory_space<hbm>> -> memref<125xi32, #tpu.memory_space<hbm>>
    tpu.enqueue_dma source(%dma_start3A_1050 : memref<125xi32, #tpu.memory_space<hbm>>) target(%dma_start3A_1047 : memref<125xi32, #tpu.memory_space<vmem>>) target_semaphore(%dma_start3A_1044 : memref<!tpu.dma_semaphore, #tpu.memory_space<semaphore_mem>>)
    %dma_start3A_1051 = arith.constant 0 : i32
    %dma_start3A_1052 = arith.constant 0 : i32
    %dma_start3A_1053 = arith.constant 0 : i32
    %dma_start3A_1054 = arith.constant 0 : i32
    %dma_start3A_1055 = tpu.memref_slice %arg6[%dma_start3A_1051, %dma_start3A_1053, %dma_start3A_1054] : memref<2x125x128xf32, #tpu.memory_space<vmem>> -> memref<1x125x128xf32, #tpu.memory_space<vmem>>
    %dma_start3A_1056 = tpu.memref_squeeze %dma_start3A_1055 : memref<1x125x128xf32, #tpu.memory_space<vmem>> -> memref<125x128xf32, #tpu.memory_space<vmem>>
    %dma_start3A_1057 = arith.constant 0 : i32
    %dma_start3A_1058 = arith.constant 0 : i32
    %dma_start3A_1059 = tpu.memref_slice %arg2[%add3A_1034, %dma_start3A_1057, %dma_start3A_1058] : memref<800x125x128xf32, #tpu.memory_space<hbm>> -> memref<1x125x128xf32, #tpu.memory_space<hbm>>
    %dma_start3A_1060 = tpu.memref_squeeze %dma_start3A_1059 : memref<1x125x128xf32, #tpu.memory_space<hbm>> -> memref<125x128xf32, #tpu.memory_space<hbm>>
    %dma_start3A_1061 = tpu.memref_slice %arg9[%dma_start3A_1052] : memref<2x!tpu.dma_semaphore, #tpu.memory_space<semaphore_mem>> -> memref<1x!tpu.dma_semaphore, #tpu.memory_space<semaphore_mem>>
    %dma_start3A_1062 = tpu.memref_squeeze %dma_start3A_1061 : memref<1x!tpu.dma_semaphore, #tpu.memory_space<semaphore_mem>> -> memref<!tpu.dma_semaphore, #tpu.memory_space<semaphore_mem>>
    %dma_start3A_1063 = arith.constant 0 : i32
    %dma_start3A_1064 = arith.constant 0 : i32
    %dma_start3A_1065 = tpu.memref_slice %arg6[%dma_start3A_1051, %dma_start3A_1063, %dma_start3A_1064] : memref<2x125x128xf32, #tpu.memory_space<vmem>> -> memref<1x125x128xf32, #tpu.memory_space<vmem>>
    %dma_start3A_1066 = tpu.memref_squeeze %dma_start3A_1065 : memref<1x125x128xf32, #tpu.memory_space<vmem>> -> memref<125x128xf32, #tpu.memory_space<vmem>>
    %dma_start3A_1067 = arith.constant 0 : i32
    %dma_start3A_1068 = arith.constant 0 : i32
    %dma_start3A_1069 = tpu.memref_slice %arg2[%add3A_1034, %dma_start3A_1067, %dma_start3A_1068] : memref<800x125x128xf32, #tpu.memory_space<hbm>> -> memref<1x125x128xf32, #tpu.memory_space<hbm>>
    %dma_start3A_1070 = tpu.memref_squeeze %dma_start3A_1069 : memref<1x125x128xf32, #tpu.memory_space<hbm>> -> memref<125x128xf32, #tpu.memory_space<hbm>>
    tpu.enqueue_dma source(%dma_start3A_1070 : memref<125x128xf32, #tpu.memory_space<hbm>>) target(%dma_start3A_1066 : memref<125x128xf32, #tpu.memory_space<vmem>>) target_semaphore(%dma_start3A_1062 : memref<!tpu.dma_semaphore, #tpu.memory_space<semaphore_mem>>)
    %dma_wait3A_1071 = arith.constant 1 : i32
    %dma_wait3A_1072 = arith.constant 1 : i32
    %dma_wait3A_1073 = arith.constant 0 : i32
    %dma_wait3A_1074 = tpu.memref_slice %arg7[%dma_wait3A_1071, %dma_wait3A_1073] : memref<2x125xi32, #tpu.memory_space<vmem>> -> memref<1x125xi32, #tpu.memory_space<vmem>>
    %dma_wait3A_1075 = tpu.memref_squeeze %dma_wait3A_1074 : memref<1x125xi32, #tpu.memory_space<vmem>> -> memref<125xi32, #tpu.memory_space<vmem>>
    %dma_wait3A_1076 = arith.constant 0 : i32
    %dma_wait3A_1077 = tpu.memref_slice %arg3[%add3A_958, %dma_wait3A_1076] : memref<800x125xi32, #tpu.memory_space<hbm>> -> memref<1x125xi32, #tpu.memory_space<hbm>>
    %dma_wait3A_1078 = tpu.memref_squeeze %dma_wait3A_1077 : memref<1x125xi32, #tpu.memory_space<hbm>> -> memref<125xi32, #tpu.memory_space<hbm>>
    %dma_wait3A_1079 = tpu.memref_slice %arg8[%dma_wait3A_1072] : memref<2x!tpu.dma_semaphore, #tpu.memory_space<semaphore_mem>> -> memref<1x!tpu.dma_semaphore, #tpu.memory_space<semaphore_mem>>
    %dma_wait3A_1080 = tpu.memref_squeeze %dma_wait3A_1079 : memref<1x!tpu.dma_semaphore, #tpu.memory_space<semaphore_mem>> -> memref<!tpu.dma_semaphore, #tpu.memory_space<semaphore_mem>>
    %dma_wait3A_1081 = arith.constant 0 : i32
    %dma_wait3A_1082 = tpu.memref_slice %arg7[%dma_wait3A_1071, %dma_wait3A_1081] : memref<2x125xi32, #tpu.memory_space<vmem>> -> memref<1x125xi32, #tpu.memory_space<vmem>>
    %dma_wait3A_1083 = tpu.memref_squeeze %dma_wait3A_1082 : memref<1x125xi32, #tpu.memory_space<vmem>> -> memref<125xi32, #tpu.memory_space<vmem>>
    %dma_wait3A_1084 = arith.constant 0 : i32
    %dma_wait3A_1085 = tpu.memref_slice %arg3[%add3A_958, %dma_wait3A_1084] : memref<800x125xi32, #tpu.memory_space<hbm>> -> memref<1x125xi32, #tpu.memory_space<hbm>>
    %dma_wait3A_1086 = tpu.memref_squeeze %dma_wait3A_1085 : memref<1x125xi32, #tpu.memory_space<hbm>> -> memref<125xi32, #tpu.memory_space<hbm>>
    tpu.wait_dma2 semaphore(%dma_wait3A_1080 : memref<!tpu.dma_semaphore, #tpu.memory_space<semaphore_mem>>) src(%dma_wait3A_1086 : memref<125xi32, #tpu.memory_space<hbm>>) dst(%dma_wait3A_1083 : memref<125xi32, #tpu.memory_space<vmem>>)
    %dma_wait3A_1087 = arith.constant 1 : i32
    %dma_wait3A_1088 = arith.constant 1 : i32
    %dma_wait3A_1089 = arith.constant 0 : i32
    %dma_wait3A_1090 = arith.constant 0 : i32
    %dma_wait3A_1091 = tpu.memref_slice %arg6[%dma_wait3A_1087, %dma_wait3A_1089, %dma_wait3A_1090] : memref<2x125x128xf32, #tpu.memory_space<vmem>> -> memref<1x125x128xf32, #tpu.memory_space<vmem>>
    %dma_wait3A_1092 = tpu.memref_squeeze %dma_wait3A_1091 : memref<1x125x128xf32, #tpu.memory_space<vmem>> -> memref<125x128xf32, #tpu.memory_space<vmem>>
    %dma_wait3A_1093 = arith.constant 0 : i32
    %dma_wait3A_1094 = arith.constant 0 : i32
    %dma_wait3A_1095 = tpu.memref_slice %arg2[%add3A_958, %dma_wait3A_1093, %dma_wait3A_1094] : memref<800x125x128xf32, #tpu.memory_space<hbm>> -> memref<1x125x128xf32, #tpu.memory_space<hbm>>
    %dma_wait3A_1096 = tpu.memref_squeeze %dma_wait3A_1095 : memref<1x125x128xf32, #tpu.memory_space<hbm>> -> memref<125x128xf32, #tpu.memory_space<hbm>>
    %dma_wait3A_1097 = tpu.memref_slice %arg9[%dma_wait3A_1088] : memref<2x!tpu.dma_semaphore, #tpu.memory_space<semaphore_mem>> -> memref<1x!tpu.dma_semaphore, #tpu.memory_space<semaphore_mem>>
    %dma_wait3A_1098 = tpu.memref_squeeze %dma_wait3A_1097 : memref<1x!tpu.dma_semaphore, #tpu.memory_space<semaphore_mem>> -> memref<!tpu.dma_semaphore, #tpu.memory_space<semaphore_mem>>
    %dma_wait3A_1099 = arith.constant 0 : i32
    %dma_wait3A_1100 = arith.constant 0 : i32
    %dma_wait3A_1101 = tpu.memref_slice %arg6[%dma_wait3A_1087, %dma_wait3A_1099, %dma_wait3A_1100] : memref<2x125x128xf32, #tpu.memory_space<vmem>> -> memref<1x125x128xf32, #tpu.memory_space<vmem>>
    %dma_wait3A_1102 = tpu.memref_squeeze %dma_wait3A_1101 : memref<1x125x128xf32, #tpu.memory_space<vmem>> -> memref<125x128xf32, #tpu.memory_space<vmem>>
    %dma_wait3A_1103 = arith.constant 0 : i32
    %dma_wait3A_1104 = arith.constant 0 : i32
    %dma_wait3A_1105 = tpu.memref_slice %arg2[%add3A_958, %dma_wait3A_1103, %dma_wait3A_1104] : memref<800x125x128xf32, #tpu.memory_space<hbm>> -> memref<1x125x128xf32, #tpu.memory_space<hbm>>
    %dma_wait3A_1106 = tpu.memref_squeeze %dma_wait3A_1105 : memref<1x125x128xf32, #tpu.memory_space<hbm>> -> memref<125x128xf32, #tpu.memory_space<hbm>>
    tpu.wait_dma2 semaphore(%dma_wait3A_1098 : memref<!tpu.dma_semaphore, #tpu.memory_space<semaphore_mem>>) src(%dma_wait3A_1106 : memref<125x128xf32, #tpu.memory_space<hbm>>) dst(%dma_wait3A_1102 : memref<125x128xf32, #tpu.memory_space<vmem>>)
    %run_scoped3A_1107 = arith.constant 1 : i32
    %run_scoped3A_1108 = arith.constant 1 : i32
    "tpu.region"() ({
      %run_scoped3A_1912 = tpu.sem_alloc : memref<!tpu.dma_semaphore, #tpu.memory_space<semaphore_mem>>
      %dma_start3A_1913 = arith.constant 0 : i32
      %dma_start3A_1914 = arith.constant 0 : i32
      %dma_start3A_1915 = tpu.memref_slice %arg6[%run_scoped3A_1107, %dma_start3A_1913, %dma_start3A_1914] : memref<2x125x128xf32, #tpu.memory_space<vmem>> -> memref<1x125x128xf32, #tpu.memory_space<vmem>>
      %dma_start3A_1916 = tpu.memref_squeeze %dma_start3A_1915 : memref<1x125x128xf32, #tpu.memory_space<vmem>> -> memref<125x128xf32, #tpu.memory_space<vmem>>
      %dma_start3A_1917 = arith.constant 0 : i32
      %dma_start3A_1918 = tpu.memref_slice %arg7[%run_scoped3A_1108, %dma_start3A_1917] : memref<2x125xi32, #tpu.memory_space<vmem>> -> memref<1x125xi32, #tpu.memory_space<vmem>>
      %dma_start3A_1919 = tpu.memref_squeeze %dma_start3A_1918 : memref<1x125xi32, #tpu.memory_space<vmem>> -> memref<125xi32, #tpu.memory_space<vmem>>
      %dma_start3A_1920 = arith.constant 0 : i32
      %dma_start3A_1921 = arith.constant 0 : i32
      %dma_start3A_1922 = tpu.memref_slice %arg5[%dma_start3A_1920, %dma_start3A_1921] : memref<512x128xf32, #tpu.memory_space<vmem_shared>> -> memref<512x128xf32, #tpu.memory_space<vmem_shared>>
      tpu.enqueue_indirect_dma source(%dma_start3A_1916 : memref<125x128xf32, #tpu.memory_space<vmem>>) target(%dma_start3A_1922 : memref<512x128xf32, #tpu.memory_space<vmem_shared>>) offsets(%dma_start3A_1919 : memref<125xi32, #tpu.memory_space<vmem>>) semaphore(%run_scoped3A_1912 : memref<!tpu.dma_semaphore, #tpu.memory_space<semaphore_mem>>) {add = true}
      %dma_wait3A_1923 = arith.constant 0 : i32
      %dma_wait3A_1924 = arith.constant 0 : i32
      %dma_wait3A_1925 = tpu.memref_slice %arg6[%run_scoped3A_1107, %dma_wait3A_1923, %dma_wait3A_1924] : memref<2x125x128xf32, #tpu.memory_space<vmem>> -> memref<1x125x128xf32, #tpu.memory_space<vmem>>
      %dma_wait3A_1926 = tpu.memref_squeeze %dma_wait3A_1925 : memref<1x125x128xf32, #tpu.memory_space<vmem>> -> memref<125x128xf32, #tpu.memory_space<vmem>>
      %dma_wait3A_1927 = arith.constant 0 : i32
      %dma_wait3A_1928 = tpu.memref_slice %arg7[%run_scoped3A_1108, %dma_wait3A_1927] : memref<2x125xi32, #tpu.memory_space<vmem>> -> memref<1x125xi32, #tpu.memory_space<vmem>>
      %dma_wait3A_1929 = tpu.memref_squeeze %dma_wait3A_1928 : memref<1x125xi32, #tpu.memory_space<vmem>> -> memref<125xi32, #tpu.memory_space<vmem>>
      %dma_wait3A_1930 = arith.constant 0 : i32
      %dma_wait3A_1931 = arith.constant 0 : i32
      %dma_wait3A_1932 = tpu.memref_slice %arg5[%dma_wait3A_1930, %dma_wait3A_1931] : memref<512x128xf32, #tpu.memory_space<vmem_shared>> -> memref<512x128xf32, #tpu.memory_space<vmem_shared>>
      tpu.wait_indirect_dma semaphore(%run_scoped3A_1912 : memref<!tpu.dma_semaphore, #tpu.memory_space<semaphore_mem>>) src(%dma_wait3A_1926 : memref<125x128xf32, #tpu.memory_space<vmem>>) dst(%dma_wait3A_1932 : memref<512x128xf32, #tpu.memory_space<vmem_shared>>)
      tpu.yield
    }) : () -> ()
    %add3A_1109 = arith.constant 480 : i32
    %add3A_1110 = arith.addi %add3A, %add3A_1109 : i32
    %dma_start3A_1111 = arith.constant 1 : i32
    %dma_start3A_1112 = arith.constant 1 : i32
    %dma_start3A_1113 = arith.constant 0 : i32
    %dma_start3A_1114 = tpu.memref_slice %arg7[%dma_start3A_1111, %dma_start3A_1113] : memref<2x125xi32, #tpu.memory_space<vmem>> -> memref<1x125xi32, #tpu.memory_space<vmem>>
    %dma_start3A_1115 = tpu.memref_squeeze %dma_start3A_1114 : memref<1x125xi32, #tpu.memory_space<vmem>> -> memref<125xi32, #tpu.memory_space<vmem>>
    %dma_start3A_1116 = arith.constant 0 : i32
    %dma_start3A_1117 = tpu.memref_slice %arg3[%add3A_1110, %dma_start3A_1116] : memref<800x125xi32, #tpu.memory_space<hbm>> -> memref<1x125xi32, #tpu.memory_space<hbm>>
    %dma_start3A_1118 = tpu.memref_squeeze %dma_start3A_1117 : memref<1x125xi32, #tpu.memory_space<hbm>> -> memref<125xi32, #tpu.memory_space<hbm>>
    %dma_start3A_1119 = tpu.memref_slice %arg8[%dma_start3A_1112] : memref<2x!tpu.dma_semaphore, #tpu.memory_space<semaphore_mem>> -> memref<1x!tpu.dma_semaphore, #tpu.memory_space<semaphore_mem>>
    %dma_start3A_1120 = tpu.memref_squeeze %dma_start3A_1119 : memref<1x!tpu.dma_semaphore, #tpu.memory_space<semaphore_mem>> -> memref<!tpu.dma_semaphore, #tpu.memory_space<semaphore_mem>>
    %dma_start3A_1121 = arith.constant 0 : i32
    %dma_start3A_1122 = tpu.memref_slice %arg7[%dma_start3A_1111, %dma_start3A_1121] : memref<2x125xi32, #tpu.memory_space<vmem>> -> memref<1x125xi32, #tpu.memory_space<vmem>>
    %dma_start3A_1123 = tpu.memref_squeeze %dma_start3A_1122 : memref<1x125xi32, #tpu.memory_space<vmem>> -> memref<125xi32, #tpu.memory_space<vmem>>
    %dma_start3A_1124 = arith.constant 0 : i32
    %dma_start3A_1125 = tpu.memref_slice %arg3[%add3A_1110, %dma_start3A_1124] : memref<800x125xi32, #tpu.memory_space<hbm>> -> memref<1x125xi32, #tpu.memory_space<hbm>>
    %dma_start3A_1126 = tpu.memref_squeeze %dma_start3A_1125 : memref<1x125xi32, #tpu.memory_space<hbm>> -> memref<125xi32, #tpu.memory_space<hbm>>
    tpu.enqueue_dma source(%dma_start3A_1126 : memref<125xi32, #tpu.memory_space<hbm>>) target(%dma_start3A_1123 : memref<125xi32, #tpu.memory_space<vmem>>) target_semaphore(%dma_start3A_1120 : memref<!tpu.dma_semaphore, #tpu.memory_space<semaphore_mem>>)
    %dma_start3A_1127 = arith.constant 1 : i32
    %dma_start3A_1128 = arith.constant 1 : i32
    %dma_start3A_1129 = arith.constant 0 : i32
    %dma_start3A_1130 = arith.constant 0 : i32
    %dma_start3A_1131 = tpu.memref_slice %arg6[%dma_start3A_1127, %dma_start3A_1129, %dma_start3A_1130] : memref<2x125x128xf32, #tpu.memory_space<vmem>> -> memref<1x125x128xf32, #tpu.memory_space<vmem>>
    %dma_start3A_1132 = tpu.memref_squeeze %dma_start3A_1131 : memref<1x125x128xf32, #tpu.memory_space<vmem>> -> memref<125x128xf32, #tpu.memory_space<vmem>>
    %dma_start3A_1133 = arith.constant 0 : i32
    %dma_start3A_1134 = arith.constant 0 : i32
    %dma_start3A_1135 = tpu.memref_slice %arg2[%add3A_1110, %dma_start3A_1133, %dma_start3A_1134] : memref<800x125x128xf32, #tpu.memory_space<hbm>> -> memref<1x125x128xf32, #tpu.memory_space<hbm>>
    %dma_start3A_1136 = tpu.memref_squeeze %dma_start3A_1135 : memref<1x125x128xf32, #tpu.memory_space<hbm>> -> memref<125x128xf32, #tpu.memory_space<hbm>>
    %dma_start3A_1137 = tpu.memref_slice %arg9[%dma_start3A_1128] : memref<2x!tpu.dma_semaphore, #tpu.memory_space<semaphore_mem>> -> memref<1x!tpu.dma_semaphore, #tpu.memory_space<semaphore_mem>>
    %dma_start3A_1138 = tpu.memref_squeeze %dma_start3A_1137 : memref<1x!tpu.dma_semaphore, #tpu.memory_space<semaphore_mem>> -> memref<!tpu.dma_semaphore, #tpu.memory_space<semaphore_mem>>
    %dma_start3A_1139 = arith.constant 0 : i32
    %dma_start3A_1140 = arith.constant 0 : i32
    %dma_start3A_1141 = tpu.memref_slice %arg6[%dma_start3A_1127, %dma_start3A_1139, %dma_start3A_1140] : memref<2x125x128xf32, #tpu.memory_space<vmem>> -> memref<1x125x128xf32, #tpu.memory_space<vmem>>
    %dma_start3A_1142 = tpu.memref_squeeze %dma_start3A_1141 : memref<1x125x128xf32, #tpu.memory_space<vmem>> -> memref<125x128xf32, #tpu.memory_space<vmem>>
    %dma_start3A_1143 = arith.constant 0 : i32
    %dma_start3A_1144 = arith.constant 0 : i32
    %dma_start3A_1145 = tpu.memref_slice %arg2[%add3A_1110, %dma_start3A_1143, %dma_start3A_1144] : memref<800x125x128xf32, #tpu.memory_space<hbm>> -> memref<1x125x128xf32, #tpu.memory_space<hbm>>
    %dma_start3A_1146 = tpu.memref_squeeze %dma_start3A_1145 : memref<1x125x128xf32, #tpu.memory_space<hbm>> -> memref<125x128xf32, #tpu.memory_space<hbm>>
    tpu.enqueue_dma source(%dma_start3A_1146 : memref<125x128xf32, #tpu.memory_space<hbm>>) target(%dma_start3A_1142 : memref<125x128xf32, #tpu.memory_space<vmem>>) target_semaphore(%dma_start3A_1138 : memref<!tpu.dma_semaphore, #tpu.memory_space<semaphore_mem>>)
    %dma_wait3A_1147 = arith.constant 0 : i32
    %dma_wait3A_1148 = arith.constant 0 : i32
    %dma_wait3A_1149 = arith.constant 0 : i32
    %dma_wait3A_1150 = tpu.memref_slice %arg7[%dma_wait3A_1147, %dma_wait3A_1149] : memref<2x125xi32, #tpu.memory_space<vmem>> -> memref<1x125xi32, #tpu.memory_space<vmem>>
    %dma_wait3A_1151 = tpu.memref_squeeze %dma_wait3A_1150 : memref<1x125xi32, #tpu.memory_space<vmem>> -> memref<125xi32, #tpu.memory_space<vmem>>
    %dma_wait3A_1152 = arith.constant 0 : i32
    %dma_wait3A_1153 = tpu.memref_slice %arg3[%add3A_1034, %dma_wait3A_1152] : memref<800x125xi32, #tpu.memory_space<hbm>> -> memref<1x125xi32, #tpu.memory_space<hbm>>
    %dma_wait3A_1154 = tpu.memref_squeeze %dma_wait3A_1153 : memref<1x125xi32, #tpu.memory_space<hbm>> -> memref<125xi32, #tpu.memory_space<hbm>>
    %dma_wait3A_1155 = tpu.memref_slice %arg8[%dma_wait3A_1148] : memref<2x!tpu.dma_semaphore, #tpu.memory_space<semaphore_mem>> -> memref<1x!tpu.dma_semaphore, #tpu.memory_space<semaphore_mem>>
    %dma_wait3A_1156 = tpu.memref_squeeze %dma_wait3A_1155 : memref<1x!tpu.dma_semaphore, #tpu.memory_space<semaphore_mem>> -> memref<!tpu.dma_semaphore, #tpu.memory_space<semaphore_mem>>
    %dma_wait3A_1157 = arith.constant 0 : i32
    %dma_wait3A_1158 = tpu.memref_slice %arg7[%dma_wait3A_1147, %dma_wait3A_1157] : memref<2x125xi32, #tpu.memory_space<vmem>> -> memref<1x125xi32, #tpu.memory_space<vmem>>
    %dma_wait3A_1159 = tpu.memref_squeeze %dma_wait3A_1158 : memref<1x125xi32, #tpu.memory_space<vmem>> -> memref<125xi32, #tpu.memory_space<vmem>>
    %dma_wait3A_1160 = arith.constant 0 : i32
    %dma_wait3A_1161 = tpu.memref_slice %arg3[%add3A_1034, %dma_wait3A_1160] : memref<800x125xi32, #tpu.memory_space<hbm>> -> memref<1x125xi32, #tpu.memory_space<hbm>>
    %dma_wait3A_1162 = tpu.memref_squeeze %dma_wait3A_1161 : memref<1x125xi32, #tpu.memory_space<hbm>> -> memref<125xi32, #tpu.memory_space<hbm>>
    tpu.wait_dma2 semaphore(%dma_wait3A_1156 : memref<!tpu.dma_semaphore, #tpu.memory_space<semaphore_mem>>) src(%dma_wait3A_1162 : memref<125xi32, #tpu.memory_space<hbm>>) dst(%dma_wait3A_1159 : memref<125xi32, #tpu.memory_space<vmem>>)
    %dma_wait3A_1163 = arith.constant 0 : i32
    %dma_wait3A_1164 = arith.constant 0 : i32
    %dma_wait3A_1165 = arith.constant 0 : i32
    %dma_wait3A_1166 = arith.constant 0 : i32
    %dma_wait3A_1167 = tpu.memref_slice %arg6[%dma_wait3A_1163, %dma_wait3A_1165, %dma_wait3A_1166] : memref<2x125x128xf32, #tpu.memory_space<vmem>> -> memref<1x125x128xf32, #tpu.memory_space<vmem>>
    %dma_wait3A_1168 = tpu.memref_squeeze %dma_wait3A_1167 : memref<1x125x128xf32, #tpu.memory_space<vmem>> -> memref<125x128xf32, #tpu.memory_space<vmem>>
    %dma_wait3A_1169 = arith.constant 0 : i32
    %dma_wait3A_1170 = arith.constant 0 : i32
    %dma_wait3A_1171 = tpu.memref_slice %arg2[%add3A_1034, %dma_wait3A_1169, %dma_wait3A_1170] : memref<800x125x128xf32, #tpu.memory_space<hbm>> -> memref<1x125x128xf32, #tpu.memory_space<hbm>>
    %dma_wait3A_1172 = tpu.memref_squeeze %dma_wait3A_1171 : memref<1x125x128xf32, #tpu.memory_space<hbm>> -> memref<125x128xf32, #tpu.memory_space<hbm>>
    %dma_wait3A_1173 = tpu.memref_slice %arg9[%dma_wait3A_1164] : memref<2x!tpu.dma_semaphore, #tpu.memory_space<semaphore_mem>> -> memref<1x!tpu.dma_semaphore, #tpu.memory_space<semaphore_mem>>
    %dma_wait3A_1174 = tpu.memref_squeeze %dma_wait3A_1173 : memref<1x!tpu.dma_semaphore, #tpu.memory_space<semaphore_mem>> -> memref<!tpu.dma_semaphore, #tpu.memory_space<semaphore_mem>>
    %dma_wait3A_1175 = arith.constant 0 : i32
    %dma_wait3A_1176 = arith.constant 0 : i32
    %dma_wait3A_1177 = tpu.memref_slice %arg6[%dma_wait3A_1163, %dma_wait3A_1175, %dma_wait3A_1176] : memref<2x125x128xf32, #tpu.memory_space<vmem>> -> memref<1x125x128xf32, #tpu.memory_space<vmem>>
    %dma_wait3A_1178 = tpu.memref_squeeze %dma_wait3A_1177 : memref<1x125x128xf32, #tpu.memory_space<vmem>> -> memref<125x128xf32, #tpu.memory_space<vmem>>
    %dma_wait3A_1179 = arith.constant 0 : i32
    %dma_wait3A_1180 = arith.constant 0 : i32
    %dma_wait3A_1181 = tpu.memref_slice %arg2[%add3A_1034, %dma_wait3A_1179, %dma_wait3A_1180] : memref<800x125x128xf32, #tpu.memory_space<hbm>> -> memref<1x125x128xf32, #tpu.memory_space<hbm>>
    %dma_wait3A_1182 = tpu.memref_squeeze %dma_wait3A_1181 : memref<1x125x128xf32, #tpu.memory_space<hbm>> -> memref<125x128xf32, #tpu.memory_space<hbm>>
    tpu.wait_dma2 semaphore(%dma_wait3A_1174 : memref<!tpu.dma_semaphore, #tpu.memory_space<semaphore_mem>>) src(%dma_wait3A_1182 : memref<125x128xf32, #tpu.memory_space<hbm>>) dst(%dma_wait3A_1178 : memref<125x128xf32, #tpu.memory_space<vmem>>)
    %run_scoped3A_1183 = arith.constant 0 : i32
    %run_scoped3A_1184 = arith.constant 0 : i32
    "tpu.region"() ({
      %run_scoped3A_1912 = tpu.sem_alloc : memref<!tpu.dma_semaphore, #tpu.memory_space<semaphore_mem>>
      %dma_start3A_1913 = arith.constant 0 : i32
      %dma_start3A_1914 = arith.constant 0 : i32
      %dma_start3A_1915 = tpu.memref_slice %arg6[%run_scoped3A_1183, %dma_start3A_1913, %dma_start3A_1914] : memref<2x125x128xf32, #tpu.memory_space<vmem>> -> memref<1x125x128xf32, #tpu.memory_space<vmem>>
      %dma_start3A_1916 = tpu.memref_squeeze %dma_start3A_1915 : memref<1x125x128xf32, #tpu.memory_space<vmem>> -> memref<125x128xf32, #tpu.memory_space<vmem>>
      %dma_start3A_1917 = arith.constant 0 : i32
      %dma_start3A_1918 = tpu.memref_slice %arg7[%run_scoped3A_1184, %dma_start3A_1917] : memref<2x125xi32, #tpu.memory_space<vmem>> -> memref<1x125xi32, #tpu.memory_space<vmem>>
      %dma_start3A_1919 = tpu.memref_squeeze %dma_start3A_1918 : memref<1x125xi32, #tpu.memory_space<vmem>> -> memref<125xi32, #tpu.memory_space<vmem>>
      %dma_start3A_1920 = arith.constant 0 : i32
      %dma_start3A_1921 = arith.constant 0 : i32
      %dma_start3A_1922 = tpu.memref_slice %arg5[%dma_start3A_1920, %dma_start3A_1921] : memref<512x128xf32, #tpu.memory_space<vmem_shared>> -> memref<512x128xf32, #tpu.memory_space<vmem_shared>>
      tpu.enqueue_indirect_dma source(%dma_start3A_1916 : memref<125x128xf32, #tpu.memory_space<vmem>>) target(%dma_start3A_1922 : memref<512x128xf32, #tpu.memory_space<vmem_shared>>) offsets(%dma_start3A_1919 : memref<125xi32, #tpu.memory_space<vmem>>) semaphore(%run_scoped3A_1912 : memref<!tpu.dma_semaphore, #tpu.memory_space<semaphore_mem>>) {add = true}
      %dma_wait3A_1923 = arith.constant 0 : i32
      %dma_wait3A_1924 = arith.constant 0 : i32
      %dma_wait3A_1925 = tpu.memref_slice %arg6[%run_scoped3A_1183, %dma_wait3A_1923, %dma_wait3A_1924] : memref<2x125x128xf32, #tpu.memory_space<vmem>> -> memref<1x125x128xf32, #tpu.memory_space<vmem>>
      %dma_wait3A_1926 = tpu.memref_squeeze %dma_wait3A_1925 : memref<1x125x128xf32, #tpu.memory_space<vmem>> -> memref<125x128xf32, #tpu.memory_space<vmem>>
      %dma_wait3A_1927 = arith.constant 0 : i32
      %dma_wait3A_1928 = tpu.memref_slice %arg7[%run_scoped3A_1184, %dma_wait3A_1927] : memref<2x125xi32, #tpu.memory_space<vmem>> -> memref<1x125xi32, #tpu.memory_space<vmem>>
      %dma_wait3A_1929 = tpu.memref_squeeze %dma_wait3A_1928 : memref<1x125xi32, #tpu.memory_space<vmem>> -> memref<125xi32, #tpu.memory_space<vmem>>
      %dma_wait3A_1930 = arith.constant 0 : i32
      %dma_wait3A_1931 = arith.constant 0 : i32
      %dma_wait3A_1932 = tpu.memref_slice %arg5[%dma_wait3A_1930, %dma_wait3A_1931] : memref<512x128xf32, #tpu.memory_space<vmem_shared>> -> memref<512x128xf32, #tpu.memory_space<vmem_shared>>
      tpu.wait_indirect_dma semaphore(%run_scoped3A_1912 : memref<!tpu.dma_semaphore, #tpu.memory_space<semaphore_mem>>) src(%dma_wait3A_1926 : memref<125x128xf32, #tpu.memory_space<vmem>>) dst(%dma_wait3A_1932 : memref<512x128xf32, #tpu.memory_space<vmem_shared>>)
      tpu.yield
    }) : () -> ()
    %add3A_1185 = arith.constant 512 : i32
    %add3A_1186 = arith.addi %add3A, %add3A_1185 : i32
    %dma_start3A_1187 = arith.constant 0 : i32
    %dma_start3A_1188 = arith.constant 0 : i32
    %dma_start3A_1189 = arith.constant 0 : i32
    %dma_start3A_1190 = tpu.memref_slice %arg7[%dma_start3A_1187, %dma_start3A_1189] : memref<2x125xi32, #tpu.memory_space<vmem>> -> memref<1x125xi32, #tpu.memory_space<vmem>>
    %dma_start3A_1191 = tpu.memref_squeeze %dma_start3A_1190 : memref<1x125xi32, #tpu.memory_space<vmem>> -> memref<125xi32, #tpu.memory_space<vmem>>
    %dma_start3A_1192 = arith.constant 0 : i32
    %dma_start3A_1193 = tpu.memref_slice %arg3[%add3A_1186, %dma_start3A_1192] : memref<800x125xi32, #tpu.memory_space<hbm>> -> memref<1x125xi32, #tpu.memory_space<hbm>>
    %dma_start3A_1194 = tpu.memref_squeeze %dma_start3A_1193 : memref<1x125xi32, #tpu.memory_space<hbm>> -> memref<125xi32, #tpu.memory_space<hbm>>
    %dma_start3A_1195 = tpu.memref_slice %arg8[%dma_start3A_1188] : memref<2x!tpu.dma_semaphore, #tpu.memory_space<semaphore_mem>> -> memref<1x!tpu.dma_semaphore, #tpu.memory_space<semaphore_mem>>
    %dma_start3A_1196 = tpu.memref_squeeze %dma_start3A_1195 : memref<1x!tpu.dma_semaphore, #tpu.memory_space<semaphore_mem>> -> memref<!tpu.dma_semaphore, #tpu.memory_space<semaphore_mem>>
    %dma_start3A_1197 = arith.constant 0 : i32
    %dma_start3A_1198 = tpu.memref_slice %arg7[%dma_start3A_1187, %dma_start3A_1197] : memref<2x125xi32, #tpu.memory_space<vmem>> -> memref<1x125xi32, #tpu.memory_space<vmem>>
    %dma_start3A_1199 = tpu.memref_squeeze %dma_start3A_1198 : memref<1x125xi32, #tpu.memory_space<vmem>> -> memref<125xi32, #tpu.memory_space<vmem>>
    %dma_start3A_1200 = arith.constant 0 : i32
    %dma_start3A_1201 = tpu.memref_slice %arg3[%add3A_1186, %dma_start3A_1200] : memref<800x125xi32, #tpu.memory_space<hbm>> -> memref<1x125xi32, #tpu.memory_space<hbm>>
    %dma_start3A_1202 = tpu.memref_squeeze %dma_start3A_1201 : memref<1x125xi32, #tpu.memory_space<hbm>> -> memref<125xi32, #tpu.memory_space<hbm>>
    tpu.enqueue_dma source(%dma_start3A_1202 : memref<125xi32, #tpu.memory_space<hbm>>) target(%dma_start3A_1199 : memref<125xi32, #tpu.memory_space<vmem>>) target_semaphore(%dma_start3A_1196 : memref<!tpu.dma_semaphore, #tpu.memory_space<semaphore_mem>>)
    %dma_start3A_1203 = arith.constant 0 : i32
    %dma_start3A_1204 = arith.constant 0 : i32
    %dma_start3A_1205 = arith.constant 0 : i32
    %dma_start3A_1206 = arith.constant 0 : i32
    %dma_start3A_1207 = tpu.memref_slice %arg6[%dma_start3A_1203, %dma_start3A_1205, %dma_start3A_1206] : memref<2x125x128xf32, #tpu.memory_space<vmem>> -> memref<1x125x128xf32, #tpu.memory_space<vmem>>
    %dma_start3A_1208 = tpu.memref_squeeze %dma_start3A_1207 : memref<1x125x128xf32, #tpu.memory_space<vmem>> -> memref<125x128xf32, #tpu.memory_space<vmem>>
    %dma_start3A_1209 = arith.constant 0 : i32
    %dma_start3A_1210 = arith.constant 0 : i32
    %dma_start3A_1211 = tpu.memref_slice %arg2[%add3A_1186, %dma_start3A_1209, %dma_start3A_1210] : memref<800x125x128xf32, #tpu.memory_space<hbm>> -> memref<1x125x128xf32, #tpu.memory_space<hbm>>
    %dma_start3A_1212 = tpu.memref_squeeze %dma_start3A_1211 : memref<1x125x128xf32, #tpu.memory_space<hbm>> -> memref<125x128xf32, #tpu.memory_space<hbm>>
    %dma_start3A_1213 = tpu.memref_slice %arg9[%dma_start3A_1204] : memref<2x!tpu.dma_semaphore, #tpu.memory_space<semaphore_mem>> -> memref<1x!tpu.dma_semaphore, #tpu.memory_space<semaphore_mem>>
    %dma_start3A_1214 = tpu.memref_squeeze %dma_start3A_1213 : memref<1x!tpu.dma_semaphore, #tpu.memory_space<semaphore_mem>> -> memref<!tpu.dma_semaphore, #tpu.memory_space<semaphore_mem>>
    %dma_start3A_1215 = arith.constant 0 : i32
    %dma_start3A_1216 = arith.constant 0 : i32
    %dma_start3A_1217 = tpu.memref_slice %arg6[%dma_start3A_1203, %dma_start3A_1215, %dma_start3A_1216] : memref<2x125x128xf32, #tpu.memory_space<vmem>> -> memref<1x125x128xf32, #tpu.memory_space<vmem>>
    %dma_start3A_1218 = tpu.memref_squeeze %dma_start3A_1217 : memref<1x125x128xf32, #tpu.memory_space<vmem>> -> memref<125x128xf32, #tpu.memory_space<vmem>>
    %dma_start3A_1219 = arith.constant 0 : i32
    %dma_start3A_1220 = arith.constant 0 : i32
    %dma_start3A_1221 = tpu.memref_slice %arg2[%add3A_1186, %dma_start3A_1219, %dma_start3A_1220] : memref<800x125x128xf32, #tpu.memory_space<hbm>> -> memref<1x125x128xf32, #tpu.memory_space<hbm>>
    %dma_start3A_1222 = tpu.memref_squeeze %dma_start3A_1221 : memref<1x125x128xf32, #tpu.memory_space<hbm>> -> memref<125x128xf32, #tpu.memory_space<hbm>>
    tpu.enqueue_dma source(%dma_start3A_1222 : memref<125x128xf32, #tpu.memory_space<hbm>>) target(%dma_start3A_1218 : memref<125x128xf32, #tpu.memory_space<vmem>>) target_semaphore(%dma_start3A_1214 : memref<!tpu.dma_semaphore, #tpu.memory_space<semaphore_mem>>)
    %dma_wait3A_1223 = arith.constant 1 : i32
    %dma_wait3A_1224 = arith.constant 1 : i32
    %dma_wait3A_1225 = arith.constant 0 : i32
    %dma_wait3A_1226 = tpu.memref_slice %arg7[%dma_wait3A_1223, %dma_wait3A_1225] : memref<2x125xi32, #tpu.memory_space<vmem>> -> memref<1x125xi32, #tpu.memory_space<vmem>>
    %dma_wait3A_1227 = tpu.memref_squeeze %dma_wait3A_1226 : memref<1x125xi32, #tpu.memory_space<vmem>> -> memref<125xi32, #tpu.memory_space<vmem>>
    %dma_wait3A_1228 = arith.constant 0 : i32
    %dma_wait3A_1229 = tpu.memref_slice %arg3[%add3A_1110, %dma_wait3A_1228] : memref<800x125xi32, #tpu.memory_space<hbm>> -> memref<1x125xi32, #tpu.memory_space<hbm>>
    %dma_wait3A_1230 = tpu.memref_squeeze %dma_wait3A_1229 : memref<1x125xi32, #tpu.memory_space<hbm>> -> memref<125xi32, #tpu.memory_space<hbm>>
    %dma_wait3A_1231 = tpu.memref_slice %arg8[%dma_wait3A_1224] : memref<2x!tpu.dma_semaphore, #tpu.memory_space<semaphore_mem>> -> memref<1x!tpu.dma_semaphore, #tpu.memory_space<semaphore_mem>>
    %dma_wait3A_1232 = tpu.memref_squeeze %dma_wait3A_1231 : memref<1x!tpu.dma_semaphore, #tpu.memory_space<semaphore_mem>> -> memref<!tpu.dma_semaphore, #tpu.memory_space<semaphore_mem>>
    %dma_wait3A_1233 = arith.constant 0 : i32
    %dma_wait3A_1234 = tpu.memref_slice %arg7[%dma_wait3A_1223, %dma_wait3A_1233] : memref<2x125xi32, #tpu.memory_space<vmem>> -> memref<1x125xi32, #tpu.memory_space<vmem>>
    %dma_wait3A_1235 = tpu.memref_squeeze %dma_wait3A_1234 : memref<1x125xi32, #tpu.memory_space<vmem>> -> memref<125xi32, #tpu.memory_space<vmem>>
    %dma_wait3A_1236 = arith.constant 0 : i32
    %dma_wait3A_1237 = tpu.memref_slice %arg3[%add3A_1110, %dma_wait3A_1236] : memref<800x125xi32, #tpu.memory_space<hbm>> -> memref<1x125xi32, #tpu.memory_space<hbm>>
    %dma_wait3A_1238 = tpu.memref_squeeze %dma_wait3A_1237 : memref<1x125xi32, #tpu.memory_space<hbm>> -> memref<125xi32, #tpu.memory_space<hbm>>
    tpu.wait_dma2 semaphore(%dma_wait3A_1232 : memref<!tpu.dma_semaphore, #tpu.memory_space<semaphore_mem>>) src(%dma_wait3A_1238 : memref<125xi32, #tpu.memory_space<hbm>>) dst(%dma_wait3A_1235 : memref<125xi32, #tpu.memory_space<vmem>>)
    %dma_wait3A_1239 = arith.constant 1 : i32
    %dma_wait3A_1240 = arith.constant 1 : i32
    %dma_wait3A_1241 = arith.constant 0 : i32
    %dma_wait3A_1242 = arith.constant 0 : i32
    %dma_wait3A_1243 = tpu.memref_slice %arg6[%dma_wait3A_1239, %dma_wait3A_1241, %dma_wait3A_1242] : memref<2x125x128xf32, #tpu.memory_space<vmem>> -> memref<1x125x128xf32, #tpu.memory_space<vmem>>
    %dma_wait3A_1244 = tpu.memref_squeeze %dma_wait3A_1243 : memref<1x125x128xf32, #tpu.memory_space<vmem>> -> memref<125x128xf32, #tpu.memory_space<vmem>>
    %dma_wait3A_1245 = arith.constant 0 : i32
    %dma_wait3A_1246 = arith.constant 0 : i32
    %dma_wait3A_1247 = tpu.memref_slice %arg2[%add3A_1110, %dma_wait3A_1245, %dma_wait3A_1246] : memref<800x125x128xf32, #tpu.memory_space<hbm>> -> memref<1x125x128xf32, #tpu.memory_space<hbm>>
    %dma_wait3A_1248 = tpu.memref_squeeze %dma_wait3A_1247 : memref<1x125x128xf32, #tpu.memory_space<hbm>> -> memref<125x128xf32, #tpu.memory_space<hbm>>
    %dma_wait3A_1249 = tpu.memref_slice %arg9[%dma_wait3A_1240] : memref<2x!tpu.dma_semaphore, #tpu.memory_space<semaphore_mem>> -> memref<1x!tpu.dma_semaphore, #tpu.memory_space<semaphore_mem>>
    %dma_wait3A_1250 = tpu.memref_squeeze %dma_wait3A_1249 : memref<1x!tpu.dma_semaphore, #tpu.memory_space<semaphore_mem>> -> memref<!tpu.dma_semaphore, #tpu.memory_space<semaphore_mem>>
    %dma_wait3A_1251 = arith.constant 0 : i32
    %dma_wait3A_1252 = arith.constant 0 : i32
    %dma_wait3A_1253 = tpu.memref_slice %arg6[%dma_wait3A_1239, %dma_wait3A_1251, %dma_wait3A_1252] : memref<2x125x128xf32, #tpu.memory_space<vmem>> -> memref<1x125x128xf32, #tpu.memory_space<vmem>>
    %dma_wait3A_1254 = tpu.memref_squeeze %dma_wait3A_1253 : memref<1x125x128xf32, #tpu.memory_space<vmem>> -> memref<125x128xf32, #tpu.memory_space<vmem>>
    %dma_wait3A_1255 = arith.constant 0 : i32
    %dma_wait3A_1256 = arith.constant 0 : i32
    %dma_wait3A_1257 = tpu.memref_slice %arg2[%add3A_1110, %dma_wait3A_1255, %dma_wait3A_1256] : memref<800x125x128xf32, #tpu.memory_space<hbm>> -> memref<1x125x128xf32, #tpu.memory_space<hbm>>
    %dma_wait3A_1258 = tpu.memref_squeeze %dma_wait3A_1257 : memref<1x125x128xf32, #tpu.memory_space<hbm>> -> memref<125x128xf32, #tpu.memory_space<hbm>>
    tpu.wait_dma2 semaphore(%dma_wait3A_1250 : memref<!tpu.dma_semaphore, #tpu.memory_space<semaphore_mem>>) src(%dma_wait3A_1258 : memref<125x128xf32, #tpu.memory_space<hbm>>) dst(%dma_wait3A_1254 : memref<125x128xf32, #tpu.memory_space<vmem>>)
    %run_scoped3A_1259 = arith.constant 1 : i32
    %run_scoped3A_1260 = arith.constant 1 : i32
    "tpu.region"() ({
      %run_scoped3A_1912 = tpu.sem_alloc : memref<!tpu.dma_semaphore, #tpu.memory_space<semaphore_mem>>
      %dma_start3A_1913 = arith.constant 0 : i32
      %dma_start3A_1914 = arith.constant 0 : i32
      %dma_start3A_1915 = tpu.memref_slice %arg6[%run_scoped3A_1259, %dma_start3A_1913, %dma_start3A_1914] : memref<2x125x128xf32, #tpu.memory_space<vmem>> -> memref<1x125x128xf32, #tpu.memory_space<vmem>>
      %dma_start3A_1916 = tpu.memref_squeeze %dma_start3A_1915 : memref<1x125x128xf32, #tpu.memory_space<vmem>> -> memref<125x128xf32, #tpu.memory_space<vmem>>
      %dma_start3A_1917 = arith.constant 0 : i32
      %dma_start3A_1918 = tpu.memref_slice %arg7[%run_scoped3A_1260, %dma_start3A_1917] : memref<2x125xi32, #tpu.memory_space<vmem>> -> memref<1x125xi32, #tpu.memory_space<vmem>>
      %dma_start3A_1919 = tpu.memref_squeeze %dma_start3A_1918 : memref<1x125xi32, #tpu.memory_space<vmem>> -> memref<125xi32, #tpu.memory_space<vmem>>
      %dma_start3A_1920 = arith.constant 0 : i32
      %dma_start3A_1921 = arith.constant 0 : i32
      %dma_start3A_1922 = tpu.memref_slice %arg5[%dma_start3A_1920, %dma_start3A_1921] : memref<512x128xf32, #tpu.memory_space<vmem_shared>> -> memref<512x128xf32, #tpu.memory_space<vmem_shared>>
      tpu.enqueue_indirect_dma source(%dma_start3A_1916 : memref<125x128xf32, #tpu.memory_space<vmem>>) target(%dma_start3A_1922 : memref<512x128xf32, #tpu.memory_space<vmem_shared>>) offsets(%dma_start3A_1919 : memref<125xi32, #tpu.memory_space<vmem>>) semaphore(%run_scoped3A_1912 : memref<!tpu.dma_semaphore, #tpu.memory_space<semaphore_mem>>) {add = true}
      %dma_wait3A_1923 = arith.constant 0 : i32
      %dma_wait3A_1924 = arith.constant 0 : i32
      %dma_wait3A_1925 = tpu.memref_slice %arg6[%run_scoped3A_1259, %dma_wait3A_1923, %dma_wait3A_1924] : memref<2x125x128xf32, #tpu.memory_space<vmem>> -> memref<1x125x128xf32, #tpu.memory_space<vmem>>
      %dma_wait3A_1926 = tpu.memref_squeeze %dma_wait3A_1925 : memref<1x125x128xf32, #tpu.memory_space<vmem>> -> memref<125x128xf32, #tpu.memory_space<vmem>>
      %dma_wait3A_1927 = arith.constant 0 : i32
      %dma_wait3A_1928 = tpu.memref_slice %arg7[%run_scoped3A_1260, %dma_wait3A_1927] : memref<2x125xi32, #tpu.memory_space<vmem>> -> memref<1x125xi32, #tpu.memory_space<vmem>>
      %dma_wait3A_1929 = tpu.memref_squeeze %dma_wait3A_1928 : memref<1x125xi32, #tpu.memory_space<vmem>> -> memref<125xi32, #tpu.memory_space<vmem>>
      %dma_wait3A_1930 = arith.constant 0 : i32
      %dma_wait3A_1931 = arith.constant 0 : i32
      %dma_wait3A_1932 = tpu.memref_slice %arg5[%dma_wait3A_1930, %dma_wait3A_1931] : memref<512x128xf32, #tpu.memory_space<vmem_shared>> -> memref<512x128xf32, #tpu.memory_space<vmem_shared>>
      tpu.wait_indirect_dma semaphore(%run_scoped3A_1912 : memref<!tpu.dma_semaphore, #tpu.memory_space<semaphore_mem>>) src(%dma_wait3A_1926 : memref<125x128xf32, #tpu.memory_space<vmem>>) dst(%dma_wait3A_1932 : memref<512x128xf32, #tpu.memory_space<vmem_shared>>)
      tpu.yield
    }) : () -> ()
    %add3A_1261 = arith.constant 544 : i32
    %add3A_1262 = arith.addi %add3A, %add3A_1261 : i32
    %dma_start3A_1263 = arith.constant 1 : i32
    %dma_start3A_1264 = arith.constant 1 : i32
    %dma_start3A_1265 = arith.constant 0 : i32
    %dma_start3A_1266 = tpu.memref_slice %arg7[%dma_start3A_1263, %dma_start3A_1265] : memref<2x125xi32, #tpu.memory_space<vmem>> -> memref<1x125xi32, #tpu.memory_space<vmem>>
    %dma_start3A_1267 = tpu.memref_squeeze %dma_start3A_1266 : memref<1x125xi32, #tpu.memory_space<vmem>> -> memref<125xi32, #tpu.memory_space<vmem>>
    %dma_start3A_1268 = arith.constant 0 : i32
    %dma_start3A_1269 = tpu.memref_slice %arg3[%add3A_1262, %dma_start3A_1268] : memref<800x125xi32, #tpu.memory_space<hbm>> -> memref<1x125xi32, #tpu.memory_space<hbm>>
    %dma_start3A_1270 = tpu.memref_squeeze %dma_start3A_1269 : memref<1x125xi32, #tpu.memory_space<hbm>> -> memref<125xi32, #tpu.memory_space<hbm>>
    %dma_start3A_1271 = tpu.memref_slice %arg8[%dma_start3A_1264] : memref<2x!tpu.dma_semaphore, #tpu.memory_space<semaphore_mem>> -> memref<1x!tpu.dma_semaphore, #tpu.memory_space<semaphore_mem>>
    %dma_start3A_1272 = tpu.memref_squeeze %dma_start3A_1271 : memref<1x!tpu.dma_semaphore, #tpu.memory_space<semaphore_mem>> -> memref<!tpu.dma_semaphore, #tpu.memory_space<semaphore_mem>>
    %dma_start3A_1273 = arith.constant 0 : i32
    %dma_start3A_1274 = tpu.memref_slice %arg7[%dma_start3A_1263, %dma_start3A_1273] : memref<2x125xi32, #tpu.memory_space<vmem>> -> memref<1x125xi32, #tpu.memory_space<vmem>>
    %dma_start3A_1275 = tpu.memref_squeeze %dma_start3A_1274 : memref<1x125xi32, #tpu.memory_space<vmem>> -> memref<125xi32, #tpu.memory_space<vmem>>
    %dma_start3A_1276 = arith.constant 0 : i32
    %dma_start3A_1277 = tpu.memref_slice %arg3[%add3A_1262, %dma_start3A_1276] : memref<800x125xi32, #tpu.memory_space<hbm>> -> memref<1x125xi32, #tpu.memory_space<hbm>>
    %dma_start3A_1278 = tpu.memref_squeeze %dma_start3A_1277 : memref<1x125xi32, #tpu.memory_space<hbm>> -> memref<125xi32, #tpu.memory_space<hbm>>
    tpu.enqueue_dma source(%dma_start3A_1278 : memref<125xi32, #tpu.memory_space<hbm>>) target(%dma_start3A_1275 : memref<125xi32, #tpu.memory_space<vmem>>) target_semaphore(%dma_start3A_1272 : memref<!tpu.dma_semaphore, #tpu.memory_space<semaphore_mem>>)
    %dma_start3A_1279 = arith.constant 1 : i32
    %dma_start3A_1280 = arith.constant 1 : i32
    %dma_start3A_1281 = arith.constant 0 : i32
    %dma_start3A_1282 = arith.constant 0 : i32
    %dma_start3A_1283 = tpu.memref_slice %arg6[%dma_start3A_1279, %dma_start3A_1281, %dma_start3A_1282] : memref<2x125x128xf32, #tpu.memory_space<vmem>> -> memref<1x125x128xf32, #tpu.memory_space<vmem>>
    %dma_start3A_1284 = tpu.memref_squeeze %dma_start3A_1283 : memref<1x125x128xf32, #tpu.memory_space<vmem>> -> memref<125x128xf32, #tpu.memory_space<vmem>>
    %dma_start3A_1285 = arith.constant 0 : i32
    %dma_start3A_1286 = arith.constant 0 : i32
    %dma_start3A_1287 = tpu.memref_slice %arg2[%add3A_1262, %dma_start3A_1285, %dma_start3A_1286] : memref<800x125x128xf32, #tpu.memory_space<hbm>> -> memref<1x125x128xf32, #tpu.memory_space<hbm>>
    %dma_start3A_1288 = tpu.memref_squeeze %dma_start3A_1287 : memref<1x125x128xf32, #tpu.memory_space<hbm>> -> memref<125x128xf32, #tpu.memory_space<hbm>>
    %dma_start3A_1289 = tpu.memref_slice %arg9[%dma_start3A_1280] : memref<2x!tpu.dma_semaphore, #tpu.memory_space<semaphore_mem>> -> memref<1x!tpu.dma_semaphore, #tpu.memory_space<semaphore_mem>>
    %dma_start3A_1290 = tpu.memref_squeeze %dma_start3A_1289 : memref<1x!tpu.dma_semaphore, #tpu.memory_space<semaphore_mem>> -> memref<!tpu.dma_semaphore, #tpu.memory_space<semaphore_mem>>
    %dma_start3A_1291 = arith.constant 0 : i32
    %dma_start3A_1292 = arith.constant 0 : i32
    %dma_start3A_1293 = tpu.memref_slice %arg6[%dma_start3A_1279, %dma_start3A_1291, %dma_start3A_1292] : memref<2x125x128xf32, #tpu.memory_space<vmem>> -> memref<1x125x128xf32, #tpu.memory_space<vmem>>
    %dma_start3A_1294 = tpu.memref_squeeze %dma_start3A_1293 : memref<1x125x128xf32, #tpu.memory_space<vmem>> -> memref<125x128xf32, #tpu.memory_space<vmem>>
    %dma_start3A_1295 = arith.constant 0 : i32
    %dma_start3A_1296 = arith.constant 0 : i32
    %dma_start3A_1297 = tpu.memref_slice %arg2[%add3A_1262, %dma_start3A_1295, %dma_start3A_1296] : memref<800x125x128xf32, #tpu.memory_space<hbm>> -> memref<1x125x128xf32, #tpu.memory_space<hbm>>
    %dma_start3A_1298 = tpu.memref_squeeze %dma_start3A_1297 : memref<1x125x128xf32, #tpu.memory_space<hbm>> -> memref<125x128xf32, #tpu.memory_space<hbm>>
    tpu.enqueue_dma source(%dma_start3A_1298 : memref<125x128xf32, #tpu.memory_space<hbm>>) target(%dma_start3A_1294 : memref<125x128xf32, #tpu.memory_space<vmem>>) target_semaphore(%dma_start3A_1290 : memref<!tpu.dma_semaphore, #tpu.memory_space<semaphore_mem>>)
    %dma_wait3A_1299 = arith.constant 0 : i32
    %dma_wait3A_1300 = arith.constant 0 : i32
    %dma_wait3A_1301 = arith.constant 0 : i32
    %dma_wait3A_1302 = tpu.memref_slice %arg7[%dma_wait3A_1299, %dma_wait3A_1301] : memref<2x125xi32, #tpu.memory_space<vmem>> -> memref<1x125xi32, #tpu.memory_space<vmem>>
    %dma_wait3A_1303 = tpu.memref_squeeze %dma_wait3A_1302 : memref<1x125xi32, #tpu.memory_space<vmem>> -> memref<125xi32, #tpu.memory_space<vmem>>
    %dma_wait3A_1304 = arith.constant 0 : i32
    %dma_wait3A_1305 = tpu.memref_slice %arg3[%add3A_1186, %dma_wait3A_1304] : memref<800x125xi32, #tpu.memory_space<hbm>> -> memref<1x125xi32, #tpu.memory_space<hbm>>
    %dma_wait3A_1306 = tpu.memref_squeeze %dma_wait3A_1305 : memref<1x125xi32, #tpu.memory_space<hbm>> -> memref<125xi32, #tpu.memory_space<hbm>>
    %dma_wait3A_1307 = tpu.memref_slice %arg8[%dma_wait3A_1300] : memref<2x!tpu.dma_semaphore, #tpu.memory_space<semaphore_mem>> -> memref<1x!tpu.dma_semaphore, #tpu.memory_space<semaphore_mem>>
    %dma_wait3A_1308 = tpu.memref_squeeze %dma_wait3A_1307 : memref<1x!tpu.dma_semaphore, #tpu.memory_space<semaphore_mem>> -> memref<!tpu.dma_semaphore, #tpu.memory_space<semaphore_mem>>
    %dma_wait3A_1309 = arith.constant 0 : i32
    %dma_wait3A_1310 = tpu.memref_slice %arg7[%dma_wait3A_1299, %dma_wait3A_1309] : memref<2x125xi32, #tpu.memory_space<vmem>> -> memref<1x125xi32, #tpu.memory_space<vmem>>
    %dma_wait3A_1311 = tpu.memref_squeeze %dma_wait3A_1310 : memref<1x125xi32, #tpu.memory_space<vmem>> -> memref<125xi32, #tpu.memory_space<vmem>>
    %dma_wait3A_1312 = arith.constant 0 : i32
    %dma_wait3A_1313 = tpu.memref_slice %arg3[%add3A_1186, %dma_wait3A_1312] : memref<800x125xi32, #tpu.memory_space<hbm>> -> memref<1x125xi32, #tpu.memory_space<hbm>>
    %dma_wait3A_1314 = tpu.memref_squeeze %dma_wait3A_1313 : memref<1x125xi32, #tpu.memory_space<hbm>> -> memref<125xi32, #tpu.memory_space<hbm>>
    tpu.wait_dma2 semaphore(%dma_wait3A_1308 : memref<!tpu.dma_semaphore, #tpu.memory_space<semaphore_mem>>) src(%dma_wait3A_1314 : memref<125xi32, #tpu.memory_space<hbm>>) dst(%dma_wait3A_1311 : memref<125xi32, #tpu.memory_space<vmem>>)
    %dma_wait3A_1315 = arith.constant 0 : i32
    %dma_wait3A_1316 = arith.constant 0 : i32
    %dma_wait3A_1317 = arith.constant 0 : i32
    %dma_wait3A_1318 = arith.constant 0 : i32
    %dma_wait3A_1319 = tpu.memref_slice %arg6[%dma_wait3A_1315, %dma_wait3A_1317, %dma_wait3A_1318] : memref<2x125x128xf32, #tpu.memory_space<vmem>> -> memref<1x125x128xf32, #tpu.memory_space<vmem>>
    %dma_wait3A_1320 = tpu.memref_squeeze %dma_wait3A_1319 : memref<1x125x128xf32, #tpu.memory_space<vmem>> -> memref<125x128xf32, #tpu.memory_space<vmem>>
    %dma_wait3A_1321 = arith.constant 0 : i32
    %dma_wait3A_1322 = arith.constant 0 : i32
    %dma_wait3A_1323 = tpu.memref_slice %arg2[%add3A_1186, %dma_wait3A_1321, %dma_wait3A_1322] : memref<800x125x128xf32, #tpu.memory_space<hbm>> -> memref<1x125x128xf32, #tpu.memory_space<hbm>>
    %dma_wait3A_1324 = tpu.memref_squeeze %dma_wait3A_1323 : memref<1x125x128xf32, #tpu.memory_space<hbm>> -> memref<125x128xf32, #tpu.memory_space<hbm>>
    %dma_wait3A_1325 = tpu.memref_slice %arg9[%dma_wait3A_1316] : memref<2x!tpu.dma_semaphore, #tpu.memory_space<semaphore_mem>> -> memref<1x!tpu.dma_semaphore, #tpu.memory_space<semaphore_mem>>
    %dma_wait3A_1326 = tpu.memref_squeeze %dma_wait3A_1325 : memref<1x!tpu.dma_semaphore, #tpu.memory_space<semaphore_mem>> -> memref<!tpu.dma_semaphore, #tpu.memory_space<semaphore_mem>>
    %dma_wait3A_1327 = arith.constant 0 : i32
    %dma_wait3A_1328 = arith.constant 0 : i32
    %dma_wait3A_1329 = tpu.memref_slice %arg6[%dma_wait3A_1315, %dma_wait3A_1327, %dma_wait3A_1328] : memref<2x125x128xf32, #tpu.memory_space<vmem>> -> memref<1x125x128xf32, #tpu.memory_space<vmem>>
    %dma_wait3A_1330 = tpu.memref_squeeze %dma_wait3A_1329 : memref<1x125x128xf32, #tpu.memory_space<vmem>> -> memref<125x128xf32, #tpu.memory_space<vmem>>
    %dma_wait3A_1331 = arith.constant 0 : i32
    %dma_wait3A_1332 = arith.constant 0 : i32
    %dma_wait3A_1333 = tpu.memref_slice %arg2[%add3A_1186, %dma_wait3A_1331, %dma_wait3A_1332] : memref<800x125x128xf32, #tpu.memory_space<hbm>> -> memref<1x125x128xf32, #tpu.memory_space<hbm>>
    %dma_wait3A_1334 = tpu.memref_squeeze %dma_wait3A_1333 : memref<1x125x128xf32, #tpu.memory_space<hbm>> -> memref<125x128xf32, #tpu.memory_space<hbm>>
    tpu.wait_dma2 semaphore(%dma_wait3A_1326 : memref<!tpu.dma_semaphore, #tpu.memory_space<semaphore_mem>>) src(%dma_wait3A_1334 : memref<125x128xf32, #tpu.memory_space<hbm>>) dst(%dma_wait3A_1330 : memref<125x128xf32, #tpu.memory_space<vmem>>)
    %run_scoped3A_1335 = arith.constant 0 : i32
    %run_scoped3A_1336 = arith.constant 0 : i32
    "tpu.region"() ({
      %run_scoped3A_1912 = tpu.sem_alloc : memref<!tpu.dma_semaphore, #tpu.memory_space<semaphore_mem>>
      %dma_start3A_1913 = arith.constant 0 : i32
      %dma_start3A_1914 = arith.constant 0 : i32
      %dma_start3A_1915 = tpu.memref_slice %arg6[%run_scoped3A_1335, %dma_start3A_1913, %dma_start3A_1914] : memref<2x125x128xf32, #tpu.memory_space<vmem>> -> memref<1x125x128xf32, #tpu.memory_space<vmem>>
      %dma_start3A_1916 = tpu.memref_squeeze %dma_start3A_1915 : memref<1x125x128xf32, #tpu.memory_space<vmem>> -> memref<125x128xf32, #tpu.memory_space<vmem>>
      %dma_start3A_1917 = arith.constant 0 : i32
      %dma_start3A_1918 = tpu.memref_slice %arg7[%run_scoped3A_1336, %dma_start3A_1917] : memref<2x125xi32, #tpu.memory_space<vmem>> -> memref<1x125xi32, #tpu.memory_space<vmem>>
      %dma_start3A_1919 = tpu.memref_squeeze %dma_start3A_1918 : memref<1x125xi32, #tpu.memory_space<vmem>> -> memref<125xi32, #tpu.memory_space<vmem>>
      %dma_start3A_1920 = arith.constant 0 : i32
      %dma_start3A_1921 = arith.constant 0 : i32
      %dma_start3A_1922 = tpu.memref_slice %arg5[%dma_start3A_1920, %dma_start3A_1921] : memref<512x128xf32, #tpu.memory_space<vmem_shared>> -> memref<512x128xf32, #tpu.memory_space<vmem_shared>>
      tpu.enqueue_indirect_dma source(%dma_start3A_1916 : memref<125x128xf32, #tpu.memory_space<vmem>>) target(%dma_start3A_1922 : memref<512x128xf32, #tpu.memory_space<vmem_shared>>) offsets(%dma_start3A_1919 : memref<125xi32, #tpu.memory_space<vmem>>) semaphore(%run_scoped3A_1912 : memref<!tpu.dma_semaphore, #tpu.memory_space<semaphore_mem>>) {add = true}
      %dma_wait3A_1923 = arith.constant 0 : i32
      %dma_wait3A_1924 = arith.constant 0 : i32
      %dma_wait3A_1925 = tpu.memref_slice %arg6[%run_scoped3A_1335, %dma_wait3A_1923, %dma_wait3A_1924] : memref<2x125x128xf32, #tpu.memory_space<vmem>> -> memref<1x125x128xf32, #tpu.memory_space<vmem>>
      %dma_wait3A_1926 = tpu.memref_squeeze %dma_wait3A_1925 : memref<1x125x128xf32, #tpu.memory_space<vmem>> -> memref<125x128xf32, #tpu.memory_space<vmem>>
      %dma_wait3A_1927 = arith.constant 0 : i32
      %dma_wait3A_1928 = tpu.memref_slice %arg7[%run_scoped3A_1336, %dma_wait3A_1927] : memref<2x125xi32, #tpu.memory_space<vmem>> -> memref<1x125xi32, #tpu.memory_space<vmem>>
      %dma_wait3A_1929 = tpu.memref_squeeze %dma_wait3A_1928 : memref<1x125xi32, #tpu.memory_space<vmem>> -> memref<125xi32, #tpu.memory_space<vmem>>
      %dma_wait3A_1930 = arith.constant 0 : i32
      %dma_wait3A_1931 = arith.constant 0 : i32
      %dma_wait3A_1932 = tpu.memref_slice %arg5[%dma_wait3A_1930, %dma_wait3A_1931] : memref<512x128xf32, #tpu.memory_space<vmem_shared>> -> memref<512x128xf32, #tpu.memory_space<vmem_shared>>
      tpu.wait_indirect_dma semaphore(%run_scoped3A_1912 : memref<!tpu.dma_semaphore, #tpu.memory_space<semaphore_mem>>) src(%dma_wait3A_1926 : memref<125x128xf32, #tpu.memory_space<vmem>>) dst(%dma_wait3A_1932 : memref<512x128xf32, #tpu.memory_space<vmem_shared>>)
      tpu.yield
    }) : () -> ()
    %add3A_1337 = arith.constant 576 : i32
    %add3A_1338 = arith.addi %add3A, %add3A_1337 : i32
    %dma_start3A_1339 = arith.constant 0 : i32
    %dma_start3A_1340 = arith.constant 0 : i32
    %dma_start3A_1341 = arith.constant 0 : i32
    %dma_start3A_1342 = tpu.memref_slice %arg7[%dma_start3A_1339, %dma_start3A_1341] : memref<2x125xi32, #tpu.memory_space<vmem>> -> memref<1x125xi32, #tpu.memory_space<vmem>>
    %dma_start3A_1343 = tpu.memref_squeeze %dma_start3A_1342 : memref<1x125xi32, #tpu.memory_space<vmem>> -> memref<125xi32, #tpu.memory_space<vmem>>
    %dma_start3A_1344 = arith.constant 0 : i32
    %dma_start3A_1345 = tpu.memref_slice %arg3[%add3A_1338, %dma_start3A_1344] : memref<800x125xi32, #tpu.memory_space<hbm>> -> memref<1x125xi32, #tpu.memory_space<hbm>>
    %dma_start3A_1346 = tpu.memref_squeeze %dma_start3A_1345 : memref<1x125xi32, #tpu.memory_space<hbm>> -> memref<125xi32, #tpu.memory_space<hbm>>
    %dma_start3A_1347 = tpu.memref_slice %arg8[%dma_start3A_1340] : memref<2x!tpu.dma_semaphore, #tpu.memory_space<semaphore_mem>> -> memref<1x!tpu.dma_semaphore, #tpu.memory_space<semaphore_mem>>
    %dma_start3A_1348 = tpu.memref_squeeze %dma_start3A_1347 : memref<1x!tpu.dma_semaphore, #tpu.memory_space<semaphore_mem>> -> memref<!tpu.dma_semaphore, #tpu.memory_space<semaphore_mem>>
    %dma_start3A_1349 = arith.constant 0 : i32
    %dma_start3A_1350 = tpu.memref_slice %arg7[%dma_start3A_1339, %dma_start3A_1349] : memref<2x125xi32, #tpu.memory_space<vmem>> -> memref<1x125xi32, #tpu.memory_space<vmem>>
    %dma_start3A_1351 = tpu.memref_squeeze %dma_start3A_1350 : memref<1x125xi32, #tpu.memory_space<vmem>> -> memref<125xi32, #tpu.memory_space<vmem>>
    %dma_start3A_1352 = arith.constant 0 : i32
    %dma_start3A_1353 = tpu.memref_slice %arg3[%add3A_1338, %dma_start3A_1352] : memref<800x125xi32, #tpu.memory_space<hbm>> -> memref<1x125xi32, #tpu.memory_space<hbm>>
    %dma_start3A_1354 = tpu.memref_squeeze %dma_start3A_1353 : memref<1x125xi32, #tpu.memory_space<hbm>> -> memref<125xi32, #tpu.memory_space<hbm>>
    tpu.enqueue_dma source(%dma_start3A_1354 : memref<125xi32, #tpu.memory_space<hbm>>) target(%dma_start3A_1351 : memref<125xi32, #tpu.memory_space<vmem>>) target_semaphore(%dma_start3A_1348 : memref<!tpu.dma_semaphore, #tpu.memory_space<semaphore_mem>>)
    %dma_start3A_1355 = arith.constant 0 : i32
    %dma_start3A_1356 = arith.constant 0 : i32
    %dma_start3A_1357 = arith.constant 0 : i32
    %dma_start3A_1358 = arith.constant 0 : i32
    %dma_start3A_1359 = tpu.memref_slice %arg6[%dma_start3A_1355, %dma_start3A_1357, %dma_start3A_1358] : memref<2x125x128xf32, #tpu.memory_space<vmem>> -> memref<1x125x128xf32, #tpu.memory_space<vmem>>
    %dma_start3A_1360 = tpu.memref_squeeze %dma_start3A_1359 : memref<1x125x128xf32, #tpu.memory_space<vmem>> -> memref<125x128xf32, #tpu.memory_space<vmem>>
    %dma_start3A_1361 = arith.constant 0 : i32
    %dma_start3A_1362 = arith.constant 0 : i32
    %dma_start3A_1363 = tpu.memref_slice %arg2[%add3A_1338, %dma_start3A_1361, %dma_start3A_1362] : memref<800x125x128xf32, #tpu.memory_space<hbm>> -> memref<1x125x128xf32, #tpu.memory_space<hbm>>
    %dma_start3A_1364 = tpu.memref_squeeze %dma_start3A_1363 : memref<1x125x128xf32, #tpu.memory_space<hbm>> -> memref<125x128xf32, #tpu.memory_space<hbm>>
    %dma_start3A_1365 = tpu.memref_slice %arg9[%dma_start3A_1356] : memref<2x!tpu.dma_semaphore, #tpu.memory_space<semaphore_mem>> -> memref<1x!tpu.dma_semaphore, #tpu.memory_space<semaphore_mem>>
    %dma_start3A_1366 = tpu.memref_squeeze %dma_start3A_1365 : memref<1x!tpu.dma_semaphore, #tpu.memory_space<semaphore_mem>> -> memref<!tpu.dma_semaphore, #tpu.memory_space<semaphore_mem>>
    %dma_start3A_1367 = arith.constant 0 : i32
    %dma_start3A_1368 = arith.constant 0 : i32
    %dma_start3A_1369 = tpu.memref_slice %arg6[%dma_start3A_1355, %dma_start3A_1367, %dma_start3A_1368] : memref<2x125x128xf32, #tpu.memory_space<vmem>> -> memref<1x125x128xf32, #tpu.memory_space<vmem>>
    %dma_start3A_1370 = tpu.memref_squeeze %dma_start3A_1369 : memref<1x125x128xf32, #tpu.memory_space<vmem>> -> memref<125x128xf32, #tpu.memory_space<vmem>>
    %dma_start3A_1371 = arith.constant 0 : i32
    %dma_start3A_1372 = arith.constant 0 : i32
    %dma_start3A_1373 = tpu.memref_slice %arg2[%add3A_1338, %dma_start3A_1371, %dma_start3A_1372] : memref<800x125x128xf32, #tpu.memory_space<hbm>> -> memref<1x125x128xf32, #tpu.memory_space<hbm>>
    %dma_start3A_1374 = tpu.memref_squeeze %dma_start3A_1373 : memref<1x125x128xf32, #tpu.memory_space<hbm>> -> memref<125x128xf32, #tpu.memory_space<hbm>>
    tpu.enqueue_dma source(%dma_start3A_1374 : memref<125x128xf32, #tpu.memory_space<hbm>>) target(%dma_start3A_1370 : memref<125x128xf32, #tpu.memory_space<vmem>>) target_semaphore(%dma_start3A_1366 : memref<!tpu.dma_semaphore, #tpu.memory_space<semaphore_mem>>)
    %dma_wait3A_1375 = arith.constant 1 : i32
    %dma_wait3A_1376 = arith.constant 1 : i32
    %dma_wait3A_1377 = arith.constant 0 : i32
    %dma_wait3A_1378 = tpu.memref_slice %arg7[%dma_wait3A_1375, %dma_wait3A_1377] : memref<2x125xi32, #tpu.memory_space<vmem>> -> memref<1x125xi32, #tpu.memory_space<vmem>>
    %dma_wait3A_1379 = tpu.memref_squeeze %dma_wait3A_1378 : memref<1x125xi32, #tpu.memory_space<vmem>> -> memref<125xi32, #tpu.memory_space<vmem>>
    %dma_wait3A_1380 = arith.constant 0 : i32
    %dma_wait3A_1381 = tpu.memref_slice %arg3[%add3A_1262, %dma_wait3A_1380] : memref<800x125xi32, #tpu.memory_space<hbm>> -> memref<1x125xi32, #tpu.memory_space<hbm>>
    %dma_wait3A_1382 = tpu.memref_squeeze %dma_wait3A_1381 : memref<1x125xi32, #tpu.memory_space<hbm>> -> memref<125xi32, #tpu.memory_space<hbm>>
    %dma_wait3A_1383 = tpu.memref_slice %arg8[%dma_wait3A_1376] : memref<2x!tpu.dma_semaphore, #tpu.memory_space<semaphore_mem>> -> memref<1x!tpu.dma_semaphore, #tpu.memory_space<semaphore_mem>>
    %dma_wait3A_1384 = tpu.memref_squeeze %dma_wait3A_1383 : memref<1x!tpu.dma_semaphore, #tpu.memory_space<semaphore_mem>> -> memref<!tpu.dma_semaphore, #tpu.memory_space<semaphore_mem>>
    %dma_wait3A_1385 = arith.constant 0 : i32
    %dma_wait3A_1386 = tpu.memref_slice %arg7[%dma_wait3A_1375, %dma_wait3A_1385] : memref<2x125xi32, #tpu.memory_space<vmem>> -> memref<1x125xi32, #tpu.memory_space<vmem>>
    %dma_wait3A_1387 = tpu.memref_squeeze %dma_wait3A_1386 : memref<1x125xi32, #tpu.memory_space<vmem>> -> memref<125xi32, #tpu.memory_space<vmem>>
    %dma_wait3A_1388 = arith.constant 0 : i32
    %dma_wait3A_1389 = tpu.memref_slice %arg3[%add3A_1262, %dma_wait3A_1388] : memref<800x125xi32, #tpu.memory_space<hbm>> -> memref<1x125xi32, #tpu.memory_space<hbm>>
    %dma_wait3A_1390 = tpu.memref_squeeze %dma_wait3A_1389 : memref<1x125xi32, #tpu.memory_space<hbm>> -> memref<125xi32, #tpu.memory_space<hbm>>
    tpu.wait_dma2 semaphore(%dma_wait3A_1384 : memref<!tpu.dma_semaphore, #tpu.memory_space<semaphore_mem>>) src(%dma_wait3A_1390 : memref<125xi32, #tpu.memory_space<hbm>>) dst(%dma_wait3A_1387 : memref<125xi32, #tpu.memory_space<vmem>>)
    %dma_wait3A_1391 = arith.constant 1 : i32
    %dma_wait3A_1392 = arith.constant 1 : i32
    %dma_wait3A_1393 = arith.constant 0 : i32
    %dma_wait3A_1394 = arith.constant 0 : i32
    %dma_wait3A_1395 = tpu.memref_slice %arg6[%dma_wait3A_1391, %dma_wait3A_1393, %dma_wait3A_1394] : memref<2x125x128xf32, #tpu.memory_space<vmem>> -> memref<1x125x128xf32, #tpu.memory_space<vmem>>
    %dma_wait3A_1396 = tpu.memref_squeeze %dma_wait3A_1395 : memref<1x125x128xf32, #tpu.memory_space<vmem>> -> memref<125x128xf32, #tpu.memory_space<vmem>>
    %dma_wait3A_1397 = arith.constant 0 : i32
    %dma_wait3A_1398 = arith.constant 0 : i32
    %dma_wait3A_1399 = tpu.memref_slice %arg2[%add3A_1262, %dma_wait3A_1397, %dma_wait3A_1398] : memref<800x125x128xf32, #tpu.memory_space<hbm>> -> memref<1x125x128xf32, #tpu.memory_space<hbm>>
    %dma_wait3A_1400 = tpu.memref_squeeze %dma_wait3A_1399 : memref<1x125x128xf32, #tpu.memory_space<hbm>> -> memref<125x128xf32, #tpu.memory_space<hbm>>
    %dma_wait3A_1401 = tpu.memref_slice %arg9[%dma_wait3A_1392] : memref<2x!tpu.dma_semaphore, #tpu.memory_space<semaphore_mem>> -> memref<1x!tpu.dma_semaphore, #tpu.memory_space<semaphore_mem>>
    %dma_wait3A_1402 = tpu.memref_squeeze %dma_wait3A_1401 : memref<1x!tpu.dma_semaphore, #tpu.memory_space<semaphore_mem>> -> memref<!tpu.dma_semaphore, #tpu.memory_space<semaphore_mem>>
    %dma_wait3A_1403 = arith.constant 0 : i32
    %dma_wait3A_1404 = arith.constant 0 : i32
    %dma_wait3A_1405 = tpu.memref_slice %arg6[%dma_wait3A_1391, %dma_wait3A_1403, %dma_wait3A_1404] : memref<2x125x128xf32, #tpu.memory_space<vmem>> -> memref<1x125x128xf32, #tpu.memory_space<vmem>>
    %dma_wait3A_1406 = tpu.memref_squeeze %dma_wait3A_1405 : memref<1x125x128xf32, #tpu.memory_space<vmem>> -> memref<125x128xf32, #tpu.memory_space<vmem>>
    %dma_wait3A_1407 = arith.constant 0 : i32
    %dma_wait3A_1408 = arith.constant 0 : i32
    %dma_wait3A_1409 = tpu.memref_slice %arg2[%add3A_1262, %dma_wait3A_1407, %dma_wait3A_1408] : memref<800x125x128xf32, #tpu.memory_space<hbm>> -> memref<1x125x128xf32, #tpu.memory_space<hbm>>
    %dma_wait3A_1410 = tpu.memref_squeeze %dma_wait3A_1409 : memref<1x125x128xf32, #tpu.memory_space<hbm>> -> memref<125x128xf32, #tpu.memory_space<hbm>>
    tpu.wait_dma2 semaphore(%dma_wait3A_1402 : memref<!tpu.dma_semaphore, #tpu.memory_space<semaphore_mem>>) src(%dma_wait3A_1410 : memref<125x128xf32, #tpu.memory_space<hbm>>) dst(%dma_wait3A_1406 : memref<125x128xf32, #tpu.memory_space<vmem>>)
    %run_scoped3A_1411 = arith.constant 1 : i32
    %run_scoped3A_1412 = arith.constant 1 : i32
    "tpu.region"() ({
      %run_scoped3A_1912 = tpu.sem_alloc : memref<!tpu.dma_semaphore, #tpu.memory_space<semaphore_mem>>
      %dma_start3A_1913 = arith.constant 0 : i32
      %dma_start3A_1914 = arith.constant 0 : i32
      %dma_start3A_1915 = tpu.memref_slice %arg6[%run_scoped3A_1411, %dma_start3A_1913, %dma_start3A_1914] : memref<2x125x128xf32, #tpu.memory_space<vmem>> -> memref<1x125x128xf32, #tpu.memory_space<vmem>>
      %dma_start3A_1916 = tpu.memref_squeeze %dma_start3A_1915 : memref<1x125x128xf32, #tpu.memory_space<vmem>> -> memref<125x128xf32, #tpu.memory_space<vmem>>
      %dma_start3A_1917 = arith.constant 0 : i32
      %dma_start3A_1918 = tpu.memref_slice %arg7[%run_scoped3A_1412, %dma_start3A_1917] : memref<2x125xi32, #tpu.memory_space<vmem>> -> memref<1x125xi32, #tpu.memory_space<vmem>>
      %dma_start3A_1919 = tpu.memref_squeeze %dma_start3A_1918 : memref<1x125xi32, #tpu.memory_space<vmem>> -> memref<125xi32, #tpu.memory_space<vmem>>
      %dma_start3A_1920 = arith.constant 0 : i32
      %dma_start3A_1921 = arith.constant 0 : i32
      %dma_start3A_1922 = tpu.memref_slice %arg5[%dma_start3A_1920, %dma_start3A_1921] : memref<512x128xf32, #tpu.memory_space<vmem_shared>> -> memref<512x128xf32, #tpu.memory_space<vmem_shared>>
      tpu.enqueue_indirect_dma source(%dma_start3A_1916 : memref<125x128xf32, #tpu.memory_space<vmem>>) target(%dma_start3A_1922 : memref<512x128xf32, #tpu.memory_space<vmem_shared>>) offsets(%dma_start3A_1919 : memref<125xi32, #tpu.memory_space<vmem>>) semaphore(%run_scoped3A_1912 : memref<!tpu.dma_semaphore, #tpu.memory_space<semaphore_mem>>) {add = true}
      %dma_wait3A_1923 = arith.constant 0 : i32
      %dma_wait3A_1924 = arith.constant 0 : i32
      %dma_wait3A_1925 = tpu.memref_slice %arg6[%run_scoped3A_1411, %dma_wait3A_1923, %dma_wait3A_1924] : memref<2x125x128xf32, #tpu.memory_space<vmem>> -> memref<1x125x128xf32, #tpu.memory_space<vmem>>
      %dma_wait3A_1926 = tpu.memref_squeeze %dma_wait3A_1925 : memref<1x125x128xf32, #tpu.memory_space<vmem>> -> memref<125x128xf32, #tpu.memory_space<vmem>>
      %dma_wait3A_1927 = arith.constant 0 : i32
      %dma_wait3A_1928 = tpu.memref_slice %arg7[%run_scoped3A_1412, %dma_wait3A_1927] : memref<2x125xi32, #tpu.memory_space<vmem>> -> memref<1x125xi32, #tpu.memory_space<vmem>>
      %dma_wait3A_1929 = tpu.memref_squeeze %dma_wait3A_1928 : memref<1x125xi32, #tpu.memory_space<vmem>> -> memref<125xi32, #tpu.memory_space<vmem>>
      %dma_wait3A_1930 = arith.constant 0 : i32
      %dma_wait3A_1931 = arith.constant 0 : i32
      %dma_wait3A_1932 = tpu.memref_slice %arg5[%dma_wait3A_1930, %dma_wait3A_1931] : memref<512x128xf32, #tpu.memory_space<vmem_shared>> -> memref<512x128xf32, #tpu.memory_space<vmem_shared>>
      tpu.wait_indirect_dma semaphore(%run_scoped3A_1912 : memref<!tpu.dma_semaphore, #tpu.memory_space<semaphore_mem>>) src(%dma_wait3A_1926 : memref<125x128xf32, #tpu.memory_space<vmem>>) dst(%dma_wait3A_1932 : memref<512x128xf32, #tpu.memory_space<vmem_shared>>)
      tpu.yield
    }) : () -> ()
    %add3A_1413 = arith.constant 608 : i32
    %add3A_1414 = arith.addi %add3A, %add3A_1413 : i32
    %dma_start3A_1415 = arith.constant 1 : i32
    %dma_start3A_1416 = arith.constant 1 : i32
    %dma_start3A_1417 = arith.constant 0 : i32
    %dma_start3A_1418 = tpu.memref_slice %arg7[%dma_start3A_1415, %dma_start3A_1417] : memref<2x125xi32, #tpu.memory_space<vmem>> -> memref<1x125xi32, #tpu.memory_space<vmem>>
    %dma_start3A_1419 = tpu.memref_squeeze %dma_start3A_1418 : memref<1x125xi32, #tpu.memory_space<vmem>> -> memref<125xi32, #tpu.memory_space<vmem>>
    %dma_start3A_1420 = arith.constant 0 : i32
    %dma_start3A_1421 = tpu.memref_slice %arg3[%add3A_1414, %dma_start3A_1420] : memref<800x125xi32, #tpu.memory_space<hbm>> -> memref<1x125xi32, #tpu.memory_space<hbm>>
    %dma_start3A_1422 = tpu.memref_squeeze %dma_start3A_1421 : memref<1x125xi32, #tpu.memory_space<hbm>> -> memref<125xi32, #tpu.memory_space<hbm>>
    %dma_start3A_1423 = tpu.memref_slice %arg8[%dma_start3A_1416] : memref<2x!tpu.dma_semaphore, #tpu.memory_space<semaphore_mem>> -> memref<1x!tpu.dma_semaphore, #tpu.memory_space<semaphore_mem>>
    %dma_start3A_1424 = tpu.memref_squeeze %dma_start3A_1423 : memref<1x!tpu.dma_semaphore, #tpu.memory_space<semaphore_mem>> -> memref<!tpu.dma_semaphore, #tpu.memory_space<semaphore_mem>>
    %dma_start3A_1425 = arith.constant 0 : i32
    %dma_start3A_1426 = tpu.memref_slice %arg7[%dma_start3A_1415, %dma_start3A_1425] : memref<2x125xi32, #tpu.memory_space<vmem>> -> memref<1x125xi32, #tpu.memory_space<vmem>>
    %dma_start3A_1427 = tpu.memref_squeeze %dma_start3A_1426 : memref<1x125xi32, #tpu.memory_space<vmem>> -> memref<125xi32, #tpu.memory_space<vmem>>
    %dma_start3A_1428 = arith.constant 0 : i32
    %dma_start3A_1429 = tpu.memref_slice %arg3[%add3A_1414, %dma_start3A_1428] : memref<800x125xi32, #tpu.memory_space<hbm>> -> memref<1x125xi32, #tpu.memory_space<hbm>>
    %dma_start3A_1430 = tpu.memref_squeeze %dma_start3A_1429 : memref<1x125xi32, #tpu.memory_space<hbm>> -> memref<125xi32, #tpu.memory_space<hbm>>
    tpu.enqueue_dma source(%dma_start3A_1430 : memref<125xi32, #tpu.memory_space<hbm>>) target(%dma_start3A_1427 : memref<125xi32, #tpu.memory_space<vmem>>) target_semaphore(%dma_start3A_1424 : memref<!tpu.dma_semaphore, #tpu.memory_space<semaphore_mem>>)
    %dma_start3A_1431 = arith.constant 1 : i32
    %dma_start3A_1432 = arith.constant 1 : i32
    %dma_start3A_1433 = arith.constant 0 : i32
    %dma_start3A_1434 = arith.constant 0 : i32
    %dma_start3A_1435 = tpu.memref_slice %arg6[%dma_start3A_1431, %dma_start3A_1433, %dma_start3A_1434] : memref<2x125x128xf32, #tpu.memory_space<vmem>> -> memref<1x125x128xf32, #tpu.memory_space<vmem>>
    %dma_start3A_1436 = tpu.memref_squeeze %dma_start3A_1435 : memref<1x125x128xf32, #tpu.memory_space<vmem>> -> memref<125x128xf32, #tpu.memory_space<vmem>>
    %dma_start3A_1437 = arith.constant 0 : i32
    %dma_start3A_1438 = arith.constant 0 : i32
    %dma_start3A_1439 = tpu.memref_slice %arg2[%add3A_1414, %dma_start3A_1437, %dma_start3A_1438] : memref<800x125x128xf32, #tpu.memory_space<hbm>> -> memref<1x125x128xf32, #tpu.memory_space<hbm>>
    %dma_start3A_1440 = tpu.memref_squeeze %dma_start3A_1439 : memref<1x125x128xf32, #tpu.memory_space<hbm>> -> memref<125x128xf32, #tpu.memory_space<hbm>>
    %dma_start3A_1441 = tpu.memref_slice %arg9[%dma_start3A_1432] : memref<2x!tpu.dma_semaphore, #tpu.memory_space<semaphore_mem>> -> memref<1x!tpu.dma_semaphore, #tpu.memory_space<semaphore_mem>>
    %dma_start3A_1442 = tpu.memref_squeeze %dma_start3A_1441 : memref<1x!tpu.dma_semaphore, #tpu.memory_space<semaphore_mem>> -> memref<!tpu.dma_semaphore, #tpu.memory_space<semaphore_mem>>
    %dma_start3A_1443 = arith.constant 0 : i32
    %dma_start3A_1444 = arith.constant 0 : i32
    %dma_start3A_1445 = tpu.memref_slice %arg6[%dma_start3A_1431, %dma_start3A_1443, %dma_start3A_1444] : memref<2x125x128xf32, #tpu.memory_space<vmem>> -> memref<1x125x128xf32, #tpu.memory_space<vmem>>
    %dma_start3A_1446 = tpu.memref_squeeze %dma_start3A_1445 : memref<1x125x128xf32, #tpu.memory_space<vmem>> -> memref<125x128xf32, #tpu.memory_space<vmem>>
    %dma_start3A_1447 = arith.constant 0 : i32
    %dma_start3A_1448 = arith.constant 0 : i32
    %dma_start3A_1449 = tpu.memref_slice %arg2[%add3A_1414, %dma_start3A_1447, %dma_start3A_1448] : memref<800x125x128xf32, #tpu.memory_space<hbm>> -> memref<1x125x128xf32, #tpu.memory_space<hbm>>
    %dma_start3A_1450 = tpu.memref_squeeze %dma_start3A_1449 : memref<1x125x128xf32, #tpu.memory_space<hbm>> -> memref<125x128xf32, #tpu.memory_space<hbm>>
    tpu.enqueue_dma source(%dma_start3A_1450 : memref<125x128xf32, #tpu.memory_space<hbm>>) target(%dma_start3A_1446 : memref<125x128xf32, #tpu.memory_space<vmem>>) target_semaphore(%dma_start3A_1442 : memref<!tpu.dma_semaphore, #tpu.memory_space<semaphore_mem>>)
    %dma_wait3A_1451 = arith.constant 0 : i32
    %dma_wait3A_1452 = arith.constant 0 : i32
    %dma_wait3A_1453 = arith.constant 0 : i32
    %dma_wait3A_1454 = tpu.memref_slice %arg7[%dma_wait3A_1451, %dma_wait3A_1453] : memref<2x125xi32, #tpu.memory_space<vmem>> -> memref<1x125xi32, #tpu.memory_space<vmem>>
    %dma_wait3A_1455 = tpu.memref_squeeze %dma_wait3A_1454 : memref<1x125xi32, #tpu.memory_space<vmem>> -> memref<125xi32, #tpu.memory_space<vmem>>
    %dma_wait3A_1456 = arith.constant 0 : i32
    %dma_wait3A_1457 = tpu.memref_slice %arg3[%add3A_1338, %dma_wait3A_1456] : memref<800x125xi32, #tpu.memory_space<hbm>> -> memref<1x125xi32, #tpu.memory_space<hbm>>
    %dma_wait3A_1458 = tpu.memref_squeeze %dma_wait3A_1457 : memref<1x125xi32, #tpu.memory_space<hbm>> -> memref<125xi32, #tpu.memory_space<hbm>>
    %dma_wait3A_1459 = tpu.memref_slice %arg8[%dma_wait3A_1452] : memref<2x!tpu.dma_semaphore, #tpu.memory_space<semaphore_mem>> -> memref<1x!tpu.dma_semaphore, #tpu.memory_space<semaphore_mem>>
    %dma_wait3A_1460 = tpu.memref_squeeze %dma_wait3A_1459 : memref<1x!tpu.dma_semaphore, #tpu.memory_space<semaphore_mem>> -> memref<!tpu.dma_semaphore, #tpu.memory_space<semaphore_mem>>
    %dma_wait3A_1461 = arith.constant 0 : i32
    %dma_wait3A_1462 = tpu.memref_slice %arg7[%dma_wait3A_1451, %dma_wait3A_1461] : memref<2x125xi32, #tpu.memory_space<vmem>> -> memref<1x125xi32, #tpu.memory_space<vmem>>
    %dma_wait3A_1463 = tpu.memref_squeeze %dma_wait3A_1462 : memref<1x125xi32, #tpu.memory_space<vmem>> -> memref<125xi32, #tpu.memory_space<vmem>>
    %dma_wait3A_1464 = arith.constant 0 : i32
    %dma_wait3A_1465 = tpu.memref_slice %arg3[%add3A_1338, %dma_wait3A_1464] : memref<800x125xi32, #tpu.memory_space<hbm>> -> memref<1x125xi32, #tpu.memory_space<hbm>>
    %dma_wait3A_1466 = tpu.memref_squeeze %dma_wait3A_1465 : memref<1x125xi32, #tpu.memory_space<hbm>> -> memref<125xi32, #tpu.memory_space<hbm>>
    tpu.wait_dma2 semaphore(%dma_wait3A_1460 : memref<!tpu.dma_semaphore, #tpu.memory_space<semaphore_mem>>) src(%dma_wait3A_1466 : memref<125xi32, #tpu.memory_space<hbm>>) dst(%dma_wait3A_1463 : memref<125xi32, #tpu.memory_space<vmem>>)
    %dma_wait3A_1467 = arith.constant 0 : i32
    %dma_wait3A_1468 = arith.constant 0 : i32
    %dma_wait3A_1469 = arith.constant 0 : i32
    %dma_wait3A_1470 = arith.constant 0 : i32
    %dma_wait3A_1471 = tpu.memref_slice %arg6[%dma_wait3A_1467, %dma_wait3A_1469, %dma_wait3A_1470] : memref<2x125x128xf32, #tpu.memory_space<vmem>> -> memref<1x125x128xf32, #tpu.memory_space<vmem>>
    %dma_wait3A_1472 = tpu.memref_squeeze %dma_wait3A_1471 : memref<1x125x128xf32, #tpu.memory_space<vmem>> -> memref<125x128xf32, #tpu.memory_space<vmem>>
    %dma_wait3A_1473 = arith.constant 0 : i32
    %dma_wait3A_1474 = arith.constant 0 : i32
    %dma_wait3A_1475 = tpu.memref_slice %arg2[%add3A_1338, %dma_wait3A_1473, %dma_wait3A_1474] : memref<800x125x128xf32, #tpu.memory_space<hbm>> -> memref<1x125x128xf32, #tpu.memory_space<hbm>>
    %dma_wait3A_1476 = tpu.memref_squeeze %dma_wait3A_1475 : memref<1x125x128xf32, #tpu.memory_space<hbm>> -> memref<125x128xf32, #tpu.memory_space<hbm>>
    %dma_wait3A_1477 = tpu.memref_slice %arg9[%dma_wait3A_1468] : memref<2x!tpu.dma_semaphore, #tpu.memory_space<semaphore_mem>> -> memref<1x!tpu.dma_semaphore, #tpu.memory_space<semaphore_mem>>
    %dma_wait3A_1478 = tpu.memref_squeeze %dma_wait3A_1477 : memref<1x!tpu.dma_semaphore, #tpu.memory_space<semaphore_mem>> -> memref<!tpu.dma_semaphore, #tpu.memory_space<semaphore_mem>>
    %dma_wait3A_1479 = arith.constant 0 : i32
    %dma_wait3A_1480 = arith.constant 0 : i32
    %dma_wait3A_1481 = tpu.memref_slice %arg6[%dma_wait3A_1467, %dma_wait3A_1479, %dma_wait3A_1480] : memref<2x125x128xf32, #tpu.memory_space<vmem>> -> memref<1x125x128xf32, #tpu.memory_space<vmem>>
    %dma_wait3A_1482 = tpu.memref_squeeze %dma_wait3A_1481 : memref<1x125x128xf32, #tpu.memory_space<vmem>> -> memref<125x128xf32, #tpu.memory_space<vmem>>
    %dma_wait3A_1483 = arith.constant 0 : i32
    %dma_wait3A_1484 = arith.constant 0 : i32
    %dma_wait3A_1485 = tpu.memref_slice %arg2[%add3A_1338, %dma_wait3A_1483, %dma_wait3A_1484] : memref<800x125x128xf32, #tpu.memory_space<hbm>> -> memref<1x125x128xf32, #tpu.memory_space<hbm>>
    %dma_wait3A_1486 = tpu.memref_squeeze %dma_wait3A_1485 : memref<1x125x128xf32, #tpu.memory_space<hbm>> -> memref<125x128xf32, #tpu.memory_space<hbm>>
    tpu.wait_dma2 semaphore(%dma_wait3A_1478 : memref<!tpu.dma_semaphore, #tpu.memory_space<semaphore_mem>>) src(%dma_wait3A_1486 : memref<125x128xf32, #tpu.memory_space<hbm>>) dst(%dma_wait3A_1482 : memref<125x128xf32, #tpu.memory_space<vmem>>)
    %run_scoped3A_1487 = arith.constant 0 : i32
    %run_scoped3A_1488 = arith.constant 0 : i32
    "tpu.region"() ({
      %run_scoped3A_1912 = tpu.sem_alloc : memref<!tpu.dma_semaphore, #tpu.memory_space<semaphore_mem>>
      %dma_start3A_1913 = arith.constant 0 : i32
      %dma_start3A_1914 = arith.constant 0 : i32
      %dma_start3A_1915 = tpu.memref_slice %arg6[%run_scoped3A_1487, %dma_start3A_1913, %dma_start3A_1914] : memref<2x125x128xf32, #tpu.memory_space<vmem>> -> memref<1x125x128xf32, #tpu.memory_space<vmem>>
      %dma_start3A_1916 = tpu.memref_squeeze %dma_start3A_1915 : memref<1x125x128xf32, #tpu.memory_space<vmem>> -> memref<125x128xf32, #tpu.memory_space<vmem>>
      %dma_start3A_1917 = arith.constant 0 : i32
      %dma_start3A_1918 = tpu.memref_slice %arg7[%run_scoped3A_1488, %dma_start3A_1917] : memref<2x125xi32, #tpu.memory_space<vmem>> -> memref<1x125xi32, #tpu.memory_space<vmem>>
      %dma_start3A_1919 = tpu.memref_squeeze %dma_start3A_1918 : memref<1x125xi32, #tpu.memory_space<vmem>> -> memref<125xi32, #tpu.memory_space<vmem>>
      %dma_start3A_1920 = arith.constant 0 : i32
      %dma_start3A_1921 = arith.constant 0 : i32
      %dma_start3A_1922 = tpu.memref_slice %arg5[%dma_start3A_1920, %dma_start3A_1921] : memref<512x128xf32, #tpu.memory_space<vmem_shared>> -> memref<512x128xf32, #tpu.memory_space<vmem_shared>>
      tpu.enqueue_indirect_dma source(%dma_start3A_1916 : memref<125x128xf32, #tpu.memory_space<vmem>>) target(%dma_start3A_1922 : memref<512x128xf32, #tpu.memory_space<vmem_shared>>) offsets(%dma_start3A_1919 : memref<125xi32, #tpu.memory_space<vmem>>) semaphore(%run_scoped3A_1912 : memref<!tpu.dma_semaphore, #tpu.memory_space<semaphore_mem>>) {add = true}
      %dma_wait3A_1923 = arith.constant 0 : i32
      %dma_wait3A_1924 = arith.constant 0 : i32
      %dma_wait3A_1925 = tpu.memref_slice %arg6[%run_scoped3A_1487, %dma_wait3A_1923, %dma_wait3A_1924] : memref<2x125x128xf32, #tpu.memory_space<vmem>> -> memref<1x125x128xf32, #tpu.memory_space<vmem>>
      %dma_wait3A_1926 = tpu.memref_squeeze %dma_wait3A_1925 : memref<1x125x128xf32, #tpu.memory_space<vmem>> -> memref<125x128xf32, #tpu.memory_space<vmem>>
      %dma_wait3A_1927 = arith.constant 0 : i32
      %dma_wait3A_1928 = tpu.memref_slice %arg7[%run_scoped3A_1488, %dma_wait3A_1927] : memref<2x125xi32, #tpu.memory_space<vmem>> -> memref<1x125xi32, #tpu.memory_space<vmem>>
      %dma_wait3A_1929 = tpu.memref_squeeze %dma_wait3A_1928 : memref<1x125xi32, #tpu.memory_space<vmem>> -> memref<125xi32, #tpu.memory_space<vmem>>
      %dma_wait3A_1930 = arith.constant 0 : i32
      %dma_wait3A_1931 = arith.constant 0 : i32
      %dma_wait3A_1932 = tpu.memref_slice %arg5[%dma_wait3A_1930, %dma_wait3A_1931] : memref<512x128xf32, #tpu.memory_space<vmem_shared>> -> memref<512x128xf32, #tpu.memory_space<vmem_shared>>
      tpu.wait_indirect_dma semaphore(%run_scoped3A_1912 : memref<!tpu.dma_semaphore, #tpu.memory_space<semaphore_mem>>) src(%dma_wait3A_1926 : memref<125x128xf32, #tpu.memory_space<vmem>>) dst(%dma_wait3A_1932 : memref<512x128xf32, #tpu.memory_space<vmem_shared>>)
      tpu.yield
    }) : () -> ()
    %add3A_1489 = arith.constant 640 : i32
    %add3A_1490 = arith.addi %add3A, %add3A_1489 : i32
    %dma_start3A_1491 = arith.constant 0 : i32
    %dma_start3A_1492 = arith.constant 0 : i32
    %dma_start3A_1493 = arith.constant 0 : i32
    %dma_start3A_1494 = tpu.memref_slice %arg7[%dma_start3A_1491, %dma_start3A_1493] : memref<2x125xi32, #tpu.memory_space<vmem>> -> memref<1x125xi32, #tpu.memory_space<vmem>>
    %dma_start3A_1495 = tpu.memref_squeeze %dma_start3A_1494 : memref<1x125xi32, #tpu.memory_space<vmem>> -> memref<125xi32, #tpu.memory_space<vmem>>
    %dma_start3A_1496 = arith.constant 0 : i32
    %dma_start3A_1497 = tpu.memref_slice %arg3[%add3A_1490, %dma_start3A_1496] : memref<800x125xi32, #tpu.memory_space<hbm>> -> memref<1x125xi32, #tpu.memory_space<hbm>>
    %dma_start3A_1498 = tpu.memref_squeeze %dma_start3A_1497 : memref<1x125xi32, #tpu.memory_space<hbm>> -> memref<125xi32, #tpu.memory_space<hbm>>
    %dma_start3A_1499 = tpu.memref_slice %arg8[%dma_start3A_1492] : memref<2x!tpu.dma_semaphore, #tpu.memory_space<semaphore_mem>> -> memref<1x!tpu.dma_semaphore, #tpu.memory_space<semaphore_mem>>
    %dma_start3A_1500 = tpu.memref_squeeze %dma_start3A_1499 : memref<1x!tpu.dma_semaphore, #tpu.memory_space<semaphore_mem>> -> memref<!tpu.dma_semaphore, #tpu.memory_space<semaphore_mem>>
    %dma_start3A_1501 = arith.constant 0 : i32
    %dma_start3A_1502 = tpu.memref_slice %arg7[%dma_start3A_1491, %dma_start3A_1501] : memref<2x125xi32, #tpu.memory_space<vmem>> -> memref<1x125xi32, #tpu.memory_space<vmem>>
    %dma_start3A_1503 = tpu.memref_squeeze %dma_start3A_1502 : memref<1x125xi32, #tpu.memory_space<vmem>> -> memref<125xi32, #tpu.memory_space<vmem>>
    %dma_start3A_1504 = arith.constant 0 : i32
    %dma_start3A_1505 = tpu.memref_slice %arg3[%add3A_1490, %dma_start3A_1504] : memref<800x125xi32, #tpu.memory_space<hbm>> -> memref<1x125xi32, #tpu.memory_space<hbm>>
    %dma_start3A_1506 = tpu.memref_squeeze %dma_start3A_1505 : memref<1x125xi32, #tpu.memory_space<hbm>> -> memref<125xi32, #tpu.memory_space<hbm>>
    tpu.enqueue_dma source(%dma_start3A_1506 : memref<125xi32, #tpu.memory_space<hbm>>) target(%dma_start3A_1503 : memref<125xi32, #tpu.memory_space<vmem>>) target_semaphore(%dma_start3A_1500 : memref<!tpu.dma_semaphore, #tpu.memory_space<semaphore_mem>>)
    %dma_start3A_1507 = arith.constant 0 : i32
    %dma_start3A_1508 = arith.constant 0 : i32
    %dma_start3A_1509 = arith.constant 0 : i32
    %dma_start3A_1510 = arith.constant 0 : i32
    %dma_start3A_1511 = tpu.memref_slice %arg6[%dma_start3A_1507, %dma_start3A_1509, %dma_start3A_1510] : memref<2x125x128xf32, #tpu.memory_space<vmem>> -> memref<1x125x128xf32, #tpu.memory_space<vmem>>
    %dma_start3A_1512 = tpu.memref_squeeze %dma_start3A_1511 : memref<1x125x128xf32, #tpu.memory_space<vmem>> -> memref<125x128xf32, #tpu.memory_space<vmem>>
    %dma_start3A_1513 = arith.constant 0 : i32
    %dma_start3A_1514 = arith.constant 0 : i32
    %dma_start3A_1515 = tpu.memref_slice %arg2[%add3A_1490, %dma_start3A_1513, %dma_start3A_1514] : memref<800x125x128xf32, #tpu.memory_space<hbm>> -> memref<1x125x128xf32, #tpu.memory_space<hbm>>
    %dma_start3A_1516 = tpu.memref_squeeze %dma_start3A_1515 : memref<1x125x128xf32, #tpu.memory_space<hbm>> -> memref<125x128xf32, #tpu.memory_space<hbm>>
    %dma_start3A_1517 = tpu.memref_slice %arg9[%dma_start3A_1508] : memref<2x!tpu.dma_semaphore, #tpu.memory_space<semaphore_mem>> -> memref<1x!tpu.dma_semaphore, #tpu.memory_space<semaphore_mem>>
    %dma_start3A_1518 = tpu.memref_squeeze %dma_start3A_1517 : memref<1x!tpu.dma_semaphore, #tpu.memory_space<semaphore_mem>> -> memref<!tpu.dma_semaphore, #tpu.memory_space<semaphore_mem>>
    %dma_start3A_1519 = arith.constant 0 : i32
    %dma_start3A_1520 = arith.constant 0 : i32
    %dma_start3A_1521 = tpu.memref_slice %arg6[%dma_start3A_1507, %dma_start3A_1519, %dma_start3A_1520] : memref<2x125x128xf32, #tpu.memory_space<vmem>> -> memref<1x125x128xf32, #tpu.memory_space<vmem>>
    %dma_start3A_1522 = tpu.memref_squeeze %dma_start3A_1521 : memref<1x125x128xf32, #tpu.memory_space<vmem>> -> memref<125x128xf32, #tpu.memory_space<vmem>>
    %dma_start3A_1523 = arith.constant 0 : i32
    %dma_start3A_1524 = arith.constant 0 : i32
    %dma_start3A_1525 = tpu.memref_slice %arg2[%add3A_1490, %dma_start3A_1523, %dma_start3A_1524] : memref<800x125x128xf32, #tpu.memory_space<hbm>> -> memref<1x125x128xf32, #tpu.memory_space<hbm>>
    %dma_start3A_1526 = tpu.memref_squeeze %dma_start3A_1525 : memref<1x125x128xf32, #tpu.memory_space<hbm>> -> memref<125x128xf32, #tpu.memory_space<hbm>>
    tpu.enqueue_dma source(%dma_start3A_1526 : memref<125x128xf32, #tpu.memory_space<hbm>>) target(%dma_start3A_1522 : memref<125x128xf32, #tpu.memory_space<vmem>>) target_semaphore(%dma_start3A_1518 : memref<!tpu.dma_semaphore, #tpu.memory_space<semaphore_mem>>)
    %dma_wait3A_1527 = arith.constant 1 : i32
    %dma_wait3A_1528 = arith.constant 1 : i32
    %dma_wait3A_1529 = arith.constant 0 : i32
    %dma_wait3A_1530 = tpu.memref_slice %arg7[%dma_wait3A_1527, %dma_wait3A_1529] : memref<2x125xi32, #tpu.memory_space<vmem>> -> memref<1x125xi32, #tpu.memory_space<vmem>>
    %dma_wait3A_1531 = tpu.memref_squeeze %dma_wait3A_1530 : memref<1x125xi32, #tpu.memory_space<vmem>> -> memref<125xi32, #tpu.memory_space<vmem>>
    %dma_wait3A_1532 = arith.constant 0 : i32
    %dma_wait3A_1533 = tpu.memref_slice %arg3[%add3A_1414, %dma_wait3A_1532] : memref<800x125xi32, #tpu.memory_space<hbm>> -> memref<1x125xi32, #tpu.memory_space<hbm>>
    %dma_wait3A_1534 = tpu.memref_squeeze %dma_wait3A_1533 : memref<1x125xi32, #tpu.memory_space<hbm>> -> memref<125xi32, #tpu.memory_space<hbm>>
    %dma_wait3A_1535 = tpu.memref_slice %arg8[%dma_wait3A_1528] : memref<2x!tpu.dma_semaphore, #tpu.memory_space<semaphore_mem>> -> memref<1x!tpu.dma_semaphore, #tpu.memory_space<semaphore_mem>>
    %dma_wait3A_1536 = tpu.memref_squeeze %dma_wait3A_1535 : memref<1x!tpu.dma_semaphore, #tpu.memory_space<semaphore_mem>> -> memref<!tpu.dma_semaphore, #tpu.memory_space<semaphore_mem>>
    %dma_wait3A_1537 = arith.constant 0 : i32
    %dma_wait3A_1538 = tpu.memref_slice %arg7[%dma_wait3A_1527, %dma_wait3A_1537] : memref<2x125xi32, #tpu.memory_space<vmem>> -> memref<1x125xi32, #tpu.memory_space<vmem>>
    %dma_wait3A_1539 = tpu.memref_squeeze %dma_wait3A_1538 : memref<1x125xi32, #tpu.memory_space<vmem>> -> memref<125xi32, #tpu.memory_space<vmem>>
    %dma_wait3A_1540 = arith.constant 0 : i32
    %dma_wait3A_1541 = tpu.memref_slice %arg3[%add3A_1414, %dma_wait3A_1540] : memref<800x125xi32, #tpu.memory_space<hbm>> -> memref<1x125xi32, #tpu.memory_space<hbm>>
    %dma_wait3A_1542 = tpu.memref_squeeze %dma_wait3A_1541 : memref<1x125xi32, #tpu.memory_space<hbm>> -> memref<125xi32, #tpu.memory_space<hbm>>
    tpu.wait_dma2 semaphore(%dma_wait3A_1536 : memref<!tpu.dma_semaphore, #tpu.memory_space<semaphore_mem>>) src(%dma_wait3A_1542 : memref<125xi32, #tpu.memory_space<hbm>>) dst(%dma_wait3A_1539 : memref<125xi32, #tpu.memory_space<vmem>>)
    %dma_wait3A_1543 = arith.constant 1 : i32
    %dma_wait3A_1544 = arith.constant 1 : i32
    %dma_wait3A_1545 = arith.constant 0 : i32
    %dma_wait3A_1546 = arith.constant 0 : i32
    %dma_wait3A_1547 = tpu.memref_slice %arg6[%dma_wait3A_1543, %dma_wait3A_1545, %dma_wait3A_1546] : memref<2x125x128xf32, #tpu.memory_space<vmem>> -> memref<1x125x128xf32, #tpu.memory_space<vmem>>
    %dma_wait3A_1548 = tpu.memref_squeeze %dma_wait3A_1547 : memref<1x125x128xf32, #tpu.memory_space<vmem>> -> memref<125x128xf32, #tpu.memory_space<vmem>>
    %dma_wait3A_1549 = arith.constant 0 : i32
    %dma_wait3A_1550 = arith.constant 0 : i32
    %dma_wait3A_1551 = tpu.memref_slice %arg2[%add3A_1414, %dma_wait3A_1549, %dma_wait3A_1550] : memref<800x125x128xf32, #tpu.memory_space<hbm>> -> memref<1x125x128xf32, #tpu.memory_space<hbm>>
    %dma_wait3A_1552 = tpu.memref_squeeze %dma_wait3A_1551 : memref<1x125x128xf32, #tpu.memory_space<hbm>> -> memref<125x128xf32, #tpu.memory_space<hbm>>
    %dma_wait3A_1553 = tpu.memref_slice %arg9[%dma_wait3A_1544] : memref<2x!tpu.dma_semaphore, #tpu.memory_space<semaphore_mem>> -> memref<1x!tpu.dma_semaphore, #tpu.memory_space<semaphore_mem>>
    %dma_wait3A_1554 = tpu.memref_squeeze %dma_wait3A_1553 : memref<1x!tpu.dma_semaphore, #tpu.memory_space<semaphore_mem>> -> memref<!tpu.dma_semaphore, #tpu.memory_space<semaphore_mem>>
    %dma_wait3A_1555 = arith.constant 0 : i32
    %dma_wait3A_1556 = arith.constant 0 : i32
    %dma_wait3A_1557 = tpu.memref_slice %arg6[%dma_wait3A_1543, %dma_wait3A_1555, %dma_wait3A_1556] : memref<2x125x128xf32, #tpu.memory_space<vmem>> -> memref<1x125x128xf32, #tpu.memory_space<vmem>>
    %dma_wait3A_1558 = tpu.memref_squeeze %dma_wait3A_1557 : memref<1x125x128xf32, #tpu.memory_space<vmem>> -> memref<125x128xf32, #tpu.memory_space<vmem>>
    %dma_wait3A_1559 = arith.constant 0 : i32
    %dma_wait3A_1560 = arith.constant 0 : i32
    %dma_wait3A_1561 = tpu.memref_slice %arg2[%add3A_1414, %dma_wait3A_1559, %dma_wait3A_1560] : memref<800x125x128xf32, #tpu.memory_space<hbm>> -> memref<1x125x128xf32, #tpu.memory_space<hbm>>
    %dma_wait3A_1562 = tpu.memref_squeeze %dma_wait3A_1561 : memref<1x125x128xf32, #tpu.memory_space<hbm>> -> memref<125x128xf32, #tpu.memory_space<hbm>>
    tpu.wait_dma2 semaphore(%dma_wait3A_1554 : memref<!tpu.dma_semaphore, #tpu.memory_space<semaphore_mem>>) src(%dma_wait3A_1562 : memref<125x128xf32, #tpu.memory_space<hbm>>) dst(%dma_wait3A_1558 : memref<125x128xf32, #tpu.memory_space<vmem>>)
    %run_scoped3A_1563 = arith.constant 1 : i32
    %run_scoped3A_1564 = arith.constant 1 : i32
    "tpu.region"() ({
      %run_scoped3A_1912 = tpu.sem_alloc : memref<!tpu.dma_semaphore, #tpu.memory_space<semaphore_mem>>
      %dma_start3A_1913 = arith.constant 0 : i32
      %dma_start3A_1914 = arith.constant 0 : i32
      %dma_start3A_1915 = tpu.memref_slice %arg6[%run_scoped3A_1563, %dma_start3A_1913, %dma_start3A_1914] : memref<2x125x128xf32, #tpu.memory_space<vmem>> -> memref<1x125x128xf32, #tpu.memory_space<vmem>>
      %dma_start3A_1916 = tpu.memref_squeeze %dma_start3A_1915 : memref<1x125x128xf32, #tpu.memory_space<vmem>> -> memref<125x128xf32, #tpu.memory_space<vmem>>
      %dma_start3A_1917 = arith.constant 0 : i32
      %dma_start3A_1918 = tpu.memref_slice %arg7[%run_scoped3A_1564, %dma_start3A_1917] : memref<2x125xi32, #tpu.memory_space<vmem>> -> memref<1x125xi32, #tpu.memory_space<vmem>>
      %dma_start3A_1919 = tpu.memref_squeeze %dma_start3A_1918 : memref<1x125xi32, #tpu.memory_space<vmem>> -> memref<125xi32, #tpu.memory_space<vmem>>
      %dma_start3A_1920 = arith.constant 0 : i32
      %dma_start3A_1921 = arith.constant 0 : i32
      %dma_start3A_1922 = tpu.memref_slice %arg5[%dma_start3A_1920, %dma_start3A_1921] : memref<512x128xf32, #tpu.memory_space<vmem_shared>> -> memref<512x128xf32, #tpu.memory_space<vmem_shared>>
      tpu.enqueue_indirect_dma source(%dma_start3A_1916 : memref<125x128xf32, #tpu.memory_space<vmem>>) target(%dma_start3A_1922 : memref<512x128xf32, #tpu.memory_space<vmem_shared>>) offsets(%dma_start3A_1919 : memref<125xi32, #tpu.memory_space<vmem>>) semaphore(%run_scoped3A_1912 : memref<!tpu.dma_semaphore, #tpu.memory_space<semaphore_mem>>) {add = true}
      %dma_wait3A_1923 = arith.constant 0 : i32
      %dma_wait3A_1924 = arith.constant 0 : i32
      %dma_wait3A_1925 = tpu.memref_slice %arg6[%run_scoped3A_1563, %dma_wait3A_1923, %dma_wait3A_1924] : memref<2x125x128xf32, #tpu.memory_space<vmem>> -> memref<1x125x128xf32, #tpu.memory_space<vmem>>
      %dma_wait3A_1926 = tpu.memref_squeeze %dma_wait3A_1925 : memref<1x125x128xf32, #tpu.memory_space<vmem>> -> memref<125x128xf32, #tpu.memory_space<vmem>>
      %dma_wait3A_1927 = arith.constant 0 : i32
      %dma_wait3A_1928 = tpu.memref_slice %arg7[%run_scoped3A_1564, %dma_wait3A_1927] : memref<2x125xi32, #tpu.memory_space<vmem>> -> memref<1x125xi32, #tpu.memory_space<vmem>>
      %dma_wait3A_1929 = tpu.memref_squeeze %dma_wait3A_1928 : memref<1x125xi32, #tpu.memory_space<vmem>> -> memref<125xi32, #tpu.memory_space<vmem>>
      %dma_wait3A_1930 = arith.constant 0 : i32
      %dma_wait3A_1931 = arith.constant 0 : i32
      %dma_wait3A_1932 = tpu.memref_slice %arg5[%dma_wait3A_1930, %dma_wait3A_1931] : memref<512x128xf32, #tpu.memory_space<vmem_shared>> -> memref<512x128xf32, #tpu.memory_space<vmem_shared>>
      tpu.wait_indirect_dma semaphore(%run_scoped3A_1912 : memref<!tpu.dma_semaphore, #tpu.memory_space<semaphore_mem>>) src(%dma_wait3A_1926 : memref<125x128xf32, #tpu.memory_space<vmem>>) dst(%dma_wait3A_1932 : memref<512x128xf32, #tpu.memory_space<vmem_shared>>)
      tpu.yield
    }) : () -> ()
    %add3A_1565 = arith.constant 672 : i32
    %add3A_1566 = arith.addi %add3A, %add3A_1565 : i32
    %dma_start3A_1567 = arith.constant 1 : i32
    %dma_start3A_1568 = arith.constant 1 : i32
    %dma_start3A_1569 = arith.constant 0 : i32
    %dma_start3A_1570 = tpu.memref_slice %arg7[%dma_start3A_1567, %dma_start3A_1569] : memref<2x125xi32, #tpu.memory_space<vmem>> -> memref<1x125xi32, #tpu.memory_space<vmem>>
    %dma_start3A_1571 = tpu.memref_squeeze %dma_start3A_1570 : memref<1x125xi32, #tpu.memory_space<vmem>> -> memref<125xi32, #tpu.memory_space<vmem>>
    %dma_start3A_1572 = arith.constant 0 : i32
    %dma_start3A_1573 = tpu.memref_slice %arg3[%add3A_1566, %dma_start3A_1572] : memref<800x125xi32, #tpu.memory_space<hbm>> -> memref<1x125xi32, #tpu.memory_space<hbm>>
    %dma_start3A_1574 = tpu.memref_squeeze %dma_start3A_1573 : memref<1x125xi32, #tpu.memory_space<hbm>> -> memref<125xi32, #tpu.memory_space<hbm>>
    %dma_start3A_1575 = tpu.memref_slice %arg8[%dma_start3A_1568] : memref<2x!tpu.dma_semaphore, #tpu.memory_space<semaphore_mem>> -> memref<1x!tpu.dma_semaphore, #tpu.memory_space<semaphore_mem>>
    %dma_start3A_1576 = tpu.memref_squeeze %dma_start3A_1575 : memref<1x!tpu.dma_semaphore, #tpu.memory_space<semaphore_mem>> -> memref<!tpu.dma_semaphore, #tpu.memory_space<semaphore_mem>>
    %dma_start3A_1577 = arith.constant 0 : i32
    %dma_start3A_1578 = tpu.memref_slice %arg7[%dma_start3A_1567, %dma_start3A_1577] : memref<2x125xi32, #tpu.memory_space<vmem>> -> memref<1x125xi32, #tpu.memory_space<vmem>>
    %dma_start3A_1579 = tpu.memref_squeeze %dma_start3A_1578 : memref<1x125xi32, #tpu.memory_space<vmem>> -> memref<125xi32, #tpu.memory_space<vmem>>
    %dma_start3A_1580 = arith.constant 0 : i32
    %dma_start3A_1581 = tpu.memref_slice %arg3[%add3A_1566, %dma_start3A_1580] : memref<800x125xi32, #tpu.memory_space<hbm>> -> memref<1x125xi32, #tpu.memory_space<hbm>>
    %dma_start3A_1582 = tpu.memref_squeeze %dma_start3A_1581 : memref<1x125xi32, #tpu.memory_space<hbm>> -> memref<125xi32, #tpu.memory_space<hbm>>
    tpu.enqueue_dma source(%dma_start3A_1582 : memref<125xi32, #tpu.memory_space<hbm>>) target(%dma_start3A_1579 : memref<125xi32, #tpu.memory_space<vmem>>) target_semaphore(%dma_start3A_1576 : memref<!tpu.dma_semaphore, #tpu.memory_space<semaphore_mem>>)
    %dma_start3A_1583 = arith.constant 1 : i32
    %dma_start3A_1584 = arith.constant 1 : i32
    %dma_start3A_1585 = arith.constant 0 : i32
    %dma_start3A_1586 = arith.constant 0 : i32
    %dma_start3A_1587 = tpu.memref_slice %arg6[%dma_start3A_1583, %dma_start3A_1585, %dma_start3A_1586] : memref<2x125x128xf32, #tpu.memory_space<vmem>> -> memref<1x125x128xf32, #tpu.memory_space<vmem>>
    %dma_start3A_1588 = tpu.memref_squeeze %dma_start3A_1587 : memref<1x125x128xf32, #tpu.memory_space<vmem>> -> memref<125x128xf32, #tpu.memory_space<vmem>>
    %dma_start3A_1589 = arith.constant 0 : i32
    %dma_start3A_1590 = arith.constant 0 : i32
    %dma_start3A_1591 = tpu.memref_slice %arg2[%add3A_1566, %dma_start3A_1589, %dma_start3A_1590] : memref<800x125x128xf32, #tpu.memory_space<hbm>> -> memref<1x125x128xf32, #tpu.memory_space<hbm>>
    %dma_start3A_1592 = tpu.memref_squeeze %dma_start3A_1591 : memref<1x125x128xf32, #tpu.memory_space<hbm>> -> memref<125x128xf32, #tpu.memory_space<hbm>>
    %dma_start3A_1593 = tpu.memref_slice %arg9[%dma_start3A_1584] : memref<2x!tpu.dma_semaphore, #tpu.memory_space<semaphore_mem>> -> memref<1x!tpu.dma_semaphore, #tpu.memory_space<semaphore_mem>>
    %dma_start3A_1594 = tpu.memref_squeeze %dma_start3A_1593 : memref<1x!tpu.dma_semaphore, #tpu.memory_space<semaphore_mem>> -> memref<!tpu.dma_semaphore, #tpu.memory_space<semaphore_mem>>
    %dma_start3A_1595 = arith.constant 0 : i32
    %dma_start3A_1596 = arith.constant 0 : i32
    %dma_start3A_1597 = tpu.memref_slice %arg6[%dma_start3A_1583, %dma_start3A_1595, %dma_start3A_1596] : memref<2x125x128xf32, #tpu.memory_space<vmem>> -> memref<1x125x128xf32, #tpu.memory_space<vmem>>
    %dma_start3A_1598 = tpu.memref_squeeze %dma_start3A_1597 : memref<1x125x128xf32, #tpu.memory_space<vmem>> -> memref<125x128xf32, #tpu.memory_space<vmem>>
    %dma_start3A_1599 = arith.constant 0 : i32
    %dma_start3A_1600 = arith.constant 0 : i32
    %dma_start3A_1601 = tpu.memref_slice %arg2[%add3A_1566, %dma_start3A_1599, %dma_start3A_1600] : memref<800x125x128xf32, #tpu.memory_space<hbm>> -> memref<1x125x128xf32, #tpu.memory_space<hbm>>
    %dma_start3A_1602 = tpu.memref_squeeze %dma_start3A_1601 : memref<1x125x128xf32, #tpu.memory_space<hbm>> -> memref<125x128xf32, #tpu.memory_space<hbm>>
    tpu.enqueue_dma source(%dma_start3A_1602 : memref<125x128xf32, #tpu.memory_space<hbm>>) target(%dma_start3A_1598 : memref<125x128xf32, #tpu.memory_space<vmem>>) target_semaphore(%dma_start3A_1594 : memref<!tpu.dma_semaphore, #tpu.memory_space<semaphore_mem>>)
    %dma_wait3A_1603 = arith.constant 0 : i32
    %dma_wait3A_1604 = arith.constant 0 : i32
    %dma_wait3A_1605 = arith.constant 0 : i32
    %dma_wait3A_1606 = tpu.memref_slice %arg7[%dma_wait3A_1603, %dma_wait3A_1605] : memref<2x125xi32, #tpu.memory_space<vmem>> -> memref<1x125xi32, #tpu.memory_space<vmem>>
    %dma_wait3A_1607 = tpu.memref_squeeze %dma_wait3A_1606 : memref<1x125xi32, #tpu.memory_space<vmem>> -> memref<125xi32, #tpu.memory_space<vmem>>
    %dma_wait3A_1608 = arith.constant 0 : i32
    %dma_wait3A_1609 = tpu.memref_slice %arg3[%add3A_1490, %dma_wait3A_1608] : memref<800x125xi32, #tpu.memory_space<hbm>> -> memref<1x125xi32, #tpu.memory_space<hbm>>
    %dma_wait3A_1610 = tpu.memref_squeeze %dma_wait3A_1609 : memref<1x125xi32, #tpu.memory_space<hbm>> -> memref<125xi32, #tpu.memory_space<hbm>>
    %dma_wait3A_1611 = tpu.memref_slice %arg8[%dma_wait3A_1604] : memref<2x!tpu.dma_semaphore, #tpu.memory_space<semaphore_mem>> -> memref<1x!tpu.dma_semaphore, #tpu.memory_space<semaphore_mem>>
    %dma_wait3A_1612 = tpu.memref_squeeze %dma_wait3A_1611 : memref<1x!tpu.dma_semaphore, #tpu.memory_space<semaphore_mem>> -> memref<!tpu.dma_semaphore, #tpu.memory_space<semaphore_mem>>
    %dma_wait3A_1613 = arith.constant 0 : i32
    %dma_wait3A_1614 = tpu.memref_slice %arg7[%dma_wait3A_1603, %dma_wait3A_1613] : memref<2x125xi32, #tpu.memory_space<vmem>> -> memref<1x125xi32, #tpu.memory_space<vmem>>
    %dma_wait3A_1615 = tpu.memref_squeeze %dma_wait3A_1614 : memref<1x125xi32, #tpu.memory_space<vmem>> -> memref<125xi32, #tpu.memory_space<vmem>>
    %dma_wait3A_1616 = arith.constant 0 : i32
    %dma_wait3A_1617 = tpu.memref_slice %arg3[%add3A_1490, %dma_wait3A_1616] : memref<800x125xi32, #tpu.memory_space<hbm>> -> memref<1x125xi32, #tpu.memory_space<hbm>>
    %dma_wait3A_1618 = tpu.memref_squeeze %dma_wait3A_1617 : memref<1x125xi32, #tpu.memory_space<hbm>> -> memref<125xi32, #tpu.memory_space<hbm>>
    tpu.wait_dma2 semaphore(%dma_wait3A_1612 : memref<!tpu.dma_semaphore, #tpu.memory_space<semaphore_mem>>) src(%dma_wait3A_1618 : memref<125xi32, #tpu.memory_space<hbm>>) dst(%dma_wait3A_1615 : memref<125xi32, #tpu.memory_space<vmem>>)
    %dma_wait3A_1619 = arith.constant 0 : i32
    %dma_wait3A_1620 = arith.constant 0 : i32
    %dma_wait3A_1621 = arith.constant 0 : i32
    %dma_wait3A_1622 = arith.constant 0 : i32
    %dma_wait3A_1623 = tpu.memref_slice %arg6[%dma_wait3A_1619, %dma_wait3A_1621, %dma_wait3A_1622] : memref<2x125x128xf32, #tpu.memory_space<vmem>> -> memref<1x125x128xf32, #tpu.memory_space<vmem>>
    %dma_wait3A_1624 = tpu.memref_squeeze %dma_wait3A_1623 : memref<1x125x128xf32, #tpu.memory_space<vmem>> -> memref<125x128xf32, #tpu.memory_space<vmem>>
    %dma_wait3A_1625 = arith.constant 0 : i32
    %dma_wait3A_1626 = arith.constant 0 : i32
    %dma_wait3A_1627 = tpu.memref_slice %arg2[%add3A_1490, %dma_wait3A_1625, %dma_wait3A_1626] : memref<800x125x128xf32, #tpu.memory_space<hbm>> -> memref<1x125x128xf32, #tpu.memory_space<hbm>>
    %dma_wait3A_1628 = tpu.memref_squeeze %dma_wait3A_1627 : memref<1x125x128xf32, #tpu.memory_space<hbm>> -> memref<125x128xf32, #tpu.memory_space<hbm>>
    %dma_wait3A_1629 = tpu.memref_slice %arg9[%dma_wait3A_1620] : memref<2x!tpu.dma_semaphore, #tpu.memory_space<semaphore_mem>> -> memref<1x!tpu.dma_semaphore, #tpu.memory_space<semaphore_mem>>
    %dma_wait3A_1630 = tpu.memref_squeeze %dma_wait3A_1629 : memref<1x!tpu.dma_semaphore, #tpu.memory_space<semaphore_mem>> -> memref<!tpu.dma_semaphore, #tpu.memory_space<semaphore_mem>>
    %dma_wait3A_1631 = arith.constant 0 : i32
    %dma_wait3A_1632 = arith.constant 0 : i32
    %dma_wait3A_1633 = tpu.memref_slice %arg6[%dma_wait3A_1619, %dma_wait3A_1631, %dma_wait3A_1632] : memref<2x125x128xf32, #tpu.memory_space<vmem>> -> memref<1x125x128xf32, #tpu.memory_space<vmem>>
    %dma_wait3A_1634 = tpu.memref_squeeze %dma_wait3A_1633 : memref<1x125x128xf32, #tpu.memory_space<vmem>> -> memref<125x128xf32, #tpu.memory_space<vmem>>
    %dma_wait3A_1635 = arith.constant 0 : i32
    %dma_wait3A_1636 = arith.constant 0 : i32
    %dma_wait3A_1637 = tpu.memref_slice %arg2[%add3A_1490, %dma_wait3A_1635, %dma_wait3A_1636] : memref<800x125x128xf32, #tpu.memory_space<hbm>> -> memref<1x125x128xf32, #tpu.memory_space<hbm>>
    %dma_wait3A_1638 = tpu.memref_squeeze %dma_wait3A_1637 : memref<1x125x128xf32, #tpu.memory_space<hbm>> -> memref<125x128xf32, #tpu.memory_space<hbm>>
    tpu.wait_dma2 semaphore(%dma_wait3A_1630 : memref<!tpu.dma_semaphore, #tpu.memory_space<semaphore_mem>>) src(%dma_wait3A_1638 : memref<125x128xf32, #tpu.memory_space<hbm>>) dst(%dma_wait3A_1634 : memref<125x128xf32, #tpu.memory_space<vmem>>)
    %run_scoped3A_1639 = arith.constant 0 : i32
    %run_scoped3A_1640 = arith.constant 0 : i32
    "tpu.region"() ({
      %run_scoped3A_1912 = tpu.sem_alloc : memref<!tpu.dma_semaphore, #tpu.memory_space<semaphore_mem>>
      %dma_start3A_1913 = arith.constant 0 : i32
      %dma_start3A_1914 = arith.constant 0 : i32
      %dma_start3A_1915 = tpu.memref_slice %arg6[%run_scoped3A_1639, %dma_start3A_1913, %dma_start3A_1914] : memref<2x125x128xf32, #tpu.memory_space<vmem>> -> memref<1x125x128xf32, #tpu.memory_space<vmem>>
      %dma_start3A_1916 = tpu.memref_squeeze %dma_start3A_1915 : memref<1x125x128xf32, #tpu.memory_space<vmem>> -> memref<125x128xf32, #tpu.memory_space<vmem>>
      %dma_start3A_1917 = arith.constant 0 : i32
      %dma_start3A_1918 = tpu.memref_slice %arg7[%run_scoped3A_1640, %dma_start3A_1917] : memref<2x125xi32, #tpu.memory_space<vmem>> -> memref<1x125xi32, #tpu.memory_space<vmem>>
      %dma_start3A_1919 = tpu.memref_squeeze %dma_start3A_1918 : memref<1x125xi32, #tpu.memory_space<vmem>> -> memref<125xi32, #tpu.memory_space<vmem>>
      %dma_start3A_1920 = arith.constant 0 : i32
      %dma_start3A_1921 = arith.constant 0 : i32
      %dma_start3A_1922 = tpu.memref_slice %arg5[%dma_start3A_1920, %dma_start3A_1921] : memref<512x128xf32, #tpu.memory_space<vmem_shared>> -> memref<512x128xf32, #tpu.memory_space<vmem_shared>>
      tpu.enqueue_indirect_dma source(%dma_start3A_1916 : memref<125x128xf32, #tpu.memory_space<vmem>>) target(%dma_start3A_1922 : memref<512x128xf32, #tpu.memory_space<vmem_shared>>) offsets(%dma_start3A_1919 : memref<125xi32, #tpu.memory_space<vmem>>) semaphore(%run_scoped3A_1912 : memref<!tpu.dma_semaphore, #tpu.memory_space<semaphore_mem>>) {add = true}
      %dma_wait3A_1923 = arith.constant 0 : i32
      %dma_wait3A_1924 = arith.constant 0 : i32
      %dma_wait3A_1925 = tpu.memref_slice %arg6[%run_scoped3A_1639, %dma_wait3A_1923, %dma_wait3A_1924] : memref<2x125x128xf32, #tpu.memory_space<vmem>> -> memref<1x125x128xf32, #tpu.memory_space<vmem>>
      %dma_wait3A_1926 = tpu.memref_squeeze %dma_wait3A_1925 : memref<1x125x128xf32, #tpu.memory_space<vmem>> -> memref<125x128xf32, #tpu.memory_space<vmem>>
      %dma_wait3A_1927 = arith.constant 0 : i32
      %dma_wait3A_1928 = tpu.memref_slice %arg7[%run_scoped3A_1640, %dma_wait3A_1927] : memref<2x125xi32, #tpu.memory_space<vmem>> -> memref<1x125xi32, #tpu.memory_space<vmem>>
      %dma_wait3A_1929 = tpu.memref_squeeze %dma_wait3A_1928 : memref<1x125xi32, #tpu.memory_space<vmem>> -> memref<125xi32, #tpu.memory_space<vmem>>
      %dma_wait3A_1930 = arith.constant 0 : i32
      %dma_wait3A_1931 = arith.constant 0 : i32
      %dma_wait3A_1932 = tpu.memref_slice %arg5[%dma_wait3A_1930, %dma_wait3A_1931] : memref<512x128xf32, #tpu.memory_space<vmem_shared>> -> memref<512x128xf32, #tpu.memory_space<vmem_shared>>
      tpu.wait_indirect_dma semaphore(%run_scoped3A_1912 : memref<!tpu.dma_semaphore, #tpu.memory_space<semaphore_mem>>) src(%dma_wait3A_1926 : memref<125x128xf32, #tpu.memory_space<vmem>>) dst(%dma_wait3A_1932 : memref<512x128xf32, #tpu.memory_space<vmem_shared>>)
      tpu.yield
    }) : () -> ()
    %add3A_1641 = arith.constant 704 : i32
    %add3A_1642 = arith.addi %add3A, %add3A_1641 : i32
    %dma_start3A_1643 = arith.constant 0 : i32
    %dma_start3A_1644 = arith.constant 0 : i32
    %dma_start3A_1645 = arith.constant 0 : i32
    %dma_start3A_1646 = tpu.memref_slice %arg7[%dma_start3A_1643, %dma_start3A_1645] : memref<2x125xi32, #tpu.memory_space<vmem>> -> memref<1x125xi32, #tpu.memory_space<vmem>>
    %dma_start3A_1647 = tpu.memref_squeeze %dma_start3A_1646 : memref<1x125xi32, #tpu.memory_space<vmem>> -> memref<125xi32, #tpu.memory_space<vmem>>
    %dma_start3A_1648 = arith.constant 0 : i32
    %dma_start3A_1649 = tpu.memref_slice %arg3[%add3A_1642, %dma_start3A_1648] : memref<800x125xi32, #tpu.memory_space<hbm>> -> memref<1x125xi32, #tpu.memory_space<hbm>>
    %dma_start3A_1650 = tpu.memref_squeeze %dma_start3A_1649 : memref<1x125xi32, #tpu.memory_space<hbm>> -> memref<125xi32, #tpu.memory_space<hbm>>
    %dma_start3A_1651 = tpu.memref_slice %arg8[%dma_start3A_1644] : memref<2x!tpu.dma_semaphore, #tpu.memory_space<semaphore_mem>> -> memref<1x!tpu.dma_semaphore, #tpu.memory_space<semaphore_mem>>
    %dma_start3A_1652 = tpu.memref_squeeze %dma_start3A_1651 : memref<1x!tpu.dma_semaphore, #tpu.memory_space<semaphore_mem>> -> memref<!tpu.dma_semaphore, #tpu.memory_space<semaphore_mem>>
    %dma_start3A_1653 = arith.constant 0 : i32
    %dma_start3A_1654 = tpu.memref_slice %arg7[%dma_start3A_1643, %dma_start3A_1653] : memref<2x125xi32, #tpu.memory_space<vmem>> -> memref<1x125xi32, #tpu.memory_space<vmem>>
    %dma_start3A_1655 = tpu.memref_squeeze %dma_start3A_1654 : memref<1x125xi32, #tpu.memory_space<vmem>> -> memref<125xi32, #tpu.memory_space<vmem>>
    %dma_start3A_1656 = arith.constant 0 : i32
    %dma_start3A_1657 = tpu.memref_slice %arg3[%add3A_1642, %dma_start3A_1656] : memref<800x125xi32, #tpu.memory_space<hbm>> -> memref<1x125xi32, #tpu.memory_space<hbm>>
    %dma_start3A_1658 = tpu.memref_squeeze %dma_start3A_1657 : memref<1x125xi32, #tpu.memory_space<hbm>> -> memref<125xi32, #tpu.memory_space<hbm>>
    tpu.enqueue_dma source(%dma_start3A_1658 : memref<125xi32, #tpu.memory_space<hbm>>) target(%dma_start3A_1655 : memref<125xi32, #tpu.memory_space<vmem>>) target_semaphore(%dma_start3A_1652 : memref<!tpu.dma_semaphore, #tpu.memory_space<semaphore_mem>>)
    %dma_start3A_1659 = arith.constant 0 : i32
    %dma_start3A_1660 = arith.constant 0 : i32
    %dma_start3A_1661 = arith.constant 0 : i32
    %dma_start3A_1662 = arith.constant 0 : i32
    %dma_start3A_1663 = tpu.memref_slice %arg6[%dma_start3A_1659, %dma_start3A_1661, %dma_start3A_1662] : memref<2x125x128xf32, #tpu.memory_space<vmem>> -> memref<1x125x128xf32, #tpu.memory_space<vmem>>
    %dma_start3A_1664 = tpu.memref_squeeze %dma_start3A_1663 : memref<1x125x128xf32, #tpu.memory_space<vmem>> -> memref<125x128xf32, #tpu.memory_space<vmem>>
    %dma_start3A_1665 = arith.constant 0 : i32
    %dma_start3A_1666 = arith.constant 0 : i32
    %dma_start3A_1667 = tpu.memref_slice %arg2[%add3A_1642, %dma_start3A_1665, %dma_start3A_1666] : memref<800x125x128xf32, #tpu.memory_space<hbm>> -> memref<1x125x128xf32, #tpu.memory_space<hbm>>
    %dma_start3A_1668 = tpu.memref_squeeze %dma_start3A_1667 : memref<1x125x128xf32, #tpu.memory_space<hbm>> -> memref<125x128xf32, #tpu.memory_space<hbm>>
    %dma_start3A_1669 = tpu.memref_slice %arg9[%dma_start3A_1660] : memref<2x!tpu.dma_semaphore, #tpu.memory_space<semaphore_mem>> -> memref<1x!tpu.dma_semaphore, #tpu.memory_space<semaphore_mem>>
    %dma_start3A_1670 = tpu.memref_squeeze %dma_start3A_1669 : memref<1x!tpu.dma_semaphore, #tpu.memory_space<semaphore_mem>> -> memref<!tpu.dma_semaphore, #tpu.memory_space<semaphore_mem>>
    %dma_start3A_1671 = arith.constant 0 : i32
    %dma_start3A_1672 = arith.constant 0 : i32
    %dma_start3A_1673 = tpu.memref_slice %arg6[%dma_start3A_1659, %dma_start3A_1671, %dma_start3A_1672] : memref<2x125x128xf32, #tpu.memory_space<vmem>> -> memref<1x125x128xf32, #tpu.memory_space<vmem>>
    %dma_start3A_1674 = tpu.memref_squeeze %dma_start3A_1673 : memref<1x125x128xf32, #tpu.memory_space<vmem>> -> memref<125x128xf32, #tpu.memory_space<vmem>>
    %dma_start3A_1675 = arith.constant 0 : i32
    %dma_start3A_1676 = arith.constant 0 : i32
    %dma_start3A_1677 = tpu.memref_slice %arg2[%add3A_1642, %dma_start3A_1675, %dma_start3A_1676] : memref<800x125x128xf32, #tpu.memory_space<hbm>> -> memref<1x125x128xf32, #tpu.memory_space<hbm>>
    %dma_start3A_1678 = tpu.memref_squeeze %dma_start3A_1677 : memref<1x125x128xf32, #tpu.memory_space<hbm>> -> memref<125x128xf32, #tpu.memory_space<hbm>>
    tpu.enqueue_dma source(%dma_start3A_1678 : memref<125x128xf32, #tpu.memory_space<hbm>>) target(%dma_start3A_1674 : memref<125x128xf32, #tpu.memory_space<vmem>>) target_semaphore(%dma_start3A_1670 : memref<!tpu.dma_semaphore, #tpu.memory_space<semaphore_mem>>)
    %dma_wait3A_1679 = arith.constant 1 : i32
    %dma_wait3A_1680 = arith.constant 1 : i32
    %dma_wait3A_1681 = arith.constant 0 : i32
    %dma_wait3A_1682 = tpu.memref_slice %arg7[%dma_wait3A_1679, %dma_wait3A_1681] : memref<2x125xi32, #tpu.memory_space<vmem>> -> memref<1x125xi32, #tpu.memory_space<vmem>>
    %dma_wait3A_1683 = tpu.memref_squeeze %dma_wait3A_1682 : memref<1x125xi32, #tpu.memory_space<vmem>> -> memref<125xi32, #tpu.memory_space<vmem>>
    %dma_wait3A_1684 = arith.constant 0 : i32
    %dma_wait3A_1685 = tpu.memref_slice %arg3[%add3A_1566, %dma_wait3A_1684] : memref<800x125xi32, #tpu.memory_space<hbm>> -> memref<1x125xi32, #tpu.memory_space<hbm>>
    %dma_wait3A_1686 = tpu.memref_squeeze %dma_wait3A_1685 : memref<1x125xi32, #tpu.memory_space<hbm>> -> memref<125xi32, #tpu.memory_space<hbm>>
    %dma_wait3A_1687 = tpu.memref_slice %arg8[%dma_wait3A_1680] : memref<2x!tpu.dma_semaphore, #tpu.memory_space<semaphore_mem>> -> memref<1x!tpu.dma_semaphore, #tpu.memory_space<semaphore_mem>>
    %dma_wait3A_1688 = tpu.memref_squeeze %dma_wait3A_1687 : memref<1x!tpu.dma_semaphore, #tpu.memory_space<semaphore_mem>> -> memref<!tpu.dma_semaphore, #tpu.memory_space<semaphore_mem>>
    %dma_wait3A_1689 = arith.constant 0 : i32
    %dma_wait3A_1690 = tpu.memref_slice %arg7[%dma_wait3A_1679, %dma_wait3A_1689] : memref<2x125xi32, #tpu.memory_space<vmem>> -> memref<1x125xi32, #tpu.memory_space<vmem>>
    %dma_wait3A_1691 = tpu.memref_squeeze %dma_wait3A_1690 : memref<1x125xi32, #tpu.memory_space<vmem>> -> memref<125xi32, #tpu.memory_space<vmem>>
    %dma_wait3A_1692 = arith.constant 0 : i32
    %dma_wait3A_1693 = tpu.memref_slice %arg3[%add3A_1566, %dma_wait3A_1692] : memref<800x125xi32, #tpu.memory_space<hbm>> -> memref<1x125xi32, #tpu.memory_space<hbm>>
    %dma_wait3A_1694 = tpu.memref_squeeze %dma_wait3A_1693 : memref<1x125xi32, #tpu.memory_space<hbm>> -> memref<125xi32, #tpu.memory_space<hbm>>
    tpu.wait_dma2 semaphore(%dma_wait3A_1688 : memref<!tpu.dma_semaphore, #tpu.memory_space<semaphore_mem>>) src(%dma_wait3A_1694 : memref<125xi32, #tpu.memory_space<hbm>>) dst(%dma_wait3A_1691 : memref<125xi32, #tpu.memory_space<vmem>>)
    %dma_wait3A_1695 = arith.constant 1 : i32
    %dma_wait3A_1696 = arith.constant 1 : i32
    %dma_wait3A_1697 = arith.constant 0 : i32
    %dma_wait3A_1698 = arith.constant 0 : i32
    %dma_wait3A_1699 = tpu.memref_slice %arg6[%dma_wait3A_1695, %dma_wait3A_1697, %dma_wait3A_1698] : memref<2x125x128xf32, #tpu.memory_space<vmem>> -> memref<1x125x128xf32, #tpu.memory_space<vmem>>
    %dma_wait3A_1700 = tpu.memref_squeeze %dma_wait3A_1699 : memref<1x125x128xf32, #tpu.memory_space<vmem>> -> memref<125x128xf32, #tpu.memory_space<vmem>>
    %dma_wait3A_1701 = arith.constant 0 : i32
    %dma_wait3A_1702 = arith.constant 0 : i32
    %dma_wait3A_1703 = tpu.memref_slice %arg2[%add3A_1566, %dma_wait3A_1701, %dma_wait3A_1702] : memref<800x125x128xf32, #tpu.memory_space<hbm>> -> memref<1x125x128xf32, #tpu.memory_space<hbm>>
    %dma_wait3A_1704 = tpu.memref_squeeze %dma_wait3A_1703 : memref<1x125x128xf32, #tpu.memory_space<hbm>> -> memref<125x128xf32, #tpu.memory_space<hbm>>
    %dma_wait3A_1705 = tpu.memref_slice %arg9[%dma_wait3A_1696] : memref<2x!tpu.dma_semaphore, #tpu.memory_space<semaphore_mem>> -> memref<1x!tpu.dma_semaphore, #tpu.memory_space<semaphore_mem>>
    %dma_wait3A_1706 = tpu.memref_squeeze %dma_wait3A_1705 : memref<1x!tpu.dma_semaphore, #tpu.memory_space<semaphore_mem>> -> memref<!tpu.dma_semaphore, #tpu.memory_space<semaphore_mem>>
    %dma_wait3A_1707 = arith.constant 0 : i32
    %dma_wait3A_1708 = arith.constant 0 : i32
    %dma_wait3A_1709 = tpu.memref_slice %arg6[%dma_wait3A_1695, %dma_wait3A_1707, %dma_wait3A_1708] : memref<2x125x128xf32, #tpu.memory_space<vmem>> -> memref<1x125x128xf32, #tpu.memory_space<vmem>>
    %dma_wait3A_1710 = tpu.memref_squeeze %dma_wait3A_1709 : memref<1x125x128xf32, #tpu.memory_space<vmem>> -> memref<125x128xf32, #tpu.memory_space<vmem>>
    %dma_wait3A_1711 = arith.constant 0 : i32
    %dma_wait3A_1712 = arith.constant 0 : i32
    %dma_wait3A_1713 = tpu.memref_slice %arg2[%add3A_1566, %dma_wait3A_1711, %dma_wait3A_1712] : memref<800x125x128xf32, #tpu.memory_space<hbm>> -> memref<1x125x128xf32, #tpu.memory_space<hbm>>
    %dma_wait3A_1714 = tpu.memref_squeeze %dma_wait3A_1713 : memref<1x125x128xf32, #tpu.memory_space<hbm>> -> memref<125x128xf32, #tpu.memory_space<hbm>>
    tpu.wait_dma2 semaphore(%dma_wait3A_1706 : memref<!tpu.dma_semaphore, #tpu.memory_space<semaphore_mem>>) src(%dma_wait3A_1714 : memref<125x128xf32, #tpu.memory_space<hbm>>) dst(%dma_wait3A_1710 : memref<125x128xf32, #tpu.memory_space<vmem>>)
    %run_scoped3A_1715 = arith.constant 1 : i32
    %run_scoped3A_1716 = arith.constant 1 : i32
    "tpu.region"() ({
      %run_scoped3A_1912 = tpu.sem_alloc : memref<!tpu.dma_semaphore, #tpu.memory_space<semaphore_mem>>
      %dma_start3A_1913 = arith.constant 0 : i32
      %dma_start3A_1914 = arith.constant 0 : i32
      %dma_start3A_1915 = tpu.memref_slice %arg6[%run_scoped3A_1715, %dma_start3A_1913, %dma_start3A_1914] : memref<2x125x128xf32, #tpu.memory_space<vmem>> -> memref<1x125x128xf32, #tpu.memory_space<vmem>>
      %dma_start3A_1916 = tpu.memref_squeeze %dma_start3A_1915 : memref<1x125x128xf32, #tpu.memory_space<vmem>> -> memref<125x128xf32, #tpu.memory_space<vmem>>
      %dma_start3A_1917 = arith.constant 0 : i32
      %dma_start3A_1918 = tpu.memref_slice %arg7[%run_scoped3A_1716, %dma_start3A_1917] : memref<2x125xi32, #tpu.memory_space<vmem>> -> memref<1x125xi32, #tpu.memory_space<vmem>>
      %dma_start3A_1919 = tpu.memref_squeeze %dma_start3A_1918 : memref<1x125xi32, #tpu.memory_space<vmem>> -> memref<125xi32, #tpu.memory_space<vmem>>
      %dma_start3A_1920 = arith.constant 0 : i32
      %dma_start3A_1921 = arith.constant 0 : i32
      %dma_start3A_1922 = tpu.memref_slice %arg5[%dma_start3A_1920, %dma_start3A_1921] : memref<512x128xf32, #tpu.memory_space<vmem_shared>> -> memref<512x128xf32, #tpu.memory_space<vmem_shared>>
      tpu.enqueue_indirect_dma source(%dma_start3A_1916 : memref<125x128xf32, #tpu.memory_space<vmem>>) target(%dma_start3A_1922 : memref<512x128xf32, #tpu.memory_space<vmem_shared>>) offsets(%dma_start3A_1919 : memref<125xi32, #tpu.memory_space<vmem>>) semaphore(%run_scoped3A_1912 : memref<!tpu.dma_semaphore, #tpu.memory_space<semaphore_mem>>) {add = true}
      %dma_wait3A_1923 = arith.constant 0 : i32
      %dma_wait3A_1924 = arith.constant 0 : i32
      %dma_wait3A_1925 = tpu.memref_slice %arg6[%run_scoped3A_1715, %dma_wait3A_1923, %dma_wait3A_1924] : memref<2x125x128xf32, #tpu.memory_space<vmem>> -> memref<1x125x128xf32, #tpu.memory_space<vmem>>
      %dma_wait3A_1926 = tpu.memref_squeeze %dma_wait3A_1925 : memref<1x125x128xf32, #tpu.memory_space<vmem>> -> memref<125x128xf32, #tpu.memory_space<vmem>>
      %dma_wait3A_1927 = arith.constant 0 : i32
      %dma_wait3A_1928 = tpu.memref_slice %arg7[%run_scoped3A_1716, %dma_wait3A_1927] : memref<2x125xi32, #tpu.memory_space<vmem>> -> memref<1x125xi32, #tpu.memory_space<vmem>>
      %dma_wait3A_1929 = tpu.memref_squeeze %dma_wait3A_1928 : memref<1x125xi32, #tpu.memory_space<vmem>> -> memref<125xi32, #tpu.memory_space<vmem>>
      %dma_wait3A_1930 = arith.constant 0 : i32
      %dma_wait3A_1931 = arith.constant 0 : i32
      %dma_wait3A_1932 = tpu.memref_slice %arg5[%dma_wait3A_1930, %dma_wait3A_1931] : memref<512x128xf32, #tpu.memory_space<vmem_shared>> -> memref<512x128xf32, #tpu.memory_space<vmem_shared>>
      tpu.wait_indirect_dma semaphore(%run_scoped3A_1912 : memref<!tpu.dma_semaphore, #tpu.memory_space<semaphore_mem>>) src(%dma_wait3A_1926 : memref<125x128xf32, #tpu.memory_space<vmem>>) dst(%dma_wait3A_1932 : memref<512x128xf32, #tpu.memory_space<vmem_shared>>)
      tpu.yield
    }) : () -> ()
    %add3A_1717 = arith.constant 736 : i32
    %add3A_1718 = arith.addi %add3A, %add3A_1717 : i32
    %dma_start3A_1719 = arith.constant 1 : i32
    %dma_start3A_1720 = arith.constant 1 : i32
    %dma_start3A_1721 = arith.constant 0 : i32
    %dma_start3A_1722 = tpu.memref_slice %arg7[%dma_start3A_1719, %dma_start3A_1721] : memref<2x125xi32, #tpu.memory_space<vmem>> -> memref<1x125xi32, #tpu.memory_space<vmem>>
    %dma_start3A_1723 = tpu.memref_squeeze %dma_start3A_1722 : memref<1x125xi32, #tpu.memory_space<vmem>> -> memref<125xi32, #tpu.memory_space<vmem>>
    %dma_start3A_1724 = arith.constant 0 : i32
    %dma_start3A_1725 = tpu.memref_slice %arg3[%add3A_1718, %dma_start3A_1724] : memref<800x125xi32, #tpu.memory_space<hbm>> -> memref<1x125xi32, #tpu.memory_space<hbm>>
    %dma_start3A_1726 = tpu.memref_squeeze %dma_start3A_1725 : memref<1x125xi32, #tpu.memory_space<hbm>> -> memref<125xi32, #tpu.memory_space<hbm>>
    %dma_start3A_1727 = tpu.memref_slice %arg8[%dma_start3A_1720] : memref<2x!tpu.dma_semaphore, #tpu.memory_space<semaphore_mem>> -> memref<1x!tpu.dma_semaphore, #tpu.memory_space<semaphore_mem>>
    %dma_start3A_1728 = tpu.memref_squeeze %dma_start3A_1727 : memref<1x!tpu.dma_semaphore, #tpu.memory_space<semaphore_mem>> -> memref<!tpu.dma_semaphore, #tpu.memory_space<semaphore_mem>>
    %dma_start3A_1729 = arith.constant 0 : i32
    %dma_start3A_1730 = tpu.memref_slice %arg7[%dma_start3A_1719, %dma_start3A_1729] : memref<2x125xi32, #tpu.memory_space<vmem>> -> memref<1x125xi32, #tpu.memory_space<vmem>>
    %dma_start3A_1731 = tpu.memref_squeeze %dma_start3A_1730 : memref<1x125xi32, #tpu.memory_space<vmem>> -> memref<125xi32, #tpu.memory_space<vmem>>
    %dma_start3A_1732 = arith.constant 0 : i32
    %dma_start3A_1733 = tpu.memref_slice %arg3[%add3A_1718, %dma_start3A_1732] : memref<800x125xi32, #tpu.memory_space<hbm>> -> memref<1x125xi32, #tpu.memory_space<hbm>>
    %dma_start3A_1734 = tpu.memref_squeeze %dma_start3A_1733 : memref<1x125xi32, #tpu.memory_space<hbm>> -> memref<125xi32, #tpu.memory_space<hbm>>
    tpu.enqueue_dma source(%dma_start3A_1734 : memref<125xi32, #tpu.memory_space<hbm>>) target(%dma_start3A_1731 : memref<125xi32, #tpu.memory_space<vmem>>) target_semaphore(%dma_start3A_1728 : memref<!tpu.dma_semaphore, #tpu.memory_space<semaphore_mem>>)
    %dma_start3A_1735 = arith.constant 1 : i32
    %dma_start3A_1736 = arith.constant 1 : i32
    %dma_start3A_1737 = arith.constant 0 : i32
    %dma_start3A_1738 = arith.constant 0 : i32
    %dma_start3A_1739 = tpu.memref_slice %arg6[%dma_start3A_1735, %dma_start3A_1737, %dma_start3A_1738] : memref<2x125x128xf32, #tpu.memory_space<vmem>> -> memref<1x125x128xf32, #tpu.memory_space<vmem>>
    %dma_start3A_1740 = tpu.memref_squeeze %dma_start3A_1739 : memref<1x125x128xf32, #tpu.memory_space<vmem>> -> memref<125x128xf32, #tpu.memory_space<vmem>>
    %dma_start3A_1741 = arith.constant 0 : i32
    %dma_start3A_1742 = arith.constant 0 : i32
    %dma_start3A_1743 = tpu.memref_slice %arg2[%add3A_1718, %dma_start3A_1741, %dma_start3A_1742] : memref<800x125x128xf32, #tpu.memory_space<hbm>> -> memref<1x125x128xf32, #tpu.memory_space<hbm>>
    %dma_start3A_1744 = tpu.memref_squeeze %dma_start3A_1743 : memref<1x125x128xf32, #tpu.memory_space<hbm>> -> memref<125x128xf32, #tpu.memory_space<hbm>>
    %dma_start3A_1745 = tpu.memref_slice %arg9[%dma_start3A_1736] : memref<2x!tpu.dma_semaphore, #tpu.memory_space<semaphore_mem>> -> memref<1x!tpu.dma_semaphore, #tpu.memory_space<semaphore_mem>>
    %dma_start3A_1746 = tpu.memref_squeeze %dma_start3A_1745 : memref<1x!tpu.dma_semaphore, #tpu.memory_space<semaphore_mem>> -> memref<!tpu.dma_semaphore, #tpu.memory_space<semaphore_mem>>
    %dma_start3A_1747 = arith.constant 0 : i32
    %dma_start3A_1748 = arith.constant 0 : i32
    %dma_start3A_1749 = tpu.memref_slice %arg6[%dma_start3A_1735, %dma_start3A_1747, %dma_start3A_1748] : memref<2x125x128xf32, #tpu.memory_space<vmem>> -> memref<1x125x128xf32, #tpu.memory_space<vmem>>
    %dma_start3A_1750 = tpu.memref_squeeze %dma_start3A_1749 : memref<1x125x128xf32, #tpu.memory_space<vmem>> -> memref<125x128xf32, #tpu.memory_space<vmem>>
    %dma_start3A_1751 = arith.constant 0 : i32
    %dma_start3A_1752 = arith.constant 0 : i32
    %dma_start3A_1753 = tpu.memref_slice %arg2[%add3A_1718, %dma_start3A_1751, %dma_start3A_1752] : memref<800x125x128xf32, #tpu.memory_space<hbm>> -> memref<1x125x128xf32, #tpu.memory_space<hbm>>
    %dma_start3A_1754 = tpu.memref_squeeze %dma_start3A_1753 : memref<1x125x128xf32, #tpu.memory_space<hbm>> -> memref<125x128xf32, #tpu.memory_space<hbm>>
    tpu.enqueue_dma source(%dma_start3A_1754 : memref<125x128xf32, #tpu.memory_space<hbm>>) target(%dma_start3A_1750 : memref<125x128xf32, #tpu.memory_space<vmem>>) target_semaphore(%dma_start3A_1746 : memref<!tpu.dma_semaphore, #tpu.memory_space<semaphore_mem>>)
    %dma_wait3A_1755 = arith.constant 0 : i32
    %dma_wait3A_1756 = arith.constant 0 : i32
    %dma_wait3A_1757 = arith.constant 0 : i32
    %dma_wait3A_1758 = tpu.memref_slice %arg7[%dma_wait3A_1755, %dma_wait3A_1757] : memref<2x125xi32, #tpu.memory_space<vmem>> -> memref<1x125xi32, #tpu.memory_space<vmem>>
    %dma_wait3A_1759 = tpu.memref_squeeze %dma_wait3A_1758 : memref<1x125xi32, #tpu.memory_space<vmem>> -> memref<125xi32, #tpu.memory_space<vmem>>
    %dma_wait3A_1760 = arith.constant 0 : i32
    %dma_wait3A_1761 = tpu.memref_slice %arg3[%add3A_1642, %dma_wait3A_1760] : memref<800x125xi32, #tpu.memory_space<hbm>> -> memref<1x125xi32, #tpu.memory_space<hbm>>
    %dma_wait3A_1762 = tpu.memref_squeeze %dma_wait3A_1761 : memref<1x125xi32, #tpu.memory_space<hbm>> -> memref<125xi32, #tpu.memory_space<hbm>>
    %dma_wait3A_1763 = tpu.memref_slice %arg8[%dma_wait3A_1756] : memref<2x!tpu.dma_semaphore, #tpu.memory_space<semaphore_mem>> -> memref<1x!tpu.dma_semaphore, #tpu.memory_space<semaphore_mem>>
    %dma_wait3A_1764 = tpu.memref_squeeze %dma_wait3A_1763 : memref<1x!tpu.dma_semaphore, #tpu.memory_space<semaphore_mem>> -> memref<!tpu.dma_semaphore, #tpu.memory_space<semaphore_mem>>
    %dma_wait3A_1765 = arith.constant 0 : i32
    %dma_wait3A_1766 = tpu.memref_slice %arg7[%dma_wait3A_1755, %dma_wait3A_1765] : memref<2x125xi32, #tpu.memory_space<vmem>> -> memref<1x125xi32, #tpu.memory_space<vmem>>
    %dma_wait3A_1767 = tpu.memref_squeeze %dma_wait3A_1766 : memref<1x125xi32, #tpu.memory_space<vmem>> -> memref<125xi32, #tpu.memory_space<vmem>>
    %dma_wait3A_1768 = arith.constant 0 : i32
    %dma_wait3A_1769 = tpu.memref_slice %arg3[%add3A_1642, %dma_wait3A_1768] : memref<800x125xi32, #tpu.memory_space<hbm>> -> memref<1x125xi32, #tpu.memory_space<hbm>>
    %dma_wait3A_1770 = tpu.memref_squeeze %dma_wait3A_1769 : memref<1x125xi32, #tpu.memory_space<hbm>> -> memref<125xi32, #tpu.memory_space<hbm>>
    tpu.wait_dma2 semaphore(%dma_wait3A_1764 : memref<!tpu.dma_semaphore, #tpu.memory_space<semaphore_mem>>) src(%dma_wait3A_1770 : memref<125xi32, #tpu.memory_space<hbm>>) dst(%dma_wait3A_1767 : memref<125xi32, #tpu.memory_space<vmem>>)
    %dma_wait3A_1771 = arith.constant 0 : i32
    %dma_wait3A_1772 = arith.constant 0 : i32
    %dma_wait3A_1773 = arith.constant 0 : i32
    %dma_wait3A_1774 = arith.constant 0 : i32
    %dma_wait3A_1775 = tpu.memref_slice %arg6[%dma_wait3A_1771, %dma_wait3A_1773, %dma_wait3A_1774] : memref<2x125x128xf32, #tpu.memory_space<vmem>> -> memref<1x125x128xf32, #tpu.memory_space<vmem>>
    %dma_wait3A_1776 = tpu.memref_squeeze %dma_wait3A_1775 : memref<1x125x128xf32, #tpu.memory_space<vmem>> -> memref<125x128xf32, #tpu.memory_space<vmem>>
    %dma_wait3A_1777 = arith.constant 0 : i32
    %dma_wait3A_1778 = arith.constant 0 : i32
    %dma_wait3A_1779 = tpu.memref_slice %arg2[%add3A_1642, %dma_wait3A_1777, %dma_wait3A_1778] : memref<800x125x128xf32, #tpu.memory_space<hbm>> -> memref<1x125x128xf32, #tpu.memory_space<hbm>>
    %dma_wait3A_1780 = tpu.memref_squeeze %dma_wait3A_1779 : memref<1x125x128xf32, #tpu.memory_space<hbm>> -> memref<125x128xf32, #tpu.memory_space<hbm>>
    %dma_wait3A_1781 = tpu.memref_slice %arg9[%dma_wait3A_1772] : memref<2x!tpu.dma_semaphore, #tpu.memory_space<semaphore_mem>> -> memref<1x!tpu.dma_semaphore, #tpu.memory_space<semaphore_mem>>
    %dma_wait3A_1782 = tpu.memref_squeeze %dma_wait3A_1781 : memref<1x!tpu.dma_semaphore, #tpu.memory_space<semaphore_mem>> -> memref<!tpu.dma_semaphore, #tpu.memory_space<semaphore_mem>>
    %dma_wait3A_1783 = arith.constant 0 : i32
    %dma_wait3A_1784 = arith.constant 0 : i32
    %dma_wait3A_1785 = tpu.memref_slice %arg6[%dma_wait3A_1771, %dma_wait3A_1783, %dma_wait3A_1784] : memref<2x125x128xf32, #tpu.memory_space<vmem>> -> memref<1x125x128xf32, #tpu.memory_space<vmem>>
    %dma_wait3A_1786 = tpu.memref_squeeze %dma_wait3A_1785 : memref<1x125x128xf32, #tpu.memory_space<vmem>> -> memref<125x128xf32, #tpu.memory_space<vmem>>
    %dma_wait3A_1787 = arith.constant 0 : i32
    %dma_wait3A_1788 = arith.constant 0 : i32
    %dma_wait3A_1789 = tpu.memref_slice %arg2[%add3A_1642, %dma_wait3A_1787, %dma_wait3A_1788] : memref<800x125x128xf32, #tpu.memory_space<hbm>> -> memref<1x125x128xf32, #tpu.memory_space<hbm>>
    %dma_wait3A_1790 = tpu.memref_squeeze %dma_wait3A_1789 : memref<1x125x128xf32, #tpu.memory_space<hbm>> -> memref<125x128xf32, #tpu.memory_space<hbm>>
    tpu.wait_dma2 semaphore(%dma_wait3A_1782 : memref<!tpu.dma_semaphore, #tpu.memory_space<semaphore_mem>>) src(%dma_wait3A_1790 : memref<125x128xf32, #tpu.memory_space<hbm>>) dst(%dma_wait3A_1786 : memref<125x128xf32, #tpu.memory_space<vmem>>)
    %run_scoped3A_1791 = arith.constant 0 : i32
    %run_scoped3A_1792 = arith.constant 0 : i32
    "tpu.region"() ({
      %run_scoped3A_1912 = tpu.sem_alloc : memref<!tpu.dma_semaphore, #tpu.memory_space<semaphore_mem>>
      %dma_start3A_1913 = arith.constant 0 : i32
      %dma_start3A_1914 = arith.constant 0 : i32
      %dma_start3A_1915 = tpu.memref_slice %arg6[%run_scoped3A_1791, %dma_start3A_1913, %dma_start3A_1914] : memref<2x125x128xf32, #tpu.memory_space<vmem>> -> memref<1x125x128xf32, #tpu.memory_space<vmem>>
      %dma_start3A_1916 = tpu.memref_squeeze %dma_start3A_1915 : memref<1x125x128xf32, #tpu.memory_space<vmem>> -> memref<125x128xf32, #tpu.memory_space<vmem>>
      %dma_start3A_1917 = arith.constant 0 : i32
      %dma_start3A_1918 = tpu.memref_slice %arg7[%run_scoped3A_1792, %dma_start3A_1917] : memref<2x125xi32, #tpu.memory_space<vmem>> -> memref<1x125xi32, #tpu.memory_space<vmem>>
      %dma_start3A_1919 = tpu.memref_squeeze %dma_start3A_1918 : memref<1x125xi32, #tpu.memory_space<vmem>> -> memref<125xi32, #tpu.memory_space<vmem>>
      %dma_start3A_1920 = arith.constant 0 : i32
      %dma_start3A_1921 = arith.constant 0 : i32
      %dma_start3A_1922 = tpu.memref_slice %arg5[%dma_start3A_1920, %dma_start3A_1921] : memref<512x128xf32, #tpu.memory_space<vmem_shared>> -> memref<512x128xf32, #tpu.memory_space<vmem_shared>>
      tpu.enqueue_indirect_dma source(%dma_start3A_1916 : memref<125x128xf32, #tpu.memory_space<vmem>>) target(%dma_start3A_1922 : memref<512x128xf32, #tpu.memory_space<vmem_shared>>) offsets(%dma_start3A_1919 : memref<125xi32, #tpu.memory_space<vmem>>) semaphore(%run_scoped3A_1912 : memref<!tpu.dma_semaphore, #tpu.memory_space<semaphore_mem>>) {add = true}
      %dma_wait3A_1923 = arith.constant 0 : i32
      %dma_wait3A_1924 = arith.constant 0 : i32
      %dma_wait3A_1925 = tpu.memref_slice %arg6[%run_scoped3A_1791, %dma_wait3A_1923, %dma_wait3A_1924] : memref<2x125x128xf32, #tpu.memory_space<vmem>> -> memref<1x125x128xf32, #tpu.memory_space<vmem>>
      %dma_wait3A_1926 = tpu.memref_squeeze %dma_wait3A_1925 : memref<1x125x128xf32, #tpu.memory_space<vmem>> -> memref<125x128xf32, #tpu.memory_space<vmem>>
      %dma_wait3A_1927 = arith.constant 0 : i32
      %dma_wait3A_1928 = tpu.memref_slice %arg7[%run_scoped3A_1792, %dma_wait3A_1927] : memref<2x125xi32, #tpu.memory_space<vmem>> -> memref<1x125xi32, #tpu.memory_space<vmem>>
      %dma_wait3A_1929 = tpu.memref_squeeze %dma_wait3A_1928 : memref<1x125xi32, #tpu.memory_space<vmem>> -> memref<125xi32, #tpu.memory_space<vmem>>
      %dma_wait3A_1930 = arith.constant 0 : i32
      %dma_wait3A_1931 = arith.constant 0 : i32
      %dma_wait3A_1932 = tpu.memref_slice %arg5[%dma_wait3A_1930, %dma_wait3A_1931] : memref<512x128xf32, #tpu.memory_space<vmem_shared>> -> memref<512x128xf32, #tpu.memory_space<vmem_shared>>
      tpu.wait_indirect_dma semaphore(%run_scoped3A_1912 : memref<!tpu.dma_semaphore, #tpu.memory_space<semaphore_mem>>) src(%dma_wait3A_1926 : memref<125x128xf32, #tpu.memory_space<vmem>>) dst(%dma_wait3A_1932 : memref<512x128xf32, #tpu.memory_space<vmem_shared>>)
      tpu.yield
    }) : () -> ()
    %add3A_1793 = arith.constant 768 : i32
    %add3A_1794 = arith.addi %add3A, %add3A_1793 : i32
    %dma_start3A_1795 = arith.constant 0 : i32
    %dma_start3A_1796 = arith.constant 0 : i32
    %dma_start3A_1797 = arith.constant 0 : i32
    %dma_start3A_1798 = tpu.memref_slice %arg7[%dma_start3A_1795, %dma_start3A_1797] : memref<2x125xi32, #tpu.memory_space<vmem>> -> memref<1x125xi32, #tpu.memory_space<vmem>>
    %dma_start3A_1799 = tpu.memref_squeeze %dma_start3A_1798 : memref<1x125xi32, #tpu.memory_space<vmem>> -> memref<125xi32, #tpu.memory_space<vmem>>
    %dma_start3A_1800 = arith.constant 0 : i32
    %dma_start3A_1801 = tpu.memref_slice %arg3[%add3A_1794, %dma_start3A_1800] : memref<800x125xi32, #tpu.memory_space<hbm>> -> memref<1x125xi32, #tpu.memory_space<hbm>>
    %dma_start3A_1802 = tpu.memref_squeeze %dma_start3A_1801 : memref<1x125xi32, #tpu.memory_space<hbm>> -> memref<125xi32, #tpu.memory_space<hbm>>
    %dma_start3A_1803 = tpu.memref_slice %arg8[%dma_start3A_1796] : memref<2x!tpu.dma_semaphore, #tpu.memory_space<semaphore_mem>> -> memref<1x!tpu.dma_semaphore, #tpu.memory_space<semaphore_mem>>
    %dma_start3A_1804 = tpu.memref_squeeze %dma_start3A_1803 : memref<1x!tpu.dma_semaphore, #tpu.memory_space<semaphore_mem>> -> memref<!tpu.dma_semaphore, #tpu.memory_space<semaphore_mem>>
    %dma_start3A_1805 = arith.constant 0 : i32
    %dma_start3A_1806 = tpu.memref_slice %arg7[%dma_start3A_1795, %dma_start3A_1805] : memref<2x125xi32, #tpu.memory_space<vmem>> -> memref<1x125xi32, #tpu.memory_space<vmem>>
    %dma_start3A_1807 = tpu.memref_squeeze %dma_start3A_1806 : memref<1x125xi32, #tpu.memory_space<vmem>> -> memref<125xi32, #tpu.memory_space<vmem>>
    %dma_start3A_1808 = arith.constant 0 : i32
    %dma_start3A_1809 = tpu.memref_slice %arg3[%add3A_1794, %dma_start3A_1808] : memref<800x125xi32, #tpu.memory_space<hbm>> -> memref<1x125xi32, #tpu.memory_space<hbm>>
    %dma_start3A_1810 = tpu.memref_squeeze %dma_start3A_1809 : memref<1x125xi32, #tpu.memory_space<hbm>> -> memref<125xi32, #tpu.memory_space<hbm>>
    tpu.enqueue_dma source(%dma_start3A_1810 : memref<125xi32, #tpu.memory_space<hbm>>) target(%dma_start3A_1807 : memref<125xi32, #tpu.memory_space<vmem>>) target_semaphore(%dma_start3A_1804 : memref<!tpu.dma_semaphore, #tpu.memory_space<semaphore_mem>>)
    %dma_start3A_1811 = arith.constant 0 : i32
    %dma_start3A_1812 = arith.constant 0 : i32
    %dma_start3A_1813 = arith.constant 0 : i32
    %dma_start3A_1814 = arith.constant 0 : i32
    %dma_start3A_1815 = tpu.memref_slice %arg6[%dma_start3A_1811, %dma_start3A_1813, %dma_start3A_1814] : memref<2x125x128xf32, #tpu.memory_space<vmem>> -> memref<1x125x128xf32, #tpu.memory_space<vmem>>
    %dma_start3A_1816 = tpu.memref_squeeze %dma_start3A_1815 : memref<1x125x128xf32, #tpu.memory_space<vmem>> -> memref<125x128xf32, #tpu.memory_space<vmem>>
    %dma_start3A_1817 = arith.constant 0 : i32
    %dma_start3A_1818 = arith.constant 0 : i32
    %dma_start3A_1819 = tpu.memref_slice %arg2[%add3A_1794, %dma_start3A_1817, %dma_start3A_1818] : memref<800x125x128xf32, #tpu.memory_space<hbm>> -> memref<1x125x128xf32, #tpu.memory_space<hbm>>
    %dma_start3A_1820 = tpu.memref_squeeze %dma_start3A_1819 : memref<1x125x128xf32, #tpu.memory_space<hbm>> -> memref<125x128xf32, #tpu.memory_space<hbm>>
    %dma_start3A_1821 = tpu.memref_slice %arg9[%dma_start3A_1812] : memref<2x!tpu.dma_semaphore, #tpu.memory_space<semaphore_mem>> -> memref<1x!tpu.dma_semaphore, #tpu.memory_space<semaphore_mem>>
    %dma_start3A_1822 = tpu.memref_squeeze %dma_start3A_1821 : memref<1x!tpu.dma_semaphore, #tpu.memory_space<semaphore_mem>> -> memref<!tpu.dma_semaphore, #tpu.memory_space<semaphore_mem>>
    %dma_start3A_1823 = arith.constant 0 : i32
    %dma_start3A_1824 = arith.constant 0 : i32
    %dma_start3A_1825 = tpu.memref_slice %arg6[%dma_start3A_1811, %dma_start3A_1823, %dma_start3A_1824] : memref<2x125x128xf32, #tpu.memory_space<vmem>> -> memref<1x125x128xf32, #tpu.memory_space<vmem>>
    %dma_start3A_1826 = tpu.memref_squeeze %dma_start3A_1825 : memref<1x125x128xf32, #tpu.memory_space<vmem>> -> memref<125x128xf32, #tpu.memory_space<vmem>>
    %dma_start3A_1827 = arith.constant 0 : i32
    %dma_start3A_1828 = arith.constant 0 : i32
    %dma_start3A_1829 = tpu.memref_slice %arg2[%add3A_1794, %dma_start3A_1827, %dma_start3A_1828] : memref<800x125x128xf32, #tpu.memory_space<hbm>> -> memref<1x125x128xf32, #tpu.memory_space<hbm>>
    %dma_start3A_1830 = tpu.memref_squeeze %dma_start3A_1829 : memref<1x125x128xf32, #tpu.memory_space<hbm>> -> memref<125x128xf32, #tpu.memory_space<hbm>>
    tpu.enqueue_dma source(%dma_start3A_1830 : memref<125x128xf32, #tpu.memory_space<hbm>>) target(%dma_start3A_1826 : memref<125x128xf32, #tpu.memory_space<vmem>>) target_semaphore(%dma_start3A_1822 : memref<!tpu.dma_semaphore, #tpu.memory_space<semaphore_mem>>)
    %dma_wait3A_1831 = arith.constant 1 : i32
    %dma_wait3A_1832 = arith.constant 1 : i32
    %dma_wait3A_1833 = arith.constant 0 : i32
    %dma_wait3A_1834 = tpu.memref_slice %arg7[%dma_wait3A_1831, %dma_wait3A_1833] : memref<2x125xi32, #tpu.memory_space<vmem>> -> memref<1x125xi32, #tpu.memory_space<vmem>>
    %dma_wait3A_1835 = tpu.memref_squeeze %dma_wait3A_1834 : memref<1x125xi32, #tpu.memory_space<vmem>> -> memref<125xi32, #tpu.memory_space<vmem>>
    %dma_wait3A_1836 = arith.constant 0 : i32
    %dma_wait3A_1837 = tpu.memref_slice %arg3[%add3A_1718, %dma_wait3A_1836] : memref<800x125xi32, #tpu.memory_space<hbm>> -> memref<1x125xi32, #tpu.memory_space<hbm>>
    %dma_wait3A_1838 = tpu.memref_squeeze %dma_wait3A_1837 : memref<1x125xi32, #tpu.memory_space<hbm>> -> memref<125xi32, #tpu.memory_space<hbm>>
    %dma_wait3A_1839 = tpu.memref_slice %arg8[%dma_wait3A_1832] : memref<2x!tpu.dma_semaphore, #tpu.memory_space<semaphore_mem>> -> memref<1x!tpu.dma_semaphore, #tpu.memory_space<semaphore_mem>>
    %dma_wait3A_1840 = tpu.memref_squeeze %dma_wait3A_1839 : memref<1x!tpu.dma_semaphore, #tpu.memory_space<semaphore_mem>> -> memref<!tpu.dma_semaphore, #tpu.memory_space<semaphore_mem>>
    %dma_wait3A_1841 = arith.constant 0 : i32
    %dma_wait3A_1842 = tpu.memref_slice %arg7[%dma_wait3A_1831, %dma_wait3A_1841] : memref<2x125xi32, #tpu.memory_space<vmem>> -> memref<1x125xi32, #tpu.memory_space<vmem>>
    %dma_wait3A_1843 = tpu.memref_squeeze %dma_wait3A_1842 : memref<1x125xi32, #tpu.memory_space<vmem>> -> memref<125xi32, #tpu.memory_space<vmem>>
    %dma_wait3A_1844 = arith.constant 0 : i32
    %dma_wait3A_1845 = tpu.memref_slice %arg3[%add3A_1718, %dma_wait3A_1844] : memref<800x125xi32, #tpu.memory_space<hbm>> -> memref<1x125xi32, #tpu.memory_space<hbm>>
    %dma_wait3A_1846 = tpu.memref_squeeze %dma_wait3A_1845 : memref<1x125xi32, #tpu.memory_space<hbm>> -> memref<125xi32, #tpu.memory_space<hbm>>
    tpu.wait_dma2 semaphore(%dma_wait3A_1840 : memref<!tpu.dma_semaphore, #tpu.memory_space<semaphore_mem>>) src(%dma_wait3A_1846 : memref<125xi32, #tpu.memory_space<hbm>>) dst(%dma_wait3A_1843 : memref<125xi32, #tpu.memory_space<vmem>>)
    %dma_wait3A_1847 = arith.constant 1 : i32
    %dma_wait3A_1848 = arith.constant 1 : i32
    %dma_wait3A_1849 = arith.constant 0 : i32
    %dma_wait3A_1850 = arith.constant 0 : i32
    %dma_wait3A_1851 = tpu.memref_slice %arg6[%dma_wait3A_1847, %dma_wait3A_1849, %dma_wait3A_1850] : memref<2x125x128xf32, #tpu.memory_space<vmem>> -> memref<1x125x128xf32, #tpu.memory_space<vmem>>
    %dma_wait3A_1852 = tpu.memref_squeeze %dma_wait3A_1851 : memref<1x125x128xf32, #tpu.memory_space<vmem>> -> memref<125x128xf32, #tpu.memory_space<vmem>>
    %dma_wait3A_1853 = arith.constant 0 : i32
    %dma_wait3A_1854 = arith.constant 0 : i32
    %dma_wait3A_1855 = tpu.memref_slice %arg2[%add3A_1718, %dma_wait3A_1853, %dma_wait3A_1854] : memref<800x125x128xf32, #tpu.memory_space<hbm>> -> memref<1x125x128xf32, #tpu.memory_space<hbm>>
    %dma_wait3A_1856 = tpu.memref_squeeze %dma_wait3A_1855 : memref<1x125x128xf32, #tpu.memory_space<hbm>> -> memref<125x128xf32, #tpu.memory_space<hbm>>
    %dma_wait3A_1857 = tpu.memref_slice %arg9[%dma_wait3A_1848] : memref<2x!tpu.dma_semaphore, #tpu.memory_space<semaphore_mem>> -> memref<1x!tpu.dma_semaphore, #tpu.memory_space<semaphore_mem>>
    %dma_wait3A_1858 = tpu.memref_squeeze %dma_wait3A_1857 : memref<1x!tpu.dma_semaphore, #tpu.memory_space<semaphore_mem>> -> memref<!tpu.dma_semaphore, #tpu.memory_space<semaphore_mem>>
    %dma_wait3A_1859 = arith.constant 0 : i32
    %dma_wait3A_1860 = arith.constant 0 : i32
    %dma_wait3A_1861 = tpu.memref_slice %arg6[%dma_wait3A_1847, %dma_wait3A_1859, %dma_wait3A_1860] : memref<2x125x128xf32, #tpu.memory_space<vmem>> -> memref<1x125x128xf32, #tpu.memory_space<vmem>>
    %dma_wait3A_1862 = tpu.memref_squeeze %dma_wait3A_1861 : memref<1x125x128xf32, #tpu.memory_space<vmem>> -> memref<125x128xf32, #tpu.memory_space<vmem>>
    %dma_wait3A_1863 = arith.constant 0 : i32
    %dma_wait3A_1864 = arith.constant 0 : i32
    %dma_wait3A_1865 = tpu.memref_slice %arg2[%add3A_1718, %dma_wait3A_1863, %dma_wait3A_1864] : memref<800x125x128xf32, #tpu.memory_space<hbm>> -> memref<1x125x128xf32, #tpu.memory_space<hbm>>
    %dma_wait3A_1866 = tpu.memref_squeeze %dma_wait3A_1865 : memref<1x125x128xf32, #tpu.memory_space<hbm>> -> memref<125x128xf32, #tpu.memory_space<hbm>>
    tpu.wait_dma2 semaphore(%dma_wait3A_1858 : memref<!tpu.dma_semaphore, #tpu.memory_space<semaphore_mem>>) src(%dma_wait3A_1866 : memref<125x128xf32, #tpu.memory_space<hbm>>) dst(%dma_wait3A_1862 : memref<125x128xf32, #tpu.memory_space<vmem>>)
    %run_scoped3A_1867 = arith.constant 1 : i32
    %run_scoped3A_1868 = arith.constant 1 : i32
    "tpu.region"() ({
      %run_scoped3A_1912 = tpu.sem_alloc : memref<!tpu.dma_semaphore, #tpu.memory_space<semaphore_mem>>
      %dma_start3A_1913 = arith.constant 0 : i32
      %dma_start3A_1914 = arith.constant 0 : i32
      %dma_start3A_1915 = tpu.memref_slice %arg6[%run_scoped3A_1867, %dma_start3A_1913, %dma_start3A_1914] : memref<2x125x128xf32, #tpu.memory_space<vmem>> -> memref<1x125x128xf32, #tpu.memory_space<vmem>>
      %dma_start3A_1916 = tpu.memref_squeeze %dma_start3A_1915 : memref<1x125x128xf32, #tpu.memory_space<vmem>> -> memref<125x128xf32, #tpu.memory_space<vmem>>
      %dma_start3A_1917 = arith.constant 0 : i32
      %dma_start3A_1918 = tpu.memref_slice %arg7[%run_scoped3A_1868, %dma_start3A_1917] : memref<2x125xi32, #tpu.memory_space<vmem>> -> memref<1x125xi32, #tpu.memory_space<vmem>>
      %dma_start3A_1919 = tpu.memref_squeeze %dma_start3A_1918 : memref<1x125xi32, #tpu.memory_space<vmem>> -> memref<125xi32, #tpu.memory_space<vmem>>
      %dma_start3A_1920 = arith.constant 0 : i32
      %dma_start3A_1921 = arith.constant 0 : i32
      %dma_start3A_1922 = tpu.memref_slice %arg5[%dma_start3A_1920, %dma_start3A_1921] : memref<512x128xf32, #tpu.memory_space<vmem_shared>> -> memref<512x128xf32, #tpu.memory_space<vmem_shared>>
      tpu.enqueue_indirect_dma source(%dma_start3A_1916 : memref<125x128xf32, #tpu.memory_space<vmem>>) target(%dma_start3A_1922 : memref<512x128xf32, #tpu.memory_space<vmem_shared>>) offsets(%dma_start3A_1919 : memref<125xi32, #tpu.memory_space<vmem>>) semaphore(%run_scoped3A_1912 : memref<!tpu.dma_semaphore, #tpu.memory_space<semaphore_mem>>) {add = true}
      %dma_wait3A_1923 = arith.constant 0 : i32
      %dma_wait3A_1924 = arith.constant 0 : i32
      %dma_wait3A_1925 = tpu.memref_slice %arg6[%run_scoped3A_1867, %dma_wait3A_1923, %dma_wait3A_1924] : memref<2x125x128xf32, #tpu.memory_space<vmem>> -> memref<1x125x128xf32, #tpu.memory_space<vmem>>
      %dma_wait3A_1926 = tpu.memref_squeeze %dma_wait3A_1925 : memref<1x125x128xf32, #tpu.memory_space<vmem>> -> memref<125x128xf32, #tpu.memory_space<vmem>>
      %dma_wait3A_1927 = arith.constant 0 : i32
      %dma_wait3A_1928 = tpu.memref_slice %arg7[%run_scoped3A_1868, %dma_wait3A_1927] : memref<2x125xi32, #tpu.memory_space<vmem>> -> memref<1x125xi32, #tpu.memory_space<vmem>>
      %dma_wait3A_1929 = tpu.memref_squeeze %dma_wait3A_1928 : memref<1x125xi32, #tpu.memory_space<vmem>> -> memref<125xi32, #tpu.memory_space<vmem>>
      %dma_wait3A_1930 = arith.constant 0 : i32
      %dma_wait3A_1931 = arith.constant 0 : i32
      %dma_wait3A_1932 = tpu.memref_slice %arg5[%dma_wait3A_1930, %dma_wait3A_1931] : memref<512x128xf32, #tpu.memory_space<vmem_shared>> -> memref<512x128xf32, #tpu.memory_space<vmem_shared>>
      tpu.wait_indirect_dma semaphore(%run_scoped3A_1912 : memref<!tpu.dma_semaphore, #tpu.memory_space<semaphore_mem>>) src(%dma_wait3A_1926 : memref<125x128xf32, #tpu.memory_space<vmem>>) dst(%dma_wait3A_1932 : memref<512x128xf32, #tpu.memory_space<vmem_shared>>)
      tpu.yield
    }) : () -> ()
    %dma_wait3A_1869 = arith.constant 0 : i32
    %dma_wait3A_1870 = arith.constant 0 : i32
    %dma_wait3A_1871 = arith.constant 0 : i32
    %dma_wait3A_1872 = tpu.memref_slice %arg7[%dma_wait3A_1869, %dma_wait3A_1871] : memref<2x125xi32, #tpu.memory_space<vmem>> -> memref<1x125xi32, #tpu.memory_space<vmem>>
    %dma_wait3A_1873 = tpu.memref_squeeze %dma_wait3A_1872 : memref<1x125xi32, #tpu.memory_space<vmem>> -> memref<125xi32, #tpu.memory_space<vmem>>
    %dma_wait3A_1874 = arith.constant 0 : i32
    %dma_wait3A_1875 = tpu.memref_slice %arg3[%add3A_1794, %dma_wait3A_1874] : memref<800x125xi32, #tpu.memory_space<hbm>> -> memref<1x125xi32, #tpu.memory_space<hbm>>
    %dma_wait3A_1876 = tpu.memref_squeeze %dma_wait3A_1875 : memref<1x125xi32, #tpu.memory_space<hbm>> -> memref<125xi32, #tpu.memory_space<hbm>>
    %dma_wait3A_1877 = tpu.memref_slice %arg8[%dma_wait3A_1870] : memref<2x!tpu.dma_semaphore, #tpu.memory_space<semaphore_mem>> -> memref<1x!tpu.dma_semaphore, #tpu.memory_space<semaphore_mem>>
    %dma_wait3A_1878 = tpu.memref_squeeze %dma_wait3A_1877 : memref<1x!tpu.dma_semaphore, #tpu.memory_space<semaphore_mem>> -> memref<!tpu.dma_semaphore, #tpu.memory_space<semaphore_mem>>
    %dma_wait3A_1879 = arith.constant 0 : i32
    %dma_wait3A_1880 = tpu.memref_slice %arg7[%dma_wait3A_1869, %dma_wait3A_1879] : memref<2x125xi32, #tpu.memory_space<vmem>> -> memref<1x125xi32, #tpu.memory_space<vmem>>
    %dma_wait3A_1881 = tpu.memref_squeeze %dma_wait3A_1880 : memref<1x125xi32, #tpu.memory_space<vmem>> -> memref<125xi32, #tpu.memory_space<vmem>>
    %dma_wait3A_1882 = arith.constant 0 : i32
    %dma_wait3A_1883 = tpu.memref_slice %arg3[%add3A_1794, %dma_wait3A_1882] : memref<800x125xi32, #tpu.memory_space<hbm>> -> memref<1x125xi32, #tpu.memory_space<hbm>>
    %dma_wait3A_1884 = tpu.memref_squeeze %dma_wait3A_1883 : memref<1x125xi32, #tpu.memory_space<hbm>> -> memref<125xi32, #tpu.memory_space<hbm>>
    tpu.wait_dma2 semaphore(%dma_wait3A_1878 : memref<!tpu.dma_semaphore, #tpu.memory_space<semaphore_mem>>) src(%dma_wait3A_1884 : memref<125xi32, #tpu.memory_space<hbm>>) dst(%dma_wait3A_1881 : memref<125xi32, #tpu.memory_space<vmem>>)
    %dma_wait3A_1885 = arith.constant 0 : i32
    %dma_wait3A_1886 = arith.constant 0 : i32
    %dma_wait3A_1887 = arith.constant 0 : i32
    %dma_wait3A_1888 = arith.constant 0 : i32
    %dma_wait3A_1889 = tpu.memref_slice %arg6[%dma_wait3A_1885, %dma_wait3A_1887, %dma_wait3A_1888] : memref<2x125x128xf32, #tpu.memory_space<vmem>> -> memref<1x125x128xf32, #tpu.memory_space<vmem>>
    %dma_wait3A_1890 = tpu.memref_squeeze %dma_wait3A_1889 : memref<1x125x128xf32, #tpu.memory_space<vmem>> -> memref<125x128xf32, #tpu.memory_space<vmem>>
    %dma_wait3A_1891 = arith.constant 0 : i32
    %dma_wait3A_1892 = arith.constant 0 : i32
    %dma_wait3A_1893 = tpu.memref_slice %arg2[%add3A_1794, %dma_wait3A_1891, %dma_wait3A_1892] : memref<800x125x128xf32, #tpu.memory_space<hbm>> -> memref<1x125x128xf32, #tpu.memory_space<hbm>>
    %dma_wait3A_1894 = tpu.memref_squeeze %dma_wait3A_1893 : memref<1x125x128xf32, #tpu.memory_space<hbm>> -> memref<125x128xf32, #tpu.memory_space<hbm>>
    %dma_wait3A_1895 = tpu.memref_slice %arg9[%dma_wait3A_1886] : memref<2x!tpu.dma_semaphore, #tpu.memory_space<semaphore_mem>> -> memref<1x!tpu.dma_semaphore, #tpu.memory_space<semaphore_mem>>
    %dma_wait3A_1896 = tpu.memref_squeeze %dma_wait3A_1895 : memref<1x!tpu.dma_semaphore, #tpu.memory_space<semaphore_mem>> -> memref<!tpu.dma_semaphore, #tpu.memory_space<semaphore_mem>>
    %dma_wait3A_1897 = arith.constant 0 : i32
    %dma_wait3A_1898 = arith.constant 0 : i32
    %dma_wait3A_1899 = tpu.memref_slice %arg6[%dma_wait3A_1885, %dma_wait3A_1897, %dma_wait3A_1898] : memref<2x125x128xf32, #tpu.memory_space<vmem>> -> memref<1x125x128xf32, #tpu.memory_space<vmem>>
    %dma_wait3A_1900 = tpu.memref_squeeze %dma_wait3A_1899 : memref<1x125x128xf32, #tpu.memory_space<vmem>> -> memref<125x128xf32, #tpu.memory_space<vmem>>
    %dma_wait3A_1901 = arith.constant 0 : i32
    %dma_wait3A_1902 = arith.constant 0 : i32
    %dma_wait3A_1903 = tpu.memref_slice %arg2[%add3A_1794, %dma_wait3A_1901, %dma_wait3A_1902] : memref<800x125x128xf32, #tpu.memory_space<hbm>> -> memref<1x125x128xf32, #tpu.memory_space<hbm>>
    %dma_wait3A_1904 = tpu.memref_squeeze %dma_wait3A_1903 : memref<1x125x128xf32, #tpu.memory_space<hbm>> -> memref<125x128xf32, #tpu.memory_space<hbm>>
    tpu.wait_dma2 semaphore(%dma_wait3A_1896 : memref<!tpu.dma_semaphore, #tpu.memory_space<semaphore_mem>>) src(%dma_wait3A_1904 : memref<125x128xf32, #tpu.memory_space<hbm>>) dst(%dma_wait3A_1900 : memref<125x128xf32, #tpu.memory_space<vmem>>)
    %run_scoped3A_1905 = arith.constant 0 : i32
    %run_scoped3A_1906 = arith.constant 0 : i32
    "tpu.region"() ({
      %run_scoped3A_1912 = tpu.sem_alloc : memref<!tpu.dma_semaphore, #tpu.memory_space<semaphore_mem>>
      %dma_start3A_1913 = arith.constant 0 : i32
      %dma_start3A_1914 = arith.constant 0 : i32
      %dma_start3A_1915 = tpu.memref_slice %arg6[%run_scoped3A_1905, %dma_start3A_1913, %dma_start3A_1914] : memref<2x125x128xf32, #tpu.memory_space<vmem>> -> memref<1x125x128xf32, #tpu.memory_space<vmem>>
      %dma_start3A_1916 = tpu.memref_squeeze %dma_start3A_1915 : memref<1x125x128xf32, #tpu.memory_space<vmem>> -> memref<125x128xf32, #tpu.memory_space<vmem>>
      %dma_start3A_1917 = arith.constant 0 : i32
      %dma_start3A_1918 = tpu.memref_slice %arg7[%run_scoped3A_1906, %dma_start3A_1917] : memref<2x125xi32, #tpu.memory_space<vmem>> -> memref<1x125xi32, #tpu.memory_space<vmem>>
      %dma_start3A_1919 = tpu.memref_squeeze %dma_start3A_1918 : memref<1x125xi32, #tpu.memory_space<vmem>> -> memref<125xi32, #tpu.memory_space<vmem>>
      %dma_start3A_1920 = arith.constant 0 : i32
      %dma_start3A_1921 = arith.constant 0 : i32
      %dma_start3A_1922 = tpu.memref_slice %arg5[%dma_start3A_1920, %dma_start3A_1921] : memref<512x128xf32, #tpu.memory_space<vmem_shared>> -> memref<512x128xf32, #tpu.memory_space<vmem_shared>>
      tpu.enqueue_indirect_dma source(%dma_start3A_1916 : memref<125x128xf32, #tpu.memory_space<vmem>>) target(%dma_start3A_1922 : memref<512x128xf32, #tpu.memory_space<vmem_shared>>) offsets(%dma_start3A_1919 : memref<125xi32, #tpu.memory_space<vmem>>) semaphore(%run_scoped3A_1912 : memref<!tpu.dma_semaphore, #tpu.memory_space<semaphore_mem>>) {add = true}
      %dma_wait3A_1923 = arith.constant 0 : i32
      %dma_wait3A_1924 = arith.constant 0 : i32
      %dma_wait3A_1925 = tpu.memref_slice %arg6[%run_scoped3A_1905, %dma_wait3A_1923, %dma_wait3A_1924] : memref<2x125x128xf32, #tpu.memory_space<vmem>> -> memref<1x125x128xf32, #tpu.memory_space<vmem>>
      %dma_wait3A_1926 = tpu.memref_squeeze %dma_wait3A_1925 : memref<1x125x128xf32, #tpu.memory_space<vmem>> -> memref<125x128xf32, #tpu.memory_space<vmem>>
      %dma_wait3A_1927 = arith.constant 0 : i32
      %dma_wait3A_1928 = tpu.memref_slice %arg7[%run_scoped3A_1906, %dma_wait3A_1927] : memref<2x125xi32, #tpu.memory_space<vmem>> -> memref<1x125xi32, #tpu.memory_space<vmem>>
      %dma_wait3A_1929 = tpu.memref_squeeze %dma_wait3A_1928 : memref<1x125xi32, #tpu.memory_space<vmem>> -> memref<125xi32, #tpu.memory_space<vmem>>
      %dma_wait3A_1930 = arith.constant 0 : i32
      %dma_wait3A_1931 = arith.constant 0 : i32
      %dma_wait3A_1932 = tpu.memref_slice %arg5[%dma_wait3A_1930, %dma_wait3A_1931] : memref<512x128xf32, #tpu.memory_space<vmem_shared>> -> memref<512x128xf32, #tpu.memory_space<vmem_shared>>
      tpu.wait_indirect_dma semaphore(%run_scoped3A_1912 : memref<!tpu.dma_semaphore, #tpu.memory_space<semaphore_mem>>) src(%dma_wait3A_1926 : memref<125x128xf32, #tpu.memory_space<vmem>>) dst(%dma_wait3A_1932 : memref<512x128xf32, #tpu.memory_space<vmem_shared>>)
      tpu.yield
    }) : () -> ()
    %barrier3A_1907 = arith.constant 0 : index
    tpu.barrier barrier_id(%barrier3A_1907)
    %mul3A_1908 = arith.constant 32 : i32
    %mul3A_1909 = arith.muli %arg1, %mul3A_1908 : i32
    %run_scoped3A_1910 = arith.constant 0 : i32
    "tpu.region"() ({
      %run_scoped3A_1912 = tpu.sem_alloc : memref<!tpu.dma_semaphore, #tpu.memory_space<semaphore_mem>>
      %dma_start3A_1913 = arith.constant 0 : i32
      %dma_start3A_1914 = arith.constant 0 : i32
      %dma_start3A_1915 = tpu.memref_slice %arg6[%run_scoped3A_1910, %dma_start3A_1913, %dma_start3A_1914] : memref<2x125x128xf32, #tpu.memory_space<vmem>> -> memref<1x32x128xf32, #tpu.memory_space<vmem>>
      %dma_start3A_1916 = tpu.memref_squeeze %dma_start3A_1915 : memref<1x32x128xf32, #tpu.memory_space<vmem>> -> memref<32x128xf32, #tpu.memory_space<vmem>>
      %dma_start3A_1917 = arith.constant 0 : i32
      %dma_start3A_1918 = tpu.memref_slice %arg5[%mul3A_1909, %dma_start3A_1917] : memref<512x128xf32, #tpu.memory_space<vmem_shared>> -> memref<32x128xf32, #tpu.memory_space<vmem_shared>>
      %dma_start3A_1919 = arith.constant 0 : i32
      %dma_start3A_1920 = arith.constant 0 : i32
      %dma_start3A_1921 = tpu.memref_slice %arg6[%run_scoped3A_1910, %dma_start3A_1919, %dma_start3A_1920] : memref<2x125x128xf32, #tpu.memory_space<vmem>> -> memref<1x32x128xf32, #tpu.memory_space<vmem>>
      %dma_start3A_1922 = tpu.memref_squeeze %dma_start3A_1921 : memref<1x32x128xf32, #tpu.memory_space<vmem>> -> memref<32x128xf32, #tpu.memory_space<vmem>>
      %dma_start3A_1923 = arith.constant 0 : i32
      %dma_start3A_1924 = tpu.memref_slice %arg5[%mul3A_1909, %dma_start3A_1923] : memref<512x128xf32, #tpu.memory_space<vmem_shared>> -> memref<32x128xf32, #tpu.memory_space<vmem_shared>>
      tpu.enqueue_dma source(%dma_start3A_1924 : memref<32x128xf32, #tpu.memory_space<vmem_shared>>) target(%dma_start3A_1922 : memref<32x128xf32, #tpu.memory_space<vmem>>) target_semaphore(%run_scoped3A_1912 : memref<!tpu.dma_semaphore, #tpu.memory_space<semaphore_mem>>)
      %dma_wait3A_1925 = arith.constant 0 : i32
      %dma_wait3A_1926 = arith.constant 0 : i32
      %dma_wait3A_1927 = tpu.memref_slice %arg6[%run_scoped3A_1910, %dma_wait3A_1925, %dma_wait3A_1926] : memref<2x125x128xf32, #tpu.memory_space<vmem>> -> memref<1x32x128xf32, #tpu.memory_space<vmem>>
      %dma_wait3A_1928 = tpu.memref_squeeze %dma_wait3A_1927 : memref<1x32x128xf32, #tpu.memory_space<vmem>> -> memref<32x128xf32, #tpu.memory_space<vmem>>
      %dma_wait3A_1929 = arith.constant 0 : i32
      %dma_wait3A_1930 = tpu.memref_slice %arg5[%mul3A_1909, %dma_wait3A_1929] : memref<512x128xf32, #tpu.memory_space<vmem_shared>> -> memref<32x128xf32, #tpu.memory_space<vmem_shared>>
      %dma_wait3A_1931 = arith.constant 0 : i32
      %dma_wait3A_1932 = arith.constant 0 : i32
      %dma_wait3A_1933 = tpu.memref_slice %arg6[%run_scoped3A_1910, %dma_wait3A_1931, %dma_wait3A_1932] : memref<2x125x128xf32, #tpu.memory_space<vmem>> -> memref<1x32x128xf32, #tpu.memory_space<vmem>>
      %dma_wait3A_1934 = tpu.memref_squeeze %dma_wait3A_1933 : memref<1x32x128xf32, #tpu.memory_space<vmem>> -> memref<32x128xf32, #tpu.memory_space<vmem>>
      %dma_wait3A_1935 = arith.constant 0 : i32
      %dma_wait3A_1936 = tpu.memref_slice %arg5[%mul3A_1909, %dma_wait3A_1935] : memref<512x128xf32, #tpu.memory_space<vmem_shared>> -> memref<32x128xf32, #tpu.memory_space<vmem_shared>>
      tpu.wait_dma2 semaphore(%run_scoped3A_1912 : memref<!tpu.dma_semaphore, #tpu.memory_space<semaphore_mem>>) src(%dma_wait3A_1936 : memref<32x128xf32, #tpu.memory_space<vmem_shared>>) dst(%dma_wait3A_1934 : memref<32x128xf32, #tpu.memory_space<vmem>>)
      tpu.yield
    }) : () -> ()
    %run_scoped3A_1911 = arith.constant 0 : i32
    "tpu.region"() ({
      %run_scoped3A_1912 = tpu.sem_alloc : memref<!tpu.dma_semaphore, #tpu.memory_space<semaphore_mem>>
      %dma_start3A_1913 = arith.constant 0 : i32
      %dma_start3A_1914 = arith.constant 0 : i32
      %dma_start3A_1915 = tpu.memref_slice %arg6[%run_scoped3A_1911, %dma_start3A_1913, %dma_start3A_1914] : memref<2x125x128xf32, #tpu.memory_space<vmem>> -> memref<1x32x128xf32, #tpu.memory_space<vmem>>
      %dma_start3A_1916 = tpu.memref_squeeze %dma_start3A_1915 : memref<1x32x128xf32, #tpu.memory_space<vmem>> -> memref<32x128xf32, #tpu.memory_space<vmem>>
      %dma_start3A_1917 = arith.constant 0 : i32
      %dma_start3A_1918 = tpu.memref_slice %arg4[%arg0, %mul3A_1909, %dma_start3A_1917] : memref<2x512x128xf32, #tpu.memory_space<hbm>> -> memref<1x32x128xf32, #tpu.memory_space<hbm>>
      %dma_start3A_1919 = tpu.memref_squeeze %dma_start3A_1918 : memref<1x32x128xf32, #tpu.memory_space<hbm>> -> memref<32x128xf32, #tpu.memory_space<hbm>>
      %dma_start3A_1920 = arith.constant 0 : i32
      %dma_start3A_1921 = tpu.memref_slice %arg4[%arg0, %mul3A_1909, %dma_start3A_1920] : memref<2x512x128xf32, #tpu.memory_space<hbm>> -> memref<1x32x128xf32, #tpu.memory_space<hbm>>
      %dma_start3A_1922 = tpu.memref_squeeze %dma_start3A_1921 : memref<1x32x128xf32, #tpu.memory_space<hbm>> -> memref<32x128xf32, #tpu.memory_space<hbm>>
      %dma_start3A_1923 = arith.constant 0 : i32
      %dma_start3A_1924 = arith.constant 0 : i32
      %dma_start3A_1925 = tpu.memref_slice %arg6[%run_scoped3A_1911, %dma_start3A_1923, %dma_start3A_1924] : memref<2x125x128xf32, #tpu.memory_space<vmem>> -> memref<1x32x128xf32, #tpu.memory_space<vmem>>
      %dma_start3A_1926 = tpu.memref_squeeze %dma_start3A_1925 : memref<1x32x128xf32, #tpu.memory_space<vmem>> -> memref<32x128xf32, #tpu.memory_space<vmem>>
      tpu.enqueue_dma source(%dma_start3A_1926 : memref<32x128xf32, #tpu.memory_space<vmem>>) target(%dma_start3A_1922 : memref<32x128xf32, #tpu.memory_space<hbm>>) target_semaphore(%run_scoped3A_1912 : memref<!tpu.dma_semaphore, #tpu.memory_space<semaphore_mem>>)
      %dma_wait3A_1927 = arith.constant 0 : i32
      %dma_wait3A_1928 = arith.constant 0 : i32
      %dma_wait3A_1929 = tpu.memref_slice %arg6[%run_scoped3A_1911, %dma_wait3A_1927, %dma_wait3A_1928] : memref<2x125x128xf32, #tpu.memory_space<vmem>> -> memref<1x32x128xf32, #tpu.memory_space<vmem>>
      %dma_wait3A_1930 = tpu.memref_squeeze %dma_wait3A_1929 : memref<1x32x128xf32, #tpu.memory_space<vmem>> -> memref<32x128xf32, #tpu.memory_space<vmem>>
      %dma_wait3A_1931 = arith.constant 0 : i32
      %dma_wait3A_1932 = tpu.memref_slice %arg4[%arg0, %mul3A_1909, %dma_wait3A_1931] : memref<2x512x128xf32, #tpu.memory_space<hbm>> -> memref<1x32x128xf32, #tpu.memory_space<hbm>>
      %dma_wait3A_1933 = tpu.memref_squeeze %dma_wait3A_1932 : memref<1x32x128xf32, #tpu.memory_space<hbm>> -> memref<32x128xf32, #tpu.memory_space<hbm>>
      %dma_wait3A_1934 = arith.constant 0 : i32
      %dma_wait3A_1935 = tpu.memref_slice %arg4[%arg0, %mul3A_1909, %dma_wait3A_1934] : memref<2x512x128xf32, #tpu.memory_space<hbm>> -> memref<1x32x128xf32, #tpu.memory_space<hbm>>
      %dma_wait3A_1936 = tpu.memref_squeeze %dma_wait3A_1935 : memref<1x32x128xf32, #tpu.memory_space<hbm>> -> memref<32x128xf32, #tpu.memory_space<hbm>>
      %dma_wait3A_1937 = arith.constant 0 : i32
      %dma_wait3A_1938 = arith.constant 0 : i32
      %dma_wait3A_1939 = tpu.memref_slice %arg6[%run_scoped3A_1911, %dma_wait3A_1937, %dma_wait3A_1938] : memref<2x125x128xf32, #tpu.memory_space<vmem>> -> memref<1x32x128xf32, #tpu.memory_space<vmem>>
      %dma_wait3A_1940 = tpu.memref_squeeze %dma_wait3A_1939 : memref<1x32x128xf32, #tpu.memory_space<vmem>> -> memref<32x128xf32, #tpu.memory_space<vmem>>
      tpu.wait_dma2 semaphore(%run_scoped3A_1912 : memref<!tpu.dma_semaphore, #tpu.memory_space<semaphore_mem>>) src(%dma_wait3A_1940 : memref<32x128xf32, #tpu.memory_space<vmem>>) dst(%dma_wait3A_1936 : memref<32x128xf32, #tpu.memory_space<hbm>>)
      tpu.yield
    }) : () -> ()
    return
  }
}

module attributes {stable_mosaic.version = 14 : i64} {
  func.func @_head_body(%arg0: memref<2x512x128xf32, #tpu.memory_space<vmem>>, %arg1: memref<128x10xf32, #tpu.memory_space<vmem>>, %arg2: memref<1x10xf32, #tpu.memory_space<vmem>>, %arg3: memref<512x10xf32, #tpu.memory_space<vmem>>) attributes {dimension_semantics = [], scalar_prefetch = 0 : i64, scratch_operands = 0 : i64, tpu.core_type = #tpu.core_type<tc>} {
    %get3A = arith.constant 0 : index
    %get3A_0 = arith.constant 0 : index
    %get3A_1 = arith.constant 0 : index
    %get3A_2 = vector.load %arg0[%get3A, %get3A_0, %get3A_1] : memref<2x512x128xf32, #tpu.memory_space<vmem>>, vector<1x512x128xf32>
    %get3A_3 = vector.shape_cast %get3A_2 : vector<1x512x128xf32> to vector<512x128xf32>
    %get3A_4 = arith.constant 1 : index
    %get3A_5 = arith.constant 0 : index
    %get3A_6 = arith.constant 0 : index
    %get3A_7 = vector.load %arg0[%get3A_4, %get3A_5, %get3A_6] : memref<2x512x128xf32, #tpu.memory_space<vmem>>, vector<1x512x128xf32>
    %get3A_8 = vector.shape_cast %get3A_7 : vector<1x512x128xf32> to vector<512x128xf32>
    %add3A = arith.addf %get3A_3, %get3A_8 : vector<512x128xf32>
    %max3A = arith.constant 0.000000e+00 : f32
    %max3A_9 = vector.broadcast %max3A : f32 to vector<512x128xf32>
    %max3A_10 = arith.maximumf %add3A, %max3A_9 : vector<512x128xf32>
    %get3A_11 = arith.constant 0 : index
    %get3A_12 = arith.constant 0 : index
    %get3A_13 = vector.load %arg1[%get3A_11, %get3A_12] : memref<128x10xf32, #tpu.memory_space<vmem>>, vector<128x10xf32>
    %dot_general3A = arith.constant dense<0.000000e+00> : vector<512x10xf32>
    %dot_general3A_14 = tpu.matmul %max3A_10, %get3A_13, %dot_general3A {dimension_numbers = #tpu.dot_dimension_numbers<[1], [0], [0], [1], [0, 0, 1, 1], [], []>, transpose_lhs_hint = false} : vector<512x128xf32>, vector<128x10xf32>, vector<512x10xf32> -> vector<512x10xf32>
    %get3A_15 = arith.constant 0 : index
    %get3A_16 = arith.constant 0 : index
    %get3A_17 = vector.load %arg2[%get3A_15, %get3A_16] : memref<1x10xf32, #tpu.memory_space<vmem>>, vector<1x10xf32>
    %add3A_18 = vector.broadcast %get3A_17 : vector<1x10xf32> to vector<512x10xf32>
    %add3A_19 = arith.addf %dot_general3A_14, %add3A_18 : vector<512x10xf32>
    %swap3A = arith.constant 0 : index
    %swap3A_20 = arith.constant 0 : index
    %swap3A_21 = vector.load %arg3[%swap3A, %swap3A_20] : memref<512x10xf32, #tpu.memory_space<vmem>>, vector<512x10xf32>
    tpu.vector_store %arg3[%swap3A, %swap3A_20], %add3A_19 {strides = array<i32>} : memref<512x10xf32, #tpu.memory_space<vmem>>, vector<512x10xf32>,
    return
  }
}

</mosaic_0001>

<sc_bundles>
// kernel: kernel.4.cloned.1.call-start
scs
__scs_entry_jumppad:
0x0: {  	(pc) =	sbr.rel $0x88, $3  }
0x1: {  	(tag) =	ssettag $0x0;
	lr =	simm.s32 $0x1  }
0x2: {  	[smem:$0x3F9D] =	sst lr;
	_ =	strace $0xD0000000  }
0x3: {  	_ = 	snop  }
0x4: {  	_ = 	snop  }
0x5: {  	_ = 	snop  }
0x6: {  	_ = 	snop  }
0x7: {  	_ = 	snop  }
__scs_overlays_trampoline_lowered:
0x8: {  	[smem:$0x3FAC] =	sst s0  }
0x9: {  	[smem:$0x3FAD] =	sst s1  }
0xa: {  	[smem:$0x3FAE] =	sst s2  }
0xb: {  	[smem:$0x3FAF] =	sst s3  }
0xc: {  	[smem:$0x3FB0] =	sst s4  }
0xd: {  	[smem:$0x3FB1] =	sst s5  }
0xe: {  	[smem:$0x3FB2] =	sst s6  }
0xf: {  	[smem:$0x3FB3] =	sst s7  }
0x10: {  	[smem:$0x3FB4] =	sst s8  }
0x11: {  	[smem:$0x3FB5] =	sst s9;
	s0 =	simm.s32 @!p0 $0x0  }
0x12: {  	s1 =	sld [smem:$0x3F9B];
	s0 =	simm.s32 @p0 $0x1  }
0x13: {  	[smem:$0x3FB6] =	sst s0;
	s0 =	simm.s32 @!p1 $0x0  }
0x14: {  	s2 =	sld [smem:$0x3F9A];
	s0 =	simm.s32 @p1 $0x1  }
0x15: {  	[smem:$0x3FB7] =	sst s0;
	s0 =	simm.s32 @!p2 $0x0  }
0x16: {  	s3 =	sld [smem:$0x3FDB];
	s0 =	simm.s32 @p2 $0x1  }
0x17: {  	s4 =	simm.s32 $0x1BF5;
	[smem:$0x3FB9] =	sst s0  }
0x18: {  	s0 =	sld [smem:$0x3F9C];
	_ =	swait.ge [sflag:s4], $0x0  }
0x19: {  	s7 =	sld [smem:$0x3F9D]  }
0x1a: {  	s8 =	sadd.s32 $0xFFFFE003, lr  }
0x1b: {  	s9 =	sadd.s32 $0xFFFFFEF7, lr;
	s5 =	simm.s32 $0xFFFFFFFF;
	p2 =	slt.u32 s8, $0xFFFFF086  }
0x1c: {  	p1 =	slt.u32 s9, $0xF7A;
	s5 =	simm.s32 @!p2 $0x0  }
0x1d: {  	s5 =	simm.s32 @p1 $0x1;
	p0 =	seq.s32 s7, s2  }
0x1e: {  	s7 =	smul.u32 @!p0 $0xF7A, s2;
	p2 =	seq.s32 @!p0 s5, $0x0  }
0x1f: {  	s9 =	smul.u32 $0xF7A, s1;
	s8 =	simm.s32 @!p0 $0x1BF5;
	p2 =	por !p2, p0  }
0x20: {  	[sflag:s8] =	ssyncset.s32 @!p0 $0xFFFFF086;
	s6 =	sadd.s32 @!p0 s3, s7;
	s7 =	simm.s32 @!p0 $0x108  }
0x21: {  	s3 =	sadd.s32 s3, s9;
	s6 =	sadd.s32 @!p0 $0x88, s6;
	s7 =	simm.s32 @p2 $0x1082  }
0x22: {  	[simem:s7], [sflag:s8] =	dma.local @!p0 [hbm:s6], $0xF7A  }
0x23: {  	s9 =	sor.u32 $0xD0000000, s2;
	s6 =	simm.s32 $0x108;
	_ =	swait.ge @!p0 [sflag:s8], $0x0  }
0x24: {  	s3 =	sadd.s32 $0x88, s3;
	s6 =	simm.s32 @!p1 $0x1082;
	[sflag:s4] =	ssyncset.s32 $0xFFFFF086  }
0x25: {  	[simem:s6], [sflag:s4] =	dma.local [hbm:s3], $0xF7A  }
0x26: {  	[smem:$0x3F9D] =	sst s1;
	(tag) =	ssettag s2;
	_ =	strace s9  }
0x27: {  	s1 =	sld [smem:$0x3FAD]  }
0x28: {  	s2 =	sld [smem:$0x3FAE]  }
0x29: {  	s4 =	sld [smem:$0x3FB0]  }
0x2a: {  	p0 =	seq.s32 s5, $0x0;
	s5 =	sld [smem:$0x3FB1]  }
0x2b: {  	s6 =	sld [smem:$0x3FB2]  }
0x2c: {  	s7 =	sld [smem:$0x3FB3]  }
0x2d: {  	s3 =	simm.s32 $0x108;
	s8 =	sld [smem:$0x3FB4]  }
0x2e: {  	s3 =	simm.s32 @!p0 $0x1082;
	s9 =	sld [smem:$0x3FB5]  }
0x2f: {  	lr =	sadd.s32 s0, s3;
	s0 =	sld [smem:$0x3FAC]  }
0x30: {  	s3 =	sld [smem:$0x3FAF]  }
0x31: {  	[smem:$0x3FB8] =	sst s10  }
0x32: {  	s10 =	sld [smem:$0x3FB6];
	_ =	sdelay $0x3  }
0x33: {  	p0 =	seq.s32 s10, $0x1;
	s10 =	sld [smem:$0x3FB8];
	_ =	sdelay $0x3  }
0x34: {  	[smem:$0x3FB8] =	sst s10  }
0x35: {  	s10 =	sld [smem:$0x3FB7];
	_ =	sdelay $0x3  }
0x36: {  	p1 =	seq.s32 s10, $0x1;
	s10 =	sld [smem:$0x3FB8];
	_ =	sdelay $0x3  }
0x37: {  	[smem:$0x3FB8] =	sst s10  }
0x38: {  	s10 =	sld [smem:$0x3FB9]  }
0x39: {  	_ = 	snop;
	(pc) =	sbr.ind lr, $3  }
0x3a: {  	_ = 	snop  }
0x3b: {  	_ = 	snop  }
0x3c: {  	p2 =	seq.s32 s10, $0x1;
	s10 =	sld [smem:$0x3FB8]  }
0x3d: {  	_ =	shalt  }
0x3e: {  	_ =	shalt  }
0x3f: {  	_ =	shalt  }
0x40: {  	_ =	shalt  }
0x41: {  	_ =	shalt  }
0x42: {  	_ =	shalt  }
0x43: {  	_ =	shalt  }
0x44: {  	_ =	shalt  }
0x45: {  	_ =	shalt  }
0x46: {  	_ =	shalt  }
0x47: {  	_ =	shalt  }
0x48: {  	_ =	shalt  }
0x49: {  	_ =	shalt  }
0x4a: {  	_ =	shalt  }
0x4b: {  	_ =	shalt  }
0x4c: {  	_ =	shalt  }
0x4d: {  	_ =	shalt  }
0x4e: {  	_ =	shalt  }
0x4f: {  	_ =	shalt  }
0x50: {  	_ =	shalt  }
0x51: {  	_ =	shalt  }
0x52: {  	_ =	shalt  }
0x53: {  	_ =	shalt  }
0x54: {  	_ =	shalt  }
0x55: {  	_ =	shalt  }
0x56: {  	_ =	shalt  }
0x57: {  	_ =	shalt  }
0x58: {  	_ =	shalt  }
0x59: {  	_ =	shalt  }
0x5a: {  	_ =	shalt  }
0x5b: {  	_ =	shalt  }
0x5c: {  	_ =	shalt  }
0x5d: {  	_ =	shalt  }
0x5e: {  	_ =	shalt  }
0x5f: {  	_ =	shalt  }
0x60: {  	_ =	shalt  }
0x61: {  	_ =	shalt  }
0x62: {  	_ =	shalt  }
0x63: {  	_ =	shalt  }
0x64: {  	_ =	shalt  }
0x65: {  	_ =	shalt  }
0x66: {  	_ =	shalt  }
0x67: {  	_ =	shalt  }
0x68: {  	_ =	shalt  }
0x69: {  	_ =	shalt  }
0x6a: {  	_ =	shalt  }
0x6b: {  	_ =	shalt  }
0x6c: {  	_ =	shalt  }
0x6d: {  	_ =	shalt  }
0x6e: {  	_ =	shalt  }
0x6f: {  	_ =	shalt  }
0x70: {  	_ =	shalt  }
0x71: {  	_ =	shalt  }
0x72: {  	_ =	shalt  }
0x73: {  	_ =	shalt  }
0x74: {  	_ =	shalt  }
0x75: {  	_ =	shalt  }
0x76: {  	_ =	shalt  }
0x77: {  	_ =	shalt  }
0x78: {  	_ =	shalt  }
0x79: {  	_ =	shalt  }
0x7a: {  	_ =	shalt  }
0x7b: {  	_ =	shalt  }
0x7c: {  	_ =	shalt  }
0x7d: {  	_ =	shalt  }
0x7e: {  	_ =	shalt  }
0x7f: {  	_ =	shalt  }
0x80: {  	_ =	shalt  }
0x81: {  	_ =	shalt  }
0x82: {  	_ =	shalt  }
0x83: {  	_ =	shalt  }
0x84: {  	_ =	shalt  }
0x85: {  	_ =	shalt  }
0x86: {  	_ =	shalt  }
0x87: {  	_ =	shalt  }
.Lfunc_end0:
.L_simem_size_0:
called_computation_lowered:
.L_overlay_start_0:
0x88: {  	s2 =	sld [smem:$0x3FD9]  }
0x89: {  	s3 =	sld [smem:$0x3FFE];
	_ =	sdelay $0x1  }
0x8a: {  	s1 =	srdreg.scid  }
0x8b: {  	s0 =	sand.u32 $0x1, s1  }
0x8c: {  	s16 =	sshll.u32 s0, $0xA;
	s2 =	sadd.s32 s3, s2  }
0x8d: {  	s2 =	sadd.s32 s2, s16  }
0x8e: {  	[smem:$0x3FC4] =	sst s2  }
0x8f: {  	_ = 	snop  }
0x90: {  	(tm) =	ssettm $0x1  }
0x91: {  	s17 =	sld [smem:$0x3FFB];
	_ =	sdelay $0x3  }
0x92: {  	_ =	strace s17  }
0x93: {  	s2 =	sld [smem:$0x3FFC];
	_ =	sdelay $0x3  }
0x94: {  	_ =	strace s2  }
0x95: {  	s2 =	sld [smem:$0x3FFD];
	_ =	sdelay $0x3  }
0x96: {  	_ =	strace s2  }
0x97: {  	_ =	strace $0x8FFFFFFF  }
0x98: {  	s18 =	sld [smem:$0x3FDB];
	_ =	sdelay $0x1  }
0x99: {  	s19 =	simm.s32 $_scs_section_size  }
0x9a: {  	s4 =	simm.s32 $_size__tile_overlayer_lowered;
	s5 =	simm.s32 $_tile_overlayer_lowered  }
0x9b: {  	s22 =	simm.s32 $0x1BFF;
	s21 =	sshll.u32 s5, $0x1;
	s2 =	sadd.s32 s19, s18  }
0x9c: {  	s6 =	simm.s32 $0x0;
	s20 =	sshll.u32 s4, $0x1;
	s4 =	sadd.s32 s21, s2  }
0x9d: {  	[timem:s6], [sflag:s22] =	dma.local [hbm:s4], s20  }
0x9e: {  	_ =	swait.ge [sflag:s22], s20  }
0x9f: {  	s3 =	ssub.s32 $0x0, s20;
	[sflag:s22] =	ssyncset.done $0x0  }
0xa0: {  	[sflag:s22] =	ssyncadd.s32 s3;
	_ =	sdelay $0x1  }
0xa1: {  	s23 =	simm.s32 $0x1B8B  }
0xa2: {  	_ =	swait.ge [sflag:s23], $0x1  }
0xa3: {  	[sflag:s23] =	ssyncset.done $0x0  }
0xa4: {  	s25 =	simm.s32 $0x1B8E;
	s24 =	sld [smem:$0x3FFE];
	[sflag:s23] =	ssyncadd.s32 $0xFFFFFFFF  }
0xa5: {  	s26 =	simm.s32 $execute0_lowered;
	[smem:$0x3FD2] =	sst s25  }
0xa6: {  	s4 =	sshll.u32 s26, $0x1;
	_ =	strace $0x80000046;
	[dreg:$0x1] =	wrdreg $0xFFFFFFFF  }
0xa7: {  	s28 =	simm.s32 $_size_execute0_lowered;
	s2 =	sadd.s32 s2, s4;
	[dreg:$0x0] =	wrdreg $0x0  }
0xa8: {  	s4 =	sshll.u32 s28, $0x1;
	[dreg:$0x2] =	wrdreg s2  }
0xa9: {  	[dreg:$0x3] =	wrdreg s4  }
0xaa: {  	[dreg:$0x4] =	wrdreg $0xC0  }
0xab: {  	_ =	task [dreg:s6], $0x5FFFF  }
0xac: {  	[dreg:$0x1] =	wrdreg $0xFFFFFFFF  }
0xad: {  	[dreg:$0x0] =	wrdreg $0x60  }
0xae: {  	[dreg:$0x2] =	wrdreg s24  }
0xaf: {  	[dreg:$0x3] =	wrdreg $0x0  }
0xb0: {  	[dreg:$0x4] =	wrdreg $0x9  }
0xb1: {  	_ =	task.clear_ibuf [dreg:s6], $0x5FFFF;
	_ =	strace $0x90000046  }
0xb2: {  	s29 =	simm.s32 $0x9;
	_ =	strace $0x80000048  }
0xb3: {  	_ =	swait.ge [sflag:s29], $0x1  }
0xb4: {  	[sflag:s29] =	ssyncadd.s32 $0xFFFFFFFF  }
0xb5: {  	_ =	strace $0x90000048  }
0xb6: {  	_ =	sfence  }
0xb7: {  	s30 =	sld [smem:$0x0];
	_ =	sdelay $0x2  }
0xb8: {  	s31 =	sshll.u32 s1, $0xD;
	s1 =	sshrl.u32 s1, $0x2  }
0xb9: {  	s3 =	sand.u32 $0x4000, s31;
	s1 =	sadd.s32 s1, s30  }
0xba: {  	s0 =	sor.u32 s3, s0;
	s1 =	sshll.u32 s1, $0x11  }
0xbb: {  	s0 =	sor.u32 s1, s0  }
0xbc: {  	s0 =	sadd.s32 $0x8F2B, s0  }
0xbd: {  	[sflag:s0] =	ssyncadd.remote.s32 $0x1  }
0xbe: {  	_ =	sfence.sel $0xFFFF  }
0xbf: {  	[dreg:$0x0] =	wrdreg $0xFFFFFFFF;
	(pc) =	sbr.abs _section_cstart, $3  }
0xc0: {  	[dreg:$0x1] =	wrdreg $0xFFFFFFFF  }
0xc1: {  	_ =	task.clear_ibuf [dreg:s6], $0x2FFFF;
	_ =	strace $0x9FFFFFFF  }
0xc2: {  	(tm) =	ssettm $0x7FFFFFFF  }
0xc3: {  	_ =	shalt  }
tec
execute0_lowered:
.L_overlay_start_1:
0x0: {  	(tag) =	ssettag $0x1  }
0x1: {  	s1 =	stileid.u32;
	s0 =	srdreg.scid  }
0x2: {  	s2 =	sand.u32 $0x1, s0;
	s8 =	sshll.u32 s1, $0x1  }
0x3: {  	[smem:$0x7FC] =	sst s2;
	s9 =	ssub.s32 $0x2, s2;
	s2 =	sor.u32 s2, s8  }
0x4: {  	s10 =	sshrl.u32 s9, $0x1;
	s11 =	sor.u32 $0x20, s2  }
0x5: {  	s3 =	sshll.u32 s2, $0x7;
	s12 =	sor.u32 $0x40, s2;
	[smem:$0x7E7] =	sst s11  }
0x6: {  	s4 =	sor.u32 $0x60, s2;
	s17 =	sor.u32 $0x80, s2;
	[smem:$0x7E8] =	sst s12  }
0x7: {  	s18 =	sor.u32 $0xA0, s2;
	s19 =	sor.u32 $0xC0, s2;
	[smem:$0x7E9] =	sst s4  }
0x8: {  	s24 =	sor.u32 $0xE0, s2;
	s26 =	sor.u32 $0x100, s2;
	[smem:$0x7EA] =	sst s17  }
0x9: {  	s8 =	sor.u32 $0x140, s2;
	s30 =	sor.u32 $0x1A0, s2;
	[smem:$0x7EB] =	sst s18  }
0xa: {  	s29 =	sor.u32 $0x1C0, s2;
	s0 =	ssub.s32 s9, s10;
	[smem:$0x7EE] =	sst s19  }
0xb: {  	s25 =	sand.u32 $0x380, s3;
	s1 =	sshll.u32 s12, $0x7;
	[smem:$0x7F0] =	sst s24  }
0xc: {  	s13 =	sshll.u32 s4, $0x7;
	s20 =	sshll.u32 s19, $0x7;
	[smem:$0x7F1] =	sst s26  }
0xd: {  	s3 =	sor.u32 $0x120, s2;
	[smem:$0x7F6] =	sst s8;
	s9 =	sor.u32 $0x160, s2  }
0xe: {  	s10 =	sor.u32 $0x180, s2;
	s19 =	sshll.u32 s29, $0x7;
	[smem:$0x7FD] =	sst s0  }
0xf: {  	s0 =	sshll.u32 s11, $0x7;
	s14 =	sand.u32 $0x2C00, s1;
	[smem:$0x7F4] =	sst s3  }
0x10: {  	s15 =	sand.u32 $0x3C00, s13;
	s1 =	sshll.u32 s18, $0x7;
	[smem:$0x7F7] =	sst s9  }
0x11: {  	s22 =	sand.u32 $0x6C00, s20;
	s4 =	sshll.u32 s3, $0x7;
	[smem:$0x7FA] =	sst s10  }
0x12: {  	s11 =	sshll.u32 s10, $0x7;
	s18 =	sor.u32 $0x1E0, s2;
	s0 =	sand.u32 $0x1C00, s0  }
0x13: {  	s16 =	sor.u32 s25, s15;
	s21 =	sand.u32 $0x5C00, s1;
	s23 =	sor.u32 s25, s22  }
0x14: {  	s1 =	sshll.u32 s26, $0x7;
	s6 =	sand.u32 $0x9C00, s4;
	s13 =	sand.u32 $0xCC00, s11  }
0x15: {  	[smem:$0x7FB] =	sst s18;
	s20 =	sshll.u32 s18, $0x7;
	s18 =	sor.u32 $0x240, s2  }
0x16: {  	s31 =	sor.u32 s25, s0;
	s0 =	sor.u32 s25, s14;
	[smem:$0x7E0] =	sst s16  }
0x17: {  	[smem:$0x7E3] =	sst s23;
	s5 =	sand.u32 $0x8C00, s1;
	s7 =	sor.u32 s25, s6  }
0x18: {  	s1 =	sshll.u32 s9, $0x7;
	s14 =	sshll.u32 s30, $0x7;
	s4 =	sand.u32 $0xFC00, s20  }
0x19: {  	s20 =	sor.u32 $0x220, s2;
	[smem:$0x7DF] =	sst s0;
	s0 =	sshll.u32 s17, $0x7  }
0x1a: {  	[smem:$0x7E6] =	sst s7;
	s12 =	sand.u32 $0xBC00, s1;
	s0 =	sand.u32 $0x4C00, s0  }
0x1b: {  	s17 =	sor.u32 s25, s13;
	s16 =	sor.u32 s25, s12;
	s0 =	sor.u32 s25, s0  }
0x1c: {  	[smem:$0x7E1] =	sst s0;
	s0 =	sor.u32 s25, s21;
	s21 =	sand.u32 $0xEC00, s19  }
0x1d: {  	s19 =	sor.u32 $0x200, s2;
	[smem:$0x7E2] =	sst s0;
	s0 =	sshll.u32 s24, $0x7  }
0x1e: {  	s13 =	sor.u32 s25, s21;
	s22 =	sshll.u32 s19, $0x7;
	s21 =	sshll.u32 s20, $0x7  }
0x1f: {  	s0 =	sand.u32 $0x7C00, s0;
	s23 =	sand.u32 $0x11C00, s21;
	s21 =	sor.u32 $0x2A0, s2  }
0x20: {  	s0 =	sor.u32 s25, s0;
	s10 =	sor.u32 s25, s23;
	s23 =	sor.u32 $0x280, s2  }
0x21: {  	[smem:$0x7E4] =	sst s0;
	s0 =	sor.u32 s25, s5;
	s26 =	sshll.u32 s23, $0x7  }
0x22: {  	[smem:$0x7E5] =	sst s0;
	s0 =	sshll.u32 s8, $0x7;
	s26 =	sand.u32 $0x14C00, s26  }
0x23: {  	s28 =	sshll.u32 s21, $0x7;
	s0 =	sand.u32 $0xAC00, s0;
	s7 =	sor.u32 s25, s26  }
0x24: {  	s26 =	sor.u32 $0x2C0, s2;
	s15 =	sor.u32 s25, s0;
	s0 =	sand.u32 $0xDC00, s14  }
0x25: {  	s14 =	sor.u32 s25, s4;
	s12 =	sor.u32 s25, s0;
	s0 =	sand.u32 $0x10C00, s22  }
0x26: {  	s1 =	sshll.u32 s26, $0x7;
	s22 =	sshll.u32 s18, $0x7;
	s9 =	sor.u32 s25, s0  }
0x27: {  	s24 =	sand.u32 $0x12C00, s22;
	s22 =	sor.u32 $0x260, s2;
	s0 =	sand.u32 $0x15C00, s28  }
0x28: {  	s28 =	sor.u32 $0x2E0, s2;
	s11 =	sor.u32 s25, s24;
	s24 =	sshll.u32 s22, $0x7  }
0x29: {  	s8 =	sor.u32 s25, s0;
	s0 =	sand.u32 $0x16C00, s1;
	s24 =	sand.u32 $0x13C00, s24  }
0x2a: {  	s3 =	sshll.u32 s28, $0x7;
	s5 =	sor.u32 s25, s24;
	s24 =	sor.u32 $0x300, s2  }
0x2b: {  	s4 =	sor.u32 s25, s0;
	s1 =	sand.u32 $0x17C00, s3;
	s6 =	sshll.u32 s24, $0x7  }
0x2c: {  	s1 =	sor.u32 s25, s1;
	s3 =	sand.u32 $0x18C00, s6;
	s6 =	rddreg [dreg:$0x0]  }
0x2d: {  	s3 =	sor.u32 s25, s3;
	s25 =	sshrl.u32 s31, $0x3;
	s0 =	sadd.s32 $0x190C00, s6  }
0x2e: {  	s25 =	sadd.s32 s0, s25  }
0x2f: {  	[dreg:$0x4] =	wrdreg s25  }
0x30: {  	s25 =	sld [smem:$0x7DF];
	_ =	sdelay $0x1  }
0x31: {  	s31 =	sshll.u32 s2, $0x4  }
0x32: {  	s31 =	sadd.s32 s0, s31;
	s25 =	sshrl.u32 s25, $0x3  }
0x33: {  	[dreg:$0x3] =	wrdreg s31;
	s25 =	sadd.s32 s0, s25  }
0x34: {  	[dreg:$0x5] =	wrdreg s25  }
0x35: {  	s25 =	sld [smem:$0x7E0]  }
0x36: {  	s31 =	sld [smem:$0x7E1];
	_ =	sdelay $0x1  }
0x37: {  	s25 =	sshrl.u32 s25, $0x3  }
0x38: {  	s31 =	sshrl.u32 s31, $0x3;
	s25 =	sadd.s32 s0, s25  }
0x39: {  	[dreg:$0x6] =	wrdreg s25;
	s25 =	sadd.s32 s0, s31  }
0x3a: {  	[dreg:$0x7] =	wrdreg s25  }
0x3b: {  	s25 =	sld [smem:$0x7E2]  }
0x3c: {  	s15 =	sshrl.u32 s15, $0x3  }
0x3d: {  	s12 =	sshrl.u32 s12, $0x3;
	s15 =	sadd.s32 s0, s15  }
0x3e: {  	s12 =	sadd.s32 s0, s12;
	[dreg:$0xd] =	wrdreg s15;
	s25 =	sshrl.u32 s25, $0x3  }
0x3f: {  	[dreg:$0x10] =	wrdreg s12;
	s25 =	sadd.s32 s0, s25  }
0x40: {  	[dreg:$0x8] =	wrdreg s25  }
0x41: {  	s9 =	sshrl.u32 s9, $0x3;
	s25 =	sld [smem:$0x7E3]  }
0x42: {  	s5 =	sshrl.u32 s5, $0x3;
	s9 =	sadd.s32 s0, s9;
	s31 =	sld [smem:$0x7E4]  }
0x43: {  	s4 =	sshrl.u32 s4, $0x3;
	s5 =	sadd.s32 s0, s5;
	[dreg:$0x13] =	wrdreg s9  }
0x44: {  	s4 =	sadd.s32 s0, s4;
	[dreg:$0x16] =	wrdreg s5;
	s25 =	sshrl.u32 s25, $0x3  }
0x45: {  	[dreg:$0x19] =	wrdreg s4;
	s31 =	sshrl.u32 s31, $0x3;
	s25 =	sadd.s32 s0, s25  }
0x46: {  	[dreg:$0x9] =	wrdreg s25;
	s25 =	sadd.s32 s0, s31  }
0x47: {  	s1 =	sshrl.u32 s1, $0x3;
	[dreg:$0xa] =	wrdreg s25  }
0x48: {  	s1 =	sadd.s32 s0, s1;
	s25 =	sld [smem:$0x7E5]  }
0x49: {  	s16 =	sshrl.u32 s16, $0x3;
	s13 =	sshrl.u32 s13, $0x3;
	[dreg:$0x1a] =	wrdreg s1  }
0x4a: {  	s15 =	sadd.s32 s0, s16;
	s16 =	sshrl.u32 s11, $0x3;
	s11 =	sld [smem:$0x7E9]  }
0x4b: {  	s12 =	sadd.s32 s0, s13;
	s13 =	sld [smem:$0x7EB];
	s25 =	sshrl.u32 s25, $0x3  }
0x4c: {  	[dreg:$0xe] =	wrdreg s15;
	s25 =	sadd.s32 s0, s25  }
0x4d: {  	[dreg:$0xb] =	wrdreg s25  }
0x4e: {  	s14 =	sshrl.u32 s14, $0x3;
	s2 =	sshll.u32 s2, $0xB;
	s25 =	sld [smem:$0x7E6]  }
0x4f: {  	s1 =	sadd.s32 $0xC00, s6;
	[dreg:$0x11] =	wrdreg s12;
	s12 =	sadd.s32 s0, s14  }
0x50: {  	s2 =	sadd.s32 s1, s2;
	[dreg:$0x12] =	wrdreg s12  }
0x51: {  	[dreg:$0x1c] =	wrdreg s2;
	s25 =	sshrl.u32 s25, $0x3  }
0x52: {  	s12 =	sld [smem:$0x7EA];
	s25 =	sadd.s32 s0, s25  }
0x53: {  	[dreg:$0xc] =	wrdreg s25;
	s25 =	sshrl.u32 s17, $0x3;
	s17 =	sshrl.u32 s7, $0x3  }
0x54: {  	s15 =	sadd.s32 s0, s25;
	s25 =	sshrl.u32 s8, $0x3;
	s8 =	sld [smem:$0x7E7]  }
0x55: {  	s5 =	sadd.s32 s0, s17;
	s17 =	sld [smem:$0x7F1]  }
0x56: {  	[dreg:$0xf] =	wrdreg s15  }
0x57: {  	[dreg:$0x17] =	wrdreg s5;
	s5 =	sadd.s32 s0, s25  }
0x58: {  	s25 =	simm.s32 $0x0;
	[dreg:$0x18] =	wrdreg s5  }
0x59: {  	s15 =	sshrl.u32 s10, $0x3;
	[smem:$0x7FF] =	sst s25  }
0x5a: {  	s9 =	sadd.s32 s0, s15;
	s15 =	sld [smem:$0x7EE]  }
0x5b: {  	[dreg:$0x14] =	wrdreg s9  }
0x5c: {  	s9 =	sadd.s32 s0, s16;
	s16 =	sld [smem:$0x7F0]  }
0x5d: {  	s5 =	sshrl.u32 s3, $0x3;
	s2 =	sshll.u32 s8, $0xB;
	s8 =	sld [smem:$0x7F7]  }
0x5e: {  	s0 =	sadd.s32 s0, s5;
	[dreg:$0x15] =	wrdreg s9  }
0x5f: {  	s4 =	stileid.u32;
	[dreg:$0x1b] =	wrdreg s0  }
0x60: {  	s7 =	sshll.u32 s4, $0x9;
	s9 =	sld [smem:$0x7E8]  }
0x61: {  	s0 =	sadd.s32 s7, s6;
	s2 =	sadd.s32 s1, s2;
	s6 =	sld [smem:$0x7F4]  }
0x62: {  	s31 =	simm.s32 $0x5000;
	[dreg:$0x1d] =	wrdreg s2;
	s2 =	sshll.u32 s11, $0xB  }
0x63: {  	s7 =	sld [smem:$0x7F6];
	s11 =	sshll.u32 s30, $0xB;
	s2 =	sadd.s32 s1, s2  }
0x64: {  	s3 =	sshll.u32 s9, $0xB;
	[dreg:$0x1f] =	wrdreg s2;
	s2 =	sshll.u32 s12, $0xB  }
0x65: {  	s10 =	sadd.s32 s1, s3;
	s3 =	sshll.u32 s13, $0xB;
	s13 =	sld [smem:$0x7FB]  }
0x66: {  	s30 =	simm.s32 $0x9080;
	s2 =	sadd.s32 s1, s2;
	[dreg:$0x1e] =	wrdreg s10  }
0x67: {  	s12 =	sshll.u32 s29, $0xB;
	s29 =	simm.s32 $0x9000;
	[smem:$0x7EC] =	sst s2  }
0x68: {  	s14 =	sadd.s32 s1, s3;
	s2 =	sshll.u32 s15, $0xB;
	s3 =	sshll.u32 s17, $0xB  }
0x69: {  	s10 =	sld [smem:$0x7FA];
	s15 =	sshll.u32 s20, $0xB;
	s17 =	sshll.u32 s22, $0xB  }
0x6a: {  	s20 =	sshll.u32 s26, $0xB;
	s22 =	sshll.u32 s24, $0xB;
	s24 =	sshll.u32 s4, $0xC  }
0x6b: {  	s4 =	simm.s32 $0x4;
	[smem:$0x7ED] =	sst s14;
	s2 =	sadd.s32 s1, s2  }
0x6c: {  	s5 =	sadd.s32 s1, s3;
	s3 =	sshll.u32 s8, $0xB;
	s14 =	sshll.u32 s19, $0xB  }
0x6d: {  	s19 =	sshll.u32 s21, $0xB;
	[smem:$0x7EF] =	sst s2;
	s2 =	sshll.u32 s16, $0xB  }
0x6e: {  	s21 =	sshll.u32 s28, $0xB;
	[smem:$0x7F3] =	sst s5;
	s2 =	sadd.s32 s1, s2  }
0x6f: {  	s16 =	sshll.u32 s18, $0xB;
	[smem:$0x7F2] =	sst s2;
	s2 =	sshll.u32 s6, $0xB  }
0x70: {  	s18 =	sshll.u32 s23, $0xB;
	s23 =	sld [smem:$0x7FC];
	s2 =	sadd.s32 s1, s2  }
0x71: {  	s9 =	sadd.s32 s1, s3;
	[smem:$0x7F5] =	sst s2;
	s2 =	sshll.u32 s7, $0xB  }
0x72: {  	s28 =	simm.s32 $0x5;
	[smem:$0x7F9] =	sst s9;
	s2 =	sadd.s32 s1, s2  }
0x73: {  	s3 =	simm.s32 $0x2;
	s9 =	sadd.s32 s1, s11;
	[smem:$0x7F8] =	sst s2  }
0x74: {  	s2 =	sshll.u32 s10, $0xB;
	s10 =	sadd.s32 s1, s12;
	s12 =	sadd.s32 s1, s14  }
0x75: {  	s14 =	sadd.s32 s1, s16;
	s16 =	sadd.s32 s1, s18;
	s18 =	sadd.s32 s1, s20  }
0x76: {  	s20 =	sadd.s32 s1, s22;
	s8 =	sadd.s32 s1, s2;
	s2 =	sshll.u32 s13, $0xB  }
0x77: {  	s13 =	sadd.s32 s1, s15;
	s15 =	sadd.s32 s1, s17;
	s17 =	sadd.s32 s1, s19  }
0x78: {  	s19 =	sadd.s32 s1, s21;
	s21 =	rddreg [dreg:$0x1];
	_ =	strace $0x80000047  }
0x79: {  	s11 =	sadd.s32 s1, s2;
	s1 =	sshll.u32 s23, $0xD;
	s26 =	sld [smem:$0x7FD]  }
0x7a: {  	s5 =	simm.s32 $0x0;
	s22 =	sadd.s32 s24, s21;
	s0 =	sadd.s32 s1, s0  }
0x7b: {  	s2 =	simm.s32 $0x7D;
	s1 =	simm.s32 $0x3;
	s23 =	sadd.s32 $0x193E00, s0  }
0x7c: {  	v0 =	vimm.f32 $0.0e+00;
	s0 =	simm.s32 $0x1;
	s24 =	smax.u32 s26, $0x1;
	s26 =	simm.s32 $0x1000  }
.LBB2_1:
0x7d: {  	s6 =	simm.s32 $0x0;
	s7 =	simm.s32 $0x200  }
.LBB2_2:
0x7e: {  	p0 =	sne.s32 s7, $0x3E00;
	[tilespmem:s6+$0x1070] =	vst v0  }
0x7f: {  	[tilespmem:s6+$0x1000] =	vst v0  }
0x80: {  	[tilespmem:s6+$0x1010] =	vst v0  }
.Ltmp0:
0x81: {  	[tilespmem:s6+$0x1020] =	vst v0;
	(pc) =	sbr.rel @p0 .LBB2_2-.Ltmp0, $4  }
0x82: {  	[tilespmem:s6+$0x1030] =	vst v0  }
0x83: {  	[tilespmem:s6+$0x1040] =	vst v0  }
0x84: {  	[tilespmem:s6+$0x1050] =	vst v0  }
0x85: {  	[tilespmem:s6+$0x1060] =	vst v0;
	s6 =	sshra.s32 s7, $0x2;
	s7 =	sadd.s32 $0x200, s7  }
0x86: {  	[tilespmem:s6+$0x1070] =	vst v0  }
0x87: {  	[tilespmem:s6+$0x1000] =	vst v0  }
0x88: {  	[tilespmem:s6+$0x1010] =	vst v0  }
0x89: {  	[tilespmem:s6+$0x1020] =	vst v0  }
0x8a: {  	[tilespmem:s6+$0x1030] =	vst v0  }
0x8b: {  	[tilespmem:s6+$0x1040] =	vst v0  }
0x8c: {  	[tilespmem:s6+$0x1050] =	vst v0  }
0x8d: {  	[tilespmem:s6+$0x1060] =	vst v0  }
0x8e: {  	[spmem:s22] =	stream.linear.scatter [tilespmem:s26], [sflag:$0x5], $0x1000, $0x38;
	[tilespmem:$0x9100] =	vst v63  }
0x8f: {  	_ =	swait.ge [sflag:s28], $0x1000  }
0x90: {  	[sflag:s28] =	ssyncset.done $0x0  }
0x91: {  	[sflag:s28] =	ssyncadd.s32 $0xFFFFF000  }
0x92: {  	[bflag:$0x0] =	sbarrier.arrive $0xFFFF  }
0x93: {  	s7 =	rddreg [dreg:$0x3]  }
0x94: {  	[tilespmem:s29], [sflag:$0x1] =	stream.linear.gather [hbm4b:s7+s25], $0x80, $0x38;
	[tilespmem:$0x9100] =	vst v63  }
0x95: {  	s7 =	rddreg [dreg:$0x1c]  }
0x96: {  	[tilespmem:s26], [sflag:$0x3] =	stream.linear.gather [hbm4b:s7+s25], $0x3E80, $0x38;
	[tilespmem:$0x9100] =	vst v63  }
0x97: {  	s7 =	rddreg [dreg:$0x4]  }
0x98: {  	[tilespmem:s30], [sflag:$0x2] =	stream.linear.gather [hbm4b:s7+s25], $0x80, $0x38;
	[tilespmem:$0x9100] =	vst v63  }
0x99: {  	s7 =	rddreg [dreg:$0x1d]  }
0x9a: {  	[tilespmem:s31], [sflag:$0x4] =	stream.linear.gather [hbm4b:s7+s25], $0x3E80, $0x38;
	[tilespmem:$0x9100] =	vst v63  }
0x9b: {  	_ =	swait.ge [sflag:s0], $0x80  }
0x9c: {  	[sflag:s0] =	ssyncset.done $0x0  }
0x9d: {  	[sflag:s0] =	ssyncadd.s32 $0xFFFFFF80  }
0x9e: {  	_ =	swait.ge [sflag:s1], $0x3E80  }
0x9f: {  	[sflag:s1] =	ssyncset.done $0x0  }
0xa0: {  	[sflag:s1] =	ssyncadd.s32 $0xFFFFC180  }
0xa1: {  	[spmem:s21] =	stream.indirect.scatter.add.f32 [tilespmem:s26], [sflag:$0x5], $0x80, s29, s2, $0xb8;
	[tilespmem:$0x9100] =	vst v63  }
0xa2: {  	_ =	swait.ge [sflag:s28], $0x3E80  }
0xa3: {  	[sflag:s28] =	ssyncset.done $0x0  }
0xa4: {  	s7 =	rddreg [dreg:$0x5];
	[sflag:s28] =	ssyncadd.s32 $0xFFFFC180  }
0xa5: {  	[tilespmem:s29], [sflag:$0x1] =	stream.linear.gather [hbm4b:s7+s25], $0x80, $0x38;
	[tilespmem:$0x9100] =	vst v63  }
0xa6: {  	s7 =	rddreg [dreg:$0x1e]  }
0xa7: {  	[tilespmem:s26], [sflag:$0x3] =	stream.linear.gather [hbm4b:s7+s25], $0x3E80, $0x38;
	[tilespmem:$0x9100] =	vst v63  }
0xa8: {  	_ =	swait.ge [sflag:s3], $0x80  }
0xa9: {  	[sflag:s3] =	ssyncset.done $0x0  }
0xaa: {  	[sflag:s3] =	ssyncadd.s32 $0xFFFFFF80  }
0xab: {  	_ =	swait.ge [sflag:s4], $0x3E80  }
0xac: {  	[sflag:s4] =	ssyncset.done $0x0  }
0xad: {  	[sflag:s4] =	ssyncadd.s32 $0xFFFFC180  }
0xae: {  	[spmem:s21] =	stream.indirect.scatter.add.f32 [tilespmem:s31], [sflag:$0x5], $0x80, s30, s2, $0xb8;
	[tilespmem:$0x9100] =	vst v63  }
0xaf: {  	_ =	swait.ge [sflag:s28], $0x3E80  }
0xb0: {  	[sflag:s28] =	ssyncset.done $0x0  }
0xb1: {  	s7 =	rddreg [dreg:$0x6];
	[sflag:s28] =	ssyncadd.s32 $0xFFFFC180  }
0xb2: {  	[tilespmem:s30], [sflag:$0x2] =	stream.linear.gather [hbm4b:s7+s25], $0x80, $0x38;
	[tilespmem:$0x9100] =	vst v63  }
0xb3: {  	s7 =	rddreg [dreg:$0x1f]  }
0xb4: {  	[tilespmem:s31], [sflag:$0x4] =	stream.linear.gather [hbm4b:s7+s25], $0x3E80, $0x38;
	[tilespmem:$0x9100] =	vst v63  }
0xb5: {  	_ =	swait.ge [sflag:s0], $0x80  }
0xb6: {  	[sflag:s0] =	ssyncset.done $0x0  }
0xb7: {  	[sflag:s0] =	ssyncadd.s32 $0xFFFFFF80  }
0xb8: {  	_ =	swait.ge [sflag:s1], $0x3E80  }
0xb9: {  	[sflag:s1] =	ssyncset.done $0x0  }
0xba: {  	[sflag:s1] =	ssyncadd.s32 $0xFFFFC180  }
0xbb: {  	[spmem:s21] =	stream.indirect.scatter.add.f32 [tilespmem:s26], [sflag:$0x5], $0x80, s29, s2, $0xb8;
	[tilespmem:$0x9100] =	vst v63  }
0xbc: {  	_ =	swait.ge [sflag:s28], $0x3E80  }
0xbd: {  	[sflag:s28] =	ssyncset.done $0x0  }
0xbe: {  	s7 =	rddreg [dreg:$0x7];
	[sflag:s28] =	ssyncadd.s32 $0xFFFFC180  }
0xbf: {  	[tilespmem:s29], [sflag:$0x1] =	stream.linear.gather [hbm4b:s7+s25], $0x80, $0x38;
	[tilespmem:$0x9100] =	vst v63  }
0xc0: {  	s7 =	sld [smem:$0x7EC];
	_ =	sdelay $0x2  }
0xc1: {  	[tilespmem:s26], [sflag:$0x3] =	stream.linear.gather [hbm4b:s7+s25], $0x3E80, $0x38;
	[tilespmem:$0x9100] =	vst v63  }
0xc2: {  	_ =	swait.ge [sflag:s3], $0x80  }
0xc3: {  	[sflag:s3] =	ssyncset.done $0x0  }
0xc4: {  	[sflag:s3] =	ssyncadd.s32 $0xFFFFFF80  }
0xc5: {  	_ =	swait.ge [sflag:s4], $0x3E80  }
0xc6: {  	[sflag:s4] =	ssyncset.done $0x0  }
0xc7: {  	[sflag:s4] =	ssyncadd.s32 $0xFFFFC180  }
0xc8: {  	[spmem:s21] =	stream.indirect.scatter.add.f32 [tilespmem:s31], [sflag:$0x5], $0x80, s30, s2, $0xb8;
	[tilespmem:$0x9100] =	vst v63  }
0xc9: {  	_ =	swait.ge [sflag:s28], $0x3E80  }
0xca: {  	[sflag:s28] =	ssyncset.done $0x0  }
0xcb: {  	s7 =	rddreg [dreg:$0x8];
	[sflag:s28] =	ssyncadd.s32 $0xFFFFC180  }
0xcc: {  	[tilespmem:s30], [sflag:$0x2] =	stream.linear.gather [hbm4b:s7+s25], $0x80, $0x38;
	[tilespmem:$0x9100] =	vst v63  }
0xcd: {  	s7 =	sld [smem:$0x7ED];
	_ =	sdelay $0x2  }
0xce: {  	[tilespmem:s31], [sflag:$0x4] =	stream.linear.gather [hbm4b:s7+s25], $0x3E80, $0x38;
	[tilespmem:$0x9100] =	vst v63  }
0xcf: {  	_ =	swait.ge [sflag:s0], $0x80  }
0xd0: {  	[sflag:s0] =	ssyncset.done $0x0  }
0xd1: {  	[sflag:s0] =	ssyncadd.s32 $0xFFFFFF80  }
0xd2: {  	_ =	swait.ge [sflag:s1], $0x3E80  }
0xd3: {  	[sflag:s1] =	ssyncset.done $0x0  }
0xd4: {  	[sflag:s1] =	ssyncadd.s32 $0xFFFFC180  }
0xd5: {  	[spmem:s21] =	stream.indirect.scatter.add.f32 [tilespmem:s26], [sflag:$0x5], $0x80, s29, s2, $0xb8;
	[tilespmem:$0x9100] =	vst v63  }
0xd6: {  	_ =	swait.ge [sflag:s28], $0x3E80  }
0xd7: {  	[sflag:s28] =	ssyncset.done $0x0  }
0xd8: {  	s7 =	rddreg [dreg:$0x9];
	[sflag:s28] =	ssyncadd.s32 $0xFFFFC180  }
0xd9: {  	[tilespmem:s29], [sflag:$0x1] =	stream.linear.gather [hbm4b:s7+s25], $0x80, $0x38;
	[tilespmem:$0x9100] =	vst v63  }
0xda: {  	s7 =	sld [smem:$0x7EF];
	_ =	sdelay $0x2  }
0xdb: {  	[tilespmem:s26], [sflag:$0x3] =	stream.linear.gather [hbm4b:s7+s25], $0x3E80, $0x38;
	[tilespmem:$0x9100] =	vst v63  }
0xdc: {  	_ =	swait.ge [sflag:s3], $0x80  }
0xdd: {  	[sflag:s3] =	ssyncset.done $0x0  }
0xde: {  	[sflag:s3] =	ssyncadd.s32 $0xFFFFFF80  }
0xdf: {  	_ =	swait.ge [sflag:s4], $0x3E80  }
0xe0: {  	[sflag:s4] =	ssyncset.done $0x0  }
0xe1: {  	[sflag:s4] =	ssyncadd.s32 $0xFFFFC180  }
0xe2: {  	[spmem:s21] =	stream.indirect.scatter.add.f32 [tilespmem:s31], [sflag:$0x5], $0x80, s30, s2, $0xb8;
	[tilespmem:$0x9100] =	vst v63  }
0xe3: {  	_ =	swait.ge [sflag:s28], $0x3E80  }
0xe4: {  	[sflag:s28] =	ssyncset.done $0x0  }
0xe5: {  	s7 =	rddreg [dreg:$0xa];
	[sflag:s28] =	ssyncadd.s32 $0xFFFFC180  }
0xe6: {  	[tilespmem:s30], [sflag:$0x2] =	stream.linear.gather [hbm4b:s7+s25], $0x80, $0x38;
	[tilespmem:$0x9100] =	vst v63  }
0xe7: {  	s7 =	sld [smem:$0x7F2];
	_ =	sdelay $0x2  }
0xe8: {  	[tilespmem:s31], [sflag:$0x4] =	stream.linear.gather [hbm4b:s7+s25], $0x3E80, $0x38;
	[tilespmem:$0x9100] =	vst v63  }
0xe9: {  	_ =	swait.ge [sflag:s0], $0x80  }
0xea: {  	[sflag:s0] =	ssyncset.done $0x0  }
0xeb: {  	[sflag:s0] =	ssyncadd.s32 $0xFFFFFF80  }
0xec: {  	_ =	swait.ge [sflag:s1], $0x3E80  }
0xed: {  	[sflag:s1] =	ssyncset.done $0x0  }
0xee: {  	[sflag:s1] =	ssyncadd.s32 $0xFFFFC180  }
0xef: {  	[spmem:s21] =	stream.indirect.scatter.add.f32 [tilespmem:s26], [sflag:$0x5], $0x80, s29, s2, $0xb8;
	[tilespmem:$0x9100] =	vst v63  }
0xf0: {  	_ =	swait.ge [sflag:s28], $0x3E80  }
0xf1: {  	[sflag:s28] =	ssyncset.done $0x0  }
0xf2: {  	s7 =	rddreg [dreg:$0xb];
	[sflag:s28] =	ssyncadd.s32 $0xFFFFC180  }
0xf3: {  	[tilespmem:s29], [sflag:$0x1] =	stream.linear.gather [hbm4b:s7+s25], $0x80, $0x38;
	[tilespmem:$0x9100] =	vst v63  }
0xf4: {  	s7 =	sld [smem:$0x7F3];
	_ =	sdelay $0x2  }
0xf5: {  	[tilespmem:s26], [sflag:$0x3] =	stream.linear.gather [hbm4b:s7+s25], $0x3E80, $0x38;
	[tilespmem:$0x9100] =	vst v63  }
0xf6: {  	_ =	swait.ge [sflag:s3], $0x80  }
0xf7: {  	[sflag:s3] =	ssyncset.done $0x0  }
0xf8: {  	[sflag:s3] =	ssyncadd.s32 $0xFFFFFF80  }
0xf9: {  	_ =	swait.ge [sflag:s4], $0x3E80  }
0xfa: {  	[sflag:s4] =	ssyncset.done $0x0  }
0xfb: {  	[sflag:s4] =	ssyncadd.s32 $0xFFFFC180  }
0xfc: {  	[spmem:s21] =	stream.indirect.scatter.add.f32 [tilespmem:s31], [sflag:$0x5], $0x80, s30, s2, $0xb8;
	[tilespmem:$0x9100] =	vst v63  }
0xfd: {  	_ =	swait.ge [sflag:s28], $0x3E80  }
0xfe: {  	[sflag:s28] =	ssyncset.done $0x0  }
0xff: {  	s7 =	rddreg [dreg:$0xc];
	[sflag:s28] =	ssyncadd.s32 $0xFFFFC180  }
0x100: {  	[tilespmem:s30], [sflag:$0x2] =	stream.linear.gather [hbm4b:s7+s25], $0x80, $0x38;
	[tilespmem:$0x9100] =	vst v63  }
0x101: {  	s7 =	sld [smem:$0x7F5];
	_ =	sdelay $0x2  }
0x102: {  	[tilespmem:s31], [sflag:$0x4] =	stream.linear.gather [hbm4b:s7+s25], $0x3E80, $0x38;
	[tilespmem:$0x9100] =	vst v63  }
0x103: {  	_ =	swait.ge [sflag:s0], $0x80  }
0x104: {  	[sflag:s0] =	ssyncset.done $0x0  }
0x105: {  	[sflag:s0] =	ssyncadd.s32 $0xFFFFFF80  }
0x106: {  	_ =	swait.ge [sflag:s1], $0x3E80  }
0x107: {  	[sflag:s1] =	ssyncset.done $0x0  }
0x108: {  	[sflag:s1] =	ssyncadd.s32 $0xFFFFC180  }
0x109: {  	[spmem:s21] =	stream.indirect.scatter.add.f32 [tilespmem:s26], [sflag:$0x5], $0x80, s29, s2, $0xb8;
	[tilespmem:$0x9100] =	vst v63  }
0x10a: {  	_ =	swait.ge [sflag:s28], $0x3E80  }
0x10b: {  	[sflag:s28] =	ssyncset.done $0x0  }
0x10c: {  	s7 =	rddreg [dreg:$0xd];
	[sflag:s28] =	ssyncadd.s32 $0xFFFFC180  }
0x10d: {  	[tilespmem:s29], [sflag:$0x1] =	stream.linear.gather [hbm4b:s7+s25], $0x80, $0x38;
	[tilespmem:$0x9100] =	vst v63  }
0x10e: {  	s7 =	sld [smem:$0x7F8];
	_ =	sdelay $0x2  }
0x10f: {  	[tilespmem:s26], [sflag:$0x3] =	stream.linear.gather [hbm4b:s7+s25], $0x3E80, $0x38;
	[tilespmem:$0x9100] =	vst v63  }
0x110: {  	_ =	swait.ge [sflag:s3], $0x80  }
0x111: {  	[sflag:s3] =	ssyncset.done $0x0  }
0x112: {  	[sflag:s3] =	ssyncadd.s32 $0xFFFFFF80  }
0x113: {  	_ =	swait.ge [sflag:s4], $0x3E80  }
0x114: {  	[sflag:s4] =	ssyncset.done $0x0  }
0x115: {  	[sflag:s4] =	ssyncadd.s32 $0xFFFFC180  }
0x116: {  	[spmem:s21] =	stream.indirect.scatter.add.f32 [tilespmem:s31], [sflag:$0x5], $0x80, s30, s2, $0xb8;
	[tilespmem:$0x9100] =	vst v63  }
0x117: {  	_ =	swait.ge [sflag:s28], $0x3E80  }
0x118: {  	[sflag:s28] =	ssyncset.done $0x0  }
0x119: {  	s7 =	rddreg [dreg:$0xe];
	[sflag:s28] =	ssyncadd.s32 $0xFFFFC180  }
0x11a: {  	[tilespmem:s30], [sflag:$0x2] =	stream.linear.gather [hbm4b:s7+s25], $0x80, $0x38;
	[tilespmem:$0x9100] =	vst v63  }
0x11b: {  	s7 =	sld [smem:$0x7F9];
	_ =	sdelay $0x2  }
0x11c: {  	[tilespmem:s31], [sflag:$0x4] =	stream.linear.gather [hbm4b:s7+s25], $0x3E80, $0x38;
	[tilespmem:$0x9100] =	vst v63  }
0x11d: {  	_ =	swait.ge [sflag:s0], $0x80  }
0x11e: {  	[sflag:s0] =	ssyncset.done $0x0  }
0x11f: {  	[sflag:s0] =	ssyncadd.s32 $0xFFFFFF80  }
0x120: {  	_ =	swait.ge [sflag:s1], $0x3E80  }
0x121: {  	[sflag:s1] =	ssyncset.done $0x0  }
0x122: {  	[sflag:s1] =	ssyncadd.s32 $0xFFFFC180  }
0x123: {  	[spmem:s21] =	stream.indirect.scatter.add.f32 [tilespmem:s26], [sflag:$0x5], $0x80, s29, s2, $0xb8;
	[tilespmem:$0x9100] =	vst v63  }
0x124: {  	_ =	swait.ge [sflag:s28], $0x3E80  }
0x125: {  	[sflag:s28] =	ssyncset.done $0x0  }
0x126: {  	s7 =	rddreg [dreg:$0xf];
	[sflag:s28] =	ssyncadd.s32 $0xFFFFC180  }
0x127: {  	[tilespmem:s29], [sflag:$0x1] =	stream.linear.gather [hbm4b:s7+s25], $0x80, $0x38;
	[tilespmem:$0x9100] =	vst v63  }
0x128: {  	_ = 	snop  }
0x129: {  	[tilespmem:s26], [sflag:$0x3] =	stream.linear.gather [hbm4b:s8+s25], $0x3E80, $0x38;
	[tilespmem:$0x9100] =	vst v63  }
0x12a: {  	_ =	swait.ge [sflag:s3], $0x80  }
0x12b: {  	[sflag:s3] =	ssyncset.done $0x0  }
0x12c: {  	[sflag:s3] =	ssyncadd.s32 $0xFFFFFF80  }
0x12d: {  	_ =	swait.ge [sflag:s4], $0x3E80  }
0x12e: {  	[sflag:s4] =	ssyncset.done $0x0  }
0x12f: {  	[sflag:s4] =	ssyncadd.s32 $0xFFFFC180  }
0x130: {  	[spmem:s21] =	stream.indirect.scatter.add.f32 [tilespmem:s31], [sflag:$0x5], $0x80, s30, s2, $0xb8;
	[tilespmem:$0x9100] =	vst v63  }
0x131: {  	_ =	swait.ge [sflag:s28], $0x3E80  }
0x132: {  	[sflag:s28] =	ssyncset.done $0x0  }
0x133: {  	s7 =	rddreg [dreg:$0x10];
	[sflag:s28] =	ssyncadd.s32 $0xFFFFC180  }
0x134: {  	[tilespmem:s30], [sflag:$0x2] =	stream.linear.gather [hbm4b:s7+s25], $0x80, $0x38;
	[tilespmem:$0x9100] =	vst v63  }
0x135: {  	_ = 	snop  }
0x136: {  	[tilespmem:s31], [sflag:$0x4] =	stream.linear.gather [hbm4b:s9+s25], $0x3E80, $0x38;
	[tilespmem:$0x9100] =	vst v63  }
0x137: {  	_ =	swait.ge [sflag:s0], $0x80  }
0x138: {  	[sflag:s0] =	ssyncset.done $0x0  }
0x139: {  	[sflag:s0] =	ssyncadd.s32 $0xFFFFFF80  }
0x13a: {  	_ =	swait.ge [sflag:s1], $0x3E80  }
0x13b: {  	[sflag:s1] =	ssyncset.done $0x0  }
0x13c: {  	[sflag:s1] =	ssyncadd.s32 $0xFFFFC180  }
0x13d: {  	[spmem:s21] =	stream.indirect.scatter.add.f32 [tilespmem:s26], [sflag:$0x5], $0x80, s29, s2, $0xb8;
	[tilespmem:$0x9100] =	vst v63  }
0x13e: {  	_ =	swait.ge [sflag:s28], $0x3E80  }
0x13f: {  	[sflag:s28] =	ssyncset.done $0x0  }
0x140: {  	s7 =	rddreg [dreg:$0x11];
	[sflag:s28] =	ssyncadd.s32 $0xFFFFC180  }
0x141: {  	[tilespmem:s29], [sflag:$0x1] =	stream.linear.gather [hbm4b:s7+s25], $0x80, $0x38;
	[tilespmem:$0x9100] =	vst v63  }
0x142: {  	_ = 	snop  }
0x143: {  	[tilespmem:s26], [sflag:$0x3] =	stream.linear.gather [hbm4b:s10+s25], $0x3E80, $0x38;
	[tilespmem:$0x9100] =	vst v63  }
0x144: {  	_ =	swait.ge [sflag:s3], $0x80  }
0x145: {  	[sflag:s3] =	ssyncset.done $0x0  }
0x146: {  	[sflag:s3] =	ssyncadd.s32 $0xFFFFFF80  }
0x147: {  	_ =	swait.ge [sflag:s4], $0x3E80  }
0x148: {  	[sflag:s4] =	ssyncset.done $0x0  }
0x149: {  	[sflag:s4] =	ssyncadd.s32 $0xFFFFC180  }
0x14a: {  	[spmem:s21] =	stream.indirect.scatter.add.f32 [tilespmem:s31], [sflag:$0x5], $0x80, s30, s2, $0xb8;
	[tilespmem:$0x9100] =	vst v63  }
0x14b: {  	_ =	swait.ge [sflag:s28], $0x3E80  }
0x14c: {  	[sflag:s28] =	ssyncset.done $0x0  }
0x14d: {  	s7 =	rddreg [dreg:$0x12];
	[sflag:s28] =	ssyncadd.s32 $0xFFFFC180  }
0x14e: {  	[tilespmem:s30], [sflag:$0x2] =	stream.linear.gather [hbm4b:s7+s25], $0x80, $0x38;
	[tilespmem:$0x9100] =	vst v63  }
0x14f: {  	_ = 	snop  }
0x150: {  	[tilespmem:s31], [sflag:$0x4] =	stream.linear.gather [hbm4b:s11+s25], $0x3E80, $0x38;
	[tilespmem:$0x9100] =	vst v63  }
0x151: {  	_ =	swait.ge [sflag:s0], $0x80  }
0x152: {  	[sflag:s0] =	ssyncset.done $0x0  }
0x153: {  	[sflag:s0] =	ssyncadd.s32 $0xFFFFFF80  }
0x154: {  	_ =	swait.ge [sflag:s1], $0x3E80  }
0x155: {  	[sflag:s1] =	ssyncset.done $0x0  }
0x156: {  	[sflag:s1] =	ssyncadd.s32 $0xFFFFC180  }
0x157: {  	[spmem:s21] =	stream.indirect.scatter.add.f32 [tilespmem:s26], [sflag:$0x5], $0x80, s29, s2, $0xb8;
	[tilespmem:$0x9100] =	vst v63  }
0x158: {  	_ =	swait.ge [sflag:s28], $0x3E80  }
0x159: {  	[sflag:s28] =	ssyncset.done $0x0  }
0x15a: {  	s7 =	rddreg [dreg:$0x13];
	[sflag:s28] =	ssyncadd.s32 $0xFFFFC180  }
0x15b: {  	[tilespmem:s29], [sflag:$0x1] =	stream.linear.gather [hbm4b:s7+s25], $0x80, $0x38;
	[tilespmem:$0x9100] =	vst v63  }
0x15c: {  	_ = 	snop  }
0x15d: {  	[tilespmem:s26], [sflag:$0x3] =	stream.linear.gather [hbm4b:s12+s25], $0x3E80, $0x38;
	[tilespmem:$0x9100] =	vst v63  }
0x15e: {  	_ =	swait.ge [sflag:s3], $0x80  }
0x15f: {  	[sflag:s3] =	ssyncset.done $0x0  }
0x160: {  	[sflag:s3] =	ssyncadd.s32 $0xFFFFFF80  }
0x161: {  	_ =	swait.ge [sflag:s4], $0x3E80  }
0x162: {  	[sflag:s4] =	ssyncset.done $0x0  }
0x163: {  	[sflag:s4] =	ssyncadd.s32 $0xFFFFC180  }
0x164: {  	[spmem:s21] =	stream.indirect.scatter.add.f32 [tilespmem:s31], [sflag:$0x5], $0x80, s30, s2, $0xb8;
	[tilespmem:$0x9100] =	vst v63  }
0x165: {  	_ =	swait.ge [sflag:s28], $0x3E80  }
0x166: {  	[sflag:s28] =	ssyncset.done $0x0  }
0x167: {  	s7 =	rddreg [dreg:$0x14];
	[sflag:s28] =	ssyncadd.s32 $0xFFFFC180  }
0x168: {  	[tilespmem:s30], [sflag:$0x2] =	stream.linear.gather [hbm4b:s7+s25], $0x80, $0x38;
	[tilespmem:$0x9100] =	vst v63  }
0x169: {  	_ = 	snop  }
0x16a: {  	[tilespmem:s31], [sflag:$0x4] =	stream.linear.gather [hbm4b:s13+s25], $0x3E80, $0x38;
	[tilespmem:$0x9100] =	vst v63  }
0x16b: {  	_ =	swait.ge [sflag:s0], $0x80  }
0x16c: {  	[sflag:s0] =	ssyncset.done $0x0  }
0x16d: {  	[sflag:s0] =	ssyncadd.s32 $0xFFFFFF80  }
0x16e: {  	_ =	swait.ge [sflag:s1], $0x3E80  }
0x16f: {  	[sflag:s1] =	ssyncset.done $0x0  }
0x170: {  	[sflag:s1] =	ssyncadd.s32 $0xFFFFC180  }
0x171: {  	[spmem:s21] =	stream.indirect.scatter.add.f32 [tilespmem:s26], [sflag:$0x5], $0x80, s29, s2, $0xb8;
	[tilespmem:$0x9100] =	vst v63  }
0x172: {  	_ =	swait.ge [sflag:s28], $0x3E80  }
0x173: {  	[sflag:s28] =	ssyncset.done $0x0  }
0x174: {  	s7 =	rddreg [dreg:$0x15];
	[sflag:s28] =	ssyncadd.s32 $0xFFFFC180  }
0x175: {  	[tilespmem:s29], [sflag:$0x1] =	stream.linear.gather [hbm4b:s7+s25], $0x80, $0x38;
	[tilespmem:$0x9100] =	vst v63  }
0x176: {  	_ = 	snop  }
0x177: {  	[tilespmem:s26], [sflag:$0x3] =	stream.linear.gather [hbm4b:s14+s25], $0x3E80, $0x38;
	[tilespmem:$0x9100] =	vst v63  }
0x178: {  	_ =	swait.ge [sflag:s3], $0x80  }
0x179: {  	[sflag:s3] =	ssyncset.done $0x0  }
0x17a: {  	[sflag:s3] =	ssyncadd.s32 $0xFFFFFF80  }
0x17b: {  	_ =	swait.ge [sflag:s4], $0x3E80  }
0x17c: {  	[sflag:s4] =	ssyncset.done $0x0  }
0x17d: {  	[sflag:s4] =	ssyncadd.s32 $0xFFFFC180  }
0x17e: {  	[spmem:s21] =	stream.indirect.scatter.add.f32 [tilespmem:s31], [sflag:$0x5], $0x80, s30, s2, $0xb8;
	[tilespmem:$0x9100] =	vst v63  }
0x17f: {  	_ =	swait.ge [sflag:s28], $0x3E80  }
0x180: {  	[sflag:s28] =	ssyncset.done $0x0  }
0x181: {  	s7 =	rddreg [dreg:$0x16];
	[sflag:s28] =	ssyncadd.s32 $0xFFFFC180  }
0x182: {  	[tilespmem:s30], [sflag:$0x2] =	stream.linear.gather [hbm4b:s7+s25], $0x80, $0x38;
	[tilespmem:$0x9100] =	vst v63  }
0x183: {  	_ = 	snop  }
0x184: {  	[tilespmem:s31], [sflag:$0x4] =	stream.linear.gather [hbm4b:s15+s25], $0x3E80, $0x38;
	[tilespmem:$0x9100] =	vst v63  }
0x185: {  	_ =	swait.ge [sflag:s0], $0x80  }
0x186: {  	[sflag:s0] =	ssyncset.done $0x0  }
0x187: {  	[sflag:s0] =	ssyncadd.s32 $0xFFFFFF80  }
0x188: {  	_ =	swait.ge [sflag:s1], $0x3E80  }
0x189: {  	[sflag:s1] =	ssyncset.done $0x0  }
0x18a: {  	[sflag:s1] =	ssyncadd.s32 $0xFFFFC180  }
0x18b: {  	[spmem:s21] =	stream.indirect.scatter.add.f32 [tilespmem:s26], [sflag:$0x5], $0x80, s29, s2, $0xb8;
	[tilespmem:$0x9100] =	vst v63  }
0x18c: {  	_ =	swait.ge [sflag:s28], $0x3E80  }
0x18d: {  	[sflag:s28] =	ssyncset.done $0x0  }
0x18e: {  	s7 =	rddreg [dreg:$0x17];
	[sflag:s28] =	ssyncadd.s32 $0xFFFFC180  }
0x18f: {  	[tilespmem:s29], [sflag:$0x1] =	stream.linear.gather [hbm4b:s7+s25], $0x80, $0x38;
	[tilespmem:$0x9100] =	vst v63  }
0x190: {  	_ = 	snop  }
0x191: {  	[tilespmem:s26], [sflag:$0x3] =	stream.linear.gather [hbm4b:s16+s25], $0x3E80, $0x38;
	[tilespmem:$0x9100] =	vst v63  }
0x192: {  	_ =	swait.ge [sflag:s3], $0x80  }
0x193: {  	[sflag:s3] =	ssyncset.done $0x0  }
0x194: {  	[sflag:s3] =	ssyncadd.s32 $0xFFFFFF80  }
0x195: {  	_ =	swait.ge [sflag:s4], $0x3E80  }
0x196: {  	[sflag:s4] =	ssyncset.done $0x0  }
0x197: {  	[sflag:s4] =	ssyncadd.s32 $0xFFFFC180  }
0x198: {  	[spmem:s21] =	stream.indirect.scatter.add.f32 [tilespmem:s31], [sflag:$0x5], $0x80, s30, s2, $0xb8;
	[tilespmem:$0x9100] =	vst v63  }
0x199: {  	_ =	swait.ge [sflag:s28], $0x3E80  }
0x19a: {  	[sflag:s28] =	ssyncset.done $0x0  }
0x19b: {  	s7 =	rddreg [dreg:$0x18];
	[sflag:s28] =	ssyncadd.s32 $0xFFFFC180  }
0x19c: {  	[tilespmem:s30], [sflag:$0x2] =	stream.linear.gather [hbm4b:s7+s25], $0x80, $0x38;
	[tilespmem:$0x9100] =	vst v63  }
0x19d: {  	_ = 	snop  }
0x19e: {  	[tilespmem:s31], [sflag:$0x4] =	stream.linear.gather [hbm4b:s17+s25], $0x3E80, $0x38;
	[tilespmem:$0x9100] =	vst v63  }
0x19f: {  	_ =	swait.ge [sflag:s0], $0x80  }
0x1a0: {  	[sflag:s0] =	ssyncset.done $0x0  }
0x1a1: {  	[sflag:s0] =	ssyncadd.s32 $0xFFFFFF80  }
0x1a2: {  	_ =	swait.ge [sflag:s1], $0x3E80  }
0x1a3: {  	[sflag:s1] =	ssyncset.done $0x0  }
0x1a4: {  	[sflag:s1] =	ssyncadd.s32 $0xFFFFC180  }
0x1a5: {  	[spmem:s21] =	stream.indirect.scatter.add.f32 [tilespmem:s26], [sflag:$0x5], $0x80, s29, s2, $0xb8;
	[tilespmem:$0x9100] =	vst v63  }
0x1a6: {  	_ =	swait.ge [sflag:s28], $0x3E80  }
0x1a7: {  	[sflag:s28] =	ssyncset.done $0x0  }
0x1a8: {  	s7 =	rddreg [dreg:$0x19];
	[sflag:s28] =	ssyncadd.s32 $0xFFFFC180  }
0x1a9: {  	[tilespmem:s29], [sflag:$0x1] =	stream.linear.gather [hbm4b:s7+s25], $0x80, $0x38;
	[tilespmem:$0x9100] =	vst v63  }
0x1aa: {  	_ = 	snop  }
0x1ab: {  	[tilespmem:s26], [sflag:$0x3] =	stream.linear.gather [hbm4b:s18+s25], $0x3E80, $0x38;
	[tilespmem:$0x9100] =	vst v63  }
0x1ac: {  	_ =	swait.ge [sflag:s3], $0x80  }
0x1ad: {  	[sflag:s3] =	ssyncset.done $0x0  }
0x1ae: {  	[sflag:s3] =	ssyncadd.s32 $0xFFFFFF80  }
0x1af: {  	_ =	swait.ge [sflag:s4], $0x3E80  }
0x1b0: {  	[sflag:s4] =	ssyncset.done $0x0  }
0x1b1: {  	[sflag:s4] =	ssyncadd.s32 $0xFFFFC180  }
0x1b2: {  	[spmem:s21] =	stream.indirect.scatter.add.f32 [tilespmem:s31], [sflag:$0x5], $0x80, s30, s2, $0xb8;
	[tilespmem:$0x9100] =	vst v63  }
0x1b3: {  	_ =	swait.ge [sflag:s28], $0x3E80  }
0x1b4: {  	[sflag:s28] =	ssyncset.done $0x0  }
0x1b5: {  	s7 =	rddreg [dreg:$0x1a];
	[sflag:s28] =	ssyncadd.s32 $0xFFFFC180  }
0x1b6: {  	[tilespmem:s30], [sflag:$0x2] =	stream.linear.gather [hbm4b:s7+s25], $0x80, $0x38;
	[tilespmem:$0x9100] =	vst v63  }
0x1b7: {  	_ = 	snop  }
0x1b8: {  	[tilespmem:s31], [sflag:$0x4] =	stream.linear.gather [hbm4b:s19+s25], $0x3E80, $0x38;
	[tilespmem:$0x9100] =	vst v63  }
0x1b9: {  	_ =	swait.ge [sflag:s0], $0x80  }
0x1ba: {  	[sflag:s0] =	ssyncset.done $0x0  }
0x1bb: {  	[sflag:s0] =	ssyncadd.s32 $0xFFFFFF80  }
0x1bc: {  	_ =	swait.ge [sflag:s1], $0x3E80  }
0x1bd: {  	[sflag:s1] =	ssyncset.done $0x0  }
0x1be: {  	[sflag:s1] =	ssyncadd.s32 $0xFFFFC180  }
0x1bf: {  	[spmem:s21] =	stream.indirect.scatter.add.f32 [tilespmem:s26], [sflag:$0x5], $0x80, s29, s2, $0xb8;
	[tilespmem:$0x9100] =	vst v63  }
0x1c0: {  	_ =	swait.ge [sflag:s28], $0x3E80  }
0x1c1: {  	[sflag:s28] =	ssyncset.done $0x0  }
0x1c2: {  	s7 =	rddreg [dreg:$0x1b];
	[sflag:s28] =	ssyncadd.s32 $0xFFFFC180  }
0x1c3: {  	[tilespmem:s29], [sflag:$0x1] =	stream.linear.gather [hbm4b:s7+s25], $0x80, $0x38;
	[tilespmem:$0x9100] =	vst v63  }
0x1c4: {  	_ = 	snop  }
0x1c5: {  	[tilespmem:s26], [sflag:$0x3] =	stream.linear.gather [hbm4b:s20+s25], $0x3E80, $0x38;
	[tilespmem:$0x9100] =	vst v63  }
0x1c6: {  	_ =	swait.ge [sflag:s3], $0x80  }
0x1c7: {  	[sflag:s3] =	ssyncset.done $0x0  }
0x1c8: {  	[sflag:s3] =	ssyncadd.s32 $0xFFFFFF80  }
0x1c9: {  	_ =	swait.ge [sflag:s4], $0x3E80  }
0x1ca: {  	[sflag:s4] =	ssyncset.done $0x0  }
0x1cb: {  	[sflag:s4] =	ssyncadd.s32 $0xFFFFC180  }
0x1cc: {  	[spmem:s21] =	stream.indirect.scatter.add.f32 [tilespmem:s31], [sflag:$0x5], $0x80, s30, s2, $0xb8;
	[tilespmem:$0x9100] =	vst v63  }
0x1cd: {  	_ =	swait.ge [sflag:s28], $0x3E80  }
0x1ce: {  	[sflag:s28] =	ssyncset.done $0x0  }
0x1cf: {  	[sflag:s28] =	ssyncadd.s32 $0xFFFFC180  }
0x1d0: {  	_ =	swait.ge [sflag:s0], $0x80  }
0x1d1: {  	[sflag:s0] =	ssyncset.done $0x0  }
0x1d2: {  	[sflag:s0] =	ssyncadd.s32 $0xFFFFFF80  }
0x1d3: {  	_ =	swait.ge [sflag:s1], $0x3E80  }
0x1d4: {  	[sflag:s1] =	ssyncset.done $0x0  }
0x1d5: {  	[sflag:s1] =	ssyncadd.s32 $0xFFFFC180  }
0x1d6: {  	[spmem:s21] =	stream.indirect.scatter.add.f32 [tilespmem:s26], [sflag:$0x5], $0x80, s29, s2, $0xb8;
	[tilespmem:$0x9100] =	vst v63  }
0x1d7: {  	_ =	swait.ge [sflag:s28], $0x3E80  }
0x1d8: {  	[sflag:s28] =	ssyncset.done $0x0  }
0x1d9: {  	[sflag:s28] =	ssyncadd.s32 $0xFFFFC180  }
0x1da: {  	[bflag:$0x0] =	sbarrier.arrive $0xFFFF  }
0x1db: {  	[tilespmem:s26], [sflag:$0x5] =	stream.linear.gather [spmem:s22], $0x1000, $0x38;
	[tilespmem:$0x9100] =	vst v63  }
0x1dc: {  	s5 =	sadd.s32 $0x1, s5;
	_ =	swait.ge [sflag:s28], $0x1000  }
0x1dd: {  	p0 =	sne.s32 s5, s24;
	[sflag:s28] =	ssyncset.done $0x0  }
.Ltmp1:
0x1de: {  	[sflag:s28] =	ssyncadd.s32 $0xFFFFF000;
	(pc) =	sbr.rel @p0 .LBB2_1-.Ltmp1, $4  }
0x1df: {  	[hbm4b:s23+s25] =	stream.linear.scatter [tilespmem:s26], [sflag:$0x5], $0x1000, $0x38;
	[tilespmem:$0x9100] =	vst v63  }
0x1e0: {  	_ =	swait.ge [sflag:s28], $0x1000  }
0x1e1: {  	[sflag:s28] =	ssyncset.done $0x0  }
0x1e2: {  	[sflag:s28] =	ssyncadd.s32 $0xFFFFF000  }
0x1e3: {  	_ =	sfence.sel $0x180000  }
0x1e4: {  	[bflag:$0x0] =	sbarrier.arrive $0xFFFF  }
0x1e5: {  	_ =	strace $0x90000047  }
0x1e6: {  	s0 =	stileid.u32;
	[bflag:$0x2] =	sbarrier.arrive $0xFFFF  }
0x1e7: {  	p0 =	sne.s32 s0, $0x0;
	s0 =	rddreg [dreg:$0x2]  }
0x1e8: {  	s0 =	sadd.s32 @!p0 $0x100000, s0  }
0x1e9: {  	[sflag:s0] =	ssyncadd.tile.s32 @!p0 $0x1;
	_ =	shalt  }
.Lfunc_end2:
_tile_overlayer_lowered:
.L_overlay_start_2:
0x1ea: {  	(tag) =	ssettag $0x2  }
0x1eb: {  	s0 =	rddreg [dreg:$0x0];
	s2 =	stileid.u32  }
0x1ec: {  	s1 =	rddreg [dreg:$0x1];
	p0 =	sne.s32 s2, $0x0  }
0x1ed: {  	s3 =	rddreg [dreg:$0x2];
	[bflag:$0x3] =	sbarrier.arrive $0xFFFF;
	s2 =	simm.s32 @!p0 $0x1C05  }
0x1ee: {  	[timem:s3], [sflag:s2] =	dma.local @!p0 [hbm:s0], s1  }
0x1ef: {  	s0 =	simm.s32 @!p0 $0x5  }
0x1f0: {  	_ =	swait.ge @!p0 [sflag:s0], s1  }
0x1f1: {  	s1 =	ssub.s32 @!p0 $0x0, s1;
	[sflag:s0] =	ssyncset.done @!p0 $0x0  }
0x1f2: {  	[sflag:s0] =	ssyncadd.s32 @!p0 s1  }
0x1f3: {  	[bflag:$0x3] =	sbarrier.arrive $0xFFFF  }
0x1f4: {  	_ =	shalt  }

</sc_bundles>
